<compile_context>
chip_gen: v7x
topology: tpu7x:2x2x1
jax: 0.10.2.dev20260603
libtpu: 0.0.44.dev20260713+nightly
codegen_flags: <defaults>
</compile_context>

<pallas_src>
import functools

import numpy as np
import jax
import jax.numpy as jnp
from jax import lax
from jax.experimental import pallas as pl
from jax.experimental.pallas import tpu as pltpu
from jax.experimental.pallas import tpu_sc as plsc

_B, _LQ, _E, _NH, _NL, _NP, _HD = 2, 5440, 256, 8, 4, 4, 32
_SHAPES = ((64, 64), (32, 32), (16, 16), (8, 8))
_LV = sum(h * w for h, w in _SHAPES)
_STARTS = (0, 4096, 5120, 5376)
_NQ = _B * _LQ
_ROWS = _NH * _NL * _NP * 4
_BLK = 1088
_GRID = _NQ // _BLK
_BPG = _GRID // _B

_NW = 32
_QW = _NQ // _NW
_C = 4
_NCH = _QW // _C

_cols = np.arange(128)
_hcol = _cols // 16
_lcol = (_cols // 4) % 4
_Wc = np.array([_SHAPES[l][1] for l in _lcol], np.float32)[None]
_Hc = np.array([_SHAPES[l][0] for l in _lcol], np.float32)[None]
_Wc_i = _Wc.astype(np.int32)
_ADDB = (np.array([_STARTS[l] for l in _lcol]) * _NH + _hcol).astype(np.int32)[None]

_PIDX = np.zeros((_E,), np.int64)
for _h in range(_NH):
    for _i in range(16):
        _PIDX[_h * 32 + 2 * _i] = _h * 32 + _i
        _PIDX[_h * 32 + 2 * _i + 1] = _h * 32 + 16 + _i

_G = (( _cols[:, None] // 16) == (_cols[None, :] // 16)).astype(np.float32)

_SCAT = np.zeros((2 * _NL, 2 * 128), np.float32)
for _c in range(128):
    _SCAT[2 * _lcol[_c], _c] = _Wc[0, _c]
    _SCAT[2 * _lcol[_c] + 1, 128 + _c] = _Hc[0, _c]


def _tc1_body(qr_ref, refp_ref, vv_ref, WvT_ref, bv_ref, WcatT_ref, bcat_ref,
              scat_ref, g_ref, cf_ref, ci_ref, val_ref, idx_ref, w_ref):
    i = pl.program_id(0)
    f32 = jnp.float32
    hp = lax.Precision.HIGHEST
    Wc = cf_ref[0:1, :]
    Hc = cf_ref[1:2, :]
    Wc_i = ci_ref[0:1, :]
    addb = ci_ref[1:2, :]
    val_ref[...] = (
        jnp.dot(vv_ref[...], WvT_ref[...], preferred_element_type=f32,
                precision=hp)
        + bv_ref[...]).astype(jnp.bfloat16)
    cat = (jnp.dot(qr_ref[...], WcatT_ref[...], preferred_element_type=f32,
                   precision=hp)
           + bcat_ref[...])
    offx = cat[:, 0:128]
    offy = cat[:, 128:256]
    a = cat[:, 256:384]
    m = jnp.max(a, axis=1, keepdims=True)
    e = jnp.exp(a - m)
    denom = jnp.dot(e, g_ref[...], preferred_element_type=f32, precision=hp)
    attn = e / denom
    refp = refp_ref[...]
    mask = scat_ref[...]
    rx = jnp.zeros_like(cat[:, 0:128])
    ry = jnp.zeros_like(cat[:, 0:128])
    for l in range(_NL):
        rx = rx + refp[:, 2 * l:2 * l + 1] * mask[2 * l:2 * l + 1, 0:128]
        ry = ry + refp[:, 2 * l + 1:2 * l + 2] * mask[2 * l + 1:2 * l + 2,
                                                      128:256]
    x = rx + offx - 0.5
    y = ry + offy - 0.5
    x0 = jnp.floor(x)
    y0 = jnp.floor(y)
    fx = x - x0
    fy = y - y0

    def corner(xi, yi, wgt):
        vx = (xi >= 0.0) & (xi <= Wc - 1.0)
        vy = (yi >= 0.0) & (yi <= Hc - 1.0)
        xc = jnp.clip(xi, 0.0, Wc - 1.0).astype(jnp.int32)
        yc = jnp.clip(yi, 0.0, Hc - 1.0).astype(jnp.int32)
        row = (yc * Wc_i + xc) * _NH + addb
        wq = attn * wgt * (vx & vy).astype(f32)
        return row, wq

    r00, w00 = corner(x0, y0, (1.0 - fx) * (1.0 - fy))
    r10, w10 = corner(x0 + 1.0, y0, fx * (1.0 - fy))
    r01, w01 = corner(x0, y0 + 1.0, (1.0 - fx) * fy)
    r11, w11 = corner(x0 + 1.0, y0 + 1.0, fx * fy)
    idx_ref[...] = jnp.concatenate([r00, r10, r01, r11], axis=1)
    w_ref[...] = jnp.concatenate([w00, w10, w01, w11], axis=1)


def _tc2_body(x_ref, WoT_ref, bo_ref, o_ref):
    o_ref[...] = (
        jnp.dot(x_ref[...], WoT_ref[...], preferred_element_type=jnp.float32,
                precision=lax.Precision.HIGHEST)
        + bo_ref[...])


def _splat(v, k):
    idx = jnp.full((16, 1), k, jnp.int32)
    dn = lax.GatherDimensionNumbers(
        offset_dims=(), collapsed_slice_dims=(0,), start_index_map=(0,))
    return lax.gather(v, idx, dn, (1,),
                      mode=lax.GatherScatterMode.PROMISE_IN_BOUNDS)


def _sc_body(table_hbm, idx_hbm, w_hbm, out_hbm,
             shared_tab, idx0, idx1, w0, w1, g0, g1, o0, o1,
             si0, si1, sg0, sg1, so0, so1):
    core = lax.axis_index("c")
    sid = lax.axis_index("s")
    wid = core * 16 + sid
    base_q = wid * _QW
    tchunk = _LV * _NH // 16
    pltpu.sync_copy(
        table_hbm.at[pl.ds(core * (_LV * _NH) + sid * tchunk, tchunk)],
        shared_tab.at[pl.ds(sid * tchunk, tchunk)])
    plsc.subcore_barrier()
    idxv = (idx0, idx1)
    wv = (w0, w1)
    gv = (g0, g1)
    ov = (o0, o1)
    si = (si0, si1)
    sg = (sg0, sg1)
    so = (so0, so1)
    ng = _C * _ROWS // 128

    def fetch(t, b):
        q0 = (base_q + t * _C) * _ROWS
        pltpu.async_copy(idx_hbm.at[pl.ds(q0, _C * _ROWS)], idxv[b], si[b])
        pltpu.async_copy(w_hbm.at[pl.ds(q0, _C * _ROWS)], wv[b], si[b])

    def fetch_wait(b):
        pltpu.make_async_copy(idx_hbm.at[pl.ds(0, _C * _ROWS)], idxv[b],
                              si[b]).wait()
        pltpu.make_async_copy(w_hbm.at[pl.ds(0, _C * _ROWS)], wv[b],
                              si[b]).wait()

    def fire(b):
        pltpu.async_copy(shared_tab.at[idxv[b]], gv[b], sg[b])

    def gwait(b):
        pltpu.make_async_copy(shared_tab.at[idxv[b]], gv[b], sg[b]).wait()

    def out_wait(b):
        pltpu.make_async_copy(ov[b], out_hbm.at[pl.ds(base_q, _C)],
                              so[b]).wait()

    def compute(t, b):
        gat_v = gv[b]
        w_v = wv[b]
        out_v = ov[b]

        def qh(u, _):
            q = u // _NH
            h = u % _NH
            acc0 = jnp.zeros((16,), jnp.float32)
            acc1 = jnp.zeros((16,), jnp.float32)
            for c in range(4):
                base = q * _ROWS + c * 128 + h * 16
                wvec = w_v[pl.ds(base, 16)]
                for kk in range(16):
                    ws = _splat(wvec, kk)
                    e0, e1 = plsc.unpack(
                        gat_v[base + kk, :],
                        format=plsc.PackFormat.INTERLEAVED,
                        preferred_element_type=jnp.float32)
                    acc0 = acc0 + ws * e0
                    acc1 = acc1 + ws * e1
            out_v[q, pl.ds(h * _HD, 16)] = acc0
            out_v[q, pl.ds(h * _HD + 16, 16)] = acc1
            return _

        lax.fori_loop(0, _C * _NH, qh, None)
        pltpu.async_copy(out_v, out_hbm.at[pl.ds(base_q + t * _C, _C)], so[b])

    fetch(0, 0)
    fetch_wait(0)
    fire(0)
    fetch(1, 1)

    def pair(u, _):
        for parity in range(2):
            t = u * 2 + parity
            b = parity

            @pl.when(t + 1 < _NCH)
            def _fire_next():
                fetch_wait(1 - b)
                fire(1 - b)

            gwait(b)

            @pl.when(t >= 2)
            def _drain_out():
                out_wait(b)

            compute(t, b)

            @pl.when(t + 2 < _NCH)
            def _prefetch():
                fetch(t + 2, b)

        return _

    lax.fori_loop(0, _NCH // 2, pair, None)
    if _NCH % 2:
        gwait(0)
        out_wait(0)
        compute(_NCH - 1, 0)
    out_wait(1)
    out_wait(0)


def _sc_gather_reduce(table, idx1, w1):
    mesh = plsc.VectorSubcoreMesh(
        core_axis_name="c", subcore_axis_name="s", num_cores=2,
        num_subcores=16)
    return pl.kernel(
        _sc_body,
        out_type=jax.ShapeDtypeStruct((_NQ, _E), jnp.float32),
        mesh=mesh,
        scratch_types=[
            pltpu.VMEM_SHARED((_LV * _NH, _HD), jnp.bfloat16),
            pltpu.VMEM((_C * _ROWS,), jnp.int32),
            pltpu.VMEM((_C * _ROWS,), jnp.int32),
            pltpu.VMEM((_C * _ROWS,), jnp.float32),
            pltpu.VMEM((_C * _ROWS,), jnp.float32),
            pltpu.VMEM((_C * _ROWS, _HD), jnp.bfloat16),
            pltpu.VMEM((_C * _ROWS, _HD), jnp.bfloat16),
            pltpu.VMEM((_C, _E), jnp.float32),
            pltpu.VMEM((_C, _E), jnp.float32),
            pltpu.SemaphoreType.DMA,
            pltpu.SemaphoreType.DMA,
            pltpu.SemaphoreType.DMA,
            pltpu.SemaphoreType.DMA,
            pltpu.SemaphoreType.DMA,
            pltpu.SemaphoreType.DMA,
        ],
        compiler_params=pltpu.CompilerParams(use_tc_tiling_on_sc=False,
                                             needs_layout_passes=False),
    )(table, idx1, w1)


def _tc1_call(qr, refp, vv, WvT, bv2, WcatT, bcat, scat, g, interpret=False):
    f32 = jnp.float32
    cf = jnp.asarray(np.concatenate([_Wc, _Hc], axis=0))
    ci = jnp.asarray(np.concatenate([_Wc_i, _ADDB], axis=0))
    return pl.pallas_call(
        _tc1_body,
        grid=(_GRID,),
        in_specs=[
            pl.BlockSpec((_BLK, _E), lambda i: (i, 0)),
            pl.BlockSpec((_BLK, 2 * _NL), lambda i: (i, 0)),
            pl.BlockSpec((_BLK, _E), lambda i: (i, 0)),
            pl.BlockSpec((_E, _E), lambda i: (0, 0)),
            pl.BlockSpec((1, _E), lambda i: (0, 0)),
            pl.BlockSpec((_E, 384), lambda i: (0, 0)),
            pl.BlockSpec((1, 384), lambda i: (0, 0)),
            pl.BlockSpec((2 * _NL, 256), lambda i: (0, 0)),
            pl.BlockSpec((128, 128), lambda i: (0, 0)),
            pl.BlockSpec((2, 128), lambda i: (0, 0)),
            pl.BlockSpec((2, 128), lambda i: (0, 0)),
        ],
        out_specs=[
            pl.BlockSpec((_BLK, _E), lambda i: (i, 0)),
            pl.BlockSpec((_BLK, _ROWS), lambda i: (i, 0)),
            pl.BlockSpec((_BLK, _ROWS), lambda i: (i, 0)),
        ],
        out_shape=[
            jax.ShapeDtypeStruct((_B * _LV, _E), jnp.bfloat16),
            jax.ShapeDtypeStruct((_NQ, _ROWS), jnp.int32),
            jax.ShapeDtypeStruct((_NQ, _ROWS), f32),
        ],
        interpret=interpret,
    )(qr, refp, vv, WvT, bv2, WcatT, bcat, scat, g, cf, ci)


def _tc2_call(x, WoT, bo2, interpret=False):
    return pl.pallas_call(
        _tc2_body,
        grid=(_GRID,),
        in_specs=[
            pl.BlockSpec((_BLK, _E), lambda i: (i, 0)),
            pl.BlockSpec((_E, _E), lambda i: (0, 0)),
            pl.BlockSpec((1, _E), lambda i: (0, 0)),
        ],
        out_specs=pl.BlockSpec((_BLK, _E), lambda i: (i, 0)),
        out_shape=jax.ShapeDtypeStruct((_NQ, _E), jnp.float32),
        interpret=interpret,
    )(x, WoT, bo2)


def kernel(query, reference_points, value, spatial_shapes, Wv, bv, Woff, boff,
           Wa, ba, Wo, bo):
    del spatial_shapes
    qr = query.reshape(_NQ, _E)
    refp = reference_points.reshape(_NQ, 2 * _NL)
    vv = value.reshape(_B * _LV, _E)
    WcatT = jnp.concatenate([Woff[0::2], Woff[1::2], Wa], axis=0).T
    bcat = jnp.concatenate([boff[0::2], boff[1::2], ba])[None]
    val, idx, w = _tc1_call(qr, refp, vv, Wv[_PIDX].T, bv[_PIDX][None],
                            WcatT, bcat, jnp.asarray(_SCAT), jnp.asarray(_G))
    rows = _sc_gather_reduce(val.reshape(_B * _LV * _NH, _HD),
                             idx.reshape(-1), w.reshape(-1))
    out = _tc2_call(rows, Wo.T, bo[None])
    return out.reshape(_B, _LQ, _E)

# --- scband reference (transcript-rebuilt; emitter-appended) ---
"""Pipeline reference for scband-multi-scale-deformable-attention-37452114821812 (READ-ONLY COPY).

The authoritative reference and input builder live on the scoring server;
editing this copy changes nothing except your own understanding.
"""

import jax, jax.numpy as jnp
import numpy as np

B = 2
LQ = 5440
E = 256
NH = 8
NL = 4
NP_ = 4
HD = E // NH
SHAPES = [(64, 64), (32, 32), (16, 16), (8, 8)]
LV = sum(h * w for h, w in SHAPES)


def _grid_sample(v, grid):
    # v: (N, C, H, W); grid: (N, Lq, P, 2) with (x, y) in [-1, 1]
    # bilinear, padding_mode='zeros', align_corners=False
    N, C, Hh, Ww = v.shape
    gx = grid[..., 0]
    gy = grid[..., 1]
    x = ((gx + 1.0) * Ww - 1.0) / 2.0
    y = ((gy + 1.0) * Hh - 1.0) / 2.0
    x0 = jnp.floor(x)
    y0 = jnp.floor(y)
    x1 = x0 + 1.0
    y1 = y0 + 1.0
    wx1 = x - x0
    wx0 = 1.0 - wx1
    wy1 = y - y0
    wy0 = 1.0 - wy1
    vflat = v.reshape(N, C, Hh * Ww)

    def corner(xi, yi, w):
        valid = (xi >= 0) & (xi <= Ww - 1) & (yi >= 0) & (yi <= Hh - 1)
        xc = jnp.clip(xi, 0, Ww - 1).astype(jnp.int32)
        yc = jnp.clip(yi, 0, Hh - 1).astype(jnp.int32)
        idx = (yc * Ww + xc).reshape(N, -1)
        idx = jnp.broadcast_to(idx[:, None, :], (N, C, idx.shape[-1]))
        g = jnp.take_along_axis(vflat, idx, axis=2).reshape(N, C, xi.shape[1], xi.shape[2])
        return g * (w * valid.astype(v.dtype))[:, None]

    return (corner(x0, y0, wx0 * wy0) + corner(x1, y0, wx1 * wy0)
            + corner(x0, y1, wx0 * wy1) + corner(x1, y1, wx1 * wy1))


def _forward(query, reference_points, value, spatial_shapes, Wv, bv, Woff, boff, Wa, ba, Wo, bo):
    Bq, Lq, _ = query.shape
    val = value @ Wv.T + bv
    val = val.reshape(Bq, -1, NH, HD)
    off = (query @ Woff.T + boff).reshape(Bq, Lq, NH, NL, NP_, 2)
    attn = (query @ Wa.T + ba).reshape(Bq, Lq, NH, NL * NP_)
    attn = jax.nn.softmax(attn, axis=-1).reshape(Bq, Lq, NH, NL, NP_)
    norm = jnp.stack([spatial_shapes[:, 1], spatial_shapes[:, 0]], axis=-1).astype(query.dtype)
    loc = reference_points[:, :, None, :, None, :2] + off / norm[None, None, None, :, None, :]
    starts = np.cumsum([0] + [h * w for h, w in SHAPES])
    sampled_levels = []
    for lvl, (h, w) in enumerate(SHAPES):
        v_l = val[:, int(starts[lvl]):int(starts[lvl + 1])]
        v_l = jnp.transpose(v_l, (0, 2, 3, 1)).reshape(Bq * NH, HD, h, w)
        g = jnp.transpose(loc[:, :, :, lvl], (0, 2, 1, 3, 4)).reshape(Bq * NH, Lq, NP_, 2)
        g = g * 2.0 - 1.0
        sampled_levels.append(_grid_sample(v_l, g))
    sampled = jnp.stack(sampled_levels, axis=4)
    sampled = sampled.reshape(Bq, NH, HD, Lq, NP_, NL)
    sampled = jnp.transpose(sampled, (0, 3, 1, 5, 4, 2))
    out = (sampled * attn[..., None]).sum(axis=4).sum(axis=3).reshape(Bq, Lq, E)
    return out @ Wo.T + bo


def setup_inputs(seed: int = 0):
    key = jax.random.key(seed)
    ks = jax.random.split(key, 10)
    thetas = np.arange(NH, dtype=np.float32) * (2.0 * np.pi / NH)
    grid = np.stack([np.cos(thetas), np.sin(thetas)], axis=-1)
    grid = grid / np.abs(grid).max(axis=-1, keepdims=True)
    grid = np.tile(grid.reshape(NH, 1, 1, 2), (1, NL, NP_, 1))
    for p in range(NP_):
        grid[:, :, p, :] *= p + 1
    return {
        "query": jax.random.normal(ks[0], (B, LQ, E), dtype=jnp.float32),
        "reference_points": jax.random.uniform(ks[1], (B, LQ, NL, 2), dtype=jnp.float32),
        "value": jax.random.normal(ks[2], (B, LV, E), dtype=jnp.float32),
        "spatial_shapes": jnp.array(SHAPES, dtype=jnp.int32),
        "Wv": jax.random.normal(ks[3], (E, E), dtype=jnp.float32) * 0.02,
        "bv": jnp.zeros((E,), dtype=jnp.float32),
        "Woff": jax.random.normal(ks[4], (NH * NL * NP_ * 2, E), dtype=jnp.float32) * 0.001,
        "boff": jnp.asarray(grid.reshape(-1), dtype=jnp.float32),
        "Wa": jax.random.normal(ks[5], (NH * NL * NP_, E), dtype=jnp.float32) * 0.01,
        "ba": jnp.zeros((NH * NL * NP_,), dtype=jnp.float32),
        "Wo": jax.random.normal(ks[6], (E, E), dtype=jnp.float32) * 0.02,
        "bo": jnp.zeros((E,), dtype=jnp.float32),
    }


def reference(query, reference_points, value, spatial_shapes, Wv, bv, Woff, boff, Wa, ba, Wo, bo):
    return _forward(query, reference_points, value, spatial_shapes, Wv, bv, Woff, boff, Wa, ba, Wo, bo)

if __name__ == "__main__":
    import jax
    _d = setup_inputs()
    print(jax.jit(kernel)(*tuple(_d.values())))

</pallas_src>

<mosaic_0001>
#map = affine_map<(d0, d1) -> (0, 0)>
#map1 = affine_map<(d0, d1) -> (0)>
module attributes {stable_mosaic.version = 14 : i64} {
  func.func @_sc_body(%arg0: i32, %arg1: i32, %arg2: memref<87040x32xbf16, #tpu.memory_space<hbm>>, %arg3: memref<5570560xi32, #tpu.memory_space<hbm>>, %arg4: memref<5570560xf32, #tpu.memory_space<hbm>>, %arg5: memref<10880x256xf32, #tpu.memory_space<hbm>>, %arg6: memref<43520x32xbf16, #tpu.memory_space<vmem_shared>>, %arg7: memref<2048xi32, #tpu.memory_space<vmem>>, %arg8: memref<2048xi32, #tpu.memory_space<vmem>>, %arg9: memref<2048xf32, #tpu.memory_space<vmem>>, %arg10: memref<2048xf32, #tpu.memory_space<vmem>>, %arg11: memref<2048x32xbf16, #tpu.memory_space<vmem>>, %arg12: memref<2048x32xbf16, #tpu.memory_space<vmem>>, %arg13: memref<4x256xf32, #tpu.memory_space<vmem>>, %arg14: memref<4x256xf32, #tpu.memory_space<vmem>>, %arg15: memref<!tpu.dma_semaphore, #tpu.memory_space<semaphore_mem>>, %arg16: memref<!tpu.dma_semaphore, #tpu.memory_space<semaphore_mem>>, %arg17: memref<!tpu.dma_semaphore, #tpu.memory_space<semaphore_mem>>, %arg18: memref<!tpu.dma_semaphore, #tpu.memory_space<semaphore_mem>>, %arg19: memref<!tpu.dma_semaphore, #tpu.memory_space<semaphore_mem>>, %arg20: memref<!tpu.dma_semaphore, #tpu.memory_space<semaphore_mem>>) attributes {dimension_semantics = [#tpu.dimension_semantics<core_parallel>, #tpu.dimension_semantics<subcore_parallel>], iteration_bounds = array<i64: 2, 16>, scalar_prefetch = 0 : i64, scratch_operands = 15 : i64, tpu.core_type = #tpu.core_type<sc_vector_subcore>, window_params = [{transform_indices = #map}, {transform_indices = #map1}, {transform_indices = #map1}, {transform_indices = #map}]} {
    %mul3A = arith.constant 16 : i32
    %mul3A_0 = arith.muli %arg0, %mul3A : i32
    %add3A = arith.addi %mul3A_0, %arg1 : i32
    %mul3A_1 = arith.constant 340 : i32
    %mul3A_2 = arith.muli %add3A, %mul3A_1 : i32
    %mul3A_3 = arith.constant 43520 : i32
    %mul3A_4 = arith.muli %arg0, %mul3A_3 : i32
    %mul3A_5 = arith.constant 2720 : i32
    %mul3A_6 = arith.muli %arg1, %mul3A_5 : i32
    %add3A_7 = arith.addi %mul3A_4, %mul3A_6 : i32
    %mul3A_8 = arith.constant 2720 : i32
    %mul3A_9 = arith.muli %arg1, %mul3A_8 : i32
    "tpu.region"() ({
      %run_scoped3A = tpu.sem_alloc : memref<!tpu.dma_semaphore, #tpu.memory_space<semaphore_mem>>
      %dma_start3A_65 = arith.constant 0 : i32
      %dma_start3A_66 = tpu.memref_slice %arg6[%mul3A_9, %dma_start3A_65] : memref<43520x32xbf16, #tpu.memory_space<vmem_shared>> -> memref<2720x32xbf16, #tpu.memory_space<vmem_shared>>
      %dma_start3A_67 = arith.constant 0 : i32
      %dma_start3A_68 = tpu.memref_slice %arg2[%add3A_7, %dma_start3A_67] : memref<87040x32xbf16, #tpu.memory_space<hbm>> -> memref<2720x32xbf16, #tpu.memory_space<hbm>>
      tpu.enqueue_dma source(%dma_start3A_68 : memref<2720x32xbf16, #tpu.memory_space<hbm>>) target(%dma_start3A_66 : memref<2720x32xbf16, #tpu.memory_space<vmem_shared>>) target_semaphore(%run_scoped3A : memref<!tpu.dma_semaphore, #tpu.memory_space<semaphore_mem>>)
      %dma_wait3A_69 = arith.constant 0 : i32
      %dma_wait3A_70 = tpu.memref_slice %arg6[%mul3A_9, %dma_wait3A_69] : memref<43520x32xbf16, #tpu.memory_space<vmem_shared>> -> memref<2720x32xbf16, #tpu.memory_space<vmem_shared>>
      %dma_wait3A_71 = arith.constant 0 : i32
      %dma_wait3A_72 = tpu.memref_slice %arg2[%add3A_7, %dma_wait3A_71] : memref<87040x32xbf16, #tpu.memory_space<hbm>> -> memref<2720x32xbf16, #tpu.memory_space<hbm>>
      tpu.wait_dma2 semaphore(%run_scoped3A : memref<!tpu.dma_semaphore, #tpu.memory_space<semaphore_mem>>) src(%dma_wait3A_72 : memref<2720x32xbf16, #tpu.memory_space<hbm>>) dst(%dma_wait3A_70 : memref<2720x32xbf16, #tpu.memory_space<vmem_shared>>)
      tpu.yield
    }) : () -> ()
    %barrier3A = arith.constant 0 : index
    tpu.barrier barrier_id(%barrier3A)
    %add3A_10 = arith.constant 0 : i32
    %add3A_11 = arith.addi %mul3A_2, %add3A_10 : i32
    %mul3A_12 = arith.constant 512 : i32
    %mul3A_13 = arith.muli %add3A_11, %mul3A_12 : i32
    %dma_start3A = tpu.memref_slice %arg3[%mul3A_13] : memref<5570560xi32, #tpu.memory_space<hbm>> -> memref<2048xi32, #tpu.memory_space<hbm>>
    %dma_start3A_14 = tpu.memref_slice %arg3[%mul3A_13] : memref<5570560xi32, #tpu.memory_space<hbm>> -> memref<2048xi32, #tpu.memory_space<hbm>>
    tpu.enqueue_dma source(%dma_start3A_14 : memref<2048xi32, #tpu.memory_space<hbm>>) target(%arg7 : memref<2048xi32, #tpu.memory_space<vmem>>) target_semaphore(%arg15 : memref<!tpu.dma_semaphore, #tpu.memory_space<semaphore_mem>>)
    %dma_start3A_15 = tpu.memref_slice %arg4[%mul3A_13] : memref<5570560xf32, #tpu.memory_space<hbm>> -> memref<2048xf32, #tpu.memory_space<hbm>>
    %dma_start3A_16 = tpu.memref_slice %arg4[%mul3A_13] : memref<5570560xf32, #tpu.memory_space<hbm>> -> memref<2048xf32, #tpu.memory_space<hbm>>
    tpu.enqueue_dma source(%dma_start3A_16 : memref<2048xf32, #tpu.memory_space<hbm>>) target(%arg9 : memref<2048xf32, #tpu.memory_space<vmem>>) target_semaphore(%arg15 : memref<!tpu.dma_semaphore, #tpu.memory_space<semaphore_mem>>)
    %dma_wait3A = arith.constant 0 : i32
    %dma_wait3A_17 = tpu.memref_slice %arg3[%dma_wait3A] : memref<5570560xi32, #tpu.memory_space<hbm>> -> memref<2048xi32, #tpu.memory_space<hbm>>
    %dma_wait3A_18 = arith.constant 0 : i32
    %dma_wait3A_19 = tpu.memref_slice %arg3[%dma_wait3A_18] : memref<5570560xi32, #tpu.memory_space<hbm>> -> memref<2048xi32, #tpu.memory_space<hbm>>
    tpu.wait_dma2 semaphore(%arg15 : memref<!tpu.dma_semaphore, #tpu.memory_space<semaphore_mem>>) src(%dma_wait3A_19 : memref<2048xi32, #tpu.memory_space<hbm>>) dst(%arg7 : memref<2048xi32, #tpu.memory_space<vmem>>)
    %dma_wait3A_20 = arith.constant 0 : i32
    %dma_wait3A_21 = tpu.memref_slice %arg4[%dma_wait3A_20] : memref<5570560xf32, #tpu.memory_space<hbm>> -> memref<2048xf32, #tpu.memory_space<hbm>>
    %dma_wait3A_22 = arith.constant 0 : i32
    %dma_wait3A_23 = tpu.memref_slice %arg4[%dma_wait3A_22] : memref<5570560xf32, #tpu.memory_space<hbm>> -> memref<2048xf32, #tpu.memory_space<hbm>>
    tpu.wait_dma2 semaphore(%arg15 : memref<!tpu.dma_semaphore, #tpu.memory_space<semaphore_mem>>) src(%dma_wait3A_23 : memref<2048xf32, #tpu.memory_space<hbm>>) dst(%arg9 : memref<2048xf32, #tpu.memory_space<vmem>>)
    %dma_start3A_24 = arith.constant 0 : i32
    %dma_start3A_25 = arith.constant 0 : i32
    %dma_start3A_26 = tpu.memref_slice %arg6[%dma_start3A_24, %dma_start3A_25] : memref<43520x32xbf16, #tpu.memory_space<vmem_shared>> -> memref<43520x32xbf16, #tpu.memory_space<vmem_shared>>
    tpu.enqueue_indirect_dma source(%dma_start3A_26 : memref<43520x32xbf16, #tpu.memory_space<vmem_shared>>) target(%arg11 : memref<2048x32xbf16, #tpu.memory_space<vmem>>) offsets(%arg7 : memref<2048xi32, #tpu.memory_space<vmem>>) semaphore(%arg17 : memref<!tpu.dma_semaphore, #tpu.memory_space<semaphore_mem>>)
    %add3A_27 = arith.constant 4 : i32
    %add3A_28 = arith.addi %mul3A_2, %add3A_27 : i32
    %mul3A_29 = arith.constant 512 : i32
    %mul3A_30 = arith.muli %add3A_28, %mul3A_29 : i32
    %dma_start3A_31 = tpu.memref_slice %arg3[%mul3A_30] : memref<5570560xi32, #tpu.memory_space<hbm>> -> memref<2048xi32, #tpu.memory_space<hbm>>
    %dma_start3A_32 = tpu.memref_slice %arg3[%mul3A_30] : memref<5570560xi32, #tpu.memory_space<hbm>> -> memref<2048xi32, #tpu.memory_space<hbm>>
    tpu.enqueue_dma source(%dma_start3A_32 : memref<2048xi32, #tpu.memory_space<hbm>>) target(%arg8 : memref<2048xi32, #tpu.memory_space<vmem>>) target_semaphore(%arg16 : memref<!tpu.dma_semaphore, #tpu.memory_space<semaphore_mem>>)
    %dma_start3A_33 = tpu.memref_slice %arg4[%mul3A_30] : memref<5570560xf32, #tpu.memory_space<hbm>> -> memref<2048xf32, #tpu.memory_space<hbm>>
    %dma_start3A_34 = tpu.memref_slice %arg4[%mul3A_30] : memref<5570560xf32, #tpu.memory_space<hbm>> -> memref<2048xf32, #tpu.memory_space<hbm>>
    tpu.enqueue_dma source(%dma_start3A_34 : memref<2048xf32, #tpu.memory_space<hbm>>) target(%arg10 : memref<2048xf32, #tpu.memory_space<vmem>>) target_semaphore(%arg16 : memref<!tpu.dma_semaphore, #tpu.memory_space<semaphore_mem>>)
    %scan3A = arith.constant 0 : i32
    %scan3A_35 = arith.constant 42 : i32
    %scan3A_36 = arith.addi %scan3A, %scan3A_35 : i32
    %scan3A_37 = arith.constant 1 : i32
    scf.for %scan3A_65 = %scan3A to %scan3A_36 step %scan3A_37  : i32 {
      %mul3A_66 = arith.constant 2 : i32
      %mul3A_67 = arith.muli %scan3A_65, %mul3A_66 : i32
      %add3A_68 = arith.constant 0 : i32
      %add3A_69 = arith.addi %mul3A_67, %add3A_68 : i32
      %add3A_70 = arith.constant 1 : i32
      %add3A_71 = arith.addi %add3A_69, %add3A_70 : i32
      %lt3A = arith.constant 85 : i32
      %lt3A_72 = arith.cmpi slt, %add3A_71, %lt3A : i32
      %convert_element_type3A = arith.extui %lt3A_72 : i1 to i32
      %cond3A = arith.constant 0 : i32
      %cond3A_73 = arith.cmpi ne, %convert_element_type3A, %cond3A : i32
      scf.if %cond3A_73 {
        %dma_wait3A_138 = arith.constant 0 : i32
        %dma_wait3A_139 = tpu.memref_slice %arg3[%dma_wait3A_138] : memref<5570560xi32, #tpu.memory_space<hbm>> -> memref<2048xi32, #tpu.memory_space<hbm>>
        %dma_wait3A_140 = arith.constant 0 : i32
        %dma_wait3A_141 = tpu.memref_slice %arg3[%dma_wait3A_140] : memref<5570560xi32, #tpu.memory_space<hbm>> -> memref<2048xi32, #tpu.memory_space<hbm>>
        tpu.wait_dma2 semaphore(%arg16 : memref<!tpu.dma_semaphore, #tpu.memory_space<semaphore_mem>>) src(%dma_wait3A_141 : memref<2048xi32, #tpu.memory_space<hbm>>) dst(%arg8 : memref<2048xi32, #tpu.memory_space<vmem>>)
        %dma_wait3A_142 = arith.constant 0 : i32
        %dma_wait3A_143 = tpu.memref_slice %arg4[%dma_wait3A_142] : memref<5570560xf32, #tpu.memory_space<hbm>> -> memref<2048xf32, #tpu.memory_space<hbm>>
        %dma_wait3A_144 = arith.constant 0 : i32
        %dma_wait3A_145 = tpu.memref_slice %arg4[%dma_wait3A_144] : memref<5570560xf32, #tpu.memory_space<hbm>> -> memref<2048xf32, #tpu.memory_space<hbm>>
        tpu.wait_dma2 semaphore(%arg16 : memref<!tpu.dma_semaphore, #tpu.memory_space<semaphore_mem>>) src(%dma_wait3A_145 : memref<2048xf32, #tpu.memory_space<hbm>>) dst(%arg10 : memref<2048xf32, #tpu.memory_space<vmem>>)
        %dma_start3A_146 = arith.constant 0 : i32
        %dma_start3A_147 = arith.constant 0 : i32
        %dma_start3A_148 = tpu.memref_slice %arg6[%dma_start3A_146, %dma_start3A_147] : memref<43520x32xbf16, #tpu.memory_space<vmem_shared>> -> memref<43520x32xbf16, #tpu.memory_space<vmem_shared>>
        tpu.enqueue_indirect_dma source(%dma_start3A_148 : memref<43520x32xbf16, #tpu.memory_space<vmem_shared>>) target(%arg12 : memref<2048x32xbf16, #tpu.memory_space<vmem>>) offsets(%arg8 : memref<2048xi32, #tpu.memory_space<vmem>>) semaphore(%arg18 : memref<!tpu.dma_semaphore, #tpu.memory_space<semaphore_mem>>)
      } else {
      }
      %dma_wait3A_74 = arith.constant 0 : i32
      %dma_wait3A_75 = arith.constant 0 : i32
      %dma_wait3A_76 = tpu.memref_slice %arg6[%dma_wait3A_74, %dma_wait3A_75] : memref<43520x32xbf16, #tpu.memory_space<vmem_shared>> -> memref<43520x32xbf16, #tpu.memory_space<vmem_shared>>
      tpu.wait_indirect_dma semaphore(%arg17 : memref<!tpu.dma_semaphore, #tpu.memory_space<semaphore_mem>>) src(%dma_wait3A_76 : memref<43520x32xbf16, #tpu.memory_space<vmem_shared>>) dst(%arg11 : memref<2048x32xbf16, #tpu.memory_space<vmem>>)
      %ge3A = arith.constant 2 : i32
      %ge3A_77 = arith.cmpi sge, %add3A_69, %ge3A : i32
      %convert_element_type3A_78 = arith.extui %ge3A_77 : i1 to i32
      %cond3A_79 = arith.constant 0 : i32
      %cond3A_80 = arith.cmpi ne, %convert_element_type3A_78, %cond3A_79 : i32
      scf.if %cond3A_80 {
        %dma_wait3A_138 = arith.constant 0 : i32
        %dma_wait3A_139 = tpu.memref_slice %arg5[%mul3A_2, %dma_wait3A_138] : memref<10880x256xf32, #tpu.memory_space<hbm>> -> memref<4x256xf32, #tpu.memory_space<hbm>>
        %dma_wait3A_140 = arith.constant 0 : i32
        %dma_wait3A_141 = tpu.memref_slice %arg5[%mul3A_2, %dma_wait3A_140] : memref<10880x256xf32, #tpu.memory_space<hbm>> -> memref<4x256xf32, #tpu.memory_space<hbm>>
        tpu.wait_dma2 semaphore(%arg19 : memref<!tpu.dma_semaphore, #tpu.memory_space<semaphore_mem>>) src(%arg13 : memref<4x256xf32, #tpu.memory_space<vmem>>) dst(%dma_wait3A_141 : memref<4x256xf32, #tpu.memory_space<hbm>>)
      } else {
      }
      %scan3A_81 = arith.constant 0 : i32
      %scan3A_82 = arith.constant 32 : i32
      %scan3A_83 = arith.addi %scan3A_81, %scan3A_82 : i32
      %scan3A_84 = arith.constant 1 : i32
      scf.for %scan3A_138 = %scan3A_81 to %scan3A_83 step %scan3A_84  : i32 {
        %jit3A = arith.constant 8 : i32
        %div3A = arith.divsi %scan3A_138, %jit3A : i32
        %sign3A = arith.constant 0 : i32
        %sign3A_139 = arith.cmpi sgt, %scan3A_138, %sign3A : i32
        %sign3A_140 = arith.extui %sign3A_139 : i1 to i32
        %sign3A_141 = arith.constant 0 : i32
        %sign3A_142 = arith.cmpi slt, %scan3A_138, %sign3A_141 : i32
        %sign3A_143 = arith.extui %sign3A_142 : i1 to i32
        %sign3A_144 = arith.subi %sign3A_140, %sign3A_143 : i32
        %sign3A_145 = arith.constant 0 : i32
        %sign3A_146 = arith.cmpi sgt, %jit3A, %sign3A_145 : i32
        %sign3A_147 = arith.extui %sign3A_146 : i1 to i32
        %sign3A_148 = arith.constant 0 : i32
        %sign3A_149 = arith.cmpi slt, %jit3A, %sign3A_148 : i32
        %sign3A_150 = arith.extui %sign3A_149 : i1 to i32
        %sign3A_151 = arith.subi %sign3A_147, %sign3A_150 : i32
        %ne3A = arith.cmpi ne, %sign3A_144, %sign3A_151 : i32
        %rem3A = arith.remsi %scan3A_138, %jit3A : i32
        %ne3A_152 = arith.constant 0 : i32
        %ne3A_153 = arith.cmpi ne, %rem3A, %ne3A_152 : i32
        %and3A = arith.andi %ne3A, %ne3A_153 : i1
        %sub3A = arith.constant 1 : i32
        %sub3A_154 = arith.subi %div3A, %sub3A : i32
        %select_n3A = arith.select %and3A, %sub3A_154, %div3A : i32
        %jit3A_155 = arith.constant 8 : i32
        %eq3A = arith.constant 0 : i32
        %eq3A_156 = arith.cmpi eq, %jit3A_155, %eq3A : i32
        %jit3A_157 = arith.constant 1 : i32
        %select_n3A_158 = arith.select %eq3A_156, %jit3A_157, %jit3A_155 : i32
        %rem3A_159 = arith.remsi %scan3A_138, %select_n3A_158 : i32
        %ne3A_160 = arith.constant 0 : i32
        %ne3A_161 = arith.cmpi ne, %rem3A_159, %ne3A_160 : i32
        %lt3A_162 = arith.constant 0 : i32
        %lt3A_163 = arith.cmpi slt, %rem3A_159, %lt3A_162 : i32
        %lt3A_164 = arith.constant 0 : i32
        %lt3A_165 = arith.cmpi slt, %select_n3A_158, %lt3A_164 : i32
        %ne3A_166 = arith.xori %lt3A_163, %lt3A_165 : i1
        %and3A_167 = arith.andi %ne3A_166, %ne3A_161 : i1
        %add3A_168 = arith.addi %rem3A_159, %select_n3A_158 : i32
        %select_n3A_169 = arith.select %and3A_167, %add3A_168, %rem3A_159 : i32
        %broadcast_in_dim3A = arith.constant 0.000000e+00 : f32
        %broadcast_in_dim3A_170 = vector.broadcast %broadcast_in_dim3A : f32 to vector<16xf32>
        %broadcast_in_dim3A_171 = arith.constant 0.000000e+00 : f32
        %broadcast_in_dim3A_172 = vector.broadcast %broadcast_in_dim3A_171 : f32 to vector<16xf32>
        %mul3A_173 = arith.constant 512 : i32
        %mul3A_174 = arith.muli %select_n3A, %mul3A_173 : i32
        %add3A_175 = arith.constant 0 : i32
        %add3A_176 = arith.addi %mul3A_174, %add3A_175 : i32
        %mul3A_177 = arith.constant 16 : i32
        %mul3A_178 = arith.muli %select_n3A_169, %mul3A_177 : i32
        %add3A_179 = arith.addi %add3A_176, %mul3A_178 : i32
        %get3A = arith.index_cast %add3A_179 : i32 to index
        %get3A_180 = tpu.vector_load %arg9[%get3A] {strides = array<i32>} : memref<2048xf32, #tpu.memory_space<vmem>>, vector<16xf32>,
        %broadcast_in_dim3A_181 = arith.constant 0 : i32
        %broadcast_in_dim3A_182 = vector.broadcast %broadcast_in_dim3A_181 : i32 to vector<16x1xi32>
        %gather3A = vector.shape_cast %broadcast_in_dim3A_182 : vector<16x1xi32> to vector<16xi32>
        %gather3A_183 = tpu.dynamic_gather %get3A_180[%gather3A] in [0] : vector<16xf32>, vector<16xi32> -> vector<16xf32>
        %add3A_184 = arith.constant 0 : i32
        %add3A_185 = arith.addi %add3A_179, %add3A_184 : i32
        %get3A_186 = arith.index_cast %add3A_185 : i32 to index
        %get3A_187 = arith.constant 0 : index
        %get3A_188 = tpu.vector_load %arg11[%get3A_186, %get3A_187] {strides = array<i32>} : memref<2048x32xbf16, #tpu.memory_space<vmem>>, vector<32xbf16>,
        %unpack3A = tpu.unpack_subelements %get3A_188, 0 {pack_format = #tpu.pack_format<interleaved>} : vector<32xbf16> -> vector<16xf32>
        %unpack3A_189 = tpu.unpack_subelements %get3A_188, 1 {pack_format = #tpu.pack_format<interleaved>} : vector<32xbf16> -> vector<16xf32>
        %mul3A_190 = arith.mulf %gather3A_183, %unpack3A : vector<16xf32>
        %add3A_191 = arith.addf %broadcast_in_dim3A_170, %mul3A_190 : vector<16xf32>
        %mul3A_192 = arith.mulf %gather3A_183, %unpack3A_189 : vector<16xf32>
        %add3A_193 = arith.addf %broadcast_in_dim3A_172, %mul3A_192 : vector<16xf32>
        %broadcast_in_dim3A_194 = arith.constant 1 : i32
        %broadcast_in_dim3A_195 = vector.broadcast %broadcast_in_dim3A_194 : i32 to vector<16x1xi32>
        %gather3A_196 = vector.shape_cast %broadcast_in_dim3A_195 : vector<16x1xi32> to vector<16xi32>
        %gather3A_197 = tpu.dynamic_gather %get3A_180[%gather3A_196] in [0] : vector<16xf32>, vector<16xi32> -> vector<16xf32>
        %add3A_198 = arith.constant 1 : i32
        %add3A_199 = arith.addi %add3A_179, %add3A_198 : i32
        %get3A_200 = arith.index_cast %add3A_199 : i32 to index
        %get3A_201 = arith.constant 0 : index
        %get3A_202 = tpu.vector_load %arg11[%get3A_200, %get3A_201] {strides = array<i32>} : memref<2048x32xbf16, #tpu.memory_space<vmem>>, vector<32xbf16>,
        %unpack3A_203 = tpu.unpack_subelements %get3A_202, 0 {pack_format = #tpu.pack_format<interleaved>} : vector<32xbf16> -> vector<16xf32>
        %unpack3A_204 = tpu.unpack_subelements %get3A_202, 1 {pack_format = #tpu.pack_format<interleaved>} : vector<32xbf16> -> vector<16xf32>
        %mul3A_205 = arith.mulf %gather3A_197, %unpack3A_203 : vector<16xf32>
        %add3A_206 = arith.addf %add3A_191, %mul3A_205 : vector<16xf32>
        %mul3A_207 = arith.mulf %gather3A_197, %unpack3A_204 : vector<16xf32>
        %add3A_208 = arith.addf %add3A_193, %mul3A_207 : vector<16xf32>
        %broadcast_in_dim3A_209 = arith.constant 2 : i32
        %broadcast_in_dim3A_210 = vector.broadcast %broadcast_in_dim3A_209 : i32 to vector<16x1xi32>
        %gather3A_211 = vector.shape_cast %broadcast_in_dim3A_210 : vector<16x1xi32> to vector<16xi32>
        %gather3A_212 = tpu.dynamic_gather %get3A_180[%gather3A_211] in [0] : vector<16xf32>, vector<16xi32> -> vector<16xf32>
        %add3A_213 = arith.constant 2 : i32
        %add3A_214 = arith.addi %add3A_179, %add3A_213 : i32
        %get3A_215 = arith.index_cast %add3A_214 : i32 to index
        %get3A_216 = arith.constant 0 : index
        %get3A_217 = tpu.vector_load %arg11[%get3A_215, %get3A_216] {strides = array<i32>} : memref<2048x32xbf16, #tpu.memory_space<vmem>>, vector<32xbf16>,
        %unpack3A_218 = tpu.unpack_subelements %get3A_217, 0 {pack_format = #tpu.pack_format<interleaved>} : vector<32xbf16> -> vector<16xf32>
        %unpack3A_219 = tpu.unpack_subelements %get3A_217, 1 {pack_format = #tpu.pack_format<interleaved>} : vector<32xbf16> -> vector<16xf32>
        %mul3A_220 = arith.mulf %gather3A_212, %unpack3A_218 : vector<16xf32>
        %add3A_221 = arith.addf %add3A_206, %mul3A_220 : vector<16xf32>
        %mul3A_222 = arith.mulf %gather3A_212, %unpack3A_219 : vector<16xf32>
        %add3A_223 = arith.addf %add3A_208, %mul3A_222 : vector<16xf32>
        %broadcast_in_dim3A_224 = arith.constant 3 : i32
        %broadcast_in_dim3A_225 = vector.broadcast %broadcast_in_dim3A_224 : i32 to vector<16x1xi32>
        %gather3A_226 = vector.shape_cast %broadcast_in_dim3A_225 : vector<16x1xi32> to vector<16xi32>
        %gather3A_227 = tpu.dynamic_gather %get3A_180[%gather3A_226] in [0] : vector<16xf32>, vector<16xi32> -> vector<16xf32>
        %add3A_228 = arith.constant 3 : i32
        %add3A_229 = arith.addi %add3A_179, %add3A_228 : i32
        %get3A_230 = arith.index_cast %add3A_229 : i32 to index
        %get3A_231 = arith.constant 0 : index
        %get3A_232 = tpu.vector_load %arg11[%get3A_230, %get3A_231] {strides = array<i32>} : memref<2048x32xbf16, #tpu.memory_space<vmem>>, vector<32xbf16>,
        %unpack3A_233 = tpu.unpack_subelements %get3A_232, 0 {pack_format = #tpu.pack_format<interleaved>} : vector<32xbf16> -> vector<16xf32>
        %unpack3A_234 = tpu.unpack_subelements %get3A_232, 1 {pack_format = #tpu.pack_format<interleaved>} : vector<32xbf16> -> vector<16xf32>
        %mul3A_235 = arith.mulf %gather3A_227, %unpack3A_233 : vector<16xf32>
        %add3A_236 = arith.addf %add3A_221, %mul3A_235 : vector<16xf32>
        %mul3A_237 = arith.mulf %gather3A_227, %unpack3A_234 : vector<16xf32>
        %add3A_238 = arith.addf %add3A_223, %mul3A_237 : vector<16xf32>
        %broadcast_in_dim3A_239 = arith.constant 4 : i32
        %broadcast_in_dim3A_240 = vector.broadcast %broadcast_in_dim3A_239 : i32 to vector<16x1xi32>
        %gather3A_241 = vector.shape_cast %broadcast_in_dim3A_240 : vector<16x1xi32> to vector<16xi32>
        %gather3A_242 = tpu.dynamic_gather %get3A_180[%gather3A_241] in [0] : vector<16xf32>, vector<16xi32> -> vector<16xf32>
        %add3A_243 = arith.constant 4 : i32
        %add3A_244 = arith.addi %add3A_179, %add3A_243 : i32
        %get3A_245 = arith.index_cast %add3A_244 : i32 to index
        %get3A_246 = arith.constant 0 : index
        %get3A_247 = tpu.vector_load %arg11[%get3A_245, %get3A_246] {strides = array<i32>} : memref<2048x32xbf16, #tpu.memory_space<vmem>>, vector<32xbf16>,
        %unpack3A_248 = tpu.unpack_subelements %get3A_247, 0 {pack_format = #tpu.pack_format<interleaved>} : vector<32xbf16> -> vector<16xf32>
        %unpack3A_249 = tpu.unpack_subelements %get3A_247, 1 {pack_format = #tpu.pack_format<interleaved>} : vector<32xbf16> -> vector<16xf32>
        %mul3A_250 = arith.mulf %gather3A_242, %unpack3A_248 : vector<16xf32>
        %add3A_251 = arith.addf %add3A_236, %mul3A_250 : vector<16xf32>
        %mul3A_252 = arith.mulf %gather3A_242, %unpack3A_249 : vector<16xf32>
        %add3A_253 = arith.addf %add3A_238, %mul3A_252 : vector<16xf32>
        %broadcast_in_dim3A_254 = arith.constant 5 : i32
        %broadcast_in_dim3A_255 = vector.broadcast %broadcast_in_dim3A_254 : i32 to vector<16x1xi32>
        %gather3A_256 = vector.shape_cast %broadcast_in_dim3A_255 : vector<16x1xi32> to vector<16xi32>
        %gather3A_257 = tpu.dynamic_gather %get3A_180[%gather3A_256] in [0] : vector<16xf32>, vector<16xi32> -> vector<16xf32>
        %add3A_258 = arith.constant 5 : i32
        %add3A_259 = arith.addi %add3A_179, %add3A_258 : i32
        %get3A_260 = arith.index_cast %add3A_259 : i32 to index
        %get3A_261 = arith.constant 0 : index
        %get3A_262 = tpu.vector_load %arg11[%get3A_260, %get3A_261] {strides = array<i32>} : memref<2048x32xbf16, #tpu.memory_space<vmem>>, vector<32xbf16>,
        %unpack3A_263 = tpu.unpack_subelements %get3A_262, 0 {pack_format = #tpu.pack_format<interleaved>} : vector<32xbf16> -> vector<16xf32>
        %unpack3A_264 = tpu.unpack_subelements %get3A_262, 1 {pack_format = #tpu.pack_format<interleaved>} : vector<32xbf16> -> vector<16xf32>
        %mul3A_265 = arith.mulf %gather3A_257, %unpack3A_263 : vector<16xf32>
        %add3A_266 = arith.addf %add3A_251, %mul3A_265 : vector<16xf32>
        %mul3A_267 = arith.mulf %gather3A_257, %unpack3A_264 : vector<16xf32>
        %add3A_268 = arith.addf %add3A_253, %mul3A_267 : vector<16xf32>
        %broadcast_in_dim3A_269 = arith.constant 6 : i32
        %broadcast_in_dim3A_270 = vector.broadcast %broadcast_in_dim3A_269 : i32 to vector<16x1xi32>
        %gather3A_271 = vector.shape_cast %broadcast_in_dim3A_270 : vector<16x1xi32> to vector<16xi32>
        %gather3A_272 = tpu.dynamic_gather %get3A_180[%gather3A_271] in [0] : vector<16xf32>, vector<16xi32> -> vector<16xf32>
        %add3A_273 = arith.constant 6 : i32
        %add3A_274 = arith.addi %add3A_179, %add3A_273 : i32
        %get3A_275 = arith.index_cast %add3A_274 : i32 to index
        %get3A_276 = arith.constant 0 : index
        %get3A_277 = tpu.vector_load %arg11[%get3A_275, %get3A_276] {strides = array<i32>} : memref<2048x32xbf16, #tpu.memory_space<vmem>>, vector<32xbf16>,
        %unpack3A_278 = tpu.unpack_subelements %get3A_277, 0 {pack_format = #tpu.pack_format<interleaved>} : vector<32xbf16> -> vector<16xf32>
        %unpack3A_279 = tpu.unpack_subelements %get3A_277, 1 {pack_format = #tpu.pack_format<interleaved>} : vector<32xbf16> -> vector<16xf32>
        %mul3A_280 = arith.mulf %gather3A_272, %unpack3A_278 : vector<16xf32>
        %add3A_281 = arith.addf %add3A_266, %mul3A_280 : vector<16xf32>
        %mul3A_282 = arith.mulf %gather3A_272, %unpack3A_279 : vector<16xf32>
        %add3A_283 = arith.addf %add3A_268, %mul3A_282 : vector<16xf32>
        %broadcast_in_dim3A_284 = arith.constant 7 : i32
        %broadcast_in_dim3A_285 = vector.broadcast %broadcast_in_dim3A_284 : i32 to vector<16x1xi32>
        %gather3A_286 = vector.shape_cast %broadcast_in_dim3A_285 : vector<16x1xi32> to vector<16xi32>
        %gather3A_287 = tpu.dynamic_gather %get3A_180[%gather3A_286] in [0] : vector<16xf32>, vector<16xi32> -> vector<16xf32>
        %add3A_288 = arith.constant 7 : i32
        %add3A_289 = arith.addi %add3A_179, %add3A_288 : i32
        %get3A_290 = arith.index_cast %add3A_289 : i32 to index
        %get3A_291 = arith.constant 0 : index
        %get3A_292 = tpu.vector_load %arg11[%get3A_290, %get3A_291] {strides = array<i32>} : memref<2048x32xbf16, #tpu.memory_space<vmem>>, vector<32xbf16>,
        %unpack3A_293 = tpu.unpack_subelements %get3A_292, 0 {pack_format = #tpu.pack_format<interleaved>} : vector<32xbf16> -> vector<16xf32>
        %unpack3A_294 = tpu.unpack_subelements %get3A_292, 1 {pack_format = #tpu.pack_format<interleaved>} : vector<32xbf16> -> vector<16xf32>
        %mul3A_295 = arith.mulf %gather3A_287, %unpack3A_293 : vector<16xf32>
        %add3A_296 = arith.addf %add3A_281, %mul3A_295 : vector<16xf32>
        %mul3A_297 = arith.mulf %gather3A_287, %unpack3A_294 : vector<16xf32>
        %add3A_298 = arith.addf %add3A_283, %mul3A_297 : vector<16xf32>
        %broadcast_in_dim3A_299 = arith.constant 8 : i32
        %broadcast_in_dim3A_300 = vector.broadcast %broadcast_in_dim3A_299 : i32 to vector<16x1xi32>
        %gather3A_301 = vector.shape_cast %broadcast_in_dim3A_300 : vector<16x1xi32> to vector<16xi32>
        %gather3A_302 = tpu.dynamic_gather %get3A_180[%gather3A_301] in [0] : vector<16xf32>, vector<16xi32> -> vector<16xf32>
        %add3A_303 = arith.constant 8 : i32
        %add3A_304 = arith.addi %add3A_179, %add3A_303 : i32
        %get3A_305 = arith.index_cast %add3A_304 : i32 to index
        %get3A_306 = arith.constant 0 : index
        %get3A_307 = tpu.vector_load %arg11[%get3A_305, %get3A_306] {strides = array<i32>} : memref<2048x32xbf16, #tpu.memory_space<vmem>>, vector<32xbf16>,
        %unpack3A_308 = tpu.unpack_subelements %get3A_307, 0 {pack_format = #tpu.pack_format<interleaved>} : vector<32xbf16> -> vector<16xf32>
        %unpack3A_309 = tpu.unpack_subelements %get3A_307, 1 {pack_format = #tpu.pack_format<interleaved>} : vector<32xbf16> -> vector<16xf32>
        %mul3A_310 = arith.mulf %gather3A_302, %unpack3A_308 : vector<16xf32>
        %add3A_311 = arith.addf %add3A_296, %mul3A_310 : vector<16xf32>
        %mul3A_312 = arith.mulf %gather3A_302, %unpack3A_309 : vector<16xf32>
        %add3A_313 = arith.addf %add3A_298, %mul3A_312 : vector<16xf32>
        %broadcast_in_dim3A_314 = arith.constant 9 : i32
        %broadcast_in_dim3A_315 = vector.broadcast %broadcast_in_dim3A_314 : i32 to vector<16x1xi32>
        %gather3A_316 = vector.shape_cast %broadcast_in_dim3A_315 : vector<16x1xi32> to vector<16xi32>
        %gather3A_317 = tpu.dynamic_gather %get3A_180[%gather3A_316] in [0] : vector<16xf32>, vector<16xi32> -> vector<16xf32>
        %add3A_318 = arith.constant 9 : i32
        %add3A_319 = arith.addi %add3A_179, %add3A_318 : i32
        %get3A_320 = arith.index_cast %add3A_319 : i32 to index
        %get3A_321 = arith.constant 0 : index
        %get3A_322 = tpu.vector_load %arg11[%get3A_320, %get3A_321] {strides = array<i32>} : memref<2048x32xbf16, #tpu.memory_space<vmem>>, vector<32xbf16>,
        %unpack3A_323 = tpu.unpack_subelements %get3A_322, 0 {pack_format = #tpu.pack_format<interleaved>} : vector<32xbf16> -> vector<16xf32>
        %unpack3A_324 = tpu.unpack_subelements %get3A_322, 1 {pack_format = #tpu.pack_format<interleaved>} : vector<32xbf16> -> vector<16xf32>
        %mul3A_325 = arith.mulf %gather3A_317, %unpack3A_323 : vector<16xf32>
        %add3A_326 = arith.addf %add3A_311, %mul3A_325 : vector<16xf32>
        %mul3A_327 = arith.mulf %gather3A_317, %unpack3A_324 : vector<16xf32>
        %add3A_328 = arith.addf %add3A_313, %mul3A_327 : vector<16xf32>
        %broadcast_in_dim3A_329 = arith.constant 10 : i32
        %broadcast_in_dim3A_330 = vector.broadcast %broadcast_in_dim3A_329 : i32 to vector<16x1xi32>
        %gather3A_331 = vector.shape_cast %broadcast_in_dim3A_330 : vector<16x1xi32> to vector<16xi32>
        %gather3A_332 = tpu.dynamic_gather %get3A_180[%gather3A_331] in [0] : vector<16xf32>, vector<16xi32> -> vector<16xf32>
        %add3A_333 = arith.constant 10 : i32
        %add3A_334 = arith.addi %add3A_179, %add3A_333 : i32
        %get3A_335 = arith.index_cast %add3A_334 : i32 to index
        %get3A_336 = arith.constant 0 : index
        %get3A_337 = tpu.vector_load %arg11[%get3A_335, %get3A_336] {strides = array<i32>} : memref<2048x32xbf16, #tpu.memory_space<vmem>>, vector<32xbf16>,
        %unpack3A_338 = tpu.unpack_subelements %get3A_337, 0 {pack_format = #tpu.pack_format<interleaved>} : vector<32xbf16> -> vector<16xf32>
        %unpack3A_339 = tpu.unpack_subelements %get3A_337, 1 {pack_format = #tpu.pack_format<interleaved>} : vector<32xbf16> -> vector<16xf32>
        %mul3A_340 = arith.mulf %gather3A_332, %unpack3A_338 : vector<16xf32>
        %add3A_341 = arith.addf %add3A_326, %mul3A_340 : vector<16xf32>
        %mul3A_342 = arith.mulf %gather3A_332, %unpack3A_339 : vector<16xf32>
        %add3A_343 = arith.addf %add3A_328, %mul3A_342 : vector<16xf32>
        %broadcast_in_dim3A_344 = arith.constant 11 : i32
        %broadcast_in_dim3A_345 = vector.broadcast %broadcast_in_dim3A_344 : i32 to vector<16x1xi32>
        %gather3A_346 = vector.shape_cast %broadcast_in_dim3A_345 : vector<16x1xi32> to vector<16xi32>
        %gather3A_347 = tpu.dynamic_gather %get3A_180[%gather3A_346] in [0] : vector<16xf32>, vector<16xi32> -> vector<16xf32>
        %add3A_348 = arith.constant 11 : i32
        %add3A_349 = arith.addi %add3A_179, %add3A_348 : i32
        %get3A_350 = arith.index_cast %add3A_349 : i32 to index
        %get3A_351 = arith.constant 0 : index
        %get3A_352 = tpu.vector_load %arg11[%get3A_350, %get3A_351] {strides = array<i32>} : memref<2048x32xbf16, #tpu.memory_space<vmem>>, vector<32xbf16>,
        %unpack3A_353 = tpu.unpack_subelements %get3A_352, 0 {pack_format = #tpu.pack_format<interleaved>} : vector<32xbf16> -> vector<16xf32>
        %unpack3A_354 = tpu.unpack_subelements %get3A_352, 1 {pack_format = #tpu.pack_format<interleaved>} : vector<32xbf16> -> vector<16xf32>
        %mul3A_355 = arith.mulf %gather3A_347, %unpack3A_353 : vector<16xf32>
        %add3A_356 = arith.addf %add3A_341, %mul3A_355 : vector<16xf32>
        %mul3A_357 = arith.mulf %gather3A_347, %unpack3A_354 : vector<16xf32>
        %add3A_358 = arith.addf %add3A_343, %mul3A_357 : vector<16xf32>
        %broadcast_in_dim3A_359 = arith.constant 12 : i32
        %broadcast_in_dim3A_360 = vector.broadcast %broadcast_in_dim3A_359 : i32 to vector<16x1xi32>
        %gather3A_361 = vector.shape_cast %broadcast_in_dim3A_360 : vector<16x1xi32> to vector<16xi32>
        %gather3A_362 = tpu.dynamic_gather %get3A_180[%gather3A_361] in [0] : vector<16xf32>, vector<16xi32> -> vector<16xf32>
        %add3A_363 = arith.constant 12 : i32
        %add3A_364 = arith.addi %add3A_179, %add3A_363 : i32
        %get3A_365 = arith.index_cast %add3A_364 : i32 to index
        %get3A_366 = arith.constant 0 : index
        %get3A_367 = tpu.vector_load %arg11[%get3A_365, %get3A_366] {strides = array<i32>} : memref<2048x32xbf16, #tpu.memory_space<vmem>>, vector<32xbf16>,
        %unpack3A_368 = tpu.unpack_subelements %get3A_367, 0 {pack_format = #tpu.pack_format<interleaved>} : vector<32xbf16> -> vector<16xf32>
        %unpack3A_369 = tpu.unpack_subelements %get3A_367, 1 {pack_format = #tpu.pack_format<interleaved>} : vector<32xbf16> -> vector<16xf32>
        %mul3A_370 = arith.mulf %gather3A_362, %unpack3A_368 : vector<16xf32>
        %add3A_371 = arith.addf %add3A_356, %mul3A_370 : vector<16xf32>
        %mul3A_372 = arith.mulf %gather3A_362, %unpack3A_369 : vector<16xf32>
        %add3A_373 = arith.addf %add3A_358, %mul3A_372 : vector<16xf32>
        %broadcast_in_dim3A_374 = arith.constant 13 : i32
        %broadcast_in_dim3A_375 = vector.broadcast %broadcast_in_dim3A_374 : i32 to vector<16x1xi32>
        %gather3A_376 = vector.shape_cast %broadcast_in_dim3A_375 : vector<16x1xi32> to vector<16xi32>
        %gather3A_377 = tpu.dynamic_gather %get3A_180[%gather3A_376] in [0] : vector<16xf32>, vector<16xi32> -> vector<16xf32>
        %add3A_378 = arith.constant 13 : i32
        %add3A_379 = arith.addi %add3A_179, %add3A_378 : i32
        %get3A_380 = arith.index_cast %add3A_379 : i32 to index
        %get3A_381 = arith.constant 0 : index
        %get3A_382 = tpu.vector_load %arg11[%get3A_380, %get3A_381] {strides = array<i32>} : memref<2048x32xbf16, #tpu.memory_space<vmem>>, vector<32xbf16>,
        %unpack3A_383 = tpu.unpack_subelements %get3A_382, 0 {pack_format = #tpu.pack_format<interleaved>} : vector<32xbf16> -> vector<16xf32>
        %unpack3A_384 = tpu.unpack_subelements %get3A_382, 1 {pack_format = #tpu.pack_format<interleaved>} : vector<32xbf16> -> vector<16xf32>
        %mul3A_385 = arith.mulf %gather3A_377, %unpack3A_383 : vector<16xf32>
        %add3A_386 = arith.addf %add3A_371, %mul3A_385 : vector<16xf32>
        %mul3A_387 = arith.mulf %gather3A_377, %unpack3A_384 : vector<16xf32>
        %add3A_388 = arith.addf %add3A_373, %mul3A_387 : vector<16xf32>
        %broadcast_in_dim3A_389 = arith.constant 14 : i32
        %broadcast_in_dim3A_390 = vector.broadcast %broadcast_in_dim3A_389 : i32 to vector<16x1xi32>
        %gather3A_391 = vector.shape_cast %broadcast_in_dim3A_390 : vector<16x1xi32> to vector<16xi32>
        %gather3A_392 = tpu.dynamic_gather %get3A_180[%gather3A_391] in [0] : vector<16xf32>, vector<16xi32> -> vector<16xf32>
        %add3A_393 = arith.constant 14 : i32
        %add3A_394 = arith.addi %add3A_179, %add3A_393 : i32
        %get3A_395 = arith.index_cast %add3A_394 : i32 to index
        %get3A_396 = arith.constant 0 : index
        %get3A_397 = tpu.vector_load %arg11[%get3A_395, %get3A_396] {strides = array<i32>} : memref<2048x32xbf16, #tpu.memory_space<vmem>>, vector<32xbf16>,
        %unpack3A_398 = tpu.unpack_subelements %get3A_397, 0 {pack_format = #tpu.pack_format<interleaved>} : vector<32xbf16> -> vector<16xf32>
        %unpack3A_399 = tpu.unpack_subelements %get3A_397, 1 {pack_format = #tpu.pack_format<interleaved>} : vector<32xbf16> -> vector<16xf32>
        %mul3A_400 = arith.mulf %gather3A_392, %unpack3A_398 : vector<16xf32>
        %add3A_401 = arith.addf %add3A_386, %mul3A_400 : vector<16xf32>
        %mul3A_402 = arith.mulf %gather3A_392, %unpack3A_399 : vector<16xf32>
        %add3A_403 = arith.addf %add3A_388, %mul3A_402 : vector<16xf32>
        %broadcast_in_dim3A_404 = arith.constant 15 : i32
        %broadcast_in_dim3A_405 = vector.broadcast %broadcast_in_dim3A_404 : i32 to vector<16x1xi32>
        %gather3A_406 = vector.shape_cast %broadcast_in_dim3A_405 : vector<16x1xi32> to vector<16xi32>
        %gather3A_407 = tpu.dynamic_gather %get3A_180[%gather3A_406] in [0] : vector<16xf32>, vector<16xi32> -> vector<16xf32>
        %add3A_408 = arith.constant 15 : i32
        %add3A_409 = arith.addi %add3A_179, %add3A_408 : i32
        %get3A_410 = arith.index_cast %add3A_409 : i32 to index
        %get3A_411 = arith.constant 0 : index
        %get3A_412 = tpu.vector_load %arg11[%get3A_410, %get3A_411] {strides = array<i32>} : memref<2048x32xbf16, #tpu.memory_space<vmem>>, vector<32xbf16>,
        %unpack3A_413 = tpu.unpack_subelements %get3A_412, 0 {pack_format = #tpu.pack_format<interleaved>} : vector<32xbf16> -> vector<16xf32>
        %unpack3A_414 = tpu.unpack_subelements %get3A_412, 1 {pack_format = #tpu.pack_format<interleaved>} : vector<32xbf16> -> vector<16xf32>
        %mul3A_415 = arith.mulf %gather3A_407, %unpack3A_413 : vector<16xf32>
        %add3A_416 = arith.addf %add3A_401, %mul3A_415 : vector<16xf32>
        %mul3A_417 = arith.mulf %gather3A_407, %unpack3A_414 : vector<16xf32>
        %add3A_418 = arith.addf %add3A_403, %mul3A_417 : vector<16xf32>
        %mul3A_419 = arith.constant 512 : i32
        %mul3A_420 = arith.muli %select_n3A, %mul3A_419 : i32
        %add3A_421 = arith.constant 128 : i32
        %add3A_422 = arith.addi %mul3A_420, %add3A_421 : i32
        %mul3A_423 = arith.constant 16 : i32
        %mul3A_424 = arith.muli %select_n3A_169, %mul3A_423 : i32
        %add3A_425 = arith.addi %add3A_422, %mul3A_424 : i32
        %get3A_426 = arith.index_cast %add3A_425 : i32 to index
        %get3A_427 = tpu.vector_load %arg9[%get3A_426] {strides = array<i32>} : memref<2048xf32, #tpu.memory_space<vmem>>, vector<16xf32>,
        %broadcast_in_dim3A_428 = arith.constant 0 : i32
        %broadcast_in_dim3A_429 = vector.broadcast %broadcast_in_dim3A_428 : i32 to vector<16x1xi32>
        %gather3A_430 = vector.shape_cast %broadcast_in_dim3A_429 : vector<16x1xi32> to vector<16xi32>
        %gather3A_431 = tpu.dynamic_gather %get3A_427[%gather3A_430] in [0] : vector<16xf32>, vector<16xi32> -> vector<16xf32>
        %add3A_432 = arith.constant 0 : i32
        %add3A_433 = arith.addi %add3A_425, %add3A_432 : i32
        %get3A_434 = arith.index_cast %add3A_433 : i32 to index
        %get3A_435 = arith.constant 0 : index
        %get3A_436 = tpu.vector_load %arg11[%get3A_434, %get3A_435] {strides = array<i32>} : memref<2048x32xbf16, #tpu.memory_space<vmem>>, vector<32xbf16>,
        %unpack3A_437 = tpu.unpack_subelements %get3A_436, 0 {pack_format = #tpu.pack_format<interleaved>} : vector<32xbf16> -> vector<16xf32>
        %unpack3A_438 = tpu.unpack_subelements %get3A_436, 1 {pack_format = #tpu.pack_format<interleaved>} : vector<32xbf16> -> vector<16xf32>
        %mul3A_439 = arith.mulf %gather3A_431, %unpack3A_437 : vector<16xf32>
        %add3A_440 = arith.addf %add3A_416, %mul3A_439 : vector<16xf32>
        %mul3A_441 = arith.mulf %gather3A_431, %unpack3A_438 : vector<16xf32>
        %add3A_442 = arith.addf %add3A_418, %mul3A_441 : vector<16xf32>
        %broadcast_in_dim3A_443 = arith.constant 1 : i32
        %broadcast_in_dim3A_444 = vector.broadcast %broadcast_in_dim3A_443 : i32 to vector<16x1xi32>
        %gather3A_445 = vector.shape_cast %broadcast_in_dim3A_444 : vector<16x1xi32> to vector<16xi32>
        %gather3A_446 = tpu.dynamic_gather %get3A_427[%gather3A_445] in [0] : vector<16xf32>, vector<16xi32> -> vector<16xf32>
        %add3A_447 = arith.constant 1 : i32
        %add3A_448 = arith.addi %add3A_425, %add3A_447 : i32
        %get3A_449 = arith.index_cast %add3A_448 : i32 to index
        %get3A_450 = arith.constant 0 : index
        %get3A_451 = tpu.vector_load %arg11[%get3A_449, %get3A_450] {strides = array<i32>} : memref<2048x32xbf16, #tpu.memory_space<vmem>>, vector<32xbf16>,
        %unpack3A_452 = tpu.unpack_subelements %get3A_451, 0 {pack_format = #tpu.pack_format<interleaved>} : vector<32xbf16> -> vector<16xf32>
        %unpack3A_453 = tpu.unpack_subelements %get3A_451, 1 {pack_format = #tpu.pack_format<interleaved>} : vector<32xbf16> -> vector<16xf32>
        %mul3A_454 = arith.mulf %gather3A_446, %unpack3A_452 : vector<16xf32>
        %add3A_455 = arith.addf %add3A_440, %mul3A_454 : vector<16xf32>
        %mul3A_456 = arith.mulf %gather3A_446, %unpack3A_453 : vector<16xf32>
        %add3A_457 = arith.addf %add3A_442, %mul3A_456 : vector<16xf32>
        %broadcast_in_dim3A_458 = arith.constant 2 : i32
        %broadcast_in_dim3A_459 = vector.broadcast %broadcast_in_dim3A_458 : i32 to vector<16x1xi32>
        %gather3A_460 = vector.shape_cast %broadcast_in_dim3A_459 : vector<16x1xi32> to vector<16xi32>
        %gather3A_461 = tpu.dynamic_gather %get3A_427[%gather3A_460] in [0] : vector<16xf32>, vector<16xi32> -> vector<16xf32>
        %add3A_462 = arith.constant 2 : i32
        %add3A_463 = arith.addi %add3A_425, %add3A_462 : i32
        %get3A_464 = arith.index_cast %add3A_463 : i32 to index
        %get3A_465 = arith.constant 0 : index
        %get3A_466 = tpu.vector_load %arg11[%get3A_464, %get3A_465] {strides = array<i32>} : memref<2048x32xbf16, #tpu.memory_space<vmem>>, vector<32xbf16>,
        %unpack3A_467 = tpu.unpack_subelements %get3A_466, 0 {pack_format = #tpu.pack_format<interleaved>} : vector<32xbf16> -> vector<16xf32>
        %unpack3A_468 = tpu.unpack_subelements %get3A_466, 1 {pack_format = #tpu.pack_format<interleaved>} : vector<32xbf16> -> vector<16xf32>
        %mul3A_469 = arith.mulf %gather3A_461, %unpack3A_467 : vector<16xf32>
        %add3A_470 = arith.addf %add3A_455, %mul3A_469 : vector<16xf32>
        %mul3A_471 = arith.mulf %gather3A_461, %unpack3A_468 : vector<16xf32>
        %add3A_472 = arith.addf %add3A_457, %mul3A_471 : vector<16xf32>
        %broadcast_in_dim3A_473 = arith.constant 3 : i32
        %broadcast_in_dim3A_474 = vector.broadcast %broadcast_in_dim3A_473 : i32 to vector<16x1xi32>
        %gather3A_475 = vector.shape_cast %broadcast_in_dim3A_474 : vector<16x1xi32> to vector<16xi32>
        %gather3A_476 = tpu.dynamic_gather %get3A_427[%gather3A_475] in [0] : vector<16xf32>, vector<16xi32> -> vector<16xf32>
        %add3A_477 = arith.constant 3 : i32
        %add3A_478 = arith.addi %add3A_425, %add3A_477 : i32
        %get3A_479 = arith.index_cast %add3A_478 : i32 to index
        %get3A_480 = arith.constant 0 : index
        %get3A_481 = tpu.vector_load %arg11[%get3A_479, %get3A_480] {strides = array<i32>} : memref<2048x32xbf16, #tpu.memory_space<vmem>>, vector<32xbf16>,
        %unpack3A_482 = tpu.unpack_subelements %get3A_481, 0 {pack_format = #tpu.pack_format<interleaved>} : vector<32xbf16> -> vector<16xf32>
        %unpack3A_483 = tpu.unpack_subelements %get3A_481, 1 {pack_format = #tpu.pack_format<interleaved>} : vector<32xbf16> -> vector<16xf32>
        %mul3A_484 = arith.mulf %gather3A_476, %unpack3A_482 : vector<16xf32>
        %add3A_485 = arith.addf %add3A_470, %mul3A_484 : vector<16xf32>
        %mul3A_486 = arith.mulf %gather3A_476, %unpack3A_483 : vector<16xf32>
        %add3A_487 = arith.addf %add3A_472, %mul3A_486 : vector<16xf32>
        %broadcast_in_dim3A_488 = arith.constant 4 : i32
        %broadcast_in_dim3A_489 = vector.broadcast %broadcast_in_dim3A_488 : i32 to vector<16x1xi32>
        %gather3A_490 = vector.shape_cast %broadcast_in_dim3A_489 : vector<16x1xi32> to vector<16xi32>
        %gather3A_491 = tpu.dynamic_gather %get3A_427[%gather3A_490] in [0] : vector<16xf32>, vector<16xi32> -> vector<16xf32>
        %add3A_492 = arith.constant 4 : i32
        %add3A_493 = arith.addi %add3A_425, %add3A_492 : i32
        %get3A_494 = arith.index_cast %add3A_493 : i32 to index
        %get3A_495 = arith.constant 0 : index
        %get3A_496 = tpu.vector_load %arg11[%get3A_494, %get3A_495] {strides = array<i32>} : memref<2048x32xbf16, #tpu.memory_space<vmem>>, vector<32xbf16>,
        %unpack3A_497 = tpu.unpack_subelements %get3A_496, 0 {pack_format = #tpu.pack_format<interleaved>} : vector<32xbf16> -> vector<16xf32>
        %unpack3A_498 = tpu.unpack_subelements %get3A_496, 1 {pack_format = #tpu.pack_format<interleaved>} : vector<32xbf16> -> vector<16xf32>
        %mul3A_499 = arith.mulf %gather3A_491, %unpack3A_497 : vector<16xf32>
        %add3A_500 = arith.addf %add3A_485, %mul3A_499 : vector<16xf32>
        %mul3A_501 = arith.mulf %gather3A_491, %unpack3A_498 : vector<16xf32>
        %add3A_502 = arith.addf %add3A_487, %mul3A_501 : vector<16xf32>
        %broadcast_in_dim3A_503 = arith.constant 5 : i32
        %broadcast_in_dim3A_504 = vector.broadcast %broadcast_in_dim3A_503 : i32 to vector<16x1xi32>
        %gather3A_505 = vector.shape_cast %broadcast_in_dim3A_504 : vector<16x1xi32> to vector<16xi32>
        %gather3A_506 = tpu.dynamic_gather %get3A_427[%gather3A_505] in [0] : vector<16xf32>, vector<16xi32> -> vector<16xf32>
        %add3A_507 = arith.constant 5 : i32
        %add3A_508 = arith.addi %add3A_425, %add3A_507 : i32
        %get3A_509 = arith.index_cast %add3A_508 : i32 to index
        %get3A_510 = arith.constant 0 : index
        %get3A_511 = tpu.vector_load %arg11[%get3A_509, %get3A_510] {strides = array<i32>} : memref<2048x32xbf16, #tpu.memory_space<vmem>>, vector<32xbf16>,
        %unpack3A_512 = tpu.unpack_subelements %get3A_511, 0 {pack_format = #tpu.pack_format<interleaved>} : vector<32xbf16> -> vector<16xf32>
        %unpack3A_513 = tpu.unpack_subelements %get3A_511, 1 {pack_format = #tpu.pack_format<interleaved>} : vector<32xbf16> -> vector<16xf32>
        %mul3A_514 = arith.mulf %gather3A_506, %unpack3A_512 : vector<16xf32>
        %add3A_515 = arith.addf %add3A_500, %mul3A_514 : vector<16xf32>
        %mul3A_516 = arith.mulf %gather3A_506, %unpack3A_513 : vector<16xf32>
        %add3A_517 = arith.addf %add3A_502, %mul3A_516 : vector<16xf32>
        %broadcast_in_dim3A_518 = arith.constant 6 : i32
        %broadcast_in_dim3A_519 = vector.broadcast %broadcast_in_dim3A_518 : i32 to vector<16x1xi32>
        %gather3A_520 = vector.shape_cast %broadcast_in_dim3A_519 : vector<16x1xi32> to vector<16xi32>
        %gather3A_521 = tpu.dynamic_gather %get3A_427[%gather3A_520] in [0] : vector<16xf32>, vector<16xi32> -> vector<16xf32>
        %add3A_522 = arith.constant 6 : i32
        %add3A_523 = arith.addi %add3A_425, %add3A_522 : i32
        %get3A_524 = arith.index_cast %add3A_523 : i32 to index
        %get3A_525 = arith.constant 0 : index
        %get3A_526 = tpu.vector_load %arg11[%get3A_524, %get3A_525] {strides = array<i32>} : memref<2048x32xbf16, #tpu.memory_space<vmem>>, vector<32xbf16>,
        %unpack3A_527 = tpu.unpack_subelements %get3A_526, 0 {pack_format = #tpu.pack_format<interleaved>} : vector<32xbf16> -> vector<16xf32>
        %unpack3A_528 = tpu.unpack_subelements %get3A_526, 1 {pack_format = #tpu.pack_format<interleaved>} : vector<32xbf16> -> vector<16xf32>
        %mul3A_529 = arith.mulf %gather3A_521, %unpack3A_527 : vector<16xf32>
        %add3A_530 = arith.addf %add3A_515, %mul3A_529 : vector<16xf32>
        %mul3A_531 = arith.mulf %gather3A_521, %unpack3A_528 : vector<16xf32>
        %add3A_532 = arith.addf %add3A_517, %mul3A_531 : vector<16xf32>
        %broadcast_in_dim3A_533 = arith.constant 7 : i32
        %broadcast_in_dim3A_534 = vector.broadcast %broadcast_in_dim3A_533 : i32 to vector<16x1xi32>
        %gather3A_535 = vector.shape_cast %broadcast_in_dim3A_534 : vector<16x1xi32> to vector<16xi32>
        %gather3A_536 = tpu.dynamic_gather %get3A_427[%gather3A_535] in [0] : vector<16xf32>, vector<16xi32> -> vector<16xf32>
        %add3A_537 = arith.constant 7 : i32
        %add3A_538 = arith.addi %add3A_425, %add3A_537 : i32
        %get3A_539 = arith.index_cast %add3A_538 : i32 to index
        %get3A_540 = arith.constant 0 : index
        %get3A_541 = tpu.vector_load %arg11[%get3A_539, %get3A_540] {strides = array<i32>} : memref<2048x32xbf16, #tpu.memory_space<vmem>>, vector<32xbf16>,
        %unpack3A_542 = tpu.unpack_subelements %get3A_541, 0 {pack_format = #tpu.pack_format<interleaved>} : vector<32xbf16> -> vector<16xf32>
        %unpack3A_543 = tpu.unpack_subelements %get3A_541, 1 {pack_format = #tpu.pack_format<interleaved>} : vector<32xbf16> -> vector<16xf32>
        %mul3A_544 = arith.mulf %gather3A_536, %unpack3A_542 : vector<16xf32>
        %add3A_545 = arith.addf %add3A_530, %mul3A_544 : vector<16xf32>
        %mul3A_546 = arith.mulf %gather3A_536, %unpack3A_543 : vector<16xf32>
        %add3A_547 = arith.addf %add3A_532, %mul3A_546 : vector<16xf32>
        %broadcast_in_dim3A_548 = arith.constant 8 : i32
        %broadcast_in_dim3A_549 = vector.broadcast %broadcast_in_dim3A_548 : i32 to vector<16x1xi32>
        %gather3A_550 = vector.shape_cast %broadcast_in_dim3A_549 : vector<16x1xi32> to vector<16xi32>
        %gather3A_551 = tpu.dynamic_gather %get3A_427[%gather3A_550] in [0] : vector<16xf32>, vector<16xi32> -> vector<16xf32>
        %add3A_552 = arith.constant 8 : i32
        %add3A_553 = arith.addi %add3A_425, %add3A_552 : i32
        %get3A_554 = arith.index_cast %add3A_553 : i32 to index
        %get3A_555 = arith.constant 0 : index
        %get3A_556 = tpu.vector_load %arg11[%get3A_554, %get3A_555] {strides = array<i32>} : memref<2048x32xbf16, #tpu.memory_space<vmem>>, vector<32xbf16>,
        %unpack3A_557 = tpu.unpack_subelements %get3A_556, 0 {pack_format = #tpu.pack_format<interleaved>} : vector<32xbf16> -> vector<16xf32>
        %unpack3A_558 = tpu.unpack_subelements %get3A_556, 1 {pack_format = #tpu.pack_format<interleaved>} : vector<32xbf16> -> vector<16xf32>
        %mul3A_559 = arith.mulf %gather3A_551, %unpack3A_557 : vector<16xf32>
        %add3A_560 = arith.addf %add3A_545, %mul3A_559 : vector<16xf32>
        %mul3A_561 = arith.mulf %gather3A_551, %unpack3A_558 : vector<16xf32>
        %add3A_562 = arith.addf %add3A_547, %mul3A_561 : vector<16xf32>
        %broadcast_in_dim3A_563 = arith.constant 9 : i32
        %broadcast_in_dim3A_564 = vector.broadcast %broadcast_in_dim3A_563 : i32 to vector<16x1xi32>
        %gather3A_565 = vector.shape_cast %broadcast_in_dim3A_564 : vector<16x1xi32> to vector<16xi32>
        %gather3A_566 = tpu.dynamic_gather %get3A_427[%gather3A_565] in [0] : vector<16xf32>, vector<16xi32> -> vector<16xf32>
        %add3A_567 = arith.constant 9 : i32
        %add3A_568 = arith.addi %add3A_425, %add3A_567 : i32
        %get3A_569 = arith.index_cast %add3A_568 : i32 to index
        %get3A_570 = arith.constant 0 : index
        %get3A_571 = tpu.vector_load %arg11[%get3A_569, %get3A_570] {strides = array<i32>} : memref<2048x32xbf16, #tpu.memory_space<vmem>>, vector<32xbf16>,
        %unpack3A_572 = tpu.unpack_subelements %get3A_571, 0 {pack_format = #tpu.pack_format<interleaved>} : vector<32xbf16> -> vector<16xf32>
        %unpack3A_573 = tpu.unpack_subelements %get3A_571, 1 {pack_format = #tpu.pack_format<interleaved>} : vector<32xbf16> -> vector<16xf32>
        %mul3A_574 = arith.mulf %gather3A_566, %unpack3A_572 : vector<16xf32>
        %add3A_575 = arith.addf %add3A_560, %mul3A_574 : vector<16xf32>
        %mul3A_576 = arith.mulf %gather3A_566, %unpack3A_573 : vector<16xf32>
        %add3A_577 = arith.addf %add3A_562, %mul3A_576 : vector<16xf32>
        %broadcast_in_dim3A_578 = arith.constant 10 : i32
        %broadcast_in_dim3A_579 = vector.broadcast %broadcast_in_dim3A_578 : i32 to vector<16x1xi32>
        %gather3A_580 = vector.shape_cast %broadcast_in_dim3A_579 : vector<16x1xi32> to vector<16xi32>
        %gather3A_581 = tpu.dynamic_gather %get3A_427[%gather3A_580] in [0] : vector<16xf32>, vector<16xi32> -> vector<16xf32>
        %add3A_582 = arith.constant 10 : i32
        %add3A_583 = arith.addi %add3A_425, %add3A_582 : i32
        %get3A_584 = arith.index_cast %add3A_583 : i32 to index
        %get3A_585 = arith.constant 0 : index
        %get3A_586 = tpu.vector_load %arg11[%get3A_584, %get3A_585] {strides = array<i32>} : memref<2048x32xbf16, #tpu.memory_space<vmem>>, vector<32xbf16>,
        %unpack3A_587 = tpu.unpack_subelements %get3A_586, 0 {pack_format = #tpu.pack_format<interleaved>} : vector<32xbf16> -> vector<16xf32>
        %unpack3A_588 = tpu.unpack_subelements %get3A_586, 1 {pack_format = #tpu.pack_format<interleaved>} : vector<32xbf16> -> vector<16xf32>
        %mul3A_589 = arith.mulf %gather3A_581, %unpack3A_587 : vector<16xf32>
        %add3A_590 = arith.addf %add3A_575, %mul3A_589 : vector<16xf32>
        %mul3A_591 = arith.mulf %gather3A_581, %unpack3A_588 : vector<16xf32>
        %add3A_592 = arith.addf %add3A_577, %mul3A_591 : vector<16xf32>
        %broadcast_in_dim3A_593 = arith.constant 11 : i32
        %broadcast_in_dim3A_594 = vector.broadcast %broadcast_in_dim3A_593 : i32 to vector<16x1xi32>
        %gather3A_595 = vector.shape_cast %broadcast_in_dim3A_594 : vector<16x1xi32> to vector<16xi32>
        %gather3A_596 = tpu.dynamic_gather %get3A_427[%gather3A_595] in [0] : vector<16xf32>, vector<16xi32> -> vector<16xf32>
        %add3A_597 = arith.constant 11 : i32
        %add3A_598 = arith.addi %add3A_425, %add3A_597 : i32
        %get3A_599 = arith.index_cast %add3A_598 : i32 to index
        %get3A_600 = arith.constant 0 : index
        %get3A_601 = tpu.vector_load %arg11[%get3A_599, %get3A_600] {strides = array<i32>} : memref<2048x32xbf16, #tpu.memory_space<vmem>>, vector<32xbf16>,
        %unpack3A_602 = tpu.unpack_subelements %get3A_601, 0 {pack_format = #tpu.pack_format<interleaved>} : vector<32xbf16> -> vector<16xf32>
        %unpack3A_603 = tpu.unpack_subelements %get3A_601, 1 {pack_format = #tpu.pack_format<interleaved>} : vector<32xbf16> -> vector<16xf32>
        %mul3A_604 = arith.mulf %gather3A_596, %unpack3A_602 : vector<16xf32>
        %add3A_605 = arith.addf %add3A_590, %mul3A_604 : vector<16xf32>
        %mul3A_606 = arith.mulf %gather3A_596, %unpack3A_603 : vector<16xf32>
        %add3A_607 = arith.addf %add3A_592, %mul3A_606 : vector<16xf32>
        %broadcast_in_dim3A_608 = arith.constant 12 : i32
        %broadcast_in_dim3A_609 = vector.broadcast %broadcast_in_dim3A_608 : i32 to vector<16x1xi32>
        %gather3A_610 = vector.shape_cast %broadcast_in_dim3A_609 : vector<16x1xi32> to vector<16xi32>
        %gather3A_611 = tpu.dynamic_gather %get3A_427[%gather3A_610] in [0] : vector<16xf32>, vector<16xi32> -> vector<16xf32>
        %add3A_612 = arith.constant 12 : i32
        %add3A_613 = arith.addi %add3A_425, %add3A_612 : i32
        %get3A_614 = arith.index_cast %add3A_613 : i32 to index
        %get3A_615 = arith.constant 0 : index
        %get3A_616 = tpu.vector_load %arg11[%get3A_614, %get3A_615] {strides = array<i32>} : memref<2048x32xbf16, #tpu.memory_space<vmem>>, vector<32xbf16>,
        %unpack3A_617 = tpu.unpack_subelements %get3A_616, 0 {pack_format = #tpu.pack_format<interleaved>} : vector<32xbf16> -> vector<16xf32>
        %unpack3A_618 = tpu.unpack_subelements %get3A_616, 1 {pack_format = #tpu.pack_format<interleaved>} : vector<32xbf16> -> vector<16xf32>
        %mul3A_619 = arith.mulf %gather3A_611, %unpack3A_617 : vector<16xf32>
        %add3A_620 = arith.addf %add3A_605, %mul3A_619 : vector<16xf32>
        %mul3A_621 = arith.mulf %gather3A_611, %unpack3A_618 : vector<16xf32>
        %add3A_622 = arith.addf %add3A_607, %mul3A_621 : vector<16xf32>
        %broadcast_in_dim3A_623 = arith.constant 13 : i32
        %broadcast_in_dim3A_624 = vector.broadcast %broadcast_in_dim3A_623 : i32 to vector<16x1xi32>
        %gather3A_625 = vector.shape_cast %broadcast_in_dim3A_624 : vector<16x1xi32> to vector<16xi32>
        %gather3A_626 = tpu.dynamic_gather %get3A_427[%gather3A_625] in [0] : vector<16xf32>, vector<16xi32> -> vector<16xf32>
        %add3A_627 = arith.constant 13 : i32
        %add3A_628 = arith.addi %add3A_425, %add3A_627 : i32
        %get3A_629 = arith.index_cast %add3A_628 : i32 to index
        %get3A_630 = arith.constant 0 : index
        %get3A_631 = tpu.vector_load %arg11[%get3A_629, %get3A_630] {strides = array<i32>} : memref<2048x32xbf16, #tpu.memory_space<vmem>>, vector<32xbf16>,
        %unpack3A_632 = tpu.unpack_subelements %get3A_631, 0 {pack_format = #tpu.pack_format<interleaved>} : vector<32xbf16> -> vector<16xf32>
        %unpack3A_633 = tpu.unpack_subelements %get3A_631, 1 {pack_format = #tpu.pack_format<interleaved>} : vector<32xbf16> -> vector<16xf32>
        %mul3A_634 = arith.mulf %gather3A_626, %unpack3A_632 : vector<16xf32>
        %add3A_635 = arith.addf %add3A_620, %mul3A_634 : vector<16xf32>
        %mul3A_636 = arith.mulf %gather3A_626, %unpack3A_633 : vector<16xf32>
        %add3A_637 = arith.addf %add3A_622, %mul3A_636 : vector<16xf32>
        %broadcast_in_dim3A_638 = arith.constant 14 : i32
        %broadcast_in_dim3A_639 = vector.broadcast %broadcast_in_dim3A_638 : i32 to vector<16x1xi32>
        %gather3A_640 = vector.shape_cast %broadcast_in_dim3A_639 : vector<16x1xi32> to vector<16xi32>
        %gather3A_641 = tpu.dynamic_gather %get3A_427[%gather3A_640] in [0] : vector<16xf32>, vector<16xi32> -> vector<16xf32>
        %add3A_642 = arith.constant 14 : i32
        %add3A_643 = arith.addi %add3A_425, %add3A_642 : i32
        %get3A_644 = arith.index_cast %add3A_643 : i32 to index
        %get3A_645 = arith.constant 0 : index
        %get3A_646 = tpu.vector_load %arg11[%get3A_644, %get3A_645] {strides = array<i32>} : memref<2048x32xbf16, #tpu.memory_space<vmem>>, vector<32xbf16>,
        %unpack3A_647 = tpu.unpack_subelements %get3A_646, 0 {pack_format = #tpu.pack_format<interleaved>} : vector<32xbf16> -> vector<16xf32>
        %unpack3A_648 = tpu.unpack_subelements %get3A_646, 1 {pack_format = #tpu.pack_format<interleaved>} : vector<32xbf16> -> vector<16xf32>
        %mul3A_649 = arith.mulf %gather3A_641, %unpack3A_647 : vector<16xf32>
        %add3A_650 = arith.addf %add3A_635, %mul3A_649 : vector<16xf32>
        %mul3A_651 = arith.mulf %gather3A_641, %unpack3A_648 : vector<16xf32>
        %add3A_652 = arith.addf %add3A_637, %mul3A_651 : vector<16xf32>
        %broadcast_in_dim3A_653 = arith.constant 15 : i32
        %broadcast_in_dim3A_654 = vector.broadcast %broadcast_in_dim3A_653 : i32 to vector<16x1xi32>
        %gather3A_655 = vector.shape_cast %broadcast_in_dim3A_654 : vector<16x1xi32> to vector<16xi32>
        %gather3A_656 = tpu.dynamic_gather %get3A_427[%gather3A_655] in [0] : vector<16xf32>, vector<16xi32> -> vector<16xf32>
        %add3A_657 = arith.constant 15 : i32
        %add3A_658 = arith.addi %add3A_425, %add3A_657 : i32
        %get3A_659 = arith.index_cast %add3A_658 : i32 to index
        %get3A_660 = arith.constant 0 : index
        %get3A_661 = tpu.vector_load %arg11[%get3A_659, %get3A_660] {strides = array<i32>} : memref<2048x32xbf16, #tpu.memory_space<vmem>>, vector<32xbf16>,
        %unpack3A_662 = tpu.unpack_subelements %get3A_661, 0 {pack_format = #tpu.pack_format<interleaved>} : vector<32xbf16> -> vector<16xf32>
        %unpack3A_663 = tpu.unpack_subelements %get3A_661, 1 {pack_format = #tpu.pack_format<interleaved>} : vector<32xbf16> -> vector<16xf32>
        %mul3A_664 = arith.mulf %gather3A_656, %unpack3A_662 : vector<16xf32>
        %add3A_665 = arith.addf %add3A_650, %mul3A_664 : vector<16xf32>
        %mul3A_666 = arith.mulf %gather3A_656, %unpack3A_663 : vector<16xf32>
        %add3A_667 = arith.addf %add3A_652, %mul3A_666 : vector<16xf32>
        %mul3A_668 = arith.constant 512 : i32
        %mul3A_669 = arith.muli %select_n3A, %mul3A_668 : i32
        %add3A_670 = arith.constant 256 : i32
        %add3A_671 = arith.addi %mul3A_669, %add3A_670 : i32
        %mul3A_672 = arith.constant 16 : i32
        %mul3A_673 = arith.muli %select_n3A_169, %mul3A_672 : i32
        %add3A_674 = arith.addi %add3A_671, %mul3A_673 : i32
        %get3A_675 = arith.index_cast %add3A_674 : i32 to index
        %get3A_676 = tpu.vector_load %arg9[%get3A_675] {strides = array<i32>} : memref<2048xf32, #tpu.memory_space<vmem>>, vector<16xf32>,
        %broadcast_in_dim3A_677 = arith.constant 0 : i32
        %broadcast_in_dim3A_678 = vector.broadcast %broadcast_in_dim3A_677 : i32 to vector<16x1xi32>
        %gather3A_679 = vector.shape_cast %broadcast_in_dim3A_678 : vector<16x1xi32> to vector<16xi32>
        %gather3A_680 = tpu.dynamic_gather %get3A_676[%gather3A_679] in [0] : vector<16xf32>, vector<16xi32> -> vector<16xf32>
        %add3A_681 = arith.constant 0 : i32
        %add3A_682 = arith.addi %add3A_674, %add3A_681 : i32
        %get3A_683 = arith.index_cast %add3A_682 : i32 to index
        %get3A_684 = arith.constant 0 : index
        %get3A_685 = tpu.vector_load %arg11[%get3A_683, %get3A_684] {strides = array<i32>} : memref<2048x32xbf16, #tpu.memory_space<vmem>>, vector<32xbf16>,
        %unpack3A_686 = tpu.unpack_subelements %get3A_685, 0 {pack_format = #tpu.pack_format<interleaved>} : vector<32xbf16> -> vector<16xf32>
        %unpack3A_687 = tpu.unpack_subelements %get3A_685, 1 {pack_format = #tpu.pack_format<interleaved>} : vector<32xbf16> -> vector<16xf32>
        %mul3A_688 = arith.mulf %gather3A_680, %unpack3A_686 : vector<16xf32>
        %add3A_689 = arith.addf %add3A_665, %mul3A_688 : vector<16xf32>
        %mul3A_690 = arith.mulf %gather3A_680, %unpack3A_687 : vector<16xf32>
        %add3A_691 = arith.addf %add3A_667, %mul3A_690 : vector<16xf32>
        %broadcast_in_dim3A_692 = arith.constant 1 : i32
        %broadcast_in_dim3A_693 = vector.broadcast %broadcast_in_dim3A_692 : i32 to vector<16x1xi32>
        %gather3A_694 = vector.shape_cast %broadcast_in_dim3A_693 : vector<16x1xi32> to vector<16xi32>
        %gather3A_695 = tpu.dynamic_gather %get3A_676[%gather3A_694] in [0] : vector<16xf32>, vector<16xi32> -> vector<16xf32>
        %add3A_696 = arith.constant 1 : i32
        %add3A_697 = arith.addi %add3A_674, %add3A_696 : i32
        %get3A_698 = arith.index_cast %add3A_697 : i32 to index
        %get3A_699 = arith.constant 0 : index
        %get3A_700 = tpu.vector_load %arg11[%get3A_698, %get3A_699] {strides = array<i32>} : memref<2048x32xbf16, #tpu.memory_space<vmem>>, vector<32xbf16>,
        %unpack3A_701 = tpu.unpack_subelements %get3A_700, 0 {pack_format = #tpu.pack_format<interleaved>} : vector<32xbf16> -> vector<16xf32>
        %unpack3A_702 = tpu.unpack_subelements %get3A_700, 1 {pack_format = #tpu.pack_format<interleaved>} : vector<32xbf16> -> vector<16xf32>
        %mul3A_703 = arith.mulf %gather3A_695, %unpack3A_701 : vector<16xf32>
        %add3A_704 = arith.addf %add3A_689, %mul3A_703 : vector<16xf32>
        %mul3A_705 = arith.mulf %gather3A_695, %unpack3A_702 : vector<16xf32>
        %add3A_706 = arith.addf %add3A_691, %mul3A_705 : vector<16xf32>
        %broadcast_in_dim3A_707 = arith.constant 2 : i32
        %broadcast_in_dim3A_708 = vector.broadcast %broadcast_in_dim3A_707 : i32 to vector<16x1xi32>
        %gather3A_709 = vector.shape_cast %broadcast_in_dim3A_708 : vector<16x1xi32> to vector<16xi32>
        %gather3A_710 = tpu.dynamic_gather %get3A_676[%gather3A_709] in [0] : vector<16xf32>, vector<16xi32> -> vector<16xf32>
        %add3A_711 = arith.constant 2 : i32
        %add3A_712 = arith.addi %add3A_674, %add3A_711 : i32
        %get3A_713 = arith.index_cast %add3A_712 : i32 to index
        %get3A_714 = arith.constant 0 : index
        %get3A_715 = tpu.vector_load %arg11[%get3A_713, %get3A_714] {strides = array<i32>} : memref<2048x32xbf16, #tpu.memory_space<vmem>>, vector<32xbf16>,
        %unpack3A_716 = tpu.unpack_subelements %get3A_715, 0 {pack_format = #tpu.pack_format<interleaved>} : vector<32xbf16> -> vector<16xf32>
        %unpack3A_717 = tpu.unpack_subelements %get3A_715, 1 {pack_format = #tpu.pack_format<interleaved>} : vector<32xbf16> -> vector<16xf32>
        %mul3A_718 = arith.mulf %gather3A_710, %unpack3A_716 : vector<16xf32>
        %add3A_719 = arith.addf %add3A_704, %mul3A_718 : vector<16xf32>
        %mul3A_720 = arith.mulf %gather3A_710, %unpack3A_717 : vector<16xf32>
        %add3A_721 = arith.addf %add3A_706, %mul3A_720 : vector<16xf32>
        %broadcast_in_dim3A_722 = arith.constant 3 : i32
        %broadcast_in_dim3A_723 = vector.broadcast %broadcast_in_dim3A_722 : i32 to vector<16x1xi32>
        %gather3A_724 = vector.shape_cast %broadcast_in_dim3A_723 : vector<16x1xi32> to vector<16xi32>
        %gather3A_725 = tpu.dynamic_gather %get3A_676[%gather3A_724] in [0] : vector<16xf32>, vector<16xi32> -> vector<16xf32>
        %add3A_726 = arith.constant 3 : i32
        %add3A_727 = arith.addi %add3A_674, %add3A_726 : i32
        %get3A_728 = arith.index_cast %add3A_727 : i32 to index
        %get3A_729 = arith.constant 0 : index
        %get3A_730 = tpu.vector_load %arg11[%get3A_728, %get3A_729] {strides = array<i32>} : memref<2048x32xbf16, #tpu.memory_space<vmem>>, vector<32xbf16>,
        %unpack3A_731 = tpu.unpack_subelements %get3A_730, 0 {pack_format = #tpu.pack_format<interleaved>} : vector<32xbf16> -> vector<16xf32>
        %unpack3A_732 = tpu.unpack_subelements %get3A_730, 1 {pack_format = #tpu.pack_format<interleaved>} : vector<32xbf16> -> vector<16xf32>
        %mul3A_733 = arith.mulf %gather3A_725, %unpack3A_731 : vector<16xf32>
        %add3A_734 = arith.addf %add3A_719, %mul3A_733 : vector<16xf32>
        %mul3A_735 = arith.mulf %gather3A_725, %unpack3A_732 : vector<16xf32>
        %add3A_736 = arith.addf %add3A_721, %mul3A_735 : vector<16xf32>
        %broadcast_in_dim3A_737 = arith.constant 4 : i32
        %broadcast_in_dim3A_738 = vector.broadcast %broadcast_in_dim3A_737 : i32 to vector<16x1xi32>
        %gather3A_739 = vector.shape_cast %broadcast_in_dim3A_738 : vector<16x1xi32> to vector<16xi32>
        %gather3A_740 = tpu.dynamic_gather %get3A_676[%gather3A_739] in [0] : vector<16xf32>, vector<16xi32> -> vector<16xf32>
        %add3A_741 = arith.constant 4 : i32
        %add3A_742 = arith.addi %add3A_674, %add3A_741 : i32
        %get3A_743 = arith.index_cast %add3A_742 : i32 to index
        %get3A_744 = arith.constant 0 : index
        %get3A_745 = tpu.vector_load %arg11[%get3A_743, %get3A_744] {strides = array<i32>} : memref<2048x32xbf16, #tpu.memory_space<vmem>>, vector<32xbf16>,
        %unpack3A_746 = tpu.unpack_subelements %get3A_745, 0 {pack_format = #tpu.pack_format<interleaved>} : vector<32xbf16> -> vector<16xf32>
        %unpack3A_747 = tpu.unpack_subelements %get3A_745, 1 {pack_format = #tpu.pack_format<interleaved>} : vector<32xbf16> -> vector<16xf32>
        %mul3A_748 = arith.mulf %gather3A_740, %unpack3A_746 : vector<16xf32>
        %add3A_749 = arith.addf %add3A_734, %mul3A_748 : vector<16xf32>
        %mul3A_750 = arith.mulf %gather3A_740, %unpack3A_747 : vector<16xf32>
        %add3A_751 = arith.addf %add3A_736, %mul3A_750 : vector<16xf32>
        %broadcast_in_dim3A_752 = arith.constant 5 : i32
        %broadcast_in_dim3A_753 = vector.broadcast %broadcast_in_dim3A_752 : i32 to vector<16x1xi32>
        %gather3A_754 = vector.shape_cast %broadcast_in_dim3A_753 : vector<16x1xi32> to vector<16xi32>
        %gather3A_755 = tpu.dynamic_gather %get3A_676[%gather3A_754] in [0] : vector<16xf32>, vector<16xi32> -> vector<16xf32>
        %add3A_756 = arith.constant 5 : i32
        %add3A_757 = arith.addi %add3A_674, %add3A_756 : i32
        %get3A_758 = arith.index_cast %add3A_757 : i32 to index
        %get3A_759 = arith.constant 0 : index
        %get3A_760 = tpu.vector_load %arg11[%get3A_758, %get3A_759] {strides = array<i32>} : memref<2048x32xbf16, #tpu.memory_space<vmem>>, vector<32xbf16>,
        %unpack3A_761 = tpu.unpack_subelements %get3A_760, 0 {pack_format = #tpu.pack_format<interleaved>} : vector<32xbf16> -> vector<16xf32>
        %unpack3A_762 = tpu.unpack_subelements %get3A_760, 1 {pack_format = #tpu.pack_format<interleaved>} : vector<32xbf16> -> vector<16xf32>
        %mul3A_763 = arith.mulf %gather3A_755, %unpack3A_761 : vector<16xf32>
        %add3A_764 = arith.addf %add3A_749, %mul3A_763 : vector<16xf32>
        %mul3A_765 = arith.mulf %gather3A_755, %unpack3A_762 : vector<16xf32>
        %add3A_766 = arith.addf %add3A_751, %mul3A_765 : vector<16xf32>
        %broadcast_in_dim3A_767 = arith.constant 6 : i32
        %broadcast_in_dim3A_768 = vector.broadcast %broadcast_in_dim3A_767 : i32 to vector<16x1xi32>
        %gather3A_769 = vector.shape_cast %broadcast_in_dim3A_768 : vector<16x1xi32> to vector<16xi32>
        %gather3A_770 = tpu.dynamic_gather %get3A_676[%gather3A_769] in [0] : vector<16xf32>, vector<16xi32> -> vector<16xf32>
        %add3A_771 = arith.constant 6 : i32
        %add3A_772 = arith.addi %add3A_674, %add3A_771 : i32
        %get3A_773 = arith.index_cast %add3A_772 : i32 to index
        %get3A_774 = arith.constant 0 : index
        %get3A_775 = tpu.vector_load %arg11[%get3A_773, %get3A_774] {strides = array<i32>} : memref<2048x32xbf16, #tpu.memory_space<vmem>>, vector<32xbf16>,
        %unpack3A_776 = tpu.unpack_subelements %get3A_775, 0 {pack_format = #tpu.pack_format<interleaved>} : vector<32xbf16> -> vector<16xf32>
        %unpack3A_777 = tpu.unpack_subelements %get3A_775, 1 {pack_format = #tpu.pack_format<interleaved>} : vector<32xbf16> -> vector<16xf32>
        %mul3A_778 = arith.mulf %gather3A_770, %unpack3A_776 : vector<16xf32>
        %add3A_779 = arith.addf %add3A_764, %mul3A_778 : vector<16xf32>
        %mul3A_780 = arith.mulf %gather3A_770, %unpack3A_777 : vector<16xf32>
        %add3A_781 = arith.addf %add3A_766, %mul3A_780 : vector<16xf32>
        %broadcast_in_dim3A_782 = arith.constant 7 : i32
        %broadcast_in_dim3A_783 = vector.broadcast %broadcast_in_dim3A_782 : i32 to vector<16x1xi32>
        %gather3A_784 = vector.shape_cast %broadcast_in_dim3A_783 : vector<16x1xi32> to vector<16xi32>
        %gather3A_785 = tpu.dynamic_gather %get3A_676[%gather3A_784] in [0] : vector<16xf32>, vector<16xi32> -> vector<16xf32>
        %add3A_786 = arith.constant 7 : i32
        %add3A_787 = arith.addi %add3A_674, %add3A_786 : i32
        %get3A_788 = arith.index_cast %add3A_787 : i32 to index
        %get3A_789 = arith.constant 0 : index
        %get3A_790 = tpu.vector_load %arg11[%get3A_788, %get3A_789] {strides = array<i32>} : memref<2048x32xbf16, #tpu.memory_space<vmem>>, vector<32xbf16>,
        %unpack3A_791 = tpu.unpack_subelements %get3A_790, 0 {pack_format = #tpu.pack_format<interleaved>} : vector<32xbf16> -> vector<16xf32>
        %unpack3A_792 = tpu.unpack_subelements %get3A_790, 1 {pack_format = #tpu.pack_format<interleaved>} : vector<32xbf16> -> vector<16xf32>
        %mul3A_793 = arith.mulf %gather3A_785, %unpack3A_791 : vector<16xf32>
        %add3A_794 = arith.addf %add3A_779, %mul3A_793 : vector<16xf32>
        %mul3A_795 = arith.mulf %gather3A_785, %unpack3A_792 : vector<16xf32>
        %add3A_796 = arith.addf %add3A_781, %mul3A_795 : vector<16xf32>
        %broadcast_in_dim3A_797 = arith.constant 8 : i32
        %broadcast_in_dim3A_798 = vector.broadcast %broadcast_in_dim3A_797 : i32 to vector<16x1xi32>
        %gather3A_799 = vector.shape_cast %broadcast_in_dim3A_798 : vector<16x1xi32> to vector<16xi32>
        %gather3A_800 = tpu.dynamic_gather %get3A_676[%gather3A_799] in [0] : vector<16xf32>, vector<16xi32> -> vector<16xf32>
        %add3A_801 = arith.constant 8 : i32
        %add3A_802 = arith.addi %add3A_674, %add3A_801 : i32
        %get3A_803 = arith.index_cast %add3A_802 : i32 to index
        %get3A_804 = arith.constant 0 : index
        %get3A_805 = tpu.vector_load %arg11[%get3A_803, %get3A_804] {strides = array<i32>} : memref<2048x32xbf16, #tpu.memory_space<vmem>>, vector<32xbf16>,
        %unpack3A_806 = tpu.unpack_subelements %get3A_805, 0 {pack_format = #tpu.pack_format<interleaved>} : vector<32xbf16> -> vector<16xf32>
        %unpack3A_807 = tpu.unpack_subelements %get3A_805, 1 {pack_format = #tpu.pack_format<interleaved>} : vector<32xbf16> -> vector<16xf32>
        %mul3A_808 = arith.mulf %gather3A_800, %unpack3A_806 : vector<16xf32>
        %add3A_809 = arith.addf %add3A_794, %mul3A_808 : vector<16xf32>
        %mul3A_810 = arith.mulf %gather3A_800, %unpack3A_807 : vector<16xf32>
        %add3A_811 = arith.addf %add3A_796, %mul3A_810 : vector<16xf32>
        %broadcast_in_dim3A_812 = arith.constant 9 : i32
        %broadcast_in_dim3A_813 = vector.broadcast %broadcast_in_dim3A_812 : i32 to vector<16x1xi32>
        %gather3A_814 = vector.shape_cast %broadcast_in_dim3A_813 : vector<16x1xi32> to vector<16xi32>
        %gather3A_815 = tpu.dynamic_gather %get3A_676[%gather3A_814] in [0] : vector<16xf32>, vector<16xi32> -> vector<16xf32>
        %add3A_816 = arith.constant 9 : i32
        %add3A_817 = arith.addi %add3A_674, %add3A_816 : i32
        %get3A_818 = arith.index_cast %add3A_817 : i32 to index
        %get3A_819 = arith.constant 0 : index
        %get3A_820 = tpu.vector_load %arg11[%get3A_818, %get3A_819] {strides = array<i32>} : memref<2048x32xbf16, #tpu.memory_space<vmem>>, vector<32xbf16>,
        %unpack3A_821 = tpu.unpack_subelements %get3A_820, 0 {pack_format = #tpu.pack_format<interleaved>} : vector<32xbf16> -> vector<16xf32>
        %unpack3A_822 = tpu.unpack_subelements %get3A_820, 1 {pack_format = #tpu.pack_format<interleaved>} : vector<32xbf16> -> vector<16xf32>
        %mul3A_823 = arith.mulf %gather3A_815, %unpack3A_821 : vector<16xf32>
        %add3A_824 = arith.addf %add3A_809, %mul3A_823 : vector<16xf32>
        %mul3A_825 = arith.mulf %gather3A_815, %unpack3A_822 : vector<16xf32>
        %add3A_826 = arith.addf %add3A_811, %mul3A_825 : vector<16xf32>
        %broadcast_in_dim3A_827 = arith.constant 10 : i32
        %broadcast_in_dim3A_828 = vector.broadcast %broadcast_in_dim3A_827 : i32 to vector<16x1xi32>
        %gather3A_829 = vector.shape_cast %broadcast_in_dim3A_828 : vector<16x1xi32> to vector<16xi32>
        %gather3A_830 = tpu.dynamic_gather %get3A_676[%gather3A_829] in [0] : vector<16xf32>, vector<16xi32> -> vector<16xf32>
        %add3A_831 = arith.constant 10 : i32
        %add3A_832 = arith.addi %add3A_674, %add3A_831 : i32
        %get3A_833 = arith.index_cast %add3A_832 : i32 to index
        %get3A_834 = arith.constant 0 : index
        %get3A_835 = tpu.vector_load %arg11[%get3A_833, %get3A_834] {strides = array<i32>} : memref<2048x32xbf16, #tpu.memory_space<vmem>>, vector<32xbf16>,
        %unpack3A_836 = tpu.unpack_subelements %get3A_835, 0 {pack_format = #tpu.pack_format<interleaved>} : vector<32xbf16> -> vector<16xf32>
        %unpack3A_837 = tpu.unpack_subelements %get3A_835, 1 {pack_format = #tpu.pack_format<interleaved>} : vector<32xbf16> -> vector<16xf32>
        %mul3A_838 = arith.mulf %gather3A_830, %unpack3A_836 : vector<16xf32>
        %add3A_839 = arith.addf %add3A_824, %mul3A_838 : vector<16xf32>
        %mul3A_840 = arith.mulf %gather3A_830, %unpack3A_837 : vector<16xf32>
        %add3A_841 = arith.addf %add3A_826, %mul3A_840 : vector<16xf32>
        %broadcast_in_dim3A_842 = arith.constant 11 : i32
        %broadcast_in_dim3A_843 = vector.broadcast %broadcast_in_dim3A_842 : i32 to vector<16x1xi32>
        %gather3A_844 = vector.shape_cast %broadcast_in_dim3A_843 : vector<16x1xi32> to vector<16xi32>
        %gather3A_845 = tpu.dynamic_gather %get3A_676[%gather3A_844] in [0] : vector<16xf32>, vector<16xi32> -> vector<16xf32>
        %add3A_846 = arith.constant 11 : i32
        %add3A_847 = arith.addi %add3A_674, %add3A_846 : i32
        %get3A_848 = arith.index_cast %add3A_847 : i32 to index
        %get3A_849 = arith.constant 0 : index
        %get3A_850 = tpu.vector_load %arg11[%get3A_848, %get3A_849] {strides = array<i32>} : memref<2048x32xbf16, #tpu.memory_space<vmem>>, vector<32xbf16>,
        %unpack3A_851 = tpu.unpack_subelements %get3A_850, 0 {pack_format = #tpu.pack_format<interleaved>} : vector<32xbf16> -> vector<16xf32>
        %unpack3A_852 = tpu.unpack_subelements %get3A_850, 1 {pack_format = #tpu.pack_format<interleaved>} : vector<32xbf16> -> vector<16xf32>
        %mul3A_853 = arith.mulf %gather3A_845, %unpack3A_851 : vector<16xf32>
        %add3A_854 = arith.addf %add3A_839, %mul3A_853 : vector<16xf32>
        %mul3A_855 = arith.mulf %gather3A_845, %unpack3A_852 : vector<16xf32>
        %add3A_856 = arith.addf %add3A_841, %mul3A_855 : vector<16xf32>
        %broadcast_in_dim3A_857 = arith.constant 12 : i32
        %broadcast_in_dim3A_858 = vector.broadcast %broadcast_in_dim3A_857 : i32 to vector<16x1xi32>
        %gather3A_859 = vector.shape_cast %broadcast_in_dim3A_858 : vector<16x1xi32> to vector<16xi32>
        %gather3A_860 = tpu.dynamic_gather %get3A_676[%gather3A_859] in [0] : vector<16xf32>, vector<16xi32> -> vector<16xf32>
        %add3A_861 = arith.constant 12 : i32
        %add3A_862 = arith.addi %add3A_674, %add3A_861 : i32
        %get3A_863 = arith.index_cast %add3A_862 : i32 to index
        %get3A_864 = arith.constant 0 : index
        %get3A_865 = tpu.vector_load %arg11[%get3A_863, %get3A_864] {strides = array<i32>} : memref<2048x32xbf16, #tpu.memory_space<vmem>>, vector<32xbf16>,
        %unpack3A_866 = tpu.unpack_subelements %get3A_865, 0 {pack_format = #tpu.pack_format<interleaved>} : vector<32xbf16> -> vector<16xf32>
        %unpack3A_867 = tpu.unpack_subelements %get3A_865, 1 {pack_format = #tpu.pack_format<interleaved>} : vector<32xbf16> -> vector<16xf32>
        %mul3A_868 = arith.mulf %gather3A_860, %unpack3A_866 : vector<16xf32>
        %add3A_869 = arith.addf %add3A_854, %mul3A_868 : vector<16xf32>
        %mul3A_870 = arith.mulf %gather3A_860, %unpack3A_867 : vector<16xf32>
        %add3A_871 = arith.addf %add3A_856, %mul3A_870 : vector<16xf32>
        %broadcast_in_dim3A_872 = arith.constant 13 : i32
        %broadcast_in_dim3A_873 = vector.broadcast %broadcast_in_dim3A_872 : i32 to vector<16x1xi32>
        %gather3A_874 = vector.shape_cast %broadcast_in_dim3A_873 : vector<16x1xi32> to vector<16xi32>
        %gather3A_875 = tpu.dynamic_gather %get3A_676[%gather3A_874] in [0] : vector<16xf32>, vector<16xi32> -> vector<16xf32>
        %add3A_876 = arith.constant 13 : i32
        %add3A_877 = arith.addi %add3A_674, %add3A_876 : i32
        %get3A_878 = arith.index_cast %add3A_877 : i32 to index
        %get3A_879 = arith.constant 0 : index
        %get3A_880 = tpu.vector_load %arg11[%get3A_878, %get3A_879] {strides = array<i32>} : memref<2048x32xbf16, #tpu.memory_space<vmem>>, vector<32xbf16>,
        %unpack3A_881 = tpu.unpack_subelements %get3A_880, 0 {pack_format = #tpu.pack_format<interleaved>} : vector<32xbf16> -> vector<16xf32>
        %unpack3A_882 = tpu.unpack_subelements %get3A_880, 1 {pack_format = #tpu.pack_format<interleaved>} : vector<32xbf16> -> vector<16xf32>
        %mul3A_883 = arith.mulf %gather3A_875, %unpack3A_881 : vector<16xf32>
        %add3A_884 = arith.addf %add3A_869, %mul3A_883 : vector<16xf32>
        %mul3A_885 = arith.mulf %gather3A_875, %unpack3A_882 : vector<16xf32>
        %add3A_886 = arith.addf %add3A_871, %mul3A_885 : vector<16xf32>
        %broadcast_in_dim3A_887 = arith.constant 14 : i32
        %broadcast_in_dim3A_888 = vector.broadcast %broadcast_in_dim3A_887 : i32 to vector<16x1xi32>
        %gather3A_889 = vector.shape_cast %broadcast_in_dim3A_888 : vector<16x1xi32> to vector<16xi32>
        %gather3A_890 = tpu.dynamic_gather %get3A_676[%gather3A_889] in [0] : vector<16xf32>, vector<16xi32> -> vector<16xf32>
        %add3A_891 = arith.constant 14 : i32
        %add3A_892 = arith.addi %add3A_674, %add3A_891 : i32
        %get3A_893 = arith.index_cast %add3A_892 : i32 to index
        %get3A_894 = arith.constant 0 : index
        %get3A_895 = tpu.vector_load %arg11[%get3A_893, %get3A_894] {strides = array<i32>} : memref<2048x32xbf16, #tpu.memory_space<vmem>>, vector<32xbf16>,
        %unpack3A_896 = tpu.unpack_subelements %get3A_895, 0 {pack_format = #tpu.pack_format<interleaved>} : vector<32xbf16> -> vector<16xf32>
        %unpack3A_897 = tpu.unpack_subelements %get3A_895, 1 {pack_format = #tpu.pack_format<interleaved>} : vector<32xbf16> -> vector<16xf32>
        %mul3A_898 = arith.mulf %gather3A_890, %unpack3A_896 : vector<16xf32>
        %add3A_899 = arith.addf %add3A_884, %mul3A_898 : vector<16xf32>
        %mul3A_900 = arith.mulf %gather3A_890, %unpack3A_897 : vector<16xf32>
        %add3A_901 = arith.addf %add3A_886, %mul3A_900 : vector<16xf32>
        %broadcast_in_dim3A_902 = arith.constant 15 : i32
        %broadcast_in_dim3A_903 = vector.broadcast %broadcast_in_dim3A_902 : i32 to vector<16x1xi32>
        %gather3A_904 = vector.shape_cast %broadcast_in_dim3A_903 : vector<16x1xi32> to vector<16xi32>
        %gather3A_905 = tpu.dynamic_gather %get3A_676[%gather3A_904] in [0] : vector<16xf32>, vector<16xi32> -> vector<16xf32>
        %add3A_906 = arith.constant 15 : i32
        %add3A_907 = arith.addi %add3A_674, %add3A_906 : i32
        %get3A_908 = arith.index_cast %add3A_907 : i32 to index
        %get3A_909 = arith.constant 0 : index
        %get3A_910 = tpu.vector_load %arg11[%get3A_908, %get3A_909] {strides = array<i32>} : memref<2048x32xbf16, #tpu.memory_space<vmem>>, vector<32xbf16>,
        %unpack3A_911 = tpu.unpack_subelements %get3A_910, 0 {pack_format = #tpu.pack_format<interleaved>} : vector<32xbf16> -> vector<16xf32>
        %unpack3A_912 = tpu.unpack_subelements %get3A_910, 1 {pack_format = #tpu.pack_format<interleaved>} : vector<32xbf16> -> vector<16xf32>
        %mul3A_913 = arith.mulf %gather3A_905, %unpack3A_911 : vector<16xf32>
        %add3A_914 = arith.addf %add3A_899, %mul3A_913 : vector<16xf32>
        %mul3A_915 = arith.mulf %gather3A_905, %unpack3A_912 : vector<16xf32>
        %add3A_916 = arith.addf %add3A_901, %mul3A_915 : vector<16xf32>
        %mul3A_917 = arith.constant 512 : i32
        %mul3A_918 = arith.muli %select_n3A, %mul3A_917 : i32
        %add3A_919 = arith.constant 384 : i32
        %add3A_920 = arith.addi %mul3A_918, %add3A_919 : i32
        %mul3A_921 = arith.constant 16 : i32
        %mul3A_922 = arith.muli %select_n3A_169, %mul3A_921 : i32
        %add3A_923 = arith.addi %add3A_920, %mul3A_922 : i32
        %get3A_924 = arith.index_cast %add3A_923 : i32 to index
        %get3A_925 = tpu.vector_load %arg9[%get3A_924] {strides = array<i32>} : memref<2048xf32, #tpu.memory_space<vmem>>, vector<16xf32>,
        %broadcast_in_dim3A_926 = arith.constant 0 : i32
        %broadcast_in_dim3A_927 = vector.broadcast %broadcast_in_dim3A_926 : i32 to vector<16x1xi32>
        %gather3A_928 = vector.shape_cast %broadcast_in_dim3A_927 : vector<16x1xi32> to vector<16xi32>
        %gather3A_929 = tpu.dynamic_gather %get3A_925[%gather3A_928] in [0] : vector<16xf32>, vector<16xi32> -> vector<16xf32>
        %add3A_930 = arith.constant 0 : i32
        %add3A_931 = arith.addi %add3A_923, %add3A_930 : i32
        %get3A_932 = arith.index_cast %add3A_931 : i32 to index
        %get3A_933 = arith.constant 0 : index
        %get3A_934 = tpu.vector_load %arg11[%get3A_932, %get3A_933] {strides = array<i32>} : memref<2048x32xbf16, #tpu.memory_space<vmem>>, vector<32xbf16>,
        %unpack3A_935 = tpu.unpack_subelements %get3A_934, 0 {pack_format = #tpu.pack_format<interleaved>} : vector<32xbf16> -> vector<16xf32>
        %unpack3A_936 = tpu.unpack_subelements %get3A_934, 1 {pack_format = #tpu.pack_format<interleaved>} : vector<32xbf16> -> vector<16xf32>
        %mul3A_937 = arith.mulf %gather3A_929, %unpack3A_935 : vector<16xf32>
        %add3A_938 = arith.addf %add3A_914, %mul3A_937 : vector<16xf32>
        %mul3A_939 = arith.mulf %gather3A_929, %unpack3A_936 : vector<16xf32>
        %add3A_940 = arith.addf %add3A_916, %mul3A_939 : vector<16xf32>
        %broadcast_in_dim3A_941 = arith.constant 1 : i32
        %broadcast_in_dim3A_942 = vector.broadcast %broadcast_in_dim3A_941 : i32 to vector<16x1xi32>
        %gather3A_943 = vector.shape_cast %broadcast_in_dim3A_942 : vector<16x1xi32> to vector<16xi32>
        %gather3A_944 = tpu.dynamic_gather %get3A_925[%gather3A_943] in [0] : vector<16xf32>, vector<16xi32> -> vector<16xf32>
        %add3A_945 = arith.constant 1 : i32
        %add3A_946 = arith.addi %add3A_923, %add3A_945 : i32
        %get3A_947 = arith.index_cast %add3A_946 : i32 to index
        %get3A_948 = arith.constant 0 : index
        %get3A_949 = tpu.vector_load %arg11[%get3A_947, %get3A_948] {strides = array<i32>} : memref<2048x32xbf16, #tpu.memory_space<vmem>>, vector<32xbf16>,
        %unpack3A_950 = tpu.unpack_subelements %get3A_949, 0 {pack_format = #tpu.pack_format<interleaved>} : vector<32xbf16> -> vector<16xf32>
        %unpack3A_951 = tpu.unpack_subelements %get3A_949, 1 {pack_format = #tpu.pack_format<interleaved>} : vector<32xbf16> -> vector<16xf32>
        %mul3A_952 = arith.mulf %gather3A_944, %unpack3A_950 : vector<16xf32>
        %add3A_953 = arith.addf %add3A_938, %mul3A_952 : vector<16xf32>
        %mul3A_954 = arith.mulf %gather3A_944, %unpack3A_951 : vector<16xf32>
        %add3A_955 = arith.addf %add3A_940, %mul3A_954 : vector<16xf32>
        %broadcast_in_dim3A_956 = arith.constant 2 : i32
        %broadcast_in_dim3A_957 = vector.broadcast %broadcast_in_dim3A_956 : i32 to vector<16x1xi32>
        %gather3A_958 = vector.shape_cast %broadcast_in_dim3A_957 : vector<16x1xi32> to vector<16xi32>
        %gather3A_959 = tpu.dynamic_gather %get3A_925[%gather3A_958] in [0] : vector<16xf32>, vector<16xi32> -> vector<16xf32>
        %add3A_960 = arith.constant 2 : i32
        %add3A_961 = arith.addi %add3A_923, %add3A_960 : i32
        %get3A_962 = arith.index_cast %add3A_961 : i32 to index
        %get3A_963 = arith.constant 0 : index
        %get3A_964 = tpu.vector_load %arg11[%get3A_962, %get3A_963] {strides = array<i32>} : memref<2048x32xbf16, #tpu.memory_space<vmem>>, vector<32xbf16>,
        %unpack3A_965 = tpu.unpack_subelements %get3A_964, 0 {pack_format = #tpu.pack_format<interleaved>} : vector<32xbf16> -> vector<16xf32>
        %unpack3A_966 = tpu.unpack_subelements %get3A_964, 1 {pack_format = #tpu.pack_format<interleaved>} : vector<32xbf16> -> vector<16xf32>
        %mul3A_967 = arith.mulf %gather3A_959, %unpack3A_965 : vector<16xf32>
        %add3A_968 = arith.addf %add3A_953, %mul3A_967 : vector<16xf32>
        %mul3A_969 = arith.mulf %gather3A_959, %unpack3A_966 : vector<16xf32>
        %add3A_970 = arith.addf %add3A_955, %mul3A_969 : vector<16xf32>
        %broadcast_in_dim3A_971 = arith.constant 3 : i32
        %broadcast_in_dim3A_972 = vector.broadcast %broadcast_in_dim3A_971 : i32 to vector<16x1xi32>
        %gather3A_973 = vector.shape_cast %broadcast_in_dim3A_972 : vector<16x1xi32> to vector<16xi32>
        %gather3A_974 = tpu.dynamic_gather %get3A_925[%gather3A_973] in [0] : vector<16xf32>, vector<16xi32> -> vector<16xf32>
        %add3A_975 = arith.constant 3 : i32
        %add3A_976 = arith.addi %add3A_923, %add3A_975 : i32
        %get3A_977 = arith.index_cast %add3A_976 : i32 to index
        %get3A_978 = arith.constant 0 : index
        %get3A_979 = tpu.vector_load %arg11[%get3A_977, %get3A_978] {strides = array<i32>} : memref<2048x32xbf16, #tpu.memory_space<vmem>>, vector<32xbf16>,
        %unpack3A_980 = tpu.unpack_subelements %get3A_979, 0 {pack_format = #tpu.pack_format<interleaved>} : vector<32xbf16> -> vector<16xf32>
        %unpack3A_981 = tpu.unpack_subelements %get3A_979, 1 {pack_format = #tpu.pack_format<interleaved>} : vector<32xbf16> -> vector<16xf32>
        %mul3A_982 = arith.mulf %gather3A_974, %unpack3A_980 : vector<16xf32>
        %add3A_983 = arith.addf %add3A_968, %mul3A_982 : vector<16xf32>
        %mul3A_984 = arith.mulf %gather3A_974, %unpack3A_981 : vector<16xf32>
        %add3A_985 = arith.addf %add3A_970, %mul3A_984 : vector<16xf32>
        %broadcast_in_dim3A_986 = arith.constant 4 : i32
        %broadcast_in_dim3A_987 = vector.broadcast %broadcast_in_dim3A_986 : i32 to vector<16x1xi32>
        %gather3A_988 = vector.shape_cast %broadcast_in_dim3A_987 : vector<16x1xi32> to vector<16xi32>
        %gather3A_989 = tpu.dynamic_gather %get3A_925[%gather3A_988] in [0] : vector<16xf32>, vector<16xi32> -> vector<16xf32>
        %add3A_990 = arith.constant 4 : i32
        %add3A_991 = arith.addi %add3A_923, %add3A_990 : i32
        %get3A_992 = arith.index_cast %add3A_991 : i32 to index
        %get3A_993 = arith.constant 0 : index
        %get3A_994 = tpu.vector_load %arg11[%get3A_992, %get3A_993] {strides = array<i32>} : memref<2048x32xbf16, #tpu.memory_space<vmem>>, vector<32xbf16>,
        %unpack3A_995 = tpu.unpack_subelements %get3A_994, 0 {pack_format = #tpu.pack_format<interleaved>} : vector<32xbf16> -> vector<16xf32>
        %unpack3A_996 = tpu.unpack_subelements %get3A_994, 1 {pack_format = #tpu.pack_format<interleaved>} : vector<32xbf16> -> vector<16xf32>
        %mul3A_997 = arith.mulf %gather3A_989, %unpack3A_995 : vector<16xf32>
        %add3A_998 = arith.addf %add3A_983, %mul3A_997 : vector<16xf32>
        %mul3A_999 = arith.mulf %gather3A_989, %unpack3A_996 : vector<16xf32>
        %add3A_1000 = arith.addf %add3A_985, %mul3A_999 : vector<16xf32>
        %broadcast_in_dim3A_1001 = arith.constant 5 : i32
        %broadcast_in_dim3A_1002 = vector.broadcast %broadcast_in_dim3A_1001 : i32 to vector<16x1xi32>
        %gather3A_1003 = vector.shape_cast %broadcast_in_dim3A_1002 : vector<16x1xi32> to vector<16xi32>
        %gather3A_1004 = tpu.dynamic_gather %get3A_925[%gather3A_1003] in [0] : vector<16xf32>, vector<16xi32> -> vector<16xf32>
        %add3A_1005 = arith.constant 5 : i32
        %add3A_1006 = arith.addi %add3A_923, %add3A_1005 : i32
        %get3A_1007 = arith.index_cast %add3A_1006 : i32 to index
        %get3A_1008 = arith.constant 0 : index
        %get3A_1009 = tpu.vector_load %arg11[%get3A_1007, %get3A_1008] {strides = array<i32>} : memref<2048x32xbf16, #tpu.memory_space<vmem>>, vector<32xbf16>,
        %unpack3A_1010 = tpu.unpack_subelements %get3A_1009, 0 {pack_format = #tpu.pack_format<interleaved>} : vector<32xbf16> -> vector<16xf32>
        %unpack3A_1011 = tpu.unpack_subelements %get3A_1009, 1 {pack_format = #tpu.pack_format<interleaved>} : vector<32xbf16> -> vector<16xf32>
        %mul3A_1012 = arith.mulf %gather3A_1004, %unpack3A_1010 : vector<16xf32>
        %add3A_1013 = arith.addf %add3A_998, %mul3A_1012 : vector<16xf32>
        %mul3A_1014 = arith.mulf %gather3A_1004, %unpack3A_1011 : vector<16xf32>
        %add3A_1015 = arith.addf %add3A_1000, %mul3A_1014 : vector<16xf32>
        %broadcast_in_dim3A_1016 = arith.constant 6 : i32
        %broadcast_in_dim3A_1017 = vector.broadcast %broadcast_in_dim3A_1016 : i32 to vector<16x1xi32>
        %gather3A_1018 = vector.shape_cast %broadcast_in_dim3A_1017 : vector<16x1xi32> to vector<16xi32>
        %gather3A_1019 = tpu.dynamic_gather %get3A_925[%gather3A_1018] in [0] : vector<16xf32>, vector<16xi32> -> vector<16xf32>
        %add3A_1020 = arith.constant 6 : i32
        %add3A_1021 = arith.addi %add3A_923, %add3A_1020 : i32
        %get3A_1022 = arith.index_cast %add3A_1021 : i32 to index
        %get3A_1023 = arith.constant 0 : index
        %get3A_1024 = tpu.vector_load %arg11[%get3A_1022, %get3A_1023] {strides = array<i32>} : memref<2048x32xbf16, #tpu.memory_space<vmem>>, vector<32xbf16>,
        %unpack3A_1025 = tpu.unpack_subelements %get3A_1024, 0 {pack_format = #tpu.pack_format<interleaved>} : vector<32xbf16> -> vector<16xf32>
        %unpack3A_1026 = tpu.unpack_subelements %get3A_1024, 1 {pack_format = #tpu.pack_format<interleaved>} : vector<32xbf16> -> vector<16xf32>
        %mul3A_1027 = arith.mulf %gather3A_1019, %unpack3A_1025 : vector<16xf32>
        %add3A_1028 = arith.addf %add3A_1013, %mul3A_1027 : vector<16xf32>
        %mul3A_1029 = arith.mulf %gather3A_1019, %unpack3A_1026 : vector<16xf32>
        %add3A_1030 = arith.addf %add3A_1015, %mul3A_1029 : vector<16xf32>
        %broadcast_in_dim3A_1031 = arith.constant 7 : i32
        %broadcast_in_dim3A_1032 = vector.broadcast %broadcast_in_dim3A_1031 : i32 to vector<16x1xi32>
        %gather3A_1033 = vector.shape_cast %broadcast_in_dim3A_1032 : vector<16x1xi32> to vector<16xi32>
        %gather3A_1034 = tpu.dynamic_gather %get3A_925[%gather3A_1033] in [0] : vector<16xf32>, vector<16xi32> -> vector<16xf32>
        %add3A_1035 = arith.constant 7 : i32
        %add3A_1036 = arith.addi %add3A_923, %add3A_1035 : i32
        %get3A_1037 = arith.index_cast %add3A_1036 : i32 to index
        %get3A_1038 = arith.constant 0 : index
        %get3A_1039 = tpu.vector_load %arg11[%get3A_1037, %get3A_1038] {strides = array<i32>} : memref<2048x32xbf16, #tpu.memory_space<vmem>>, vector<32xbf16>,
        %unpack3A_1040 = tpu.unpack_subelements %get3A_1039, 0 {pack_format = #tpu.pack_format<interleaved>} : vector<32xbf16> -> vector<16xf32>
        %unpack3A_1041 = tpu.unpack_subelements %get3A_1039, 1 {pack_format = #tpu.pack_format<interleaved>} : vector<32xbf16> -> vector<16xf32>
        %mul3A_1042 = arith.mulf %gather3A_1034, %unpack3A_1040 : vector<16xf32>
        %add3A_1043 = arith.addf %add3A_1028, %mul3A_1042 : vector<16xf32>
        %mul3A_1044 = arith.mulf %gather3A_1034, %unpack3A_1041 : vector<16xf32>
        %add3A_1045 = arith.addf %add3A_1030, %mul3A_1044 : vector<16xf32>
        %broadcast_in_dim3A_1046 = arith.constant 8 : i32
        %broadcast_in_dim3A_1047 = vector.broadcast %broadcast_in_dim3A_1046 : i32 to vector<16x1xi32>
        %gather3A_1048 = vector.shape_cast %broadcast_in_dim3A_1047 : vector<16x1xi32> to vector<16xi32>
        %gather3A_1049 = tpu.dynamic_gather %get3A_925[%gather3A_1048] in [0] : vector<16xf32>, vector<16xi32> -> vector<16xf32>
        %add3A_1050 = arith.constant 8 : i32
        %add3A_1051 = arith.addi %add3A_923, %add3A_1050 : i32
        %get3A_1052 = arith.index_cast %add3A_1051 : i32 to index
        %get3A_1053 = arith.constant 0 : index
        %get3A_1054 = tpu.vector_load %arg11[%get3A_1052, %get3A_1053] {strides = array<i32>} : memref<2048x32xbf16, #tpu.memory_space<vmem>>, vector<32xbf16>,
        %unpack3A_1055 = tpu.unpack_subelements %get3A_1054, 0 {pack_format = #tpu.pack_format<interleaved>} : vector<32xbf16> -> vector<16xf32>
        %unpack3A_1056 = tpu.unpack_subelements %get3A_1054, 1 {pack_format = #tpu.pack_format<interleaved>} : vector<32xbf16> -> vector<16xf32>
        %mul3A_1057 = arith.mulf %gather3A_1049, %unpack3A_1055 : vector<16xf32>
        %add3A_1058 = arith.addf %add3A_1043, %mul3A_1057 : vector<16xf32>
        %mul3A_1059 = arith.mulf %gather3A_1049, %unpack3A_1056 : vector<16xf32>
        %add3A_1060 = arith.addf %add3A_1045, %mul3A_1059 : vector<16xf32>
        %broadcast_in_dim3A_1061 = arith.constant 9 : i32
        %broadcast_in_dim3A_1062 = vector.broadcast %broadcast_in_dim3A_1061 : i32 to vector<16x1xi32>
        %gather3A_1063 = vector.shape_cast %broadcast_in_dim3A_1062 : vector<16x1xi32> to vector<16xi32>
        %gather3A_1064 = tpu.dynamic_gather %get3A_925[%gather3A_1063] in [0] : vector<16xf32>, vector<16xi32> -> vector<16xf32>
        %add3A_1065 = arith.constant 9 : i32
        %add3A_1066 = arith.addi %add3A_923, %add3A_1065 : i32
        %get3A_1067 = arith.index_cast %add3A_1066 : i32 to index
        %get3A_1068 = arith.constant 0 : index
        %get3A_1069 = tpu.vector_load %arg11[%get3A_1067, %get3A_1068] {strides = array<i32>} : memref<2048x32xbf16, #tpu.memory_space<vmem>>, vector<32xbf16>,
        %unpack3A_1070 = tpu.unpack_subelements %get3A_1069, 0 {pack_format = #tpu.pack_format<interleaved>} : vector<32xbf16> -> vector<16xf32>
        %unpack3A_1071 = tpu.unpack_subelements %get3A_1069, 1 {pack_format = #tpu.pack_format<interleaved>} : vector<32xbf16> -> vector<16xf32>
        %mul3A_1072 = arith.mulf %gather3A_1064, %unpack3A_1070 : vector<16xf32>
        %add3A_1073 = arith.addf %add3A_1058, %mul3A_1072 : vector<16xf32>
        %mul3A_1074 = arith.mulf %gather3A_1064, %unpack3A_1071 : vector<16xf32>
        %add3A_1075 = arith.addf %add3A_1060, %mul3A_1074 : vector<16xf32>
        %broadcast_in_dim3A_1076 = arith.constant 10 : i32
        %broadcast_in_dim3A_1077 = vector.broadcast %broadcast_in_dim3A_1076 : i32 to vector<16x1xi32>
        %gather3A_1078 = vector.shape_cast %broadcast_in_dim3A_1077 : vector<16x1xi32> to vector<16xi32>
        %gather3A_1079 = tpu.dynamic_gather %get3A_925[%gather3A_1078] in [0] : vector<16xf32>, vector<16xi32> -> vector<16xf32>
        %add3A_1080 = arith.constant 10 : i32
        %add3A_1081 = arith.addi %add3A_923, %add3A_1080 : i32
        %get3A_1082 = arith.index_cast %add3A_1081 : i32 to index
        %get3A_1083 = arith.constant 0 : index
        %get3A_1084 = tpu.vector_load %arg11[%get3A_1082, %get3A_1083] {strides = array<i32>} : memref<2048x32xbf16, #tpu.memory_space<vmem>>, vector<32xbf16>,
        %unpack3A_1085 = tpu.unpack_subelements %get3A_1084, 0 {pack_format = #tpu.pack_format<interleaved>} : vector<32xbf16> -> vector<16xf32>
        %unpack3A_1086 = tpu.unpack_subelements %get3A_1084, 1 {pack_format = #tpu.pack_format<interleaved>} : vector<32xbf16> -> vector<16xf32>
        %mul3A_1087 = arith.mulf %gather3A_1079, %unpack3A_1085 : vector<16xf32>
        %add3A_1088 = arith.addf %add3A_1073, %mul3A_1087 : vector<16xf32>
        %mul3A_1089 = arith.mulf %gather3A_1079, %unpack3A_1086 : vector<16xf32>
        %add3A_1090 = arith.addf %add3A_1075, %mul3A_1089 : vector<16xf32>
        %broadcast_in_dim3A_1091 = arith.constant 11 : i32
        %broadcast_in_dim3A_1092 = vector.broadcast %broadcast_in_dim3A_1091 : i32 to vector<16x1xi32>
        %gather3A_1093 = vector.shape_cast %broadcast_in_dim3A_1092 : vector<16x1xi32> to vector<16xi32>
        %gather3A_1094 = tpu.dynamic_gather %get3A_925[%gather3A_1093] in [0] : vector<16xf32>, vector<16xi32> -> vector<16xf32>
        %add3A_1095 = arith.constant 11 : i32
        %add3A_1096 = arith.addi %add3A_923, %add3A_1095 : i32
        %get3A_1097 = arith.index_cast %add3A_1096 : i32 to index
        %get3A_1098 = arith.constant 0 : index
        %get3A_1099 = tpu.vector_load %arg11[%get3A_1097, %get3A_1098] {strides = array<i32>} : memref<2048x32xbf16, #tpu.memory_space<vmem>>, vector<32xbf16>,
        %unpack3A_1100 = tpu.unpack_subelements %get3A_1099, 0 {pack_format = #tpu.pack_format<interleaved>} : vector<32xbf16> -> vector<16xf32>
        %unpack3A_1101 = tpu.unpack_subelements %get3A_1099, 1 {pack_format = #tpu.pack_format<interleaved>} : vector<32xbf16> -> vector<16xf32>
        %mul3A_1102 = arith.mulf %gather3A_1094, %unpack3A_1100 : vector<16xf32>
        %add3A_1103 = arith.addf %add3A_1088, %mul3A_1102 : vector<16xf32>
        %mul3A_1104 = arith.mulf %gather3A_1094, %unpack3A_1101 : vector<16xf32>
        %add3A_1105 = arith.addf %add3A_1090, %mul3A_1104 : vector<16xf32>
        %broadcast_in_dim3A_1106 = arith.constant 12 : i32
        %broadcast_in_dim3A_1107 = vector.broadcast %broadcast_in_dim3A_1106 : i32 to vector<16x1xi32>
        %gather3A_1108 = vector.shape_cast %broadcast_in_dim3A_1107 : vector<16x1xi32> to vector<16xi32>
        %gather3A_1109 = tpu.dynamic_gather %get3A_925[%gather3A_1108] in [0] : vector<16xf32>, vector<16xi32> -> vector<16xf32>
        %add3A_1110 = arith.constant 12 : i32
        %add3A_1111 = arith.addi %add3A_923, %add3A_1110 : i32
        %get3A_1112 = arith.index_cast %add3A_1111 : i32 to index
        %get3A_1113 = arith.constant 0 : index
        %get3A_1114 = tpu.vector_load %arg11[%get3A_1112, %get3A_1113] {strides = array<i32>} : memref<2048x32xbf16, #tpu.memory_space<vmem>>, vector<32xbf16>,
        %unpack3A_1115 = tpu.unpack_subelements %get3A_1114, 0 {pack_format = #tpu.pack_format<interleaved>} : vector<32xbf16> -> vector<16xf32>
        %unpack3A_1116 = tpu.unpack_subelements %get3A_1114, 1 {pack_format = #tpu.pack_format<interleaved>} : vector<32xbf16> -> vector<16xf32>
        %mul3A_1117 = arith.mulf %gather3A_1109, %unpack3A_1115 : vector<16xf32>
        %add3A_1118 = arith.addf %add3A_1103, %mul3A_1117 : vector<16xf32>
        %mul3A_1119 = arith.mulf %gather3A_1109, %unpack3A_1116 : vector<16xf32>
        %add3A_1120 = arith.addf %add3A_1105, %mul3A_1119 : vector<16xf32>
        %broadcast_in_dim3A_1121 = arith.constant 13 : i32
        %broadcast_in_dim3A_1122 = vector.broadcast %broadcast_in_dim3A_1121 : i32 to vector<16x1xi32>
        %gather3A_1123 = vector.shape_cast %broadcast_in_dim3A_1122 : vector<16x1xi32> to vector<16xi32>
        %gather3A_1124 = tpu.dynamic_gather %get3A_925[%gather3A_1123] in [0] : vector<16xf32>, vector<16xi32> -> vector<16xf32>
        %add3A_1125 = arith.constant 13 : i32
        %add3A_1126 = arith.addi %add3A_923, %add3A_1125 : i32
        %get3A_1127 = arith.index_cast %add3A_1126 : i32 to index
        %get3A_1128 = arith.constant 0 : index
        %get3A_1129 = tpu.vector_load %arg11[%get3A_1127, %get3A_1128] {strides = array<i32>} : memref<2048x32xbf16, #tpu.memory_space<vmem>>, vector<32xbf16>,
        %unpack3A_1130 = tpu.unpack_subelements %get3A_1129, 0 {pack_format = #tpu.pack_format<interleaved>} : vector<32xbf16> -> vector<16xf32>
        %unpack3A_1131 = tpu.unpack_subelements %get3A_1129, 1 {pack_format = #tpu.pack_format<interleaved>} : vector<32xbf16> -> vector<16xf32>
        %mul3A_1132 = arith.mulf %gather3A_1124, %unpack3A_1130 : vector<16xf32>
        %add3A_1133 = arith.addf %add3A_1118, %mul3A_1132 : vector<16xf32>
        %mul3A_1134 = arith.mulf %gather3A_1124, %unpack3A_1131 : vector<16xf32>
        %add3A_1135 = arith.addf %add3A_1120, %mul3A_1134 : vector<16xf32>
        %broadcast_in_dim3A_1136 = arith.constant 14 : i32
        %broadcast_in_dim3A_1137 = vector.broadcast %broadcast_in_dim3A_1136 : i32 to vector<16x1xi32>
        %gather3A_1138 = vector.shape_cast %broadcast_in_dim3A_1137 : vector<16x1xi32> to vector<16xi32>
        %gather3A_1139 = tpu.dynamic_gather %get3A_925[%gather3A_1138] in [0] : vector<16xf32>, vector<16xi32> -> vector<16xf32>
        %add3A_1140 = arith.constant 14 : i32
        %add3A_1141 = arith.addi %add3A_923, %add3A_1140 : i32
        %get3A_1142 = arith.index_cast %add3A_1141 : i32 to index
        %get3A_1143 = arith.constant 0 : index
        %get3A_1144 = tpu.vector_load %arg11[%get3A_1142, %get3A_1143] {strides = array<i32>} : memref<2048x32xbf16, #tpu.memory_space<vmem>>, vector<32xbf16>,
        %unpack3A_1145 = tpu.unpack_subelements %get3A_1144, 0 {pack_format = #tpu.pack_format<interleaved>} : vector<32xbf16> -> vector<16xf32>
        %unpack3A_1146 = tpu.unpack_subelements %get3A_1144, 1 {pack_format = #tpu.pack_format<interleaved>} : vector<32xbf16> -> vector<16xf32>
        %mul3A_1147 = arith.mulf %gather3A_1139, %unpack3A_1145 : vector<16xf32>
        %add3A_1148 = arith.addf %add3A_1133, %mul3A_1147 : vector<16xf32>
        %mul3A_1149 = arith.mulf %gather3A_1139, %unpack3A_1146 : vector<16xf32>
        %add3A_1150 = arith.addf %add3A_1135, %mul3A_1149 : vector<16xf32>
        %broadcast_in_dim3A_1151 = arith.constant 15 : i32
        %broadcast_in_dim3A_1152 = vector.broadcast %broadcast_in_dim3A_1151 : i32 to vector<16x1xi32>
        %gather3A_1153 = vector.shape_cast %broadcast_in_dim3A_1152 : vector<16x1xi32> to vector<16xi32>
        %gather3A_1154 = tpu.dynamic_gather %get3A_925[%gather3A_1153] in [0] : vector<16xf32>, vector<16xi32> -> vector<16xf32>
        %add3A_1155 = arith.constant 15 : i32
        %add3A_1156 = arith.addi %add3A_923, %add3A_1155 : i32
        %get3A_1157 = arith.index_cast %add3A_1156 : i32 to index
        %get3A_1158 = arith.constant 0 : index
        %get3A_1159 = tpu.vector_load %arg11[%get3A_1157, %get3A_1158] {strides = array<i32>} : memref<2048x32xbf16, #tpu.memory_space<vmem>>, vector<32xbf16>,
        %unpack3A_1160 = tpu.unpack_subelements %get3A_1159, 0 {pack_format = #tpu.pack_format<interleaved>} : vector<32xbf16> -> vector<16xf32>
        %unpack3A_1161 = tpu.unpack_subelements %get3A_1159, 1 {pack_format = #tpu.pack_format<interleaved>} : vector<32xbf16> -> vector<16xf32>
        %mul3A_1162 = arith.mulf %gather3A_1154, %unpack3A_1160 : vector<16xf32>
        %add3A_1163 = arith.addf %add3A_1148, %mul3A_1162 : vector<16xf32>
        %mul3A_1164 = arith.mulf %gather3A_1154, %unpack3A_1161 : vector<16xf32>
        %add3A_1165 = arith.addf %add3A_1150, %mul3A_1164 : vector<16xf32>
        %mul3A_1166 = arith.constant 32 : i32
        %mul3A_1167 = arith.muli %select_n3A_169, %mul3A_1166 : i32
        %swap3A = arith.index_cast %select_n3A : i32 to index
        %swap3A_1168 = arith.index_cast %mul3A_1167 : i32 to index
        %swap3A_1169 = tpu.vector_load %arg13[%swap3A, %swap3A_1168] {strides = array<i32>} : memref<4x256xf32, #tpu.memory_space<vmem>>, vector<16xf32>,
        tpu.vector_store %arg13[%swap3A, %swap3A_1168], %add3A_1163 {strides = array<i32>} : memref<4x256xf32, #tpu.memory_space<vmem>>, vector<16xf32>,
        %mul3A_1170 = arith.constant 32 : i32
        %mul3A_1171 = arith.muli %select_n3A_169, %mul3A_1170 : i32
        %add3A_1172 = arith.constant 16 : i32
        %add3A_1173 = arith.addi %mul3A_1171, %add3A_1172 : i32
        %swap3A_1174 = arith.index_cast %select_n3A : i32 to index
        %swap3A_1175 = arith.index_cast %add3A_1173 : i32 to index
        %swap3A_1176 = tpu.vector_load %arg13[%swap3A_1174, %swap3A_1175] {strides = array<i32>} : memref<4x256xf32, #tpu.memory_space<vmem>>, vector<16xf32>,
        tpu.vector_store %arg13[%swap3A_1174, %swap3A_1175], %add3A_1165 {strides = array<i32>} : memref<4x256xf32, #tpu.memory_space<vmem>>, vector<16xf32>,
      }
      %scan3A_85 = arith.constant 32 : i32
      %mul3A_86 = arith.constant 4 : i32
      %mul3A_87 = arith.muli %add3A_69, %mul3A_86 : i32
      %add3A_88 = arith.addi %mul3A_2, %mul3A_87 : i32
      %dma_start3A_89 = arith.constant 0 : i32
      %dma_start3A_90 = tpu.memref_slice %arg5[%add3A_88, %dma_start3A_89] : memref<10880x256xf32, #tpu.memory_space<hbm>> -> memref<4x256xf32, #tpu.memory_space<hbm>>
      %dma_start3A_91 = arith.constant 0 : i32
      %dma_start3A_92 = tpu.memref_slice %arg5[%add3A_88, %dma_start3A_91] : memref<10880x256xf32, #tpu.memory_space<hbm>> -> memref<4x256xf32, #tpu.memory_space<hbm>>
      tpu.enqueue_dma source(%arg13 : memref<4x256xf32, #tpu.memory_space<vmem>>) target(%dma_start3A_92 : memref<4x256xf32, #tpu.memory_space<hbm>>) target_semaphore(%arg19 : memref<!tpu.dma_semaphore, #tpu.memory_space<semaphore_mem>>)
      %add3A_93 = arith.constant 2 : i32
      %add3A_94 = arith.addi %add3A_69, %add3A_93 : i32
      %lt3A_95 = arith.constant 85 : i32
      %lt3A_96 = arith.cmpi slt, %add3A_94, %lt3A_95 : i32
      %convert_element_type3A_97 = arith.extui %lt3A_96 : i1 to i32
      %cond3A_98 = arith.constant 0 : i32
      %cond3A_99 = arith.cmpi ne, %convert_element_type3A_97, %cond3A_98 : i32
      scf.if %cond3A_99 {
        %add3A_138 = arith.constant 2 : i32
        %add3A_139 = arith.addi %add3A_69, %add3A_138 : i32
        %mul3A_140 = arith.constant 4 : i32
        %mul3A_141 = arith.muli %add3A_139, %mul3A_140 : i32
        %add3A_142 = arith.addi %mul3A_2, %mul3A_141 : i32
        %mul3A_143 = arith.constant 512 : i32
        %mul3A_144 = arith.muli %add3A_142, %mul3A_143 : i32
        %dma_start3A_145 = tpu.memref_slice %arg3[%mul3A_144] : memref<5570560xi32, #tpu.memory_space<hbm>> -> memref<2048xi32, #tpu.memory_space<hbm>>
        %dma_start3A_146 = tpu.memref_slice %arg3[%mul3A_144] : memref<5570560xi32, #tpu.memory_space<hbm>> -> memref<2048xi32, #tpu.memory_space<hbm>>
        tpu.enqueue_dma source(%dma_start3A_146 : memref<2048xi32, #tpu.memory_space<hbm>>) target(%arg7 : memref<2048xi32, #tpu.memory_space<vmem>>) target_semaphore(%arg15 : memref<!tpu.dma_semaphore, #tpu.memory_space<semaphore_mem>>)
        %dma_start3A_147 = tpu.memref_slice %arg4[%mul3A_144] : memref<5570560xf32, #tpu.memory_space<hbm>> -> memref<2048xf32, #tpu.memory_space<hbm>>
        %dma_start3A_148 = tpu.memref_slice %arg4[%mul3A_144] : memref<5570560xf32, #tpu.memory_space<hbm>> -> memref<2048xf32, #tpu.memory_space<hbm>>
        tpu.enqueue_dma source(%dma_start3A_148 : memref<2048xf32, #tpu.memory_space<hbm>>) target(%arg9 : memref<2048xf32, #tpu.memory_space<vmem>>) target_semaphore(%arg15 : memref<!tpu.dma_semaphore, #tpu.memory_space<semaphore_mem>>)
      } else {
      }
      %mul3A_100 = arith.constant 2 : i32
      %mul3A_101 = arith.muli %scan3A_65, %mul3A_100 : i32
      %add3A_102 = arith.constant 1 : i32
      %add3A_103 = arith.addi %mul3A_101, %add3A_102 : i32
      %add3A_104 = arith.constant 1 : i32
      %add3A_105 = arith.addi %add3A_103, %add3A_104 : i32
      %lt3A_106 = arith.constant 85 : i32
      %lt3A_107 = arith.cmpi slt, %add3A_105, %lt3A_106 : i32
      %convert_element_type3A_108 = arith.extui %lt3A_107 : i1 to i32
      %cond3A_109 = arith.constant 0 : i32
      %cond3A_110 = arith.cmpi ne, %convert_element_type3A_108, %cond3A_109 : i32
      scf.if %cond3A_110 {
        %dma_wait3A_138 = arith.constant 0 : i32
        %dma_wait3A_139 = tpu.memref_slice %arg3[%dma_wait3A_138] : memref<5570560xi32, #tpu.memory_space<hbm>> -> memref<2048xi32, #tpu.memory_space<hbm>>
        %dma_wait3A_140 = arith.constant 0 : i32
        %dma_wait3A_141 = tpu.memref_slice %arg3[%dma_wait3A_140] : memref<5570560xi32, #tpu.memory_space<hbm>> -> memref<2048xi32, #tpu.memory_space<hbm>>
        tpu.wait_dma2 semaphore(%arg15 : memref<!tpu.dma_semaphore, #tpu.memory_space<semaphore_mem>>) src(%dma_wait3A_141 : memref<2048xi32, #tpu.memory_space<hbm>>) dst(%arg7 : memref<2048xi32, #tpu.memory_space<vmem>>)
        %dma_wait3A_142 = arith.constant 0 : i32
        %dma_wait3A_143 = tpu.memref_slice %arg4[%dma_wait3A_142] : memref<5570560xf32, #tpu.memory_space<hbm>> -> memref<2048xf32, #tpu.memory_space<hbm>>
        %dma_wait3A_144 = arith.constant 0 : i32
        %dma_wait3A_145 = tpu.memref_slice %arg4[%dma_wait3A_144] : memref<5570560xf32, #tpu.memory_space<hbm>> -> memref<2048xf32, #tpu.memory_space<hbm>>
        tpu.wait_dma2 semaphore(%arg15 : memref<!tpu.dma_semaphore, #tpu.memory_space<semaphore_mem>>) src(%dma_wait3A_145 : memref<2048xf32, #tpu.memory_space<hbm>>) dst(%arg9 : memref<2048xf32, #tpu.memory_space<vmem>>)
        %dma_start3A_146 = arith.constant 0 : i32
        %dma_start3A_147 = arith.constant 0 : i32
        %dma_start3A_148 = tpu.memref_slice %arg6[%dma_start3A_146, %dma_start3A_147] : memref<43520x32xbf16, #tpu.memory_space<vmem_shared>> -> memref<43520x32xbf16, #tpu.memory_space<vmem_shared>>
        tpu.enqueue_indirect_dma source(%dma_start3A_148 : memref<43520x32xbf16, #tpu.memory_space<vmem_shared>>) target(%arg11 : memref<2048x32xbf16, #tpu.memory_space<vmem>>) offsets(%arg7 : memref<2048xi32, #tpu.memory_space<vmem>>) semaphore(%arg17 : memref<!tpu.dma_semaphore, #tpu.memory_space<semaphore_mem>>)
      } else {
      }
      %dma_wait3A_111 = arith.constant 0 : i32
      %dma_wait3A_112 = arith.constant 0 : i32
      %dma_wait3A_113 = tpu.memref_slice %arg6[%dma_wait3A_111, %dma_wait3A_112] : memref<43520x32xbf16, #tpu.memory_space<vmem_shared>> -> memref<43520x32xbf16, #tpu.memory_space<vmem_shared>>
      tpu.wait_indirect_dma semaphore(%arg18 : memref<!tpu.dma_semaphore, #tpu.memory_space<semaphore_mem>>) src(%dma_wait3A_113 : memref<43520x32xbf16, #tpu.memory_space<vmem_shared>>) dst(%arg12 : memref<2048x32xbf16, #tpu.memory_space<vmem>>)
      %ge3A_114 = arith.constant 2 : i32
      %ge3A_115 = arith.cmpi sge, %add3A_103, %ge3A_114 : i32
      %convert_element_type3A_116 = arith.extui %ge3A_115 : i1 to i32
      %cond3A_117 = arith.constant 0 : i32
      %cond3A_118 = arith.cmpi ne, %convert_element_type3A_116, %cond3A_117 : i32
      scf.if %cond3A_118 {
        %dma_wait3A_138 = arith.constant 0 : i32
        %dma_wait3A_139 = tpu.memref_slice %arg5[%mul3A_2, %dma_wait3A_138] : memref<10880x256xf32, #tpu.memory_space<hbm>> -> memref<4x256xf32, #tpu.memory_space<hbm>>
        %dma_wait3A_140 = arith.constant 0 : i32
        %dma_wait3A_141 = tpu.memref_slice %arg5[%mul3A_2, %dma_wait3A_140] : memref<10880x256xf32, #tpu.memory_space<hbm>> -> memref<4x256xf32, #tpu.memory_space<hbm>>
        tpu.wait_dma2 semaphore(%arg20 : memref<!tpu.dma_semaphore, #tpu.memory_space<semaphore_mem>>) src(%arg14 : memref<4x256xf32, #tpu.memory_space<vmem>>) dst(%dma_wait3A_141 : memref<4x256xf32, #tpu.memory_space<hbm>>)
      } else {
      }
      %scan3A_119 = arith.constant 0 : i32
      %scan3A_120 = arith.constant 32 : i32
      %scan3A_121 = arith.addi %scan3A_119, %scan3A_120 : i32
      %scan3A_122 = arith.constant 1 : i32
      scf.for %scan3A_138 = %scan3A_119 to %scan3A_121 step %scan3A_122  : i32 {
        %jit3A = arith.constant 8 : i32
        %div3A = arith.divsi %scan3A_138, %jit3A : i32
        %sign3A = arith.constant 0 : i32
        %sign3A_139 = arith.cmpi sgt, %scan3A_138, %sign3A : i32
        %sign3A_140 = arith.extui %sign3A_139 : i1 to i32
        %sign3A_141 = arith.constant 0 : i32
        %sign3A_142 = arith.cmpi slt, %scan3A_138, %sign3A_141 : i32
        %sign3A_143 = arith.extui %sign3A_142 : i1 to i32
        %sign3A_144 = arith.subi %sign3A_140, %sign3A_143 : i32
        %sign3A_145 = arith.constant 0 : i32
        %sign3A_146 = arith.cmpi sgt, %jit3A, %sign3A_145 : i32
        %sign3A_147 = arith.extui %sign3A_146 : i1 to i32
        %sign3A_148 = arith.constant 0 : i32
        %sign3A_149 = arith.cmpi slt, %jit3A, %sign3A_148 : i32
        %sign3A_150 = arith.extui %sign3A_149 : i1 to i32
        %sign3A_151 = arith.subi %sign3A_147, %sign3A_150 : i32
        %ne3A = arith.cmpi ne, %sign3A_144, %sign3A_151 : i32
        %rem3A = arith.remsi %scan3A_138, %jit3A : i32
        %ne3A_152 = arith.constant 0 : i32
        %ne3A_153 = arith.cmpi ne, %rem3A, %ne3A_152 : i32
        %and3A = arith.andi %ne3A, %ne3A_153 : i1
        %sub3A = arith.constant 1 : i32
        %sub3A_154 = arith.subi %div3A, %sub3A : i32
        %select_n3A = arith.select %and3A, %sub3A_154, %div3A : i32
        %jit3A_155 = arith.constant 8 : i32
        %eq3A = arith.constant 0 : i32
        %eq3A_156 = arith.cmpi eq, %jit3A_155, %eq3A : i32
        %jit3A_157 = arith.constant 1 : i32
        %select_n3A_158 = arith.select %eq3A_156, %jit3A_157, %jit3A_155 : i32
        %rem3A_159 = arith.remsi %scan3A_138, %select_n3A_158 : i32
        %ne3A_160 = arith.constant 0 : i32
        %ne3A_161 = arith.cmpi ne, %rem3A_159, %ne3A_160 : i32
        %lt3A_162 = arith.constant 0 : i32
        %lt3A_163 = arith.cmpi slt, %rem3A_159, %lt3A_162 : i32
        %lt3A_164 = arith.constant 0 : i32
        %lt3A_165 = arith.cmpi slt, %select_n3A_158, %lt3A_164 : i32
        %ne3A_166 = arith.xori %lt3A_163, %lt3A_165 : i1
        %and3A_167 = arith.andi %ne3A_166, %ne3A_161 : i1
        %add3A_168 = arith.addi %rem3A_159, %select_n3A_158 : i32
        %select_n3A_169 = arith.select %and3A_167, %add3A_168, %rem3A_159 : i32
        %broadcast_in_dim3A = arith.constant 0.000000e+00 : f32
        %broadcast_in_dim3A_170 = vector.broadcast %broadcast_in_dim3A : f32 to vector<16xf32>
        %broadcast_in_dim3A_171 = arith.constant 0.000000e+00 : f32
        %broadcast_in_dim3A_172 = vector.broadcast %broadcast_in_dim3A_171 : f32 to vector<16xf32>
        %mul3A_173 = arith.constant 512 : i32
        %mul3A_174 = arith.muli %select_n3A, %mul3A_173 : i32
        %add3A_175 = arith.constant 0 : i32
        %add3A_176 = arith.addi %mul3A_174, %add3A_175 : i32
        %mul3A_177 = arith.constant 16 : i32
        %mul3A_178 = arith.muli %select_n3A_169, %mul3A_177 : i32
        %add3A_179 = arith.addi %add3A_176, %mul3A_178 : i32
        %get3A = arith.index_cast %add3A_179 : i32 to index
        %get3A_180 = tpu.vector_load %arg10[%get3A] {strides = array<i32>} : memref<2048xf32, #tpu.memory_space<vmem>>, vector<16xf32>,
        %broadcast_in_dim3A_181 = arith.constant 0 : i32
        %broadcast_in_dim3A_182 = vector.broadcast %broadcast_in_dim3A_181 : i32 to vector<16x1xi32>
        %gather3A = vector.shape_cast %broadcast_in_dim3A_182 : vector<16x1xi32> to vector<16xi32>
        %gather3A_183 = tpu.dynamic_gather %get3A_180[%gather3A] in [0] : vector<16xf32>, vector<16xi32> -> vector<16xf32>
        %add3A_184 = arith.constant 0 : i32
        %add3A_185 = arith.addi %add3A_179, %add3A_184 : i32
        %get3A_186 = arith.index_cast %add3A_185 : i32 to index
        %get3A_187 = arith.constant 0 : index
        %get3A_188 = tpu.vector_load %arg12[%get3A_186, %get3A_187] {strides = array<i32>} : memref<2048x32xbf16, #tpu.memory_space<vmem>>, vector<32xbf16>,
        %unpack3A = tpu.unpack_subelements %get3A_188, 0 {pack_format = #tpu.pack_format<interleaved>} : vector<32xbf16> -> vector<16xf32>
        %unpack3A_189 = tpu.unpack_subelements %get3A_188, 1 {pack_format = #tpu.pack_format<interleaved>} : vector<32xbf16> -> vector<16xf32>
        %mul3A_190 = arith.mulf %gather3A_183, %unpack3A : vector<16xf32>
        %add3A_191 = arith.addf %broadcast_in_dim3A_170, %mul3A_190 : vector<16xf32>
        %mul3A_192 = arith.mulf %gather3A_183, %unpack3A_189 : vector<16xf32>
        %add3A_193 = arith.addf %broadcast_in_dim3A_172, %mul3A_192 : vector<16xf32>
        %broadcast_in_dim3A_194 = arith.constant 1 : i32
        %broadcast_in_dim3A_195 = vector.broadcast %broadcast_in_dim3A_194 : i32 to vector<16x1xi32>
        %gather3A_196 = vector.shape_cast %broadcast_in_dim3A_195 : vector<16x1xi32> to vector<16xi32>
        %gather3A_197 = tpu.dynamic_gather %get3A_180[%gather3A_196] in [0] : vector<16xf32>, vector<16xi32> -> vector<16xf32>
        %add3A_198 = arith.constant 1 : i32
        %add3A_199 = arith.addi %add3A_179, %add3A_198 : i32
        %get3A_200 = arith.index_cast %add3A_199 : i32 to index
        %get3A_201 = arith.constant 0 : index
        %get3A_202 = tpu.vector_load %arg12[%get3A_200, %get3A_201] {strides = array<i32>} : memref<2048x32xbf16, #tpu.memory_space<vmem>>, vector<32xbf16>,
        %unpack3A_203 = tpu.unpack_subelements %get3A_202, 0 {pack_format = #tpu.pack_format<interleaved>} : vector<32xbf16> -> vector<16xf32>
        %unpack3A_204 = tpu.unpack_subelements %get3A_202, 1 {pack_format = #tpu.pack_format<interleaved>} : vector<32xbf16> -> vector<16xf32>
        %mul3A_205 = arith.mulf %gather3A_197, %unpack3A_203 : vector<16xf32>
        %add3A_206 = arith.addf %add3A_191, %mul3A_205 : vector<16xf32>
        %mul3A_207 = arith.mulf %gather3A_197, %unpack3A_204 : vector<16xf32>
        %add3A_208 = arith.addf %add3A_193, %mul3A_207 : vector<16xf32>
        %broadcast_in_dim3A_209 = arith.constant 2 : i32
        %broadcast_in_dim3A_210 = vector.broadcast %broadcast_in_dim3A_209 : i32 to vector<16x1xi32>
        %gather3A_211 = vector.shape_cast %broadcast_in_dim3A_210 : vector<16x1xi32> to vector<16xi32>
        %gather3A_212 = tpu.dynamic_gather %get3A_180[%gather3A_211] in [0] : vector<16xf32>, vector<16xi32> -> vector<16xf32>
        %add3A_213 = arith.constant 2 : i32
        %add3A_214 = arith.addi %add3A_179, %add3A_213 : i32
        %get3A_215 = arith.index_cast %add3A_214 : i32 to index
        %get3A_216 = arith.constant 0 : index
        %get3A_217 = tpu.vector_load %arg12[%get3A_215, %get3A_216] {strides = array<i32>} : memref<2048x32xbf16, #tpu.memory_space<vmem>>, vector<32xbf16>,
        %unpack3A_218 = tpu.unpack_subelements %get3A_217, 0 {pack_format = #tpu.pack_format<interleaved>} : vector<32xbf16> -> vector<16xf32>
        %unpack3A_219 = tpu.unpack_subelements %get3A_217, 1 {pack_format = #tpu.pack_format<interleaved>} : vector<32xbf16> -> vector<16xf32>
        %mul3A_220 = arith.mulf %gather3A_212, %unpack3A_218 : vector<16xf32>
        %add3A_221 = arith.addf %add3A_206, %mul3A_220 : vector<16xf32>
        %mul3A_222 = arith.mulf %gather3A_212, %unpack3A_219 : vector<16xf32>
        %add3A_223 = arith.addf %add3A_208, %mul3A_222 : vector<16xf32>
        %broadcast_in_dim3A_224 = arith.constant 3 : i32
        %broadcast_in_dim3A_225 = vector.broadcast %broadcast_in_dim3A_224 : i32 to vector<16x1xi32>
        %gather3A_226 = vector.shape_cast %broadcast_in_dim3A_225 : vector<16x1xi32> to vector<16xi32>
        %gather3A_227 = tpu.dynamic_gather %get3A_180[%gather3A_226] in [0] : vector<16xf32>, vector<16xi32> -> vector<16xf32>
        %add3A_228 = arith.constant 3 : i32
        %add3A_229 = arith.addi %add3A_179, %add3A_228 : i32
        %get3A_230 = arith.index_cast %add3A_229 : i32 to index
        %get3A_231 = arith.constant 0 : index
        %get3A_232 = tpu.vector_load %arg12[%get3A_230, %get3A_231] {strides = array<i32>} : memref<2048x32xbf16, #tpu.memory_space<vmem>>, vector<32xbf16>,
        %unpack3A_233 = tpu.unpack_subelements %get3A_232, 0 {pack_format = #tpu.pack_format<interleaved>} : vector<32xbf16> -> vector<16xf32>
        %unpack3A_234 = tpu.unpack_subelements %get3A_232, 1 {pack_format = #tpu.pack_format<interleaved>} : vector<32xbf16> -> vector<16xf32>
        %mul3A_235 = arith.mulf %gather3A_227, %unpack3A_233 : vector<16xf32>
        %add3A_236 = arith.addf %add3A_221, %mul3A_235 : vector<16xf32>
        %mul3A_237 = arith.mulf %gather3A_227, %unpack3A_234 : vector<16xf32>
        %add3A_238 = arith.addf %add3A_223, %mul3A_237 : vector<16xf32>
        %broadcast_in_dim3A_239 = arith.constant 4 : i32
        %broadcast_in_dim3A_240 = vector.broadcast %broadcast_in_dim3A_239 : i32 to vector<16x1xi32>
        %gather3A_241 = vector.shape_cast %broadcast_in_dim3A_240 : vector<16x1xi32> to vector<16xi32>
        %gather3A_242 = tpu.dynamic_gather %get3A_180[%gather3A_241] in [0] : vector<16xf32>, vector<16xi32> -> vector<16xf32>
        %add3A_243 = arith.constant 4 : i32
        %add3A_244 = arith.addi %add3A_179, %add3A_243 : i32
        %get3A_245 = arith.index_cast %add3A_244 : i32 to index
        %get3A_246 = arith.constant 0 : index
        %get3A_247 = tpu.vector_load %arg12[%get3A_245, %get3A_246] {strides = array<i32>} : memref<2048x32xbf16, #tpu.memory_space<vmem>>, vector<32xbf16>,
        %unpack3A_248 = tpu.unpack_subelements %get3A_247, 0 {pack_format = #tpu.pack_format<interleaved>} : vector<32xbf16> -> vector<16xf32>
        %unpack3A_249 = tpu.unpack_subelements %get3A_247, 1 {pack_format = #tpu.pack_format<interleaved>} : vector<32xbf16> -> vector<16xf32>
        %mul3A_250 = arith.mulf %gather3A_242, %unpack3A_248 : vector<16xf32>
        %add3A_251 = arith.addf %add3A_236, %mul3A_250 : vector<16xf32>
        %mul3A_252 = arith.mulf %gather3A_242, %unpack3A_249 : vector<16xf32>
        %add3A_253 = arith.addf %add3A_238, %mul3A_252 : vector<16xf32>
        %broadcast_in_dim3A_254 = arith.constant 5 : i32
        %broadcast_in_dim3A_255 = vector.broadcast %broadcast_in_dim3A_254 : i32 to vector<16x1xi32>
        %gather3A_256 = vector.shape_cast %broadcast_in_dim3A_255 : vector<16x1xi32> to vector<16xi32>
        %gather3A_257 = tpu.dynamic_gather %get3A_180[%gather3A_256] in [0] : vector<16xf32>, vector<16xi32> -> vector<16xf32>
        %add3A_258 = arith.constant 5 : i32
        %add3A_259 = arith.addi %add3A_179, %add3A_258 : i32
        %get3A_260 = arith.index_cast %add3A_259 : i32 to index
        %get3A_261 = arith.constant 0 : index
        %get3A_262 = tpu.vector_load %arg12[%get3A_260, %get3A_261] {strides = array<i32>} : memref<2048x32xbf16, #tpu.memory_space<vmem>>, vector<32xbf16>,
        %unpack3A_263 = tpu.unpack_subelements %get3A_262, 0 {pack_format = #tpu.pack_format<interleaved>} : vector<32xbf16> -> vector<16xf32>
        %unpack3A_264 = tpu.unpack_subelements %get3A_262, 1 {pack_format = #tpu.pack_format<interleaved>} : vector<32xbf16> -> vector<16xf32>
        %mul3A_265 = arith.mulf %gather3A_257, %unpack3A_263 : vector<16xf32>
        %add3A_266 = arith.addf %add3A_251, %mul3A_265 : vector<16xf32>
        %mul3A_267 = arith.mulf %gather3A_257, %unpack3A_264 : vector<16xf32>
        %add3A_268 = arith.addf %add3A_253, %mul3A_267 : vector<16xf32>
        %broadcast_in_dim3A_269 = arith.constant 6 : i32
        %broadcast_in_dim3A_270 = vector.broadcast %broadcast_in_dim3A_269 : i32 to vector<16x1xi32>
        %gather3A_271 = vector.shape_cast %broadcast_in_dim3A_270 : vector<16x1xi32> to vector<16xi32>
        %gather3A_272 = tpu.dynamic_gather %get3A_180[%gather3A_271] in [0] : vector<16xf32>, vector<16xi32> -> vector<16xf32>
        %add3A_273 = arith.constant 6 : i32
        %add3A_274 = arith.addi %add3A_179, %add3A_273 : i32
        %get3A_275 = arith.index_cast %add3A_274 : i32 to index
        %get3A_276 = arith.constant 0 : index
        %get3A_277 = tpu.vector_load %arg12[%get3A_275, %get3A_276] {strides = array<i32>} : memref<2048x32xbf16, #tpu.memory_space<vmem>>, vector<32xbf16>,
        %unpack3A_278 = tpu.unpack_subelements %get3A_277, 0 {pack_format = #tpu.pack_format<interleaved>} : vector<32xbf16> -> vector<16xf32>
        %unpack3A_279 = tpu.unpack_subelements %get3A_277, 1 {pack_format = #tpu.pack_format<interleaved>} : vector<32xbf16> -> vector<16xf32>
        %mul3A_280 = arith.mulf %gather3A_272, %unpack3A_278 : vector<16xf32>
        %add3A_281 = arith.addf %add3A_266, %mul3A_280 : vector<16xf32>
        %mul3A_282 = arith.mulf %gather3A_272, %unpack3A_279 : vector<16xf32>
        %add3A_283 = arith.addf %add3A_268, %mul3A_282 : vector<16xf32>
        %broadcast_in_dim3A_284 = arith.constant 7 : i32
        %broadcast_in_dim3A_285 = vector.broadcast %broadcast_in_dim3A_284 : i32 to vector<16x1xi32>
        %gather3A_286 = vector.shape_cast %broadcast_in_dim3A_285 : vector<16x1xi32> to vector<16xi32>
        %gather3A_287 = tpu.dynamic_gather %get3A_180[%gather3A_286] in [0] : vector<16xf32>, vector<16xi32> -> vector<16xf32>
        %add3A_288 = arith.constant 7 : i32
        %add3A_289 = arith.addi %add3A_179, %add3A_288 : i32
        %get3A_290 = arith.index_cast %add3A_289 : i32 to index
        %get3A_291 = arith.constant 0 : index
        %get3A_292 = tpu.vector_load %arg12[%get3A_290, %get3A_291] {strides = array<i32>} : memref<2048x32xbf16, #tpu.memory_space<vmem>>, vector<32xbf16>,
        %unpack3A_293 = tpu.unpack_subelements %get3A_292, 0 {pack_format = #tpu.pack_format<interleaved>} : vector<32xbf16> -> vector<16xf32>
        %unpack3A_294 = tpu.unpack_subelements %get3A_292, 1 {pack_format = #tpu.pack_format<interleaved>} : vector<32xbf16> -> vector<16xf32>
        %mul3A_295 = arith.mulf %gather3A_287, %unpack3A_293 : vector<16xf32>
        %add3A_296 = arith.addf %add3A_281, %mul3A_295 : vector<16xf32>
        %mul3A_297 = arith.mulf %gather3A_287, %unpack3A_294 : vector<16xf32>
        %add3A_298 = arith.addf %add3A_283, %mul3A_297 : vector<16xf32>
        %broadcast_in_dim3A_299 = arith.constant 8 : i32
        %broadcast_in_dim3A_300 = vector.broadcast %broadcast_in_dim3A_299 : i32 to vector<16x1xi32>
        %gather3A_301 = vector.shape_cast %broadcast_in_dim3A_300 : vector<16x1xi32> to vector<16xi32>
        %gather3A_302 = tpu.dynamic_gather %get3A_180[%gather3A_301] in [0] : vector<16xf32>, vector<16xi32> -> vector<16xf32>
        %add3A_303 = arith.constant 8 : i32
        %add3A_304 = arith.addi %add3A_179, %add3A_303 : i32
        %get3A_305 = arith.index_cast %add3A_304 : i32 to index
        %get3A_306 = arith.constant 0 : index
        %get3A_307 = tpu.vector_load %arg12[%get3A_305, %get3A_306] {strides = array<i32>} : memref<2048x32xbf16, #tpu.memory_space<vmem>>, vector<32xbf16>,
        %unpack3A_308 = tpu.unpack_subelements %get3A_307, 0 {pack_format = #tpu.pack_format<interleaved>} : vector<32xbf16> -> vector<16xf32>
        %unpack3A_309 = tpu.unpack_subelements %get3A_307, 1 {pack_format = #tpu.pack_format<interleaved>} : vector<32xbf16> -> vector<16xf32>
        %mul3A_310 = arith.mulf %gather3A_302, %unpack3A_308 : vector<16xf32>
        %add3A_311 = arith.addf %add3A_296, %mul3A_310 : vector<16xf32>
        %mul3A_312 = arith.mulf %gather3A_302, %unpack3A_309 : vector<16xf32>
        %add3A_313 = arith.addf %add3A_298, %mul3A_312 : vector<16xf32>
        %broadcast_in_dim3A_314 = arith.constant 9 : i32
        %broadcast_in_dim3A_315 = vector.broadcast %broadcast_in_dim3A_314 : i32 to vector<16x1xi32>
        %gather3A_316 = vector.shape_cast %broadcast_in_dim3A_315 : vector<16x1xi32> to vector<16xi32>
        %gather3A_317 = tpu.dynamic_gather %get3A_180[%gather3A_316] in [0] : vector<16xf32>, vector<16xi32> -> vector<16xf32>
        %add3A_318 = arith.constant 9 : i32
        %add3A_319 = arith.addi %add3A_179, %add3A_318 : i32
        %get3A_320 = arith.index_cast %add3A_319 : i32 to index
        %get3A_321 = arith.constant 0 : index
        %get3A_322 = tpu.vector_load %arg12[%get3A_320, %get3A_321] {strides = array<i32>} : memref<2048x32xbf16, #tpu.memory_space<vmem>>, vector<32xbf16>,
        %unpack3A_323 = tpu.unpack_subelements %get3A_322, 0 {pack_format = #tpu.pack_format<interleaved>} : vector<32xbf16> -> vector<16xf32>
        %unpack3A_324 = tpu.unpack_subelements %get3A_322, 1 {pack_format = #tpu.pack_format<interleaved>} : vector<32xbf16> -> vector<16xf32>
        %mul3A_325 = arith.mulf %gather3A_317, %unpack3A_323 : vector<16xf32>
        %add3A_326 = arith.addf %add3A_311, %mul3A_325 : vector<16xf32>
        %mul3A_327 = arith.mulf %gather3A_317, %unpack3A_324 : vector<16xf32>
        %add3A_328 = arith.addf %add3A_313, %mul3A_327 : vector<16xf32>
        %broadcast_in_dim3A_329 = arith.constant 10 : i32
        %broadcast_in_dim3A_330 = vector.broadcast %broadcast_in_dim3A_329 : i32 to vector<16x1xi32>
        %gather3A_331 = vector.shape_cast %broadcast_in_dim3A_330 : vector<16x1xi32> to vector<16xi32>
        %gather3A_332 = tpu.dynamic_gather %get3A_180[%gather3A_331] in [0] : vector<16xf32>, vector<16xi32> -> vector<16xf32>
        %add3A_333 = arith.constant 10 : i32
        %add3A_334 = arith.addi %add3A_179, %add3A_333 : i32
        %get3A_335 = arith.index_cast %add3A_334 : i32 to index
        %get3A_336 = arith.constant 0 : index
        %get3A_337 = tpu.vector_load %arg12[%get3A_335, %get3A_336] {strides = array<i32>} : memref<2048x32xbf16, #tpu.memory_space<vmem>>, vector<32xbf16>,
        %unpack3A_338 = tpu.unpack_subelements %get3A_337, 0 {pack_format = #tpu.pack_format<interleaved>} : vector<32xbf16> -> vector<16xf32>
        %unpack3A_339 = tpu.unpack_subelements %get3A_337, 1 {pack_format = #tpu.pack_format<interleaved>} : vector<32xbf16> -> vector<16xf32>
        %mul3A_340 = arith.mulf %gather3A_332, %unpack3A_338 : vector<16xf32>
        %add3A_341 = arith.addf %add3A_326, %mul3A_340 : vector<16xf32>
        %mul3A_342 = arith.mulf %gather3A_332, %unpack3A_339 : vector<16xf32>
        %add3A_343 = arith.addf %add3A_328, %mul3A_342 : vector<16xf32>
        %broadcast_in_dim3A_344 = arith.constant 11 : i32
        %broadcast_in_dim3A_345 = vector.broadcast %broadcast_in_dim3A_344 : i32 to vector<16x1xi32>
        %gather3A_346 = vector.shape_cast %broadcast_in_dim3A_345 : vector<16x1xi32> to vector<16xi32>
        %gather3A_347 = tpu.dynamic_gather %get3A_180[%gather3A_346] in [0] : vector<16xf32>, vector<16xi32> -> vector<16xf32>
        %add3A_348 = arith.constant 11 : i32
        %add3A_349 = arith.addi %add3A_179, %add3A_348 : i32
        %get3A_350 = arith.index_cast %add3A_349 : i32 to index
        %get3A_351 = arith.constant 0 : index
        %get3A_352 = tpu.vector_load %arg12[%get3A_350, %get3A_351] {strides = array<i32>} : memref<2048x32xbf16, #tpu.memory_space<vmem>>, vector<32xbf16>,
        %unpack3A_353 = tpu.unpack_subelements %get3A_352, 0 {pack_format = #tpu.pack_format<interleaved>} : vector<32xbf16> -> vector<16xf32>
        %unpack3A_354 = tpu.unpack_subelements %get3A_352, 1 {pack_format = #tpu.pack_format<interleaved>} : vector<32xbf16> -> vector<16xf32>
        %mul3A_355 = arith.mulf %gather3A_347, %unpack3A_353 : vector<16xf32>
        %add3A_356 = arith.addf %add3A_341, %mul3A_355 : vector<16xf32>
        %mul3A_357 = arith.mulf %gather3A_347, %unpack3A_354 : vector<16xf32>
        %add3A_358 = arith.addf %add3A_343, %mul3A_357 : vector<16xf32>
        %broadcast_in_dim3A_359 = arith.constant 12 : i32
        %broadcast_in_dim3A_360 = vector.broadcast %broadcast_in_dim3A_359 : i32 to vector<16x1xi32>
        %gather3A_361 = vector.shape_cast %broadcast_in_dim3A_360 : vector<16x1xi32> to vector<16xi32>
        %gather3A_362 = tpu.dynamic_gather %get3A_180[%gather3A_361] in [0] : vector<16xf32>, vector<16xi32> -> vector<16xf32>
        %add3A_363 = arith.constant 12 : i32
        %add3A_364 = arith.addi %add3A_179, %add3A_363 : i32
        %get3A_365 = arith.index_cast %add3A_364 : i32 to index
        %get3A_366 = arith.constant 0 : index
        %get3A_367 = tpu.vector_load %arg12[%get3A_365, %get3A_366] {strides = array<i32>} : memref<2048x32xbf16, #tpu.memory_space<vmem>>, vector<32xbf16>,
        %unpack3A_368 = tpu.unpack_subelements %get3A_367, 0 {pack_format = #tpu.pack_format<interleaved>} : vector<32xbf16> -> vector<16xf32>
        %unpack3A_369 = tpu.unpack_subelements %get3A_367, 1 {pack_format = #tpu.pack_format<interleaved>} : vector<32xbf16> -> vector<16xf32>
        %mul3A_370 = arith.mulf %gather3A_362, %unpack3A_368 : vector<16xf32>
        %add3A_371 = arith.addf %add3A_356, %mul3A_370 : vector<16xf32>
        %mul3A_372 = arith.mulf %gather3A_362, %unpack3A_369 : vector<16xf32>
        %add3A_373 = arith.addf %add3A_358, %mul3A_372 : vector<16xf32>
        %broadcast_in_dim3A_374 = arith.constant 13 : i32
        %broadcast_in_dim3A_375 = vector.broadcast %broadcast_in_dim3A_374 : i32 to vector<16x1xi32>
        %gather3A_376 = vector.shape_cast %broadcast_in_dim3A_375 : vector<16x1xi32> to vector<16xi32>
        %gather3A_377 = tpu.dynamic_gather %get3A_180[%gather3A_376] in [0] : vector<16xf32>, vector<16xi32> -> vector<16xf32>
        %add3A_378 = arith.constant 13 : i32
        %add3A_379 = arith.addi %add3A_179, %add3A_378 : i32
        %get3A_380 = arith.index_cast %add3A_379 : i32 to index
        %get3A_381 = arith.constant 0 : index
        %get3A_382 = tpu.vector_load %arg12[%get3A_380, %get3A_381] {strides = array<i32>} : memref<2048x32xbf16, #tpu.memory_space<vmem>>, vector<32xbf16>,
        %unpack3A_383 = tpu.unpack_subelements %get3A_382, 0 {pack_format = #tpu.pack_format<interleaved>} : vector<32xbf16> -> vector<16xf32>
        %unpack3A_384 = tpu.unpack_subelements %get3A_382, 1 {pack_format = #tpu.pack_format<interleaved>} : vector<32xbf16> -> vector<16xf32>
        %mul3A_385 = arith.mulf %gather3A_377, %unpack3A_383 : vector<16xf32>
        %add3A_386 = arith.addf %add3A_371, %mul3A_385 : vector<16xf32>
        %mul3A_387 = arith.mulf %gather3A_377, %unpack3A_384 : vector<16xf32>
        %add3A_388 = arith.addf %add3A_373, %mul3A_387 : vector<16xf32>
        %broadcast_in_dim3A_389 = arith.constant 14 : i32
        %broadcast_in_dim3A_390 = vector.broadcast %broadcast_in_dim3A_389 : i32 to vector<16x1xi32>
        %gather3A_391 = vector.shape_cast %broadcast_in_dim3A_390 : vector<16x1xi32> to vector<16xi32>
        %gather3A_392 = tpu.dynamic_gather %get3A_180[%gather3A_391] in [0] : vector<16xf32>, vector<16xi32> -> vector<16xf32>
        %add3A_393 = arith.constant 14 : i32
        %add3A_394 = arith.addi %add3A_179, %add3A_393 : i32
        %get3A_395 = arith.index_cast %add3A_394 : i32 to index
        %get3A_396 = arith.constant 0 : index
        %get3A_397 = tpu.vector_load %arg12[%get3A_395, %get3A_396] {strides = array<i32>} : memref<2048x32xbf16, #tpu.memory_space<vmem>>, vector<32xbf16>,
        %unpack3A_398 = tpu.unpack_subelements %get3A_397, 0 {pack_format = #tpu.pack_format<interleaved>} : vector<32xbf16> -> vector<16xf32>
        %unpack3A_399 = tpu.unpack_subelements %get3A_397, 1 {pack_format = #tpu.pack_format<interleaved>} : vector<32xbf16> -> vector<16xf32>
        %mul3A_400 = arith.mulf %gather3A_392, %unpack3A_398 : vector<16xf32>
        %add3A_401 = arith.addf %add3A_386, %mul3A_400 : vector<16xf32>
        %mul3A_402 = arith.mulf %gather3A_392, %unpack3A_399 : vector<16xf32>
        %add3A_403 = arith.addf %add3A_388, %mul3A_402 : vector<16xf32>
        %broadcast_in_dim3A_404 = arith.constant 15 : i32
        %broadcast_in_dim3A_405 = vector.broadcast %broadcast_in_dim3A_404 : i32 to vector<16x1xi32>
        %gather3A_406 = vector.shape_cast %broadcast_in_dim3A_405 : vector<16x1xi32> to vector<16xi32>
        %gather3A_407 = tpu.dynamic_gather %get3A_180[%gather3A_406] in [0] : vector<16xf32>, vector<16xi32> -> vector<16xf32>
        %add3A_408 = arith.constant 15 : i32
        %add3A_409 = arith.addi %add3A_179, %add3A_408 : i32
        %get3A_410 = arith.index_cast %add3A_409 : i32 to index
        %get3A_411 = arith.constant 0 : index
        %get3A_412 = tpu.vector_load %arg12[%get3A_410, %get3A_411] {strides = array<i32>} : memref<2048x32xbf16, #tpu.memory_space<vmem>>, vector<32xbf16>,
        %unpack3A_413 = tpu.unpack_subelements %get3A_412, 0 {pack_format = #tpu.pack_format<interleaved>} : vector<32xbf16> -> vector<16xf32>
        %unpack3A_414 = tpu.unpack_subelements %get3A_412, 1 {pack_format = #tpu.pack_format<interleaved>} : vector<32xbf16> -> vector<16xf32>
        %mul3A_415 = arith.mulf %gather3A_407, %unpack3A_413 : vector<16xf32>
        %add3A_416 = arith.addf %add3A_401, %mul3A_415 : vector<16xf32>
        %mul3A_417 = arith.mulf %gather3A_407, %unpack3A_414 : vector<16xf32>
        %add3A_418 = arith.addf %add3A_403, %mul3A_417 : vector<16xf32>
        %mul3A_419 = arith.constant 512 : i32
        %mul3A_420 = arith.muli %select_n3A, %mul3A_419 : i32
        %add3A_421 = arith.constant 128 : i32
        %add3A_422 = arith.addi %mul3A_420, %add3A_421 : i32
        %mul3A_423 = arith.constant 16 : i32
        %mul3A_424 = arith.muli %select_n3A_169, %mul3A_423 : i32
        %add3A_425 = arith.addi %add3A_422, %mul3A_424 : i32
        %get3A_426 = arith.index_cast %add3A_425 : i32 to index
        %get3A_427 = tpu.vector_load %arg10[%get3A_426] {strides = array<i32>} : memref<2048xf32, #tpu.memory_space<vmem>>, vector<16xf32>,
        %broadcast_in_dim3A_428 = arith.constant 0 : i32
        %broadcast_in_dim3A_429 = vector.broadcast %broadcast_in_dim3A_428 : i32 to vector<16x1xi32>
        %gather3A_430 = vector.shape_cast %broadcast_in_dim3A_429 : vector<16x1xi32> to vector<16xi32>
        %gather3A_431 = tpu.dynamic_gather %get3A_427[%gather3A_430] in [0] : vector<16xf32>, vector<16xi32> -> vector<16xf32>
        %add3A_432 = arith.constant 0 : i32
        %add3A_433 = arith.addi %add3A_425, %add3A_432 : i32
        %get3A_434 = arith.index_cast %add3A_433 : i32 to index
        %get3A_435 = arith.constant 0 : index
        %get3A_436 = tpu.vector_load %arg12[%get3A_434, %get3A_435] {strides = array<i32>} : memref<2048x32xbf16, #tpu.memory_space<vmem>>, vector<32xbf16>,
        %unpack3A_437 = tpu.unpack_subelements %get3A_436, 0 {pack_format = #tpu.pack_format<interleaved>} : vector<32xbf16> -> vector<16xf32>
        %unpack3A_438 = tpu.unpack_subelements %get3A_436, 1 {pack_format = #tpu.pack_format<interleaved>} : vector<32xbf16> -> vector<16xf32>
        %mul3A_439 = arith.mulf %gather3A_431, %unpack3A_437 : vector<16xf32>
        %add3A_440 = arith.addf %add3A_416, %mul3A_439 : vector<16xf32>
        %mul3A_441 = arith.mulf %gather3A_431, %unpack3A_438 : vector<16xf32>
        %add3A_442 = arith.addf %add3A_418, %mul3A_441 : vector<16xf32>
        %broadcast_in_dim3A_443 = arith.constant 1 : i32
        %broadcast_in_dim3A_444 = vector.broadcast %broadcast_in_dim3A_443 : i32 to vector<16x1xi32>
        %gather3A_445 = vector.shape_cast %broadcast_in_dim3A_444 : vector<16x1xi32> to vector<16xi32>
        %gather3A_446 = tpu.dynamic_gather %get3A_427[%gather3A_445] in [0] : vector<16xf32>, vector<16xi32> -> vector<16xf32>
        %add3A_447 = arith.constant 1 : i32
        %add3A_448 = arith.addi %add3A_425, %add3A_447 : i32
        %get3A_449 = arith.index_cast %add3A_448 : i32 to index
        %get3A_450 = arith.constant 0 : index
        %get3A_451 = tpu.vector_load %arg12[%get3A_449, %get3A_450] {strides = array<i32>} : memref<2048x32xbf16, #tpu.memory_space<vmem>>, vector<32xbf16>,
        %unpack3A_452 = tpu.unpack_subelements %get3A_451, 0 {pack_format = #tpu.pack_format<interleaved>} : vector<32xbf16> -> vector<16xf32>
        %unpack3A_453 = tpu.unpack_subelements %get3A_451, 1 {pack_format = #tpu.pack_format<interleaved>} : vector<32xbf16> -> vector<16xf32>
        %mul3A_454 = arith.mulf %gather3A_446, %unpack3A_452 : vector<16xf32>
        %add3A_455 = arith.addf %add3A_440, %mul3A_454 : vector<16xf32>
        %mul3A_456 = arith.mulf %gather3A_446, %unpack3A_453 : vector<16xf32>
        %add3A_457 = arith.addf %add3A_442, %mul3A_456 : vector<16xf32>
        %broadcast_in_dim3A_458 = arith.constant 2 : i32
        %broadcast_in_dim3A_459 = vector.broadcast %broadcast_in_dim3A_458 : i32 to vector<16x1xi32>
        %gather3A_460 = vector.shape_cast %broadcast_in_dim3A_459 : vector<16x1xi32> to vector<16xi32>
        %gather3A_461 = tpu.dynamic_gather %get3A_427[%gather3A_460] in [0] : vector<16xf32>, vector<16xi32> -> vector<16xf32>
        %add3A_462 = arith.constant 2 : i32
        %add3A_463 = arith.addi %add3A_425, %add3A_462 : i32
        %get3A_464 = arith.index_cast %add3A_463 : i32 to index
        %get3A_465 = arith.constant 0 : index
        %get3A_466 = tpu.vector_load %arg12[%get3A_464, %get3A_465] {strides = array<i32>} : memref<2048x32xbf16, #tpu.memory_space<vmem>>, vector<32xbf16>,
        %unpack3A_467 = tpu.unpack_subelements %get3A_466, 0 {pack_format = #tpu.pack_format<interleaved>} : vector<32xbf16> -> vector<16xf32>
        %unpack3A_468 = tpu.unpack_subelements %get3A_466, 1 {pack_format = #tpu.pack_format<interleaved>} : vector<32xbf16> -> vector<16xf32>
        %mul3A_469 = arith.mulf %gather3A_461, %unpack3A_467 : vector<16xf32>
        %add3A_470 = arith.addf %add3A_455, %mul3A_469 : vector<16xf32>
        %mul3A_471 = arith.mulf %gather3A_461, %unpack3A_468 : vector<16xf32>
        %add3A_472 = arith.addf %add3A_457, %mul3A_471 : vector<16xf32>
        %broadcast_in_dim3A_473 = arith.constant 3 : i32
        %broadcast_in_dim3A_474 = vector.broadcast %broadcast_in_dim3A_473 : i32 to vector<16x1xi32>
        %gather3A_475 = vector.shape_cast %broadcast_in_dim3A_474 : vector<16x1xi32> to vector<16xi32>
        %gather3A_476 = tpu.dynamic_gather %get3A_427[%gather3A_475] in [0] : vector<16xf32>, vector<16xi32> -> vector<16xf32>
        %add3A_477 = arith.constant 3 : i32
        %add3A_478 = arith.addi %add3A_425, %add3A_477 : i32
        %get3A_479 = arith.index_cast %add3A_478 : i32 to index
        %get3A_480 = arith.constant 0 : index
        %get3A_481 = tpu.vector_load %arg12[%get3A_479, %get3A_480] {strides = array<i32>} : memref<2048x32xbf16, #tpu.memory_space<vmem>>, vector<32xbf16>,
        %unpack3A_482 = tpu.unpack_subelements %get3A_481, 0 {pack_format = #tpu.pack_format<interleaved>} : vector<32xbf16> -> vector<16xf32>
        %unpack3A_483 = tpu.unpack_subelements %get3A_481, 1 {pack_format = #tpu.pack_format<interleaved>} : vector<32xbf16> -> vector<16xf32>
        %mul3A_484 = arith.mulf %gather3A_476, %unpack3A_482 : vector<16xf32>
        %add3A_485 = arith.addf %add3A_470, %mul3A_484 : vector<16xf32>
        %mul3A_486 = arith.mulf %gather3A_476, %unpack3A_483 : vector<16xf32>
        %add3A_487 = arith.addf %add3A_472, %mul3A_486 : vector<16xf32>
        %broadcast_in_dim3A_488 = arith.constant 4 : i32
        %broadcast_in_dim3A_489 = vector.broadcast %broadcast_in_dim3A_488 : i32 to vector<16x1xi32>
        %gather3A_490 = vector.shape_cast %broadcast_in_dim3A_489 : vector<16x1xi32> to vector<16xi32>
        %gather3A_491 = tpu.dynamic_gather %get3A_427[%gather3A_490] in [0] : vector<16xf32>, vector<16xi32> -> vector<16xf32>
        %add3A_492 = arith.constant 4 : i32
        %add3A_493 = arith.addi %add3A_425, %add3A_492 : i32
        %get3A_494 = arith.index_cast %add3A_493 : i32 to index
        %get3A_495 = arith.constant 0 : index
        %get3A_496 = tpu.vector_load %arg12[%get3A_494, %get3A_495] {strides = array<i32>} : memref<2048x32xbf16, #tpu.memory_space<vmem>>, vector<32xbf16>,
        %unpack3A_497 = tpu.unpack_subelements %get3A_496, 0 {pack_format = #tpu.pack_format<interleaved>} : vector<32xbf16> -> vector<16xf32>
        %unpack3A_498 = tpu.unpack_subelements %get3A_496, 1 {pack_format = #tpu.pack_format<interleaved>} : vector<32xbf16> -> vector<16xf32>
        %mul3A_499 = arith.mulf %gather3A_491, %unpack3A_497 : vector<16xf32>
        %add3A_500 = arith.addf %add3A_485, %mul3A_499 : vector<16xf32>
        %mul3A_501 = arith.mulf %gather3A_491, %unpack3A_498 : vector<16xf32>
        %add3A_502 = arith.addf %add3A_487, %mul3A_501 : vector<16xf32>
        %broadcast_in_dim3A_503 = arith.constant 5 : i32
        %broadcast_in_dim3A_504 = vector.broadcast %broadcast_in_dim3A_503 : i32 to vector<16x1xi32>
        %gather3A_505 = vector.shape_cast %broadcast_in_dim3A_504 : vector<16x1xi32> to vector<16xi32>
        %gather3A_506 = tpu.dynamic_gather %get3A_427[%gather3A_505] in [0] : vector<16xf32>, vector<16xi32> -> vector<16xf32>
        %add3A_507 = arith.constant 5 : i32
        %add3A_508 = arith.addi %add3A_425, %add3A_507 : i32
        %get3A_509 = arith.index_cast %add3A_508 : i32 to index
        %get3A_510 = arith.constant 0 : index
        %get3A_511 = tpu.vector_load %arg12[%get3A_509, %get3A_510] {strides = array<i32>} : memref<2048x32xbf16, #tpu.memory_space<vmem>>, vector<32xbf16>,
        %unpack3A_512 = tpu.unpack_subelements %get3A_511, 0 {pack_format = #tpu.pack_format<interleaved>} : vector<32xbf16> -> vector<16xf32>
        %unpack3A_513 = tpu.unpack_subelements %get3A_511, 1 {pack_format = #tpu.pack_format<interleaved>} : vector<32xbf16> -> vector<16xf32>
        %mul3A_514 = arith.mulf %gather3A_506, %unpack3A_512 : vector<16xf32>
        %add3A_515 = arith.addf %add3A_500, %mul3A_514 : vector<16xf32>
        %mul3A_516 = arith.mulf %gather3A_506, %unpack3A_513 : vector<16xf32>
        %add3A_517 = arith.addf %add3A_502, %mul3A_516 : vector<16xf32>
        %broadcast_in_dim3A_518 = arith.constant 6 : i32
        %broadcast_in_dim3A_519 = vector.broadcast %broadcast_in_dim3A_518 : i32 to vector<16x1xi32>
        %gather3A_520 = vector.shape_cast %broadcast_in_dim3A_519 : vector<16x1xi32> to vector<16xi32>
        %gather3A_521 = tpu.dynamic_gather %get3A_427[%gather3A_520] in [0] : vector<16xf32>, vector<16xi32> -> vector<16xf32>
        %add3A_522 = arith.constant 6 : i32
        %add3A_523 = arith.addi %add3A_425, %add3A_522 : i32
        %get3A_524 = arith.index_cast %add3A_523 : i32 to index
        %get3A_525 = arith.constant 0 : index
        %get3A_526 = tpu.vector_load %arg12[%get3A_524, %get3A_525] {strides = array<i32>} : memref<2048x32xbf16, #tpu.memory_space<vmem>>, vector<32xbf16>,
        %unpack3A_527 = tpu.unpack_subelements %get3A_526, 0 {pack_format = #tpu.pack_format<interleaved>} : vector<32xbf16> -> vector<16xf32>
        %unpack3A_528 = tpu.unpack_subelements %get3A_526, 1 {pack_format = #tpu.pack_format<interleaved>} : vector<32xbf16> -> vector<16xf32>
        %mul3A_529 = arith.mulf %gather3A_521, %unpack3A_527 : vector<16xf32>
        %add3A_530 = arith.addf %add3A_515, %mul3A_529 : vector<16xf32>
        %mul3A_531 = arith.mulf %gather3A_521, %unpack3A_528 : vector<16xf32>
        %add3A_532 = arith.addf %add3A_517, %mul3A_531 : vector<16xf32>
        %broadcast_in_dim3A_533 = arith.constant 7 : i32
        %broadcast_in_dim3A_534 = vector.broadcast %broadcast_in_dim3A_533 : i32 to vector<16x1xi32>
        %gather3A_535 = vector.shape_cast %broadcast_in_dim3A_534 : vector<16x1xi32> to vector<16xi32>
        %gather3A_536 = tpu.dynamic_gather %get3A_427[%gather3A_535] in [0] : vector<16xf32>, vector<16xi32> -> vector<16xf32>
        %add3A_537 = arith.constant 7 : i32
        %add3A_538 = arith.addi %add3A_425, %add3A_537 : i32
        %get3A_539 = arith.index_cast %add3A_538 : i32 to index
        %get3A_540 = arith.constant 0 : index
        %get3A_541 = tpu.vector_load %arg12[%get3A_539, %get3A_540] {strides = array<i32>} : memref<2048x32xbf16, #tpu.memory_space<vmem>>, vector<32xbf16>,
        %unpack3A_542 = tpu.unpack_subelements %get3A_541, 0 {pack_format = #tpu.pack_format<interleaved>} : vector<32xbf16> -> vector<16xf32>
        %unpack3A_543 = tpu.unpack_subelements %get3A_541, 1 {pack_format = #tpu.pack_format<interleaved>} : vector<32xbf16> -> vector<16xf32>
        %mul3A_544 = arith.mulf %gather3A_536, %unpack3A_542 : vector<16xf32>
        %add3A_545 = arith.addf %add3A_530, %mul3A_544 : vector<16xf32>
        %mul3A_546 = arith.mulf %gather3A_536, %unpack3A_543 : vector<16xf32>
        %add3A_547 = arith.addf %add3A_532, %mul3A_546 : vector<16xf32>
        %broadcast_in_dim3A_548 = arith.constant 8 : i32
        %broadcast_in_dim3A_549 = vector.broadcast %broadcast_in_dim3A_548 : i32 to vector<16x1xi32>
        %gather3A_550 = vector.shape_cast %broadcast_in_dim3A_549 : vector<16x1xi32> to vector<16xi32>
        %gather3A_551 = tpu.dynamic_gather %get3A_427[%gather3A_550] in [0] : vector<16xf32>, vector<16xi32> -> vector<16xf32>
        %add3A_552 = arith.constant 8 : i32
        %add3A_553 = arith.addi %add3A_425, %add3A_552 : i32
        %get3A_554 = arith.index_cast %add3A_553 : i32 to index
        %get3A_555 = arith.constant 0 : index
        %get3A_556 = tpu.vector_load %arg12[%get3A_554, %get3A_555] {strides = array<i32>} : memref<2048x32xbf16, #tpu.memory_space<vmem>>, vector<32xbf16>,
        %unpack3A_557 = tpu.unpack_subelements %get3A_556, 0 {pack_format = #tpu.pack_format<interleaved>} : vector<32xbf16> -> vector<16xf32>
        %unpack3A_558 = tpu.unpack_subelements %get3A_556, 1 {pack_format = #tpu.pack_format<interleaved>} : vector<32xbf16> -> vector<16xf32>
        %mul3A_559 = arith.mulf %gather3A_551, %unpack3A_557 : vector<16xf32>
        %add3A_560 = arith.addf %add3A_545, %mul3A_559 : vector<16xf32>
        %mul3A_561 = arith.mulf %gather3A_551, %unpack3A_558 : vector<16xf32>
        %add3A_562 = arith.addf %add3A_547, %mul3A_561 : vector<16xf32>
        %broadcast_in_dim3A_563 = arith.constant 9 : i32
        %broadcast_in_dim3A_564 = vector.broadcast %broadcast_in_dim3A_563 : i32 to vector<16x1xi32>
        %gather3A_565 = vector.shape_cast %broadcast_in_dim3A_564 : vector<16x1xi32> to vector<16xi32>
        %gather3A_566 = tpu.dynamic_gather %get3A_427[%gather3A_565] in [0] : vector<16xf32>, vector<16xi32> -> vector<16xf32>
        %add3A_567 = arith.constant 9 : i32
        %add3A_568 = arith.addi %add3A_425, %add3A_567 : i32
        %get3A_569 = arith.index_cast %add3A_568 : i32 to index
        %get3A_570 = arith.constant 0 : index
        %get3A_571 = tpu.vector_load %arg12[%get3A_569, %get3A_570] {strides = array<i32>} : memref<2048x32xbf16, #tpu.memory_space<vmem>>, vector<32xbf16>,
        %unpack3A_572 = tpu.unpack_subelements %get3A_571, 0 {pack_format = #tpu.pack_format<interleaved>} : vector<32xbf16> -> vector<16xf32>
        %unpack3A_573 = tpu.unpack_subelements %get3A_571, 1 {pack_format = #tpu.pack_format<interleaved>} : vector<32xbf16> -> vector<16xf32>
        %mul3A_574 = arith.mulf %gather3A_566, %unpack3A_572 : vector<16xf32>
        %add3A_575 = arith.addf %add3A_560, %mul3A_574 : vector<16xf32>
        %mul3A_576 = arith.mulf %gather3A_566, %unpack3A_573 : vector<16xf32>
        %add3A_577 = arith.addf %add3A_562, %mul3A_576 : vector<16xf32>
        %broadcast_in_dim3A_578 = arith.constant 10 : i32
        %broadcast_in_dim3A_579 = vector.broadcast %broadcast_in_dim3A_578 : i32 to vector<16x1xi32>
        %gather3A_580 = vector.shape_cast %broadcast_in_dim3A_579 : vector<16x1xi32> to vector<16xi32>
        %gather3A_581 = tpu.dynamic_gather %get3A_427[%gather3A_580] in [0] : vector<16xf32>, vector<16xi32> -> vector<16xf32>
        %add3A_582 = arith.constant 10 : i32
        %add3A_583 = arith.addi %add3A_425, %add3A_582 : i32
        %get3A_584 = arith.index_cast %add3A_583 : i32 to index
        %get3A_585 = arith.constant 0 : index
        %get3A_586 = tpu.vector_load %arg12[%get3A_584, %get3A_585] {strides = array<i32>} : memref<2048x32xbf16, #tpu.memory_space<vmem>>, vector<32xbf16>,
        %unpack3A_587 = tpu.unpack_subelements %get3A_586, 0 {pack_format = #tpu.pack_format<interleaved>} : vector<32xbf16> -> vector<16xf32>
        %unpack3A_588 = tpu.unpack_subelements %get3A_586, 1 {pack_format = #tpu.pack_format<interleaved>} : vector<32xbf16> -> vector<16xf32>
        %mul3A_589 = arith.mulf %gather3A_581, %unpack3A_587 : vector<16xf32>
        %add3A_590 = arith.addf %add3A_575, %mul3A_589 : vector<16xf32>
        %mul3A_591 = arith.mulf %gather3A_581, %unpack3A_588 : vector<16xf32>
        %add3A_592 = arith.addf %add3A_577, %mul3A_591 : vector<16xf32>
        %broadcast_in_dim3A_593 = arith.constant 11 : i32
        %broadcast_in_dim3A_594 = vector.broadcast %broadcast_in_dim3A_593 : i32 to vector<16x1xi32>
        %gather3A_595 = vector.shape_cast %broadcast_in_dim3A_594 : vector<16x1xi32> to vector<16xi32>
        %gather3A_596 = tpu.dynamic_gather %get3A_427[%gather3A_595] in [0] : vector<16xf32>, vector<16xi32> -> vector<16xf32>
        %add3A_597 = arith.constant 11 : i32
        %add3A_598 = arith.addi %add3A_425, %add3A_597 : i32
        %get3A_599 = arith.index_cast %add3A_598 : i32 to index
        %get3A_600 = arith.constant 0 : index
        %get3A_601 = tpu.vector_load %arg12[%get3A_599, %get3A_600] {strides = array<i32>} : memref<2048x32xbf16, #tpu.memory_space<vmem>>, vector<32xbf16>,
        %unpack3A_602 = tpu.unpack_subelements %get3A_601, 0 {pack_format = #tpu.pack_format<interleaved>} : vector<32xbf16> -> vector<16xf32>
        %unpack3A_603 = tpu.unpack_subelements %get3A_601, 1 {pack_format = #tpu.pack_format<interleaved>} : vector<32xbf16> -> vector<16xf32>
        %mul3A_604 = arith.mulf %gather3A_596, %unpack3A_602 : vector<16xf32>
        %add3A_605 = arith.addf %add3A_590, %mul3A_604 : vector<16xf32>
        %mul3A_606 = arith.mulf %gather3A_596, %unpack3A_603 : vector<16xf32>
        %add3A_607 = arith.addf %add3A_592, %mul3A_606 : vector<16xf32>
        %broadcast_in_dim3A_608 = arith.constant 12 : i32
        %broadcast_in_dim3A_609 = vector.broadcast %broadcast_in_dim3A_608 : i32 to vector<16x1xi32>
        %gather3A_610 = vector.shape_cast %broadcast_in_dim3A_609 : vector<16x1xi32> to vector<16xi32>
        %gather3A_611 = tpu.dynamic_gather %get3A_427[%gather3A_610] in [0] : vector<16xf32>, vector<16xi32> -> vector<16xf32>
        %add3A_612 = arith.constant 12 : i32
        %add3A_613 = arith.addi %add3A_425, %add3A_612 : i32
        %get3A_614 = arith.index_cast %add3A_613 : i32 to index
        %get3A_615 = arith.constant 0 : index
        %get3A_616 = tpu.vector_load %arg12[%get3A_614, %get3A_615] {strides = array<i32>} : memref<2048x32xbf16, #tpu.memory_space<vmem>>, vector<32xbf16>,
        %unpack3A_617 = tpu.unpack_subelements %get3A_616, 0 {pack_format = #tpu.pack_format<interleaved>} : vector<32xbf16> -> vector<16xf32>
        %unpack3A_618 = tpu.unpack_subelements %get3A_616, 1 {pack_format = #tpu.pack_format<interleaved>} : vector<32xbf16> -> vector<16xf32>
        %mul3A_619 = arith.mulf %gather3A_611, %unpack3A_617 : vector<16xf32>
        %add3A_620 = arith.addf %add3A_605, %mul3A_619 : vector<16xf32>
        %mul3A_621 = arith.mulf %gather3A_611, %unpack3A_618 : vector<16xf32>
        %add3A_622 = arith.addf %add3A_607, %mul3A_621 : vector<16xf32>
        %broadcast_in_dim3A_623 = arith.constant 13 : i32
        %broadcast_in_dim3A_624 = vector.broadcast %broadcast_in_dim3A_623 : i32 to vector<16x1xi32>
        %gather3A_625 = vector.shape_cast %broadcast_in_dim3A_624 : vector<16x1xi32> to vector<16xi32>
        %gather3A_626 = tpu.dynamic_gather %get3A_427[%gather3A_625] in [0] : vector<16xf32>, vector<16xi32> -> vector<16xf32>
        %add3A_627 = arith.constant 13 : i32
        %add3A_628 = arith.addi %add3A_425, %add3A_627 : i32
        %get3A_629 = arith.index_cast %add3A_628 : i32 to index
        %get3A_630 = arith.constant 0 : index
        %get3A_631 = tpu.vector_load %arg12[%get3A_629, %get3A_630] {strides = array<i32>} : memref<2048x32xbf16, #tpu.memory_space<vmem>>, vector<32xbf16>,
        %unpack3A_632 = tpu.unpack_subelements %get3A_631, 0 {pack_format = #tpu.pack_format<interleaved>} : vector<32xbf16> -> vector<16xf32>
        %unpack3A_633 = tpu.unpack_subelements %get3A_631, 1 {pack_format = #tpu.pack_format<interleaved>} : vector<32xbf16> -> vector<16xf32>
        %mul3A_634 = arith.mulf %gather3A_626, %unpack3A_632 : vector<16xf32>
        %add3A_635 = arith.addf %add3A_620, %mul3A_634 : vector<16xf32>
        %mul3A_636 = arith.mulf %gather3A_626, %unpack3A_633 : vector<16xf32>
        %add3A_637 = arith.addf %add3A_622, %mul3A_636 : vector<16xf32>
        %broadcast_in_dim3A_638 = arith.constant 14 : i32
        %broadcast_in_dim3A_639 = vector.broadcast %broadcast_in_dim3A_638 : i32 to vector<16x1xi32>
        %gather3A_640 = vector.shape_cast %broadcast_in_dim3A_639 : vector<16x1xi32> to vector<16xi32>
        %gather3A_641 = tpu.dynamic_gather %get3A_427[%gather3A_640] in [0] : vector<16xf32>, vector<16xi32> -> vector<16xf32>
        %add3A_642 = arith.constant 14 : i32
        %add3A_643 = arith.addi %add3A_425, %add3A_642 : i32
        %get3A_644 = arith.index_cast %add3A_643 : i32 to index
        %get3A_645 = arith.constant 0 : index
        %get3A_646 = tpu.vector_load %arg12[%get3A_644, %get3A_645] {strides = array<i32>} : memref<2048x32xbf16, #tpu.memory_space<vmem>>, vector<32xbf16>,
        %unpack3A_647 = tpu.unpack_subelements %get3A_646, 0 {pack_format = #tpu.pack_format<interleaved>} : vector<32xbf16> -> vector<16xf32>
        %unpack3A_648 = tpu.unpack_subelements %get3A_646, 1 {pack_format = #tpu.pack_format<interleaved>} : vector<32xbf16> -> vector<16xf32>
        %mul3A_649 = arith.mulf %gather3A_641, %unpack3A_647 : vector<16xf32>
        %add3A_650 = arith.addf %add3A_635, %mul3A_649 : vector<16xf32>
        %mul3A_651 = arith.mulf %gather3A_641, %unpack3A_648 : vector<16xf32>
        %add3A_652 = arith.addf %add3A_637, %mul3A_651 : vector<16xf32>
        %broadcast_in_dim3A_653 = arith.constant 15 : i32
        %broadcast_in_dim3A_654 = vector.broadcast %broadcast_in_dim3A_653 : i32 to vector<16x1xi32>
        %gather3A_655 = vector.shape_cast %broadcast_in_dim3A_654 : vector<16x1xi32> to vector<16xi32>
        %gather3A_656 = tpu.dynamic_gather %get3A_427[%gather3A_655] in [0] : vector<16xf32>, vector<16xi32> -> vector<16xf32>
        %add3A_657 = arith.constant 15 : i32
        %add3A_658 = arith.addi %add3A_425, %add3A_657 : i32
        %get3A_659 = arith.index_cast %add3A_658 : i32 to index
        %get3A_660 = arith.constant 0 : index
        %get3A_661 = tpu.vector_load %arg12[%get3A_659, %get3A_660] {strides = array<i32>} : memref<2048x32xbf16, #tpu.memory_space<vmem>>, vector<32xbf16>,
        %unpack3A_662 = tpu.unpack_subelements %get3A_661, 0 {pack_format = #tpu.pack_format<interleaved>} : vector<32xbf16> -> vector<16xf32>
        %unpack3A_663 = tpu.unpack_subelements %get3A_661, 1 {pack_format = #tpu.pack_format<interleaved>} : vector<32xbf16> -> vector<16xf32>
        %mul3A_664 = arith.mulf %gather3A_656, %unpack3A_662 : vector<16xf32>
        %add3A_665 = arith.addf %add3A_650, %mul3A_664 : vector<16xf32>
        %mul3A_666 = arith.mulf %gather3A_656, %unpack3A_663 : vector<16xf32>
        %add3A_667 = arith.addf %add3A_652, %mul3A_666 : vector<16xf32>
        %mul3A_668 = arith.constant 512 : i32
        %mul3A_669 = arith.muli %select_n3A, %mul3A_668 : i32
        %add3A_670 = arith.constant 256 : i32
        %add3A_671 = arith.addi %mul3A_669, %add3A_670 : i32
        %mul3A_672 = arith.constant 16 : i32
        %mul3A_673 = arith.muli %select_n3A_169, %mul3A_672 : i32
        %add3A_674 = arith.addi %add3A_671, %mul3A_673 : i32
        %get3A_675 = arith.index_cast %add3A_674 : i32 to index
        %get3A_676 = tpu.vector_load %arg10[%get3A_675] {strides = array<i32>} : memref<2048xf32, #tpu.memory_space<vmem>>, vector<16xf32>,
        %broadcast_in_dim3A_677 = arith.constant 0 : i32
        %broadcast_in_dim3A_678 = vector.broadcast %broadcast_in_dim3A_677 : i32 to vector<16x1xi32>
        %gather3A_679 = vector.shape_cast %broadcast_in_dim3A_678 : vector<16x1xi32> to vector<16xi32>
        %gather3A_680 = tpu.dynamic_gather %get3A_676[%gather3A_679] in [0] : vector<16xf32>, vector<16xi32> -> vector<16xf32>
        %add3A_681 = arith.constant 0 : i32
        %add3A_682 = arith.addi %add3A_674, %add3A_681 : i32
        %get3A_683 = arith.index_cast %add3A_682 : i32 to index
        %get3A_684 = arith.constant 0 : index
        %get3A_685 = tpu.vector_load %arg12[%get3A_683, %get3A_684] {strides = array<i32>} : memref<2048x32xbf16, #tpu.memory_space<vmem>>, vector<32xbf16>,
        %unpack3A_686 = tpu.unpack_subelements %get3A_685, 0 {pack_format = #tpu.pack_format<interleaved>} : vector<32xbf16> -> vector<16xf32>
        %unpack3A_687 = tpu.unpack_subelements %get3A_685, 1 {pack_format = #tpu.pack_format<interleaved>} : vector<32xbf16> -> vector<16xf32>
        %mul3A_688 = arith.mulf %gather3A_680, %unpack3A_686 : vector<16xf32>
        %add3A_689 = arith.addf %add3A_665, %mul3A_688 : vector<16xf32>
        %mul3A_690 = arith.mulf %gather3A_680, %unpack3A_687 : vector<16xf32>
        %add3A_691 = arith.addf %add3A_667, %mul3A_690 : vector<16xf32>
        %broadcast_in_dim3A_692 = arith.constant 1 : i32
        %broadcast_in_dim3A_693 = vector.broadcast %broadcast_in_dim3A_692 : i32 to vector<16x1xi32>
        %gather3A_694 = vector.shape_cast %broadcast_in_dim3A_693 : vector<16x1xi32> to vector<16xi32>
        %gather3A_695 = tpu.dynamic_gather %get3A_676[%gather3A_694] in [0] : vector<16xf32>, vector<16xi32> -> vector<16xf32>
        %add3A_696 = arith.constant 1 : i32
        %add3A_697 = arith.addi %add3A_674, %add3A_696 : i32
        %get3A_698 = arith.index_cast %add3A_697 : i32 to index
        %get3A_699 = arith.constant 0 : index
        %get3A_700 = tpu.vector_load %arg12[%get3A_698, %get3A_699] {strides = array<i32>} : memref<2048x32xbf16, #tpu.memory_space<vmem>>, vector<32xbf16>,
        %unpack3A_701 = tpu.unpack_subelements %get3A_700, 0 {pack_format = #tpu.pack_format<interleaved>} : vector<32xbf16> -> vector<16xf32>
        %unpack3A_702 = tpu.unpack_subelements %get3A_700, 1 {pack_format = #tpu.pack_format<interleaved>} : vector<32xbf16> -> vector<16xf32>
        %mul3A_703 = arith.mulf %gather3A_695, %unpack3A_701 : vector<16xf32>
        %add3A_704 = arith.addf %add3A_689, %mul3A_703 : vector<16xf32>
        %mul3A_705 = arith.mulf %gather3A_695, %unpack3A_702 : vector<16xf32>
        %add3A_706 = arith.addf %add3A_691, %mul3A_705 : vector<16xf32>
        %broadcast_in_dim3A_707 = arith.constant 2 : i32
        %broadcast_in_dim3A_708 = vector.broadcast %broadcast_in_dim3A_707 : i32 to vector<16x1xi32>
        %gather3A_709 = vector.shape_cast %broadcast_in_dim3A_708 : vector<16x1xi32> to vector<16xi32>
        %gather3A_710 = tpu.dynamic_gather %get3A_676[%gather3A_709] in [0] : vector<16xf32>, vector<16xi32> -> vector<16xf32>
        %add3A_711 = arith.constant 2 : i32
        %add3A_712 = arith.addi %add3A_674, %add3A_711 : i32
        %get3A_713 = arith.index_cast %add3A_712 : i32 to index
        %get3A_714 = arith.constant 0 : index
        %get3A_715 = tpu.vector_load %arg12[%get3A_713, %get3A_714] {strides = array<i32>} : memref<2048x32xbf16, #tpu.memory_space<vmem>>, vector<32xbf16>,
        %unpack3A_716 = tpu.unpack_subelements %get3A_715, 0 {pack_format = #tpu.pack_format<interleaved>} : vector<32xbf16> -> vector<16xf32>
        %unpack3A_717 = tpu.unpack_subelements %get3A_715, 1 {pack_format = #tpu.pack_format<interleaved>} : vector<32xbf16> -> vector<16xf32>
        %mul3A_718 = arith.mulf %gather3A_710, %unpack3A_716 : vector<16xf32>
        %add3A_719 = arith.addf %add3A_704, %mul3A_718 : vector<16xf32>
        %mul3A_720 = arith.mulf %gather3A_710, %unpack3A_717 : vector<16xf32>
        %add3A_721 = arith.addf %add3A_706, %mul3A_720 : vector<16xf32>
        %broadcast_in_dim3A_722 = arith.constant 3 : i32
        %broadcast_in_dim3A_723 = vector.broadcast %broadcast_in_dim3A_722 : i32 to vector<16x1xi32>
        %gather3A_724 = vector.shape_cast %broadcast_in_dim3A_723 : vector<16x1xi32> to vector<16xi32>
        %gather3A_725 = tpu.dynamic_gather %get3A_676[%gather3A_724] in [0] : vector<16xf32>, vector<16xi32> -> vector<16xf32>
        %add3A_726 = arith.constant 3 : i32
        %add3A_727 = arith.addi %add3A_674, %add3A_726 : i32
        %get3A_728 = arith.index_cast %add3A_727 : i32 to index
        %get3A_729 = arith.constant 0 : index
        %get3A_730 = tpu.vector_load %arg12[%get3A_728, %get3A_729] {strides = array<i32>} : memref<2048x32xbf16, #tpu.memory_space<vmem>>, vector<32xbf16>,
        %unpack3A_731 = tpu.unpack_subelements %get3A_730, 0 {pack_format = #tpu.pack_format<interleaved>} : vector<32xbf16> -> vector<16xf32>
        %unpack3A_732 = tpu.unpack_subelements %get3A_730, 1 {pack_format = #tpu.pack_format<interleaved>} : vector<32xbf16> -> vector<16xf32>
        %mul3A_733 = arith.mulf %gather3A_725, %unpack3A_731 : vector<16xf32>
        %add3A_734 = arith.addf %add3A_719, %mul3A_733 : vector<16xf32>
        %mul3A_735 = arith.mulf %gather3A_725, %unpack3A_732 : vector<16xf32>
        %add3A_736 = arith.addf %add3A_721, %mul3A_735 : vector<16xf32>
        %broadcast_in_dim3A_737 = arith.constant 4 : i32
        %broadcast_in_dim3A_738 = vector.broadcast %broadcast_in_dim3A_737 : i32 to vector<16x1xi32>
        %gather3A_739 = vector.shape_cast %broadcast_in_dim3A_738 : vector<16x1xi32> to vector<16xi32>
        %gather3A_740 = tpu.dynamic_gather %get3A_676[%gather3A_739] in [0] : vector<16xf32>, vector<16xi32> -> vector<16xf32>
        %add3A_741 = arith.constant 4 : i32
        %add3A_742 = arith.addi %add3A_674, %add3A_741 : i32
        %get3A_743 = arith.index_cast %add3A_742 : i32 to index
        %get3A_744 = arith.constant 0 : index
        %get3A_745 = tpu.vector_load %arg12[%get3A_743, %get3A_744] {strides = array<i32>} : memref<2048x32xbf16, #tpu.memory_space<vmem>>, vector<32xbf16>,
        %unpack3A_746 = tpu.unpack_subelements %get3A_745, 0 {pack_format = #tpu.pack_format<interleaved>} : vector<32xbf16> -> vector<16xf32>
        %unpack3A_747 = tpu.unpack_subelements %get3A_745, 1 {pack_format = #tpu.pack_format<interleaved>} : vector<32xbf16> -> vector<16xf32>
        %mul3A_748 = arith.mulf %gather3A_740, %unpack3A_746 : vector<16xf32>
        %add3A_749 = arith.addf %add3A_734, %mul3A_748 : vector<16xf32>
        %mul3A_750 = arith.mulf %gather3A_740, %unpack3A_747 : vector<16xf32>
        %add3A_751 = arith.addf %add3A_736, %mul3A_750 : vector<16xf32>
        %broadcast_in_dim3A_752 = arith.constant 5 : i32
        %broadcast_in_dim3A_753 = vector.broadcast %broadcast_in_dim3A_752 : i32 to vector<16x1xi32>
        %gather3A_754 = vector.shape_cast %broadcast_in_dim3A_753 : vector<16x1xi32> to vector<16xi32>
        %gather3A_755 = tpu.dynamic_gather %get3A_676[%gather3A_754] in [0] : vector<16xf32>, vector<16xi32> -> vector<16xf32>
        %add3A_756 = arith.constant 5 : i32
        %add3A_757 = arith.addi %add3A_674, %add3A_756 : i32
        %get3A_758 = arith.index_cast %add3A_757 : i32 to index
        %get3A_759 = arith.constant 0 : index
        %get3A_760 = tpu.vector_load %arg12[%get3A_758, %get3A_759] {strides = array<i32>} : memref<2048x32xbf16, #tpu.memory_space<vmem>>, vector<32xbf16>,
        %unpack3A_761 = tpu.unpack_subelements %get3A_760, 0 {pack_format = #tpu.pack_format<interleaved>} : vector<32xbf16> -> vector<16xf32>
        %unpack3A_762 = tpu.unpack_subelements %get3A_760, 1 {pack_format = #tpu.pack_format<interleaved>} : vector<32xbf16> -> vector<16xf32>
        %mul3A_763 = arith.mulf %gather3A_755, %unpack3A_761 : vector<16xf32>
        %add3A_764 = arith.addf %add3A_749, %mul3A_763 : vector<16xf32>
        %mul3A_765 = arith.mulf %gather3A_755, %unpack3A_762 : vector<16xf32>
        %add3A_766 = arith.addf %add3A_751, %mul3A_765 : vector<16xf32>
        %broadcast_in_dim3A_767 = arith.constant 6 : i32
        %broadcast_in_dim3A_768 = vector.broadcast %broadcast_in_dim3A_767 : i32 to vector<16x1xi32>
        %gather3A_769 = vector.shape_cast %broadcast_in_dim3A_768 : vector<16x1xi32> to vector<16xi32>
        %gather3A_770 = tpu.dynamic_gather %get3A_676[%gather3A_769] in [0] : vector<16xf32>, vector<16xi32> -> vector<16xf32>
        %add3A_771 = arith.constant 6 : i32
        %add3A_772 = arith.addi %add3A_674, %add3A_771 : i32
        %get3A_773 = arith.index_cast %add3A_772 : i32 to index
        %get3A_774 = arith.constant 0 : index
        %get3A_775 = tpu.vector_load %arg12[%get3A_773, %get3A_774] {strides = array<i32>} : memref<2048x32xbf16, #tpu.memory_space<vmem>>, vector<32xbf16>,
        %unpack3A_776 = tpu.unpack_subelements %get3A_775, 0 {pack_format = #tpu.pack_format<interleaved>} : vector<32xbf16> -> vector<16xf32>
        %unpack3A_777 = tpu.unpack_subelements %get3A_775, 1 {pack_format = #tpu.pack_format<interleaved>} : vector<32xbf16> -> vector<16xf32>
        %mul3A_778 = arith.mulf %gather3A_770, %unpack3A_776 : vector<16xf32>
        %add3A_779 = arith.addf %add3A_764, %mul3A_778 : vector<16xf32>
        %mul3A_780 = arith.mulf %gather3A_770, %unpack3A_777 : vector<16xf32>
        %add3A_781 = arith.addf %add3A_766, %mul3A_780 : vector<16xf32>
        %broadcast_in_dim3A_782 = arith.constant 7 : i32
        %broadcast_in_dim3A_783 = vector.broadcast %broadcast_in_dim3A_782 : i32 to vector<16x1xi32>
        %gather3A_784 = vector.shape_cast %broadcast_in_dim3A_783 : vector<16x1xi32> to vector<16xi32>
        %gather3A_785 = tpu.dynamic_gather %get3A_676[%gather3A_784] in [0] : vector<16xf32>, vector<16xi32> -> vector<16xf32>
        %add3A_786 = arith.constant 7 : i32
        %add3A_787 = arith.addi %add3A_674, %add3A_786 : i32
        %get3A_788 = arith.index_cast %add3A_787 : i32 to index
        %get3A_789 = arith.constant 0 : index
        %get3A_790 = tpu.vector_load %arg12[%get3A_788, %get3A_789] {strides = array<i32>} : memref<2048x32xbf16, #tpu.memory_space<vmem>>, vector<32xbf16>,
        %unpack3A_791 = tpu.unpack_subelements %get3A_790, 0 {pack_format = #tpu.pack_format<interleaved>} : vector<32xbf16> -> vector<16xf32>
        %unpack3A_792 = tpu.unpack_subelements %get3A_790, 1 {pack_format = #tpu.pack_format<interleaved>} : vector<32xbf16> -> vector<16xf32>
        %mul3A_793 = arith.mulf %gather3A_785, %unpack3A_791 : vector<16xf32>
        %add3A_794 = arith.addf %add3A_779, %mul3A_793 : vector<16xf32>
        %mul3A_795 = arith.mulf %gather3A_785, %unpack3A_792 : vector<16xf32>
        %add3A_796 = arith.addf %add3A_781, %mul3A_795 : vector<16xf32>
        %broadcast_in_dim3A_797 = arith.constant 8 : i32
        %broadcast_in_dim3A_798 = vector.broadcast %broadcast_in_dim3A_797 : i32 to vector<16x1xi32>
        %gather3A_799 = vector.shape_cast %broadcast_in_dim3A_798 : vector<16x1xi32> to vector<16xi32>
        %gather3A_800 = tpu.dynamic_gather %get3A_676[%gather3A_799] in [0] : vector<16xf32>, vector<16xi32> -> vector<16xf32>
        %add3A_801 = arith.constant 8 : i32
        %add3A_802 = arith.addi %add3A_674, %add3A_801 : i32
        %get3A_803 = arith.index_cast %add3A_802 : i32 to index
        %get3A_804 = arith.constant 0 : index
        %get3A_805 = tpu.vector_load %arg12[%get3A_803, %get3A_804] {strides = array<i32>} : memref<2048x32xbf16, #tpu.memory_space<vmem>>, vector<32xbf16>,
        %unpack3A_806 = tpu.unpack_subelements %get3A_805, 0 {pack_format = #tpu.pack_format<interleaved>} : vector<32xbf16> -> vector<16xf32>
        %unpack3A_807 = tpu.unpack_subelements %get3A_805, 1 {pack_format = #tpu.pack_format<interleaved>} : vector<32xbf16> -> vector<16xf32>
        %mul3A_808 = arith.mulf %gather3A_800, %unpack3A_806 : vector<16xf32>
        %add3A_809 = arith.addf %add3A_794, %mul3A_808 : vector<16xf32>
        %mul3A_810 = arith.mulf %gather3A_800, %unpack3A_807 : vector<16xf32>
        %add3A_811 = arith.addf %add3A_796, %mul3A_810 : vector<16xf32>
        %broadcast_in_dim3A_812 = arith.constant 9 : i32
        %broadcast_in_dim3A_813 = vector.broadcast %broadcast_in_dim3A_812 : i32 to vector<16x1xi32>
        %gather3A_814 = vector.shape_cast %broadcast_in_dim3A_813 : vector<16x1xi32> to vector<16xi32>
        %gather3A_815 = tpu.dynamic_gather %get3A_676[%gather3A_814] in [0] : vector<16xf32>, vector<16xi32> -> vector<16xf32>
        %add3A_816 = arith.constant 9 : i32
        %add3A_817 = arith.addi %add3A_674, %add3A_816 : i32
        %get3A_818 = arith.index_cast %add3A_817 : i32 to index
        %get3A_819 = arith.constant 0 : index
        %get3A_820 = tpu.vector_load %arg12[%get3A_818, %get3A_819] {strides = array<i32>} : memref<2048x32xbf16, #tpu.memory_space<vmem>>, vector<32xbf16>,
        %unpack3A_821 = tpu.unpack_subelements %get3A_820, 0 {pack_format = #tpu.pack_format<interleaved>} : vector<32xbf16> -> vector<16xf32>
        %unpack3A_822 = tpu.unpack_subelements %get3A_820, 1 {pack_format = #tpu.pack_format<interleaved>} : vector<32xbf16> -> vector<16xf32>
        %mul3A_823 = arith.mulf %gather3A_815, %unpack3A_821 : vector<16xf32>
        %add3A_824 = arith.addf %add3A_809, %mul3A_823 : vector<16xf32>
        %mul3A_825 = arith.mulf %gather3A_815, %unpack3A_822 : vector<16xf32>
        %add3A_826 = arith.addf %add3A_811, %mul3A_825 : vector<16xf32>
        %broadcast_in_dim3A_827 = arith.constant 10 : i32
        %broadcast_in_dim3A_828 = vector.broadcast %broadcast_in_dim3A_827 : i32 to vector<16x1xi32>
        %gather3A_829 = vector.shape_cast %broadcast_in_dim3A_828 : vector<16x1xi32> to vector<16xi32>
        %gather3A_830 = tpu.dynamic_gather %get3A_676[%gather3A_829] in [0] : vector<16xf32>, vector<16xi32> -> vector<16xf32>
        %add3A_831 = arith.constant 10 : i32
        %add3A_832 = arith.addi %add3A_674, %add3A_831 : i32
        %get3A_833 = arith.index_cast %add3A_832 : i32 to index
        %get3A_834 = arith.constant 0 : index
        %get3A_835 = tpu.vector_load %arg12[%get3A_833, %get3A_834] {strides = array<i32>} : memref<2048x32xbf16, #tpu.memory_space<vmem>>, vector<32xbf16>,
        %unpack3A_836 = tpu.unpack_subelements %get3A_835, 0 {pack_format = #tpu.pack_format<interleaved>} : vector<32xbf16> -> vector<16xf32>
        %unpack3A_837 = tpu.unpack_subelements %get3A_835, 1 {pack_format = #tpu.pack_format<interleaved>} : vector<32xbf16> -> vector<16xf32>
        %mul3A_838 = arith.mulf %gather3A_830, %unpack3A_836 : vector<16xf32>
        %add3A_839 = arith.addf %add3A_824, %mul3A_838 : vector<16xf32>
        %mul3A_840 = arith.mulf %gather3A_830, %unpack3A_837 : vector<16xf32>
        %add3A_841 = arith.addf %add3A_826, %mul3A_840 : vector<16xf32>
        %broadcast_in_dim3A_842 = arith.constant 11 : i32
        %broadcast_in_dim3A_843 = vector.broadcast %broadcast_in_dim3A_842 : i32 to vector<16x1xi32>
        %gather3A_844 = vector.shape_cast %broadcast_in_dim3A_843 : vector<16x1xi32> to vector<16xi32>
        %gather3A_845 = tpu.dynamic_gather %get3A_676[%gather3A_844] in [0] : vector<16xf32>, vector<16xi32> -> vector<16xf32>
        %add3A_846 = arith.constant 11 : i32
        %add3A_847 = arith.addi %add3A_674, %add3A_846 : i32
        %get3A_848 = arith.index_cast %add3A_847 : i32 to index
        %get3A_849 = arith.constant 0 : index
        %get3A_850 = tpu.vector_load %arg12[%get3A_848, %get3A_849] {strides = array<i32>} : memref<2048x32xbf16, #tpu.memory_space<vmem>>, vector<32xbf16>,
        %unpack3A_851 = tpu.unpack_subelements %get3A_850, 0 {pack_format = #tpu.pack_format<interleaved>} : vector<32xbf16> -> vector<16xf32>
        %unpack3A_852 = tpu.unpack_subelements %get3A_850, 1 {pack_format = #tpu.pack_format<interleaved>} : vector<32xbf16> -> vector<16xf32>
        %mul3A_853 = arith.mulf %gather3A_845, %unpack3A_851 : vector<16xf32>
        %add3A_854 = arith.addf %add3A_839, %mul3A_853 : vector<16xf32>
        %mul3A_855 = arith.mulf %gather3A_845, %unpack3A_852 : vector<16xf32>
        %add3A_856 = arith.addf %add3A_841, %mul3A_855 : vector<16xf32>
        %broadcast_in_dim3A_857 = arith.constant 12 : i32
        %broadcast_in_dim3A_858 = vector.broadcast %broadcast_in_dim3A_857 : i32 to vector<16x1xi32>
        %gather3A_859 = vector.shape_cast %broadcast_in_dim3A_858 : vector<16x1xi32> to vector<16xi32>
        %gather3A_860 = tpu.dynamic_gather %get3A_676[%gather3A_859] in [0] : vector<16xf32>, vector<16xi32> -> vector<16xf32>
        %add3A_861 = arith.constant 12 : i32
        %add3A_862 = arith.addi %add3A_674, %add3A_861 : i32
        %get3A_863 = arith.index_cast %add3A_862 : i32 to index
        %get3A_864 = arith.constant 0 : index
        %get3A_865 = tpu.vector_load %arg12[%get3A_863, %get3A_864] {strides = array<i32>} : memref<2048x32xbf16, #tpu.memory_space<vmem>>, vector<32xbf16>,
        %unpack3A_866 = tpu.unpack_subelements %get3A_865, 0 {pack_format = #tpu.pack_format<interleaved>} : vector<32xbf16> -> vector<16xf32>
        %unpack3A_867 = tpu.unpack_subelements %get3A_865, 1 {pack_format = #tpu.pack_format<interleaved>} : vector<32xbf16> -> vector<16xf32>
        %mul3A_868 = arith.mulf %gather3A_860, %unpack3A_866 : vector<16xf32>
        %add3A_869 = arith.addf %add3A_854, %mul3A_868 : vector<16xf32>
        %mul3A_870 = arith.mulf %gather3A_860, %unpack3A_867 : vector<16xf32>
        %add3A_871 = arith.addf %add3A_856, %mul3A_870 : vector<16xf32>
        %broadcast_in_dim3A_872 = arith.constant 13 : i32
        %broadcast_in_dim3A_873 = vector.broadcast %broadcast_in_dim3A_872 : i32 to vector<16x1xi32>
        %gather3A_874 = vector.shape_cast %broadcast_in_dim3A_873 : vector<16x1xi32> to vector<16xi32>
        %gather3A_875 = tpu.dynamic_gather %get3A_676[%gather3A_874] in [0] : vector<16xf32>, vector<16xi32> -> vector<16xf32>
        %add3A_876 = arith.constant 13 : i32
        %add3A_877 = arith.addi %add3A_674, %add3A_876 : i32
        %get3A_878 = arith.index_cast %add3A_877 : i32 to index
        %get3A_879 = arith.constant 0 : index
        %get3A_880 = tpu.vector_load %arg12[%get3A_878, %get3A_879] {strides = array<i32>} : memref<2048x32xbf16, #tpu.memory_space<vmem>>, vector<32xbf16>,
        %unpack3A_881 = tpu.unpack_subelements %get3A_880, 0 {pack_format = #tpu.pack_format<interleaved>} : vector<32xbf16> -> vector<16xf32>
        %unpack3A_882 = tpu.unpack_subelements %get3A_880, 1 {pack_format = #tpu.pack_format<interleaved>} : vector<32xbf16> -> vector<16xf32>
        %mul3A_883 = arith.mulf %gather3A_875, %unpack3A_881 : vector<16xf32>
        %add3A_884 = arith.addf %add3A_869, %mul3A_883 : vector<16xf32>
        %mul3A_885 = arith.mulf %gather3A_875, %unpack3A_882 : vector<16xf32>
        %add3A_886 = arith.addf %add3A_871, %mul3A_885 : vector<16xf32>
        %broadcast_in_dim3A_887 = arith.constant 14 : i32
        %broadcast_in_dim3A_888 = vector.broadcast %broadcast_in_dim3A_887 : i32 to vector<16x1xi32>
        %gather3A_889 = vector.shape_cast %broadcast_in_dim3A_888 : vector<16x1xi32> to vector<16xi32>
        %gather3A_890 = tpu.dynamic_gather %get3A_676[%gather3A_889] in [0] : vector<16xf32>, vector<16xi32> -> vector<16xf32>
        %add3A_891 = arith.constant 14 : i32
        %add3A_892 = arith.addi %add3A_674, %add3A_891 : i32
        %get3A_893 = arith.index_cast %add3A_892 : i32 to index
        %get3A_894 = arith.constant 0 : index
        %get3A_895 = tpu.vector_load %arg12[%get3A_893, %get3A_894] {strides = array<i32>} : memref<2048x32xbf16, #tpu.memory_space<vmem>>, vector<32xbf16>,
        %unpack3A_896 = tpu.unpack_subelements %get3A_895, 0 {pack_format = #tpu.pack_format<interleaved>} : vector<32xbf16> -> vector<16xf32>
        %unpack3A_897 = tpu.unpack_subelements %get3A_895, 1 {pack_format = #tpu.pack_format<interleaved>} : vector<32xbf16> -> vector<16xf32>
        %mul3A_898 = arith.mulf %gather3A_890, %unpack3A_896 : vector<16xf32>
        %add3A_899 = arith.addf %add3A_884, %mul3A_898 : vector<16xf32>
        %mul3A_900 = arith.mulf %gather3A_890, %unpack3A_897 : vector<16xf32>
        %add3A_901 = arith.addf %add3A_886, %mul3A_900 : vector<16xf32>
        %broadcast_in_dim3A_902 = arith.constant 15 : i32
        %broadcast_in_dim3A_903 = vector.broadcast %broadcast_in_dim3A_902 : i32 to vector<16x1xi32>
        %gather3A_904 = vector.shape_cast %broadcast_in_dim3A_903 : vector<16x1xi32> to vector<16xi32>
        %gather3A_905 = tpu.dynamic_gather %get3A_676[%gather3A_904] in [0] : vector<16xf32>, vector<16xi32> -> vector<16xf32>
        %add3A_906 = arith.constant 15 : i32
        %add3A_907 = arith.addi %add3A_674, %add3A_906 : i32
        %get3A_908 = arith.index_cast %add3A_907 : i32 to index
        %get3A_909 = arith.constant 0 : index
        %get3A_910 = tpu.vector_load %arg12[%get3A_908, %get3A_909] {strides = array<i32>} : memref<2048x32xbf16, #tpu.memory_space<vmem>>, vector<32xbf16>,
        %unpack3A_911 = tpu.unpack_subelements %get3A_910, 0 {pack_format = #tpu.pack_format<interleaved>} : vector<32xbf16> -> vector<16xf32>
        %unpack3A_912 = tpu.unpack_subelements %get3A_910, 1 {pack_format = #tpu.pack_format<interleaved>} : vector<32xbf16> -> vector<16xf32>
        %mul3A_913 = arith.mulf %gather3A_905, %unpack3A_911 : vector<16xf32>
        %add3A_914 = arith.addf %add3A_899, %mul3A_913 : vector<16xf32>
        %mul3A_915 = arith.mulf %gather3A_905, %unpack3A_912 : vector<16xf32>
        %add3A_916 = arith.addf %add3A_901, %mul3A_915 : vector<16xf32>
        %mul3A_917 = arith.constant 512 : i32
        %mul3A_918 = arith.muli %select_n3A, %mul3A_917 : i32
        %add3A_919 = arith.constant 384 : i32
        %add3A_920 = arith.addi %mul3A_918, %add3A_919 : i32
        %mul3A_921 = arith.constant 16 : i32
        %mul3A_922 = arith.muli %select_n3A_169, %mul3A_921 : i32
        %add3A_923 = arith.addi %add3A_920, %mul3A_922 : i32
        %get3A_924 = arith.index_cast %add3A_923 : i32 to index
        %get3A_925 = tpu.vector_load %arg10[%get3A_924] {strides = array<i32>} : memref<2048xf32, #tpu.memory_space<vmem>>, vector<16xf32>,
        %broadcast_in_dim3A_926 = arith.constant 0 : i32
        %broadcast_in_dim3A_927 = vector.broadcast %broadcast_in_dim3A_926 : i32 to vector<16x1xi32>
        %gather3A_928 = vector.shape_cast %broadcast_in_dim3A_927 : vector<16x1xi32> to vector<16xi32>
        %gather3A_929 = tpu.dynamic_gather %get3A_925[%gather3A_928] in [0] : vector<16xf32>, vector<16xi32> -> vector<16xf32>
        %add3A_930 = arith.constant 0 : i32
        %add3A_931 = arith.addi %add3A_923, %add3A_930 : i32
        %get3A_932 = arith.index_cast %add3A_931 : i32 to index
        %get3A_933 = arith.constant 0 : index
        %get3A_934 = tpu.vector_load %arg12[%get3A_932, %get3A_933] {strides = array<i32>} : memref<2048x32xbf16, #tpu.memory_space<vmem>>, vector<32xbf16>,
        %unpack3A_935 = tpu.unpack_subelements %get3A_934, 0 {pack_format = #tpu.pack_format<interleaved>} : vector<32xbf16> -> vector<16xf32>
        %unpack3A_936 = tpu.unpack_subelements %get3A_934, 1 {pack_format = #tpu.pack_format<interleaved>} : vector<32xbf16> -> vector<16xf32>
        %mul3A_937 = arith.mulf %gather3A_929, %unpack3A_935 : vector<16xf32>
        %add3A_938 = arith.addf %add3A_914, %mul3A_937 : vector<16xf32>
        %mul3A_939 = arith.mulf %gather3A_929, %unpack3A_936 : vector<16xf32>
        %add3A_940 = arith.addf %add3A_916, %mul3A_939 : vector<16xf32>
        %broadcast_in_dim3A_941 = arith.constant 1 : i32
        %broadcast_in_dim3A_942 = vector.broadcast %broadcast_in_dim3A_941 : i32 to vector<16x1xi32>
        %gather3A_943 = vector.shape_cast %broadcast_in_dim3A_942 : vector<16x1xi32> to vector<16xi32>
        %gather3A_944 = tpu.dynamic_gather %get3A_925[%gather3A_943] in [0] : vector<16xf32>, vector<16xi32> -> vector<16xf32>
        %add3A_945 = arith.constant 1 : i32
        %add3A_946 = arith.addi %add3A_923, %add3A_945 : i32
        %get3A_947 = arith.index_cast %add3A_946 : i32 to index
        %get3A_948 = arith.constant 0 : index
        %get3A_949 = tpu.vector_load %arg12[%get3A_947, %get3A_948] {strides = array<i32>} : memref<2048x32xbf16, #tpu.memory_space<vmem>>, vector<32xbf16>,
        %unpack3A_950 = tpu.unpack_subelements %get3A_949, 0 {pack_format = #tpu.pack_format<interleaved>} : vector<32xbf16> -> vector<16xf32>
        %unpack3A_951 = tpu.unpack_subelements %get3A_949, 1 {pack_format = #tpu.pack_format<interleaved>} : vector<32xbf16> -> vector<16xf32>
        %mul3A_952 = arith.mulf %gather3A_944, %unpack3A_950 : vector<16xf32>
        %add3A_953 = arith.addf %add3A_938, %mul3A_952 : vector<16xf32>
        %mul3A_954 = arith.mulf %gather3A_944, %unpack3A_951 : vector<16xf32>
        %add3A_955 = arith.addf %add3A_940, %mul3A_954 : vector<16xf32>
        %broadcast_in_dim3A_956 = arith.constant 2 : i32
        %broadcast_in_dim3A_957 = vector.broadcast %broadcast_in_dim3A_956 : i32 to vector<16x1xi32>
        %gather3A_958 = vector.shape_cast %broadcast_in_dim3A_957 : vector<16x1xi32> to vector<16xi32>
        %gather3A_959 = tpu.dynamic_gather %get3A_925[%gather3A_958] in [0] : vector<16xf32>, vector<16xi32> -> vector<16xf32>
        %add3A_960 = arith.constant 2 : i32
        %add3A_961 = arith.addi %add3A_923, %add3A_960 : i32
        %get3A_962 = arith.index_cast %add3A_961 : i32 to index
        %get3A_963 = arith.constant 0 : index
        %get3A_964 = tpu.vector_load %arg12[%get3A_962, %get3A_963] {strides = array<i32>} : memref<2048x32xbf16, #tpu.memory_space<vmem>>, vector<32xbf16>,
        %unpack3A_965 = tpu.unpack_subelements %get3A_964, 0 {pack_format = #tpu.pack_format<interleaved>} : vector<32xbf16> -> vector<16xf32>
        %unpack3A_966 = tpu.unpack_subelements %get3A_964, 1 {pack_format = #tpu.pack_format<interleaved>} : vector<32xbf16> -> vector<16xf32>
        %mul3A_967 = arith.mulf %gather3A_959, %unpack3A_965 : vector<16xf32>
        %add3A_968 = arith.addf %add3A_953, %mul3A_967 : vector<16xf32>
        %mul3A_969 = arith.mulf %gather3A_959, %unpack3A_966 : vector<16xf32>
        %add3A_970 = arith.addf %add3A_955, %mul3A_969 : vector<16xf32>
        %broadcast_in_dim3A_971 = arith.constant 3 : i32
        %broadcast_in_dim3A_972 = vector.broadcast %broadcast_in_dim3A_971 : i32 to vector<16x1xi32>
        %gather3A_973 = vector.shape_cast %broadcast_in_dim3A_972 : vector<16x1xi32> to vector<16xi32>
        %gather3A_974 = tpu.dynamic_gather %get3A_925[%gather3A_973] in [0] : vector<16xf32>, vector<16xi32> -> vector<16xf32>
        %add3A_975 = arith.constant 3 : i32
        %add3A_976 = arith.addi %add3A_923, %add3A_975 : i32
        %get3A_977 = arith.index_cast %add3A_976 : i32 to index
        %get3A_978 = arith.constant 0 : index
        %get3A_979 = tpu.vector_load %arg12[%get3A_977, %get3A_978] {strides = array<i32>} : memref<2048x32xbf16, #tpu.memory_space<vmem>>, vector<32xbf16>,
        %unpack3A_980 = tpu.unpack_subelements %get3A_979, 0 {pack_format = #tpu.pack_format<interleaved>} : vector<32xbf16> -> vector<16xf32>
        %unpack3A_981 = tpu.unpack_subelements %get3A_979, 1 {pack_format = #tpu.pack_format<interleaved>} : vector<32xbf16> -> vector<16xf32>
        %mul3A_982 = arith.mulf %gather3A_974, %unpack3A_980 : vector<16xf32>
        %add3A_983 = arith.addf %add3A_968, %mul3A_982 : vector<16xf32>
        %mul3A_984 = arith.mulf %gather3A_974, %unpack3A_981 : vector<16xf32>
        %add3A_985 = arith.addf %add3A_970, %mul3A_984 : vector<16xf32>
        %broadcast_in_dim3A_986 = arith.constant 4 : i32
        %broadcast_in_dim3A_987 = vector.broadcast %broadcast_in_dim3A_986 : i32 to vector<16x1xi32>
        %gather3A_988 = vector.shape_cast %broadcast_in_dim3A_987 : vector<16x1xi32> to vector<16xi32>
        %gather3A_989 = tpu.dynamic_gather %get3A_925[%gather3A_988] in [0] : vector<16xf32>, vector<16xi32> -> vector<16xf32>
        %add3A_990 = arith.constant 4 : i32
        %add3A_991 = arith.addi %add3A_923, %add3A_990 : i32
        %get3A_992 = arith.index_cast %add3A_991 : i32 to index
        %get3A_993 = arith.constant 0 : index
        %get3A_994 = tpu.vector_load %arg12[%get3A_992, %get3A_993] {strides = array<i32>} : memref<2048x32xbf16, #tpu.memory_space<vmem>>, vector<32xbf16>,
        %unpack3A_995 = tpu.unpack_subelements %get3A_994, 0 {pack_format = #tpu.pack_format<interleaved>} : vector<32xbf16> -> vector<16xf32>
        %unpack3A_996 = tpu.unpack_subelements %get3A_994, 1 {pack_format = #tpu.pack_format<interleaved>} : vector<32xbf16> -> vector<16xf32>
        %mul3A_997 = arith.mulf %gather3A_989, %unpack3A_995 : vector<16xf32>
        %add3A_998 = arith.addf %add3A_983, %mul3A_997 : vector<16xf32>
        %mul3A_999 = arith.mulf %gather3A_989, %unpack3A_996 : vector<16xf32>
        %add3A_1000 = arith.addf %add3A_985, %mul3A_999 : vector<16xf32>
        %broadcast_in_dim3A_1001 = arith.constant 5 : i32
        %broadcast_in_dim3A_1002 = vector.broadcast %broadcast_in_dim3A_1001 : i32 to vector<16x1xi32>
        %gather3A_1003 = vector.shape_cast %broadcast_in_dim3A_1002 : vector<16x1xi32> to vector<16xi32>
        %gather3A_1004 = tpu.dynamic_gather %get3A_925[%gather3A_1003] in [0] : vector<16xf32>, vector<16xi32> -> vector<16xf32>
        %add3A_1005 = arith.constant 5 : i32
        %add3A_1006 = arith.addi %add3A_923, %add3A_1005 : i32
        %get3A_1007 = arith.index_cast %add3A_1006 : i32 to index
        %get3A_1008 = arith.constant 0 : index
        %get3A_1009 = tpu.vector_load %arg12[%get3A_1007, %get3A_1008] {strides = array<i32>} : memref<2048x32xbf16, #tpu.memory_space<vmem>>, vector<32xbf16>,
        %unpack3A_1010 = tpu.unpack_subelements %get3A_1009, 0 {pack_format = #tpu.pack_format<interleaved>} : vector<32xbf16> -> vector<16xf32>
        %unpack3A_1011 = tpu.unpack_subelements %get3A_1009, 1 {pack_format = #tpu.pack_format<interleaved>} : vector<32xbf16> -> vector<16xf32>
        %mul3A_1012 = arith.mulf %gather3A_1004, %unpack3A_1010 : vector<16xf32>
        %add3A_1013 = arith.addf %add3A_998, %mul3A_1012 : vector<16xf32>
        %mul3A_1014 = arith.mulf %gather3A_1004, %unpack3A_1011 : vector<16xf32>
        %add3A_1015 = arith.addf %add3A_1000, %mul3A_1014 : vector<16xf32>
        %broadcast_in_dim3A_1016 = arith.constant 6 : i32
        %broadcast_in_dim3A_1017 = vector.broadcast %broadcast_in_dim3A_1016 : i32 to vector<16x1xi32>
        %gather3A_1018 = vector.shape_cast %broadcast_in_dim3A_1017 : vector<16x1xi32> to vector<16xi32>
        %gather3A_1019 = tpu.dynamic_gather %get3A_925[%gather3A_1018] in [0] : vector<16xf32>, vector<16xi32> -> vector<16xf32>
        %add3A_1020 = arith.constant 6 : i32
        %add3A_1021 = arith.addi %add3A_923, %add3A_1020 : i32
        %get3A_1022 = arith.index_cast %add3A_1021 : i32 to index
        %get3A_1023 = arith.constant 0 : index
        %get3A_1024 = tpu.vector_load %arg12[%get3A_1022, %get3A_1023] {strides = array<i32>} : memref<2048x32xbf16, #tpu.memory_space<vmem>>, vector<32xbf16>,
        %unpack3A_1025 = tpu.unpack_subelements %get3A_1024, 0 {pack_format = #tpu.pack_format<interleaved>} : vector<32xbf16> -> vector<16xf32>
        %unpack3A_1026 = tpu.unpack_subelements %get3A_1024, 1 {pack_format = #tpu.pack_format<interleaved>} : vector<32xbf16> -> vector<16xf32>
        %mul3A_1027 = arith.mulf %gather3A_1019, %unpack3A_1025 : vector<16xf32>
        %add3A_1028 = arith.addf %add3A_1013, %mul3A_1027 : vector<16xf32>
        %mul3A_1029 = arith.mulf %gather3A_1019, %unpack3A_1026 : vector<16xf32>
        %add3A_1030 = arith.addf %add3A_1015, %mul3A_1029 : vector<16xf32>
        %broadcast_in_dim3A_1031 = arith.constant 7 : i32
        %broadcast_in_dim3A_1032 = vector.broadcast %broadcast_in_dim3A_1031 : i32 to vector<16x1xi32>
        %gather3A_1033 = vector.shape_cast %broadcast_in_dim3A_1032 : vector<16x1xi32> to vector<16xi32>
        %gather3A_1034 = tpu.dynamic_gather %get3A_925[%gather3A_1033] in [0] : vector<16xf32>, vector<16xi32> -> vector<16xf32>
        %add3A_1035 = arith.constant 7 : i32
        %add3A_1036 = arith.addi %add3A_923, %add3A_1035 : i32
        %get3A_1037 = arith.index_cast %add3A_1036 : i32 to index
        %get3A_1038 = arith.constant 0 : index
        %get3A_1039 = tpu.vector_load %arg12[%get3A_1037, %get3A_1038] {strides = array<i32>} : memref<2048x32xbf16, #tpu.memory_space<vmem>>, vector<32xbf16>,
        %unpack3A_1040 = tpu.unpack_subelements %get3A_1039, 0 {pack_format = #tpu.pack_format<interleaved>} : vector<32xbf16> -> vector<16xf32>
        %unpack3A_1041 = tpu.unpack_subelements %get3A_1039, 1 {pack_format = #tpu.pack_format<interleaved>} : vector<32xbf16> -> vector<16xf32>
        %mul3A_1042 = arith.mulf %gather3A_1034, %unpack3A_1040 : vector<16xf32>
        %add3A_1043 = arith.addf %add3A_1028, %mul3A_1042 : vector<16xf32>
        %mul3A_1044 = arith.mulf %gather3A_1034, %unpack3A_1041 : vector<16xf32>
        %add3A_1045 = arith.addf %add3A_1030, %mul3A_1044 : vector<16xf32>
        %broadcast_in_dim3A_1046 = arith.constant 8 : i32
        %broadcast_in_dim3A_1047 = vector.broadcast %broadcast_in_dim3A_1046 : i32 to vector<16x1xi32>
        %gather3A_1048 = vector.shape_cast %broadcast_in_dim3A_1047 : vector<16x1xi32> to vector<16xi32>
        %gather3A_1049 = tpu.dynamic_gather %get3A_925[%gather3A_1048] in [0] : vector<16xf32>, vector<16xi32> -> vector<16xf32>
        %add3A_1050 = arith.constant 8 : i32
        %add3A_1051 = arith.addi %add3A_923, %add3A_1050 : i32
        %get3A_1052 = arith.index_cast %add3A_1051 : i32 to index
        %get3A_1053 = arith.constant 0 : index
        %get3A_1054 = tpu.vector_load %arg12[%get3A_1052, %get3A_1053] {strides = array<i32>} : memref<2048x32xbf16, #tpu.memory_space<vmem>>, vector<32xbf16>,
        %unpack3A_1055 = tpu.unpack_subelements %get3A_1054, 0 {pack_format = #tpu.pack_format<interleaved>} : vector<32xbf16> -> vector<16xf32>
        %unpack3A_1056 = tpu.unpack_subelements %get3A_1054, 1 {pack_format = #tpu.pack_format<interleaved>} : vector<32xbf16> -> vector<16xf32>
        %mul3A_1057 = arith.mulf %gather3A_1049, %unpack3A_1055 : vector<16xf32>
        %add3A_1058 = arith.addf %add3A_1043, %mul3A_1057 : vector<16xf32>
        %mul3A_1059 = arith.mulf %gather3A_1049, %unpack3A_1056 : vector<16xf32>
        %add3A_1060 = arith.addf %add3A_1045, %mul3A_1059 : vector<16xf32>
        %broadcast_in_dim3A_1061 = arith.constant 9 : i32
        %broadcast_in_dim3A_1062 = vector.broadcast %broadcast_in_dim3A_1061 : i32 to vector<16x1xi32>
        %gather3A_1063 = vector.shape_cast %broadcast_in_dim3A_1062 : vector<16x1xi32> to vector<16xi32>
        %gather3A_1064 = tpu.dynamic_gather %get3A_925[%gather3A_1063] in [0] : vector<16xf32>, vector<16xi32> -> vector<16xf32>
        %add3A_1065 = arith.constant 9 : i32
        %add3A_1066 = arith.addi %add3A_923, %add3A_1065 : i32
        %get3A_1067 = arith.index_cast %add3A_1066 : i32 to index
        %get3A_1068 = arith.constant 0 : index
        %get3A_1069 = tpu.vector_load %arg12[%get3A_1067, %get3A_1068] {strides = array<i32>} : memref<2048x32xbf16, #tpu.memory_space<vmem>>, vector<32xbf16>,
        %unpack3A_1070 = tpu.unpack_subelements %get3A_1069, 0 {pack_format = #tpu.pack_format<interleaved>} : vector<32xbf16> -> vector<16xf32>
        %unpack3A_1071 = tpu.unpack_subelements %get3A_1069, 1 {pack_format = #tpu.pack_format<interleaved>} : vector<32xbf16> -> vector<16xf32>
        %mul3A_1072 = arith.mulf %gather3A_1064, %unpack3A_1070 : vector<16xf32>
        %add3A_1073 = arith.addf %add3A_1058, %mul3A_1072 : vector<16xf32>
        %mul3A_1074 = arith.mulf %gather3A_1064, %unpack3A_1071 : vector<16xf32>
        %add3A_1075 = arith.addf %add3A_1060, %mul3A_1074 : vector<16xf32>
        %broadcast_in_dim3A_1076 = arith.constant 10 : i32
        %broadcast_in_dim3A_1077 = vector.broadcast %broadcast_in_dim3A_1076 : i32 to vector<16x1xi32>
        %gather3A_1078 = vector.shape_cast %broadcast_in_dim3A_1077 : vector<16x1xi32> to vector<16xi32>
        %gather3A_1079 = tpu.dynamic_gather %get3A_925[%gather3A_1078] in [0] : vector<16xf32>, vector<16xi32> -> vector<16xf32>
        %add3A_1080 = arith.constant 10 : i32
        %add3A_1081 = arith.addi %add3A_923, %add3A_1080 : i32
        %get3A_1082 = arith.index_cast %add3A_1081 : i32 to index
        %get3A_1083 = arith.constant 0 : index
        %get3A_1084 = tpu.vector_load %arg12[%get3A_1082, %get3A_1083] {strides = array<i32>} : memref<2048x32xbf16, #tpu.memory_space<vmem>>, vector<32xbf16>,
        %unpack3A_1085 = tpu.unpack_subelements %get3A_1084, 0 {pack_format = #tpu.pack_format<interleaved>} : vector<32xbf16> -> vector<16xf32>
        %unpack3A_1086 = tpu.unpack_subelements %get3A_1084, 1 {pack_format = #tpu.pack_format<interleaved>} : vector<32xbf16> -> vector<16xf32>
        %mul3A_1087 = arith.mulf %gather3A_1079, %unpack3A_1085 : vector<16xf32>
        %add3A_1088 = arith.addf %add3A_1073, %mul3A_1087 : vector<16xf32>
        %mul3A_1089 = arith.mulf %gather3A_1079, %unpack3A_1086 : vector<16xf32>
        %add3A_1090 = arith.addf %add3A_1075, %mul3A_1089 : vector<16xf32>
        %broadcast_in_dim3A_1091 = arith.constant 11 : i32
        %broadcast_in_dim3A_1092 = vector.broadcast %broadcast_in_dim3A_1091 : i32 to vector<16x1xi32>
        %gather3A_1093 = vector.shape_cast %broadcast_in_dim3A_1092 : vector<16x1xi32> to vector<16xi32>
        %gather3A_1094 = tpu.dynamic_gather %get3A_925[%gather3A_1093] in [0] : vector<16xf32>, vector<16xi32> -> vector<16xf32>
        %add3A_1095 = arith.constant 11 : i32
        %add3A_1096 = arith.addi %add3A_923, %add3A_1095 : i32
        %get3A_1097 = arith.index_cast %add3A_1096 : i32 to index
        %get3A_1098 = arith.constant 0 : index
        %get3A_1099 = tpu.vector_load %arg12[%get3A_1097, %get3A_1098] {strides = array<i32>} : memref<2048x32xbf16, #tpu.memory_space<vmem>>, vector<32xbf16>,
        %unpack3A_1100 = tpu.unpack_subelements %get3A_1099, 0 {pack_format = #tpu.pack_format<interleaved>} : vector<32xbf16> -> vector<16xf32>
        %unpack3A_1101 = tpu.unpack_subelements %get3A_1099, 1 {pack_format = #tpu.pack_format<interleaved>} : vector<32xbf16> -> vector<16xf32>
        %mul3A_1102 = arith.mulf %gather3A_1094, %unpack3A_1100 : vector<16xf32>
        %add3A_1103 = arith.addf %add3A_1088, %mul3A_1102 : vector<16xf32>
        %mul3A_1104 = arith.mulf %gather3A_1094, %unpack3A_1101 : vector<16xf32>
        %add3A_1105 = arith.addf %add3A_1090, %mul3A_1104 : vector<16xf32>
        %broadcast_in_dim3A_1106 = arith.constant 12 : i32
        %broadcast_in_dim3A_1107 = vector.broadcast %broadcast_in_dim3A_1106 : i32 to vector<16x1xi32>
        %gather3A_1108 = vector.shape_cast %broadcast_in_dim3A_1107 : vector<16x1xi32> to vector<16xi32>
        %gather3A_1109 = tpu.dynamic_gather %get3A_925[%gather3A_1108] in [0] : vector<16xf32>, vector<16xi32> -> vector<16xf32>
        %add3A_1110 = arith.constant 12 : i32
        %add3A_1111 = arith.addi %add3A_923, %add3A_1110 : i32
        %get3A_1112 = arith.index_cast %add3A_1111 : i32 to index
        %get3A_1113 = arith.constant 0 : index
        %get3A_1114 = tpu.vector_load %arg12[%get3A_1112, %get3A_1113] {strides = array<i32>} : memref<2048x32xbf16, #tpu.memory_space<vmem>>, vector<32xbf16>,
        %unpack3A_1115 = tpu.unpack_subelements %get3A_1114, 0 {pack_format = #tpu.pack_format<interleaved>} : vector<32xbf16> -> vector<16xf32>
        %unpack3A_1116 = tpu.unpack_subelements %get3A_1114, 1 {pack_format = #tpu.pack_format<interleaved>} : vector<32xbf16> -> vector<16xf32>
        %mul3A_1117 = arith.mulf %gather3A_1109, %unpack3A_1115 : vector<16xf32>
        %add3A_1118 = arith.addf %add3A_1103, %mul3A_1117 : vector<16xf32>
        %mul3A_1119 = arith.mulf %gather3A_1109, %unpack3A_1116 : vector<16xf32>
        %add3A_1120 = arith.addf %add3A_1105, %mul3A_1119 : vector<16xf32>
        %broadcast_in_dim3A_1121 = arith.constant 13 : i32
        %broadcast_in_dim3A_1122 = vector.broadcast %broadcast_in_dim3A_1121 : i32 to vector<16x1xi32>
        %gather3A_1123 = vector.shape_cast %broadcast_in_dim3A_1122 : vector<16x1xi32> to vector<16xi32>
        %gather3A_1124 = tpu.dynamic_gather %get3A_925[%gather3A_1123] in [0] : vector<16xf32>, vector<16xi32> -> vector<16xf32>
        %add3A_1125 = arith.constant 13 : i32
        %add3A_1126 = arith.addi %add3A_923, %add3A_1125 : i32
        %get3A_1127 = arith.index_cast %add3A_1126 : i32 to index
        %get3A_1128 = arith.constant 0 : index
        %get3A_1129 = tpu.vector_load %arg12[%get3A_1127, %get3A_1128] {strides = array<i32>} : memref<2048x32xbf16, #tpu.memory_space<vmem>>, vector<32xbf16>,
        %unpack3A_1130 = tpu.unpack_subelements %get3A_1129, 0 {pack_format = #tpu.pack_format<interleaved>} : vector<32xbf16> -> vector<16xf32>
        %unpack3A_1131 = tpu.unpack_subelements %get3A_1129, 1 {pack_format = #tpu.pack_format<interleaved>} : vector<32xbf16> -> vector<16xf32>
        %mul3A_1132 = arith.mulf %gather3A_1124, %unpack3A_1130 : vector<16xf32>
        %add3A_1133 = arith.addf %add3A_1118, %mul3A_1132 : vector<16xf32>
        %mul3A_1134 = arith.mulf %gather3A_1124, %unpack3A_1131 : vector<16xf32>
        %add3A_1135 = arith.addf %add3A_1120, %mul3A_1134 : vector<16xf32>
        %broadcast_in_dim3A_1136 = arith.constant 14 : i32
        %broadcast_in_dim3A_1137 = vector.broadcast %broadcast_in_dim3A_1136 : i32 to vector<16x1xi32>
        %gather3A_1138 = vector.shape_cast %broadcast_in_dim3A_1137 : vector<16x1xi32> to vector<16xi32>
        %gather3A_1139 = tpu.dynamic_gather %get3A_925[%gather3A_1138] in [0] : vector<16xf32>, vector<16xi32> -> vector<16xf32>
        %add3A_1140 = arith.constant 14 : i32
        %add3A_1141 = arith.addi %add3A_923, %add3A_1140 : i32
        %get3A_1142 = arith.index_cast %add3A_1141 : i32 to index
        %get3A_1143 = arith.constant 0 : index
        %get3A_1144 = tpu.vector_load %arg12[%get3A_1142, %get3A_1143] {strides = array<i32>} : memref<2048x32xbf16, #tpu.memory_space<vmem>>, vector<32xbf16>,
        %unpack3A_1145 = tpu.unpack_subelements %get3A_1144, 0 {pack_format = #tpu.pack_format<interleaved>} : vector<32xbf16> -> vector<16xf32>
        %unpack3A_1146 = tpu.unpack_subelements %get3A_1144, 1 {pack_format = #tpu.pack_format<interleaved>} : vector<32xbf16> -> vector<16xf32>
        %mul3A_1147 = arith.mulf %gather3A_1139, %unpack3A_1145 : vector<16xf32>
        %add3A_1148 = arith.addf %add3A_1133, %mul3A_1147 : vector<16xf32>
        %mul3A_1149 = arith.mulf %gather3A_1139, %unpack3A_1146 : vector<16xf32>
        %add3A_1150 = arith.addf %add3A_1135, %mul3A_1149 : vector<16xf32>
        %broadcast_in_dim3A_1151 = arith.constant 15 : i32
        %broadcast_in_dim3A_1152 = vector.broadcast %broadcast_in_dim3A_1151 : i32 to vector<16x1xi32>
        %gather3A_1153 = vector.shape_cast %broadcast_in_dim3A_1152 : vector<16x1xi32> to vector<16xi32>
        %gather3A_1154 = tpu.dynamic_gather %get3A_925[%gather3A_1153] in [0] : vector<16xf32>, vector<16xi32> -> vector<16xf32>
        %add3A_1155 = arith.constant 15 : i32
        %add3A_1156 = arith.addi %add3A_923, %add3A_1155 : i32
        %get3A_1157 = arith.index_cast %add3A_1156 : i32 to index
        %get3A_1158 = arith.constant 0 : index
        %get3A_1159 = tpu.vector_load %arg12[%get3A_1157, %get3A_1158] {strides = array<i32>} : memref<2048x32xbf16, #tpu.memory_space<vmem>>, vector<32xbf16>,
        %unpack3A_1160 = tpu.unpack_subelements %get3A_1159, 0 {pack_format = #tpu.pack_format<interleaved>} : vector<32xbf16> -> vector<16xf32>
        %unpack3A_1161 = tpu.unpack_subelements %get3A_1159, 1 {pack_format = #tpu.pack_format<interleaved>} : vector<32xbf16> -> vector<16xf32>
        %mul3A_1162 = arith.mulf %gather3A_1154, %unpack3A_1160 : vector<16xf32>
        %add3A_1163 = arith.addf %add3A_1148, %mul3A_1162 : vector<16xf32>
        %mul3A_1164 = arith.mulf %gather3A_1154, %unpack3A_1161 : vector<16xf32>
        %add3A_1165 = arith.addf %add3A_1150, %mul3A_1164 : vector<16xf32>
        %mul3A_1166 = arith.constant 32 : i32
        %mul3A_1167 = arith.muli %select_n3A_169, %mul3A_1166 : i32
        %swap3A = arith.index_cast %select_n3A : i32 to index
        %swap3A_1168 = arith.index_cast %mul3A_1167 : i32 to index
        %swap3A_1169 = tpu.vector_load %arg14[%swap3A, %swap3A_1168] {strides = array<i32>} : memref<4x256xf32, #tpu.memory_space<vmem>>, vector<16xf32>,
        tpu.vector_store %arg14[%swap3A, %swap3A_1168], %add3A_1163 {strides = array<i32>} : memref<4x256xf32, #tpu.memory_space<vmem>>, vector<16xf32>,
        %mul3A_1170 = arith.constant 32 : i32
        %mul3A_1171 = arith.muli %select_n3A_169, %mul3A_1170 : i32
        %add3A_1172 = arith.constant 16 : i32
        %add3A_1173 = arith.addi %mul3A_1171, %add3A_1172 : i32
        %swap3A_1174 = arith.index_cast %select_n3A : i32 to index
        %swap3A_1175 = arith.index_cast %add3A_1173 : i32 to index
        %swap3A_1176 = tpu.vector_load %arg14[%swap3A_1174, %swap3A_1175] {strides = array<i32>} : memref<4x256xf32, #tpu.memory_space<vmem>>, vector<16xf32>,
        tpu.vector_store %arg14[%swap3A_1174, %swap3A_1175], %add3A_1165 {strides = array<i32>} : memref<4x256xf32, #tpu.memory_space<vmem>>, vector<16xf32>,
      }
      %scan3A_123 = arith.constant 32 : i32
      %mul3A_124 = arith.constant 4 : i32
      %mul3A_125 = arith.muli %add3A_103, %mul3A_124 : i32
      %add3A_126 = arith.addi %mul3A_2, %mul3A_125 : i32
      %dma_start3A_127 = arith.constant 0 : i32
      %dma_start3A_128 = tpu.memref_slice %arg5[%add3A_126, %dma_start3A_127] : memref<10880x256xf32, #tpu.memory_space<hbm>> -> memref<4x256xf32, #tpu.memory_space<hbm>>
      %dma_start3A_129 = arith.constant 0 : i32
      %dma_start3A_130 = tpu.memref_slice %arg5[%add3A_126, %dma_start3A_129] : memref<10880x256xf32, #tpu.memory_space<hbm>> -> memref<4x256xf32, #tpu.memory_space<hbm>>
      tpu.enqueue_dma source(%arg14 : memref<4x256xf32, #tpu.memory_space<vmem>>) target(%dma_start3A_130 : memref<4x256xf32, #tpu.memory_space<hbm>>) target_semaphore(%arg20 : memref<!tpu.dma_semaphore, #tpu.memory_space<semaphore_mem>>)
      %add3A_131 = arith.constant 2 : i32
      %add3A_132 = arith.addi %add3A_103, %add3A_131 : i32
      %lt3A_133 = arith.constant 85 : i32
      %lt3A_134 = arith.cmpi slt, %add3A_132, %lt3A_133 : i32
      %convert_element_type3A_135 = arith.extui %lt3A_134 : i1 to i32
      %cond3A_136 = arith.constant 0 : i32
      %cond3A_137 = arith.cmpi ne, %convert_element_type3A_135, %cond3A_136 : i32
      scf.if %cond3A_137 {
        %add3A_138 = arith.constant 2 : i32
        %add3A_139 = arith.addi %add3A_103, %add3A_138 : i32
        %mul3A_140 = arith.constant 4 : i32
        %mul3A_141 = arith.muli %add3A_139, %mul3A_140 : i32
        %add3A_142 = arith.addi %mul3A_2, %mul3A_141 : i32
        %mul3A_143 = arith.constant 512 : i32
        %mul3A_144 = arith.muli %add3A_142, %mul3A_143 : i32
        %dma_start3A_145 = tpu.memref_slice %arg3[%mul3A_144] : memref<5570560xi32, #tpu.memory_space<hbm>> -> memref<2048xi32, #tpu.memory_space<hbm>>
        %dma_start3A_146 = tpu.memref_slice %arg3[%mul3A_144] : memref<5570560xi32, #tpu.memory_space<hbm>> -> memref<2048xi32, #tpu.memory_space<hbm>>
        tpu.enqueue_dma source(%dma_start3A_146 : memref<2048xi32, #tpu.memory_space<hbm>>) target(%arg8 : memref<2048xi32, #tpu.memory_space<vmem>>) target_semaphore(%arg16 : memref<!tpu.dma_semaphore, #tpu.memory_space<semaphore_mem>>)
        %dma_start3A_147 = tpu.memref_slice %arg4[%mul3A_144] : memref<5570560xf32, #tpu.memory_space<hbm>> -> memref<2048xf32, #tpu.memory_space<hbm>>
        %dma_start3A_148 = tpu.memref_slice %arg4[%mul3A_144] : memref<5570560xf32, #tpu.memory_space<hbm>> -> memref<2048xf32, #tpu.memory_space<hbm>>
        tpu.enqueue_dma source(%dma_start3A_148 : memref<2048xf32, #tpu.memory_space<hbm>>) target(%arg10 : memref<2048xf32, #tpu.memory_space<vmem>>) target_semaphore(%arg16 : memref<!tpu.dma_semaphore, #tpu.memory_space<semaphore_mem>>)
      } else {
      }
    }
    %scan3A_38 = arith.constant 42 : i32
    %dma_wait3A_39 = arith.constant 0 : i32
    %dma_wait3A_40 = arith.constant 0 : i32
    %dma_wait3A_41 = tpu.memref_slice %arg6[%dma_wait3A_39, %dma_wait3A_40] : memref<43520x32xbf16, #tpu.memory_space<vmem_shared>> -> memref<43520x32xbf16, #tpu.memory_space<vmem_shared>>
    tpu.wait_indirect_dma semaphore(%arg17 : memref<!tpu.dma_semaphore, #tpu.memory_space<semaphore_mem>>) src(%dma_wait3A_41 : memref<43520x32xbf16, #tpu.memory_space<vmem_shared>>) dst(%arg11 : memref<2048x32xbf16, #tpu.memory_space<vmem>>)
    %dma_wait3A_42 = arith.constant 0 : i32
    %dma_wait3A_43 = tpu.memref_slice %arg5[%mul3A_2, %dma_wait3A_42] : memref<10880x256xf32, #tpu.memory_space<hbm>> -> memref<4x256xf32, #tpu.memory_space<hbm>>
    %dma_wait3A_44 = arith.constant 0 : i32
    %dma_wait3A_45 = tpu.memref_slice %arg5[%mul3A_2, %dma_wait3A_44] : memref<10880x256xf32, #tpu.memory_space<hbm>> -> memref<4x256xf32, #tpu.memory_space<hbm>>
    tpu.wait_dma2 semaphore(%arg19 : memref<!tpu.dma_semaphore, #tpu.memory_space<semaphore_mem>>) src(%arg13 : memref<4x256xf32, #tpu.memory_space<vmem>>) dst(%dma_wait3A_45 : memref<4x256xf32, #tpu.memory_space<hbm>>)
    %scan3A_46 = arith.constant 0 : i32
    %scan3A_47 = arith.constant 32 : i32
    %scan3A_48 = arith.addi %scan3A_46, %scan3A_47 : i32
    %scan3A_49 = arith.constant 1 : i32
    scf.for %scan3A_65 = %scan3A_46 to %scan3A_48 step %scan3A_49  : i32 {
      %jit3A = arith.constant 8 : i32
      %div3A = arith.divsi %scan3A_65, %jit3A : i32
      %sign3A = arith.constant 0 : i32
      %sign3A_66 = arith.cmpi sgt, %scan3A_65, %sign3A : i32
      %sign3A_67 = arith.extui %sign3A_66 : i1 to i32
      %sign3A_68 = arith.constant 0 : i32
      %sign3A_69 = arith.cmpi slt, %scan3A_65, %sign3A_68 : i32
      %sign3A_70 = arith.extui %sign3A_69 : i1 to i32
      %sign3A_71 = arith.subi %sign3A_67, %sign3A_70 : i32
      %sign3A_72 = arith.constant 0 : i32
      %sign3A_73 = arith.cmpi sgt, %jit3A, %sign3A_72 : i32
      %sign3A_74 = arith.extui %sign3A_73 : i1 to i32
      %sign3A_75 = arith.constant 0 : i32
      %sign3A_76 = arith.cmpi slt, %jit3A, %sign3A_75 : i32
      %sign3A_77 = arith.extui %sign3A_76 : i1 to i32
      %sign3A_78 = arith.subi %sign3A_74, %sign3A_77 : i32
      %ne3A = arith.cmpi ne, %sign3A_71, %sign3A_78 : i32
      %rem3A = arith.remsi %scan3A_65, %jit3A : i32
      %ne3A_79 = arith.constant 0 : i32
      %ne3A_80 = arith.cmpi ne, %rem3A, %ne3A_79 : i32
      %and3A = arith.andi %ne3A, %ne3A_80 : i1
      %sub3A = arith.constant 1 : i32
      %sub3A_81 = arith.subi %div3A, %sub3A : i32
      %select_n3A = arith.select %and3A, %sub3A_81, %div3A : i32
      %jit3A_82 = arith.constant 8 : i32
      %eq3A = arith.constant 0 : i32
      %eq3A_83 = arith.cmpi eq, %jit3A_82, %eq3A : i32
      %jit3A_84 = arith.constant 1 : i32
      %select_n3A_85 = arith.select %eq3A_83, %jit3A_84, %jit3A_82 : i32
      %rem3A_86 = arith.remsi %scan3A_65, %select_n3A_85 : i32
      %ne3A_87 = arith.constant 0 : i32
      %ne3A_88 = arith.cmpi ne, %rem3A_86, %ne3A_87 : i32
      %lt3A = arith.constant 0 : i32
      %lt3A_89 = arith.cmpi slt, %rem3A_86, %lt3A : i32
      %lt3A_90 = arith.constant 0 : i32
      %lt3A_91 = arith.cmpi slt, %select_n3A_85, %lt3A_90 : i32
      %ne3A_92 = arith.xori %lt3A_89, %lt3A_91 : i1
      %and3A_93 = arith.andi %ne3A_92, %ne3A_88 : i1
      %add3A_94 = arith.addi %rem3A_86, %select_n3A_85 : i32
      %select_n3A_95 = arith.select %and3A_93, %add3A_94, %rem3A_86 : i32
      %broadcast_in_dim3A = arith.constant 0.000000e+00 : f32
      %broadcast_in_dim3A_96 = vector.broadcast %broadcast_in_dim3A : f32 to vector<16xf32>
      %broadcast_in_dim3A_97 = arith.constant 0.000000e+00 : f32
      %broadcast_in_dim3A_98 = vector.broadcast %broadcast_in_dim3A_97 : f32 to vector<16xf32>
      %mul3A_99 = arith.constant 512 : i32
      %mul3A_100 = arith.muli %select_n3A, %mul3A_99 : i32
      %add3A_101 = arith.constant 0 : i32
      %add3A_102 = arith.addi %mul3A_100, %add3A_101 : i32
      %mul3A_103 = arith.constant 16 : i32
      %mul3A_104 = arith.muli %select_n3A_95, %mul3A_103 : i32
      %add3A_105 = arith.addi %add3A_102, %mul3A_104 : i32
      %get3A = arith.index_cast %add3A_105 : i32 to index
      %get3A_106 = tpu.vector_load %arg9[%get3A] {strides = array<i32>} : memref<2048xf32, #tpu.memory_space<vmem>>, vector<16xf32>,
      %broadcast_in_dim3A_107 = arith.constant 0 : i32
      %broadcast_in_dim3A_108 = vector.broadcast %broadcast_in_dim3A_107 : i32 to vector<16x1xi32>
      %gather3A = vector.shape_cast %broadcast_in_dim3A_108 : vector<16x1xi32> to vector<16xi32>
      %gather3A_109 = tpu.dynamic_gather %get3A_106[%gather3A] in [0] : vector<16xf32>, vector<16xi32> -> vector<16xf32>
      %add3A_110 = arith.constant 0 : i32
      %add3A_111 = arith.addi %add3A_105, %add3A_110 : i32
      %get3A_112 = arith.index_cast %add3A_111 : i32 to index
      %get3A_113 = arith.constant 0 : index
      %get3A_114 = tpu.vector_load %arg11[%get3A_112, %get3A_113] {strides = array<i32>} : memref<2048x32xbf16, #tpu.memory_space<vmem>>, vector<32xbf16>,
      %unpack3A = tpu.unpack_subelements %get3A_114, 0 {pack_format = #tpu.pack_format<interleaved>} : vector<32xbf16> -> vector<16xf32>
      %unpack3A_115 = tpu.unpack_subelements %get3A_114, 1 {pack_format = #tpu.pack_format<interleaved>} : vector<32xbf16> -> vector<16xf32>
      %mul3A_116 = arith.mulf %gather3A_109, %unpack3A : vector<16xf32>
      %add3A_117 = arith.addf %broadcast_in_dim3A_96, %mul3A_116 : vector<16xf32>
      %mul3A_118 = arith.mulf %gather3A_109, %unpack3A_115 : vector<16xf32>
      %add3A_119 = arith.addf %broadcast_in_dim3A_98, %mul3A_118 : vector<16xf32>
      %broadcast_in_dim3A_120 = arith.constant 1 : i32
      %broadcast_in_dim3A_121 = vector.broadcast %broadcast_in_dim3A_120 : i32 to vector<16x1xi32>
      %gather3A_122 = vector.shape_cast %broadcast_in_dim3A_121 : vector<16x1xi32> to vector<16xi32>
      %gather3A_123 = tpu.dynamic_gather %get3A_106[%gather3A_122] in [0] : vector<16xf32>, vector<16xi32> -> vector<16xf32>
      %add3A_124 = arith.constant 1 : i32
      %add3A_125 = arith.addi %add3A_105, %add3A_124 : i32
      %get3A_126 = arith.index_cast %add3A_125 : i32 to index
      %get3A_127 = arith.constant 0 : index
      %get3A_128 = tpu.vector_load %arg11[%get3A_126, %get3A_127] {strides = array<i32>} : memref<2048x32xbf16, #tpu.memory_space<vmem>>, vector<32xbf16>,
      %unpack3A_129 = tpu.unpack_subelements %get3A_128, 0 {pack_format = #tpu.pack_format<interleaved>} : vector<32xbf16> -> vector<16xf32>
      %unpack3A_130 = tpu.unpack_subelements %get3A_128, 1 {pack_format = #tpu.pack_format<interleaved>} : vector<32xbf16> -> vector<16xf32>
      %mul3A_131 = arith.mulf %gather3A_123, %unpack3A_129 : vector<16xf32>
      %add3A_132 = arith.addf %add3A_117, %mul3A_131 : vector<16xf32>
      %mul3A_133 = arith.mulf %gather3A_123, %unpack3A_130 : vector<16xf32>
      %add3A_134 = arith.addf %add3A_119, %mul3A_133 : vector<16xf32>
      %broadcast_in_dim3A_135 = arith.constant 2 : i32
      %broadcast_in_dim3A_136 = vector.broadcast %broadcast_in_dim3A_135 : i32 to vector<16x1xi32>
      %gather3A_137 = vector.shape_cast %broadcast_in_dim3A_136 : vector<16x1xi32> to vector<16xi32>
      %gather3A_138 = tpu.dynamic_gather %get3A_106[%gather3A_137] in [0] : vector<16xf32>, vector<16xi32> -> vector<16xf32>
      %add3A_139 = arith.constant 2 : i32
      %add3A_140 = arith.addi %add3A_105, %add3A_139 : i32
      %get3A_141 = arith.index_cast %add3A_140 : i32 to index
      %get3A_142 = arith.constant 0 : index
      %get3A_143 = tpu.vector_load %arg11[%get3A_141, %get3A_142] {strides = array<i32>} : memref<2048x32xbf16, #tpu.memory_space<vmem>>, vector<32xbf16>,
      %unpack3A_144 = tpu.unpack_subelements %get3A_143, 0 {pack_format = #tpu.pack_format<interleaved>} : vector<32xbf16> -> vector<16xf32>
      %unpack3A_145 = tpu.unpack_subelements %get3A_143, 1 {pack_format = #tpu.pack_format<interleaved>} : vector<32xbf16> -> vector<16xf32>
      %mul3A_146 = arith.mulf %gather3A_138, %unpack3A_144 : vector<16xf32>
      %add3A_147 = arith.addf %add3A_132, %mul3A_146 : vector<16xf32>
      %mul3A_148 = arith.mulf %gather3A_138, %unpack3A_145 : vector<16xf32>
      %add3A_149 = arith.addf %add3A_134, %mul3A_148 : vector<16xf32>
      %broadcast_in_dim3A_150 = arith.constant 3 : i32
      %broadcast_in_dim3A_151 = vector.broadcast %broadcast_in_dim3A_150 : i32 to vector<16x1xi32>
      %gather3A_152 = vector.shape_cast %broadcast_in_dim3A_151 : vector<16x1xi32> to vector<16xi32>
      %gather3A_153 = tpu.dynamic_gather %get3A_106[%gather3A_152] in [0] : vector<16xf32>, vector<16xi32> -> vector<16xf32>
      %add3A_154 = arith.constant 3 : i32
      %add3A_155 = arith.addi %add3A_105, %add3A_154 : i32
      %get3A_156 = arith.index_cast %add3A_155 : i32 to index
      %get3A_157 = arith.constant 0 : index
      %get3A_158 = tpu.vector_load %arg11[%get3A_156, %get3A_157] {strides = array<i32>} : memref<2048x32xbf16, #tpu.memory_space<vmem>>, vector<32xbf16>,
      %unpack3A_159 = tpu.unpack_subelements %get3A_158, 0 {pack_format = #tpu.pack_format<interleaved>} : vector<32xbf16> -> vector<16xf32>
      %unpack3A_160 = tpu.unpack_subelements %get3A_158, 1 {pack_format = #tpu.pack_format<interleaved>} : vector<32xbf16> -> vector<16xf32>
      %mul3A_161 = arith.mulf %gather3A_153, %unpack3A_159 : vector<16xf32>
      %add3A_162 = arith.addf %add3A_147, %mul3A_161 : vector<16xf32>
      %mul3A_163 = arith.mulf %gather3A_153, %unpack3A_160 : vector<16xf32>
      %add3A_164 = arith.addf %add3A_149, %mul3A_163 : vector<16xf32>
      %broadcast_in_dim3A_165 = arith.constant 4 : i32
      %broadcast_in_dim3A_166 = vector.broadcast %broadcast_in_dim3A_165 : i32 to vector<16x1xi32>
      %gather3A_167 = vector.shape_cast %broadcast_in_dim3A_166 : vector<16x1xi32> to vector<16xi32>
      %gather3A_168 = tpu.dynamic_gather %get3A_106[%gather3A_167] in [0] : vector<16xf32>, vector<16xi32> -> vector<16xf32>
      %add3A_169 = arith.constant 4 : i32
      %add3A_170 = arith.addi %add3A_105, %add3A_169 : i32
      %get3A_171 = arith.index_cast %add3A_170 : i32 to index
      %get3A_172 = arith.constant 0 : index
      %get3A_173 = tpu.vector_load %arg11[%get3A_171, %get3A_172] {strides = array<i32>} : memref<2048x32xbf16, #tpu.memory_space<vmem>>, vector<32xbf16>,
      %unpack3A_174 = tpu.unpack_subelements %get3A_173, 0 {pack_format = #tpu.pack_format<interleaved>} : vector<32xbf16> -> vector<16xf32>
      %unpack3A_175 = tpu.unpack_subelements %get3A_173, 1 {pack_format = #tpu.pack_format<interleaved>} : vector<32xbf16> -> vector<16xf32>
      %mul3A_176 = arith.mulf %gather3A_168, %unpack3A_174 : vector<16xf32>
      %add3A_177 = arith.addf %add3A_162, %mul3A_176 : vector<16xf32>
      %mul3A_178 = arith.mulf %gather3A_168, %unpack3A_175 : vector<16xf32>
      %add3A_179 = arith.addf %add3A_164, %mul3A_178 : vector<16xf32>
      %broadcast_in_dim3A_180 = arith.constant 5 : i32
      %broadcast_in_dim3A_181 = vector.broadcast %broadcast_in_dim3A_180 : i32 to vector<16x1xi32>
      %gather3A_182 = vector.shape_cast %broadcast_in_dim3A_181 : vector<16x1xi32> to vector<16xi32>
      %gather3A_183 = tpu.dynamic_gather %get3A_106[%gather3A_182] in [0] : vector<16xf32>, vector<16xi32> -> vector<16xf32>
      %add3A_184 = arith.constant 5 : i32
      %add3A_185 = arith.addi %add3A_105, %add3A_184 : i32
      %get3A_186 = arith.index_cast %add3A_185 : i32 to index
      %get3A_187 = arith.constant 0 : index
      %get3A_188 = tpu.vector_load %arg11[%get3A_186, %get3A_187] {strides = array<i32>} : memref<2048x32xbf16, #tpu.memory_space<vmem>>, vector<32xbf16>,
      %unpack3A_189 = tpu.unpack_subelements %get3A_188, 0 {pack_format = #tpu.pack_format<interleaved>} : vector<32xbf16> -> vector<16xf32>
      %unpack3A_190 = tpu.unpack_subelements %get3A_188, 1 {pack_format = #tpu.pack_format<interleaved>} : vector<32xbf16> -> vector<16xf32>
      %mul3A_191 = arith.mulf %gather3A_183, %unpack3A_189 : vector<16xf32>
      %add3A_192 = arith.addf %add3A_177, %mul3A_191 : vector<16xf32>
      %mul3A_193 = arith.mulf %gather3A_183, %unpack3A_190 : vector<16xf32>
      %add3A_194 = arith.addf %add3A_179, %mul3A_193 : vector<16xf32>
      %broadcast_in_dim3A_195 = arith.constant 6 : i32
      %broadcast_in_dim3A_196 = vector.broadcast %broadcast_in_dim3A_195 : i32 to vector<16x1xi32>
      %gather3A_197 = vector.shape_cast %broadcast_in_dim3A_196 : vector<16x1xi32> to vector<16xi32>
      %gather3A_198 = tpu.dynamic_gather %get3A_106[%gather3A_197] in [0] : vector<16xf32>, vector<16xi32> -> vector<16xf32>
      %add3A_199 = arith.constant 6 : i32
      %add3A_200 = arith.addi %add3A_105, %add3A_199 : i32
      %get3A_201 = arith.index_cast %add3A_200 : i32 to index
      %get3A_202 = arith.constant 0 : index
      %get3A_203 = tpu.vector_load %arg11[%get3A_201, %get3A_202] {strides = array<i32>} : memref<2048x32xbf16, #tpu.memory_space<vmem>>, vector<32xbf16>,
      %unpack3A_204 = tpu.unpack_subelements %get3A_203, 0 {pack_format = #tpu.pack_format<interleaved>} : vector<32xbf16> -> vector<16xf32>
      %unpack3A_205 = tpu.unpack_subelements %get3A_203, 1 {pack_format = #tpu.pack_format<interleaved>} : vector<32xbf16> -> vector<16xf32>
      %mul3A_206 = arith.mulf %gather3A_198, %unpack3A_204 : vector<16xf32>
      %add3A_207 = arith.addf %add3A_192, %mul3A_206 : vector<16xf32>
      %mul3A_208 = arith.mulf %gather3A_198, %unpack3A_205 : vector<16xf32>
      %add3A_209 = arith.addf %add3A_194, %mul3A_208 : vector<16xf32>
      %broadcast_in_dim3A_210 = arith.constant 7 : i32
      %broadcast_in_dim3A_211 = vector.broadcast %broadcast_in_dim3A_210 : i32 to vector<16x1xi32>
      %gather3A_212 = vector.shape_cast %broadcast_in_dim3A_211 : vector<16x1xi32> to vector<16xi32>
      %gather3A_213 = tpu.dynamic_gather %get3A_106[%gather3A_212] in [0] : vector<16xf32>, vector<16xi32> -> vector<16xf32>
      %add3A_214 = arith.constant 7 : i32
      %add3A_215 = arith.addi %add3A_105, %add3A_214 : i32
      %get3A_216 = arith.index_cast %add3A_215 : i32 to index
      %get3A_217 = arith.constant 0 : index
      %get3A_218 = tpu.vector_load %arg11[%get3A_216, %get3A_217] {strides = array<i32>} : memref<2048x32xbf16, #tpu.memory_space<vmem>>, vector<32xbf16>,
      %unpack3A_219 = tpu.unpack_subelements %get3A_218, 0 {pack_format = #tpu.pack_format<interleaved>} : vector<32xbf16> -> vector<16xf32>
      %unpack3A_220 = tpu.unpack_subelements %get3A_218, 1 {pack_format = #tpu.pack_format<interleaved>} : vector<32xbf16> -> vector<16xf32>
      %mul3A_221 = arith.mulf %gather3A_213, %unpack3A_219 : vector<16xf32>
      %add3A_222 = arith.addf %add3A_207, %mul3A_221 : vector<16xf32>
      %mul3A_223 = arith.mulf %gather3A_213, %unpack3A_220 : vector<16xf32>
      %add3A_224 = arith.addf %add3A_209, %mul3A_223 : vector<16xf32>
      %broadcast_in_dim3A_225 = arith.constant 8 : i32
      %broadcast_in_dim3A_226 = vector.broadcast %broadcast_in_dim3A_225 : i32 to vector<16x1xi32>
      %gather3A_227 = vector.shape_cast %broadcast_in_dim3A_226 : vector<16x1xi32> to vector<16xi32>
      %gather3A_228 = tpu.dynamic_gather %get3A_106[%gather3A_227] in [0] : vector<16xf32>, vector<16xi32> -> vector<16xf32>
      %add3A_229 = arith.constant 8 : i32
      %add3A_230 = arith.addi %add3A_105, %add3A_229 : i32
      %get3A_231 = arith.index_cast %add3A_230 : i32 to index
      %get3A_232 = arith.constant 0 : index
      %get3A_233 = tpu.vector_load %arg11[%get3A_231, %get3A_232] {strides = array<i32>} : memref<2048x32xbf16, #tpu.memory_space<vmem>>, vector<32xbf16>,
      %unpack3A_234 = tpu.unpack_subelements %get3A_233, 0 {pack_format = #tpu.pack_format<interleaved>} : vector<32xbf16> -> vector<16xf32>
      %unpack3A_235 = tpu.unpack_subelements %get3A_233, 1 {pack_format = #tpu.pack_format<interleaved>} : vector<32xbf16> -> vector<16xf32>
      %mul3A_236 = arith.mulf %gather3A_228, %unpack3A_234 : vector<16xf32>
      %add3A_237 = arith.addf %add3A_222, %mul3A_236 : vector<16xf32>
      %mul3A_238 = arith.mulf %gather3A_228, %unpack3A_235 : vector<16xf32>
      %add3A_239 = arith.addf %add3A_224, %mul3A_238 : vector<16xf32>
      %broadcast_in_dim3A_240 = arith.constant 9 : i32
      %broadcast_in_dim3A_241 = vector.broadcast %broadcast_in_dim3A_240 : i32 to vector<16x1xi32>
      %gather3A_242 = vector.shape_cast %broadcast_in_dim3A_241 : vector<16x1xi32> to vector<16xi32>
      %gather3A_243 = tpu.dynamic_gather %get3A_106[%gather3A_242] in [0] : vector<16xf32>, vector<16xi32> -> vector<16xf32>
      %add3A_244 = arith.constant 9 : i32
      %add3A_245 = arith.addi %add3A_105, %add3A_244 : i32
      %get3A_246 = arith.index_cast %add3A_245 : i32 to index
      %get3A_247 = arith.constant 0 : index
      %get3A_248 = tpu.vector_load %arg11[%get3A_246, %get3A_247] {strides = array<i32>} : memref<2048x32xbf16, #tpu.memory_space<vmem>>, vector<32xbf16>,
      %unpack3A_249 = tpu.unpack_subelements %get3A_248, 0 {pack_format = #tpu.pack_format<interleaved>} : vector<32xbf16> -> vector<16xf32>
      %unpack3A_250 = tpu.unpack_subelements %get3A_248, 1 {pack_format = #tpu.pack_format<interleaved>} : vector<32xbf16> -> vector<16xf32>
      %mul3A_251 = arith.mulf %gather3A_243, %unpack3A_249 : vector<16xf32>
      %add3A_252 = arith.addf %add3A_237, %mul3A_251 : vector<16xf32>
      %mul3A_253 = arith.mulf %gather3A_243, %unpack3A_250 : vector<16xf32>
      %add3A_254 = arith.addf %add3A_239, %mul3A_253 : vector<16xf32>
      %broadcast_in_dim3A_255 = arith.constant 10 : i32
      %broadcast_in_dim3A_256 = vector.broadcast %broadcast_in_dim3A_255 : i32 to vector<16x1xi32>
      %gather3A_257 = vector.shape_cast %broadcast_in_dim3A_256 : vector<16x1xi32> to vector<16xi32>
      %gather3A_258 = tpu.dynamic_gather %get3A_106[%gather3A_257] in [0] : vector<16xf32>, vector<16xi32> -> vector<16xf32>
      %add3A_259 = arith.constant 10 : i32
      %add3A_260 = arith.addi %add3A_105, %add3A_259 : i32
      %get3A_261 = arith.index_cast %add3A_260 : i32 to index
      %get3A_262 = arith.constant 0 : index
      %get3A_263 = tpu.vector_load %arg11[%get3A_261, %get3A_262] {strides = array<i32>} : memref<2048x32xbf16, #tpu.memory_space<vmem>>, vector<32xbf16>,
      %unpack3A_264 = tpu.unpack_subelements %get3A_263, 0 {pack_format = #tpu.pack_format<interleaved>} : vector<32xbf16> -> vector<16xf32>
      %unpack3A_265 = tpu.unpack_subelements %get3A_263, 1 {pack_format = #tpu.pack_format<interleaved>} : vector<32xbf16> -> vector<16xf32>
      %mul3A_266 = arith.mulf %gather3A_258, %unpack3A_264 : vector<16xf32>
      %add3A_267 = arith.addf %add3A_252, %mul3A_266 : vector<16xf32>
      %mul3A_268 = arith.mulf %gather3A_258, %unpack3A_265 : vector<16xf32>
      %add3A_269 = arith.addf %add3A_254, %mul3A_268 : vector<16xf32>
      %broadcast_in_dim3A_270 = arith.constant 11 : i32
      %broadcast_in_dim3A_271 = vector.broadcast %broadcast_in_dim3A_270 : i32 to vector<16x1xi32>
      %gather3A_272 = vector.shape_cast %broadcast_in_dim3A_271 : vector<16x1xi32> to vector<16xi32>
      %gather3A_273 = tpu.dynamic_gather %get3A_106[%gather3A_272] in [0] : vector<16xf32>, vector<16xi32> -> vector<16xf32>
      %add3A_274 = arith.constant 11 : i32
      %add3A_275 = arith.addi %add3A_105, %add3A_274 : i32
      %get3A_276 = arith.index_cast %add3A_275 : i32 to index
      %get3A_277 = arith.constant 0 : index
      %get3A_278 = tpu.vector_load %arg11[%get3A_276, %get3A_277] {strides = array<i32>} : memref<2048x32xbf16, #tpu.memory_space<vmem>>, vector<32xbf16>,
      %unpack3A_279 = tpu.unpack_subelements %get3A_278, 0 {pack_format = #tpu.pack_format<interleaved>} : vector<32xbf16> -> vector<16xf32>
      %unpack3A_280 = tpu.unpack_subelements %get3A_278, 1 {pack_format = #tpu.pack_format<interleaved>} : vector<32xbf16> -> vector<16xf32>
      %mul3A_281 = arith.mulf %gather3A_273, %unpack3A_279 : vector<16xf32>
      %add3A_282 = arith.addf %add3A_267, %mul3A_281 : vector<16xf32>
      %mul3A_283 = arith.mulf %gather3A_273, %unpack3A_280 : vector<16xf32>
      %add3A_284 = arith.addf %add3A_269, %mul3A_283 : vector<16xf32>
      %broadcast_in_dim3A_285 = arith.constant 12 : i32
      %broadcast_in_dim3A_286 = vector.broadcast %broadcast_in_dim3A_285 : i32 to vector<16x1xi32>
      %gather3A_287 = vector.shape_cast %broadcast_in_dim3A_286 : vector<16x1xi32> to vector<16xi32>
      %gather3A_288 = tpu.dynamic_gather %get3A_106[%gather3A_287] in [0] : vector<16xf32>, vector<16xi32> -> vector<16xf32>
      %add3A_289 = arith.constant 12 : i32
      %add3A_290 = arith.addi %add3A_105, %add3A_289 : i32
      %get3A_291 = arith.index_cast %add3A_290 : i32 to index
      %get3A_292 = arith.constant 0 : index
      %get3A_293 = tpu.vector_load %arg11[%get3A_291, %get3A_292] {strides = array<i32>} : memref<2048x32xbf16, #tpu.memory_space<vmem>>, vector<32xbf16>,
      %unpack3A_294 = tpu.unpack_subelements %get3A_293, 0 {pack_format = #tpu.pack_format<interleaved>} : vector<32xbf16> -> vector<16xf32>
      %unpack3A_295 = tpu.unpack_subelements %get3A_293, 1 {pack_format = #tpu.pack_format<interleaved>} : vector<32xbf16> -> vector<16xf32>
      %mul3A_296 = arith.mulf %gather3A_288, %unpack3A_294 : vector<16xf32>
      %add3A_297 = arith.addf %add3A_282, %mul3A_296 : vector<16xf32>
      %mul3A_298 = arith.mulf %gather3A_288, %unpack3A_295 : vector<16xf32>
      %add3A_299 = arith.addf %add3A_284, %mul3A_298 : vector<16xf32>
      %broadcast_in_dim3A_300 = arith.constant 13 : i32
      %broadcast_in_dim3A_301 = vector.broadcast %broadcast_in_dim3A_300 : i32 to vector<16x1xi32>
      %gather3A_302 = vector.shape_cast %broadcast_in_dim3A_301 : vector<16x1xi32> to vector<16xi32>
      %gather3A_303 = tpu.dynamic_gather %get3A_106[%gather3A_302] in [0] : vector<16xf32>, vector<16xi32> -> vector<16xf32>
      %add3A_304 = arith.constant 13 : i32
      %add3A_305 = arith.addi %add3A_105, %add3A_304 : i32
      %get3A_306 = arith.index_cast %add3A_305 : i32 to index
      %get3A_307 = arith.constant 0 : index
      %get3A_308 = tpu.vector_load %arg11[%get3A_306, %get3A_307] {strides = array<i32>} : memref<2048x32xbf16, #tpu.memory_space<vmem>>, vector<32xbf16>,
      %unpack3A_309 = tpu.unpack_subelements %get3A_308, 0 {pack_format = #tpu.pack_format<interleaved>} : vector<32xbf16> -> vector<16xf32>
      %unpack3A_310 = tpu.unpack_subelements %get3A_308, 1 {pack_format = #tpu.pack_format<interleaved>} : vector<32xbf16> -> vector<16xf32>
      %mul3A_311 = arith.mulf %gather3A_303, %unpack3A_309 : vector<16xf32>
      %add3A_312 = arith.addf %add3A_297, %mul3A_311 : vector<16xf32>
      %mul3A_313 = arith.mulf %gather3A_303, %unpack3A_310 : vector<16xf32>
      %add3A_314 = arith.addf %add3A_299, %mul3A_313 : vector<16xf32>
      %broadcast_in_dim3A_315 = arith.constant 14 : i32
      %broadcast_in_dim3A_316 = vector.broadcast %broadcast_in_dim3A_315 : i32 to vector<16x1xi32>
      %gather3A_317 = vector.shape_cast %broadcast_in_dim3A_316 : vector<16x1xi32> to vector<16xi32>
      %gather3A_318 = tpu.dynamic_gather %get3A_106[%gather3A_317] in [0] : vector<16xf32>, vector<16xi32> -> vector<16xf32>
      %add3A_319 = arith.constant 14 : i32
      %add3A_320 = arith.addi %add3A_105, %add3A_319 : i32
      %get3A_321 = arith.index_cast %add3A_320 : i32 to index
      %get3A_322 = arith.constant 0 : index
      %get3A_323 = tpu.vector_load %arg11[%get3A_321, %get3A_322] {strides = array<i32>} : memref<2048x32xbf16, #tpu.memory_space<vmem>>, vector<32xbf16>,
      %unpack3A_324 = tpu.unpack_subelements %get3A_323, 0 {pack_format = #tpu.pack_format<interleaved>} : vector<32xbf16> -> vector<16xf32>
      %unpack3A_325 = tpu.unpack_subelements %get3A_323, 1 {pack_format = #tpu.pack_format<interleaved>} : vector<32xbf16> -> vector<16xf32>
      %mul3A_326 = arith.mulf %gather3A_318, %unpack3A_324 : vector<16xf32>
      %add3A_327 = arith.addf %add3A_312, %mul3A_326 : vector<16xf32>
      %mul3A_328 = arith.mulf %gather3A_318, %unpack3A_325 : vector<16xf32>
      %add3A_329 = arith.addf %add3A_314, %mul3A_328 : vector<16xf32>
      %broadcast_in_dim3A_330 = arith.constant 15 : i32
      %broadcast_in_dim3A_331 = vector.broadcast %broadcast_in_dim3A_330 : i32 to vector<16x1xi32>
      %gather3A_332 = vector.shape_cast %broadcast_in_dim3A_331 : vector<16x1xi32> to vector<16xi32>
      %gather3A_333 = tpu.dynamic_gather %get3A_106[%gather3A_332] in [0] : vector<16xf32>, vector<16xi32> -> vector<16xf32>
      %add3A_334 = arith.constant 15 : i32
      %add3A_335 = arith.addi %add3A_105, %add3A_334 : i32
      %get3A_336 = arith.index_cast %add3A_335 : i32 to index
      %get3A_337 = arith.constant 0 : index
      %get3A_338 = tpu.vector_load %arg11[%get3A_336, %get3A_337] {strides = array<i32>} : memref<2048x32xbf16, #tpu.memory_space<vmem>>, vector<32xbf16>,
      %unpack3A_339 = tpu.unpack_subelements %get3A_338, 0 {pack_format = #tpu.pack_format<interleaved>} : vector<32xbf16> -> vector<16xf32>
      %unpack3A_340 = tpu.unpack_subelements %get3A_338, 1 {pack_format = #tpu.pack_format<interleaved>} : vector<32xbf16> -> vector<16xf32>
      %mul3A_341 = arith.mulf %gather3A_333, %unpack3A_339 : vector<16xf32>
      %add3A_342 = arith.addf %add3A_327, %mul3A_341 : vector<16xf32>
      %mul3A_343 = arith.mulf %gather3A_333, %unpack3A_340 : vector<16xf32>
      %add3A_344 = arith.addf %add3A_329, %mul3A_343 : vector<16xf32>
      %mul3A_345 = arith.constant 512 : i32
      %mul3A_346 = arith.muli %select_n3A, %mul3A_345 : i32
      %add3A_347 = arith.constant 128 : i32
      %add3A_348 = arith.addi %mul3A_346, %add3A_347 : i32
      %mul3A_349 = arith.constant 16 : i32
      %mul3A_350 = arith.muli %select_n3A_95, %mul3A_349 : i32
      %add3A_351 = arith.addi %add3A_348, %mul3A_350 : i32
      %get3A_352 = arith.index_cast %add3A_351 : i32 to index
      %get3A_353 = tpu.vector_load %arg9[%get3A_352] {strides = array<i32>} : memref<2048xf32, #tpu.memory_space<vmem>>, vector<16xf32>,
      %broadcast_in_dim3A_354 = arith.constant 0 : i32
      %broadcast_in_dim3A_355 = vector.broadcast %broadcast_in_dim3A_354 : i32 to vector<16x1xi32>
      %gather3A_356 = vector.shape_cast %broadcast_in_dim3A_355 : vector<16x1xi32> to vector<16xi32>
      %gather3A_357 = tpu.dynamic_gather %get3A_353[%gather3A_356] in [0] : vector<16xf32>, vector<16xi32> -> vector<16xf32>
      %add3A_358 = arith.constant 0 : i32
      %add3A_359 = arith.addi %add3A_351, %add3A_358 : i32
      %get3A_360 = arith.index_cast %add3A_359 : i32 to index
      %get3A_361 = arith.constant 0 : index
      %get3A_362 = tpu.vector_load %arg11[%get3A_360, %get3A_361] {strides = array<i32>} : memref<2048x32xbf16, #tpu.memory_space<vmem>>, vector<32xbf16>,
      %unpack3A_363 = tpu.unpack_subelements %get3A_362, 0 {pack_format = #tpu.pack_format<interleaved>} : vector<32xbf16> -> vector<16xf32>
      %unpack3A_364 = tpu.unpack_subelements %get3A_362, 1 {pack_format = #tpu.pack_format<interleaved>} : vector<32xbf16> -> vector<16xf32>
      %mul3A_365 = arith.mulf %gather3A_357, %unpack3A_363 : vector<16xf32>
      %add3A_366 = arith.addf %add3A_342, %mul3A_365 : vector<16xf32>
      %mul3A_367 = arith.mulf %gather3A_357, %unpack3A_364 : vector<16xf32>
      %add3A_368 = arith.addf %add3A_344, %mul3A_367 : vector<16xf32>
      %broadcast_in_dim3A_369 = arith.constant 1 : i32
      %broadcast_in_dim3A_370 = vector.broadcast %broadcast_in_dim3A_369 : i32 to vector<16x1xi32>
      %gather3A_371 = vector.shape_cast %broadcast_in_dim3A_370 : vector<16x1xi32> to vector<16xi32>
      %gather3A_372 = tpu.dynamic_gather %get3A_353[%gather3A_371] in [0] : vector<16xf32>, vector<16xi32> -> vector<16xf32>
      %add3A_373 = arith.constant 1 : i32
      %add3A_374 = arith.addi %add3A_351, %add3A_373 : i32
      %get3A_375 = arith.index_cast %add3A_374 : i32 to index
      %get3A_376 = arith.constant 0 : index
      %get3A_377 = tpu.vector_load %arg11[%get3A_375, %get3A_376] {strides = array<i32>} : memref<2048x32xbf16, #tpu.memory_space<vmem>>, vector<32xbf16>,
      %unpack3A_378 = tpu.unpack_subelements %get3A_377, 0 {pack_format = #tpu.pack_format<interleaved>} : vector<32xbf16> -> vector<16xf32>
      %unpack3A_379 = tpu.unpack_subelements %get3A_377, 1 {pack_format = #tpu.pack_format<interleaved>} : vector<32xbf16> -> vector<16xf32>
      %mul3A_380 = arith.mulf %gather3A_372, %unpack3A_378 : vector<16xf32>
      %add3A_381 = arith.addf %add3A_366, %mul3A_380 : vector<16xf32>
      %mul3A_382 = arith.mulf %gather3A_372, %unpack3A_379 : vector<16xf32>
      %add3A_383 = arith.addf %add3A_368, %mul3A_382 : vector<16xf32>
      %broadcast_in_dim3A_384 = arith.constant 2 : i32
      %broadcast_in_dim3A_385 = vector.broadcast %broadcast_in_dim3A_384 : i32 to vector<16x1xi32>
      %gather3A_386 = vector.shape_cast %broadcast_in_dim3A_385 : vector<16x1xi32> to vector<16xi32>
      %gather3A_387 = tpu.dynamic_gather %get3A_353[%gather3A_386] in [0] : vector<16xf32>, vector<16xi32> -> vector<16xf32>
      %add3A_388 = arith.constant 2 : i32
      %add3A_389 = arith.addi %add3A_351, %add3A_388 : i32
      %get3A_390 = arith.index_cast %add3A_389 : i32 to index
      %get3A_391 = arith.constant 0 : index
      %get3A_392 = tpu.vector_load %arg11[%get3A_390, %get3A_391] {strides = array<i32>} : memref<2048x32xbf16, #tpu.memory_space<vmem>>, vector<32xbf16>,
      %unpack3A_393 = tpu.unpack_subelements %get3A_392, 0 {pack_format = #tpu.pack_format<interleaved>} : vector<32xbf16> -> vector<16xf32>
      %unpack3A_394 = tpu.unpack_subelements %get3A_392, 1 {pack_format = #tpu.pack_format<interleaved>} : vector<32xbf16> -> vector<16xf32>
      %mul3A_395 = arith.mulf %gather3A_387, %unpack3A_393 : vector<16xf32>
      %add3A_396 = arith.addf %add3A_381, %mul3A_395 : vector<16xf32>
      %mul3A_397 = arith.mulf %gather3A_387, %unpack3A_394 : vector<16xf32>
      %add3A_398 = arith.addf %add3A_383, %mul3A_397 : vector<16xf32>
      %broadcast_in_dim3A_399 = arith.constant 3 : i32
      %broadcast_in_dim3A_400 = vector.broadcast %broadcast_in_dim3A_399 : i32 to vector<16x1xi32>
      %gather3A_401 = vector.shape_cast %broadcast_in_dim3A_400 : vector<16x1xi32> to vector<16xi32>
      %gather3A_402 = tpu.dynamic_gather %get3A_353[%gather3A_401] in [0] : vector<16xf32>, vector<16xi32> -> vector<16xf32>
      %add3A_403 = arith.constant 3 : i32
      %add3A_404 = arith.addi %add3A_351, %add3A_403 : i32
      %get3A_405 = arith.index_cast %add3A_404 : i32 to index
      %get3A_406 = arith.constant 0 : index
      %get3A_407 = tpu.vector_load %arg11[%get3A_405, %get3A_406] {strides = array<i32>} : memref<2048x32xbf16, #tpu.memory_space<vmem>>, vector<32xbf16>,
      %unpack3A_408 = tpu.unpack_subelements %get3A_407, 0 {pack_format = #tpu.pack_format<interleaved>} : vector<32xbf16> -> vector<16xf32>
      %unpack3A_409 = tpu.unpack_subelements %get3A_407, 1 {pack_format = #tpu.pack_format<interleaved>} : vector<32xbf16> -> vector<16xf32>
      %mul3A_410 = arith.mulf %gather3A_402, %unpack3A_408 : vector<16xf32>
      %add3A_411 = arith.addf %add3A_396, %mul3A_410 : vector<16xf32>
      %mul3A_412 = arith.mulf %gather3A_402, %unpack3A_409 : vector<16xf32>
      %add3A_413 = arith.addf %add3A_398, %mul3A_412 : vector<16xf32>
      %broadcast_in_dim3A_414 = arith.constant 4 : i32
      %broadcast_in_dim3A_415 = vector.broadcast %broadcast_in_dim3A_414 : i32 to vector<16x1xi32>
      %gather3A_416 = vector.shape_cast %broadcast_in_dim3A_415 : vector<16x1xi32> to vector<16xi32>
      %gather3A_417 = tpu.dynamic_gather %get3A_353[%gather3A_416] in [0] : vector<16xf32>, vector<16xi32> -> vector<16xf32>
      %add3A_418 = arith.constant 4 : i32
      %add3A_419 = arith.addi %add3A_351, %add3A_418 : i32
      %get3A_420 = arith.index_cast %add3A_419 : i32 to index
      %get3A_421 = arith.constant 0 : index
      %get3A_422 = tpu.vector_load %arg11[%get3A_420, %get3A_421] {strides = array<i32>} : memref<2048x32xbf16, #tpu.memory_space<vmem>>, vector<32xbf16>,
      %unpack3A_423 = tpu.unpack_subelements %get3A_422, 0 {pack_format = #tpu.pack_format<interleaved>} : vector<32xbf16> -> vector<16xf32>
      %unpack3A_424 = tpu.unpack_subelements %get3A_422, 1 {pack_format = #tpu.pack_format<interleaved>} : vector<32xbf16> -> vector<16xf32>
      %mul3A_425 = arith.mulf %gather3A_417, %unpack3A_423 : vector<16xf32>
      %add3A_426 = arith.addf %add3A_411, %mul3A_425 : vector<16xf32>
      %mul3A_427 = arith.mulf %gather3A_417, %unpack3A_424 : vector<16xf32>
      %add3A_428 = arith.addf %add3A_413, %mul3A_427 : vector<16xf32>
      %broadcast_in_dim3A_429 = arith.constant 5 : i32
      %broadcast_in_dim3A_430 = vector.broadcast %broadcast_in_dim3A_429 : i32 to vector<16x1xi32>
      %gather3A_431 = vector.shape_cast %broadcast_in_dim3A_430 : vector<16x1xi32> to vector<16xi32>
      %gather3A_432 = tpu.dynamic_gather %get3A_353[%gather3A_431] in [0] : vector<16xf32>, vector<16xi32> -> vector<16xf32>
      %add3A_433 = arith.constant 5 : i32
      %add3A_434 = arith.addi %add3A_351, %add3A_433 : i32
      %get3A_435 = arith.index_cast %add3A_434 : i32 to index
      %get3A_436 = arith.constant 0 : index
      %get3A_437 = tpu.vector_load %arg11[%get3A_435, %get3A_436] {strides = array<i32>} : memref<2048x32xbf16, #tpu.memory_space<vmem>>, vector<32xbf16>,
      %unpack3A_438 = tpu.unpack_subelements %get3A_437, 0 {pack_format = #tpu.pack_format<interleaved>} : vector<32xbf16> -> vector<16xf32>
      %unpack3A_439 = tpu.unpack_subelements %get3A_437, 1 {pack_format = #tpu.pack_format<interleaved>} : vector<32xbf16> -> vector<16xf32>
      %mul3A_440 = arith.mulf %gather3A_432, %unpack3A_438 : vector<16xf32>
      %add3A_441 = arith.addf %add3A_426, %mul3A_440 : vector<16xf32>
      %mul3A_442 = arith.mulf %gather3A_432, %unpack3A_439 : vector<16xf32>
      %add3A_443 = arith.addf %add3A_428, %mul3A_442 : vector<16xf32>
      %broadcast_in_dim3A_444 = arith.constant 6 : i32
      %broadcast_in_dim3A_445 = vector.broadcast %broadcast_in_dim3A_444 : i32 to vector<16x1xi32>
      %gather3A_446 = vector.shape_cast %broadcast_in_dim3A_445 : vector<16x1xi32> to vector<16xi32>
      %gather3A_447 = tpu.dynamic_gather %get3A_353[%gather3A_446] in [0] : vector<16xf32>, vector<16xi32> -> vector<16xf32>
      %add3A_448 = arith.constant 6 : i32
      %add3A_449 = arith.addi %add3A_351, %add3A_448 : i32
      %get3A_450 = arith.index_cast %add3A_449 : i32 to index
      %get3A_451 = arith.constant 0 : index
      %get3A_452 = tpu.vector_load %arg11[%get3A_450, %get3A_451] {strides = array<i32>} : memref<2048x32xbf16, #tpu.memory_space<vmem>>, vector<32xbf16>,
      %unpack3A_453 = tpu.unpack_subelements %get3A_452, 0 {pack_format = #tpu.pack_format<interleaved>} : vector<32xbf16> -> vector<16xf32>
      %unpack3A_454 = tpu.unpack_subelements %get3A_452, 1 {pack_format = #tpu.pack_format<interleaved>} : vector<32xbf16> -> vector<16xf32>
      %mul3A_455 = arith.mulf %gather3A_447, %unpack3A_453 : vector<16xf32>
      %add3A_456 = arith.addf %add3A_441, %mul3A_455 : vector<16xf32>
      %mul3A_457 = arith.mulf %gather3A_447, %unpack3A_454 : vector<16xf32>
      %add3A_458 = arith.addf %add3A_443, %mul3A_457 : vector<16xf32>
      %broadcast_in_dim3A_459 = arith.constant 7 : i32
      %broadcast_in_dim3A_460 = vector.broadcast %broadcast_in_dim3A_459 : i32 to vector<16x1xi32>
      %gather3A_461 = vector.shape_cast %broadcast_in_dim3A_460 : vector<16x1xi32> to vector<16xi32>
      %gather3A_462 = tpu.dynamic_gather %get3A_353[%gather3A_461] in [0] : vector<16xf32>, vector<16xi32> -> vector<16xf32>
      %add3A_463 = arith.constant 7 : i32
      %add3A_464 = arith.addi %add3A_351, %add3A_463 : i32
      %get3A_465 = arith.index_cast %add3A_464 : i32 to index
      %get3A_466 = arith.constant 0 : index
      %get3A_467 = tpu.vector_load %arg11[%get3A_465, %get3A_466] {strides = array<i32>} : memref<2048x32xbf16, #tpu.memory_space<vmem>>, vector<32xbf16>,
      %unpack3A_468 = tpu.unpack_subelements %get3A_467, 0 {pack_format = #tpu.pack_format<interleaved>} : vector<32xbf16> -> vector<16xf32>
      %unpack3A_469 = tpu.unpack_subelements %get3A_467, 1 {pack_format = #tpu.pack_format<interleaved>} : vector<32xbf16> -> vector<16xf32>
      %mul3A_470 = arith.mulf %gather3A_462, %unpack3A_468 : vector<16xf32>
      %add3A_471 = arith.addf %add3A_456, %mul3A_470 : vector<16xf32>
      %mul3A_472 = arith.mulf %gather3A_462, %unpack3A_469 : vector<16xf32>
      %add3A_473 = arith.addf %add3A_458, %mul3A_472 : vector<16xf32>
      %broadcast_in_dim3A_474 = arith.constant 8 : i32
      %broadcast_in_dim3A_475 = vector.broadcast %broadcast_in_dim3A_474 : i32 to vector<16x1xi32>
      %gather3A_476 = vector.shape_cast %broadcast_in_dim3A_475 : vector<16x1xi32> to vector<16xi32>
      %gather3A_477 = tpu.dynamic_gather %get3A_353[%gather3A_476] in [0] : vector<16xf32>, vector<16xi32> -> vector<16xf32>
      %add3A_478 = arith.constant 8 : i32
      %add3A_479 = arith.addi %add3A_351, %add3A_478 : i32
      %get3A_480 = arith.index_cast %add3A_479 : i32 to index
      %get3A_481 = arith.constant 0 : index
      %get3A_482 = tpu.vector_load %arg11[%get3A_480, %get3A_481] {strides = array<i32>} : memref<2048x32xbf16, #tpu.memory_space<vmem>>, vector<32xbf16>,
      %unpack3A_483 = tpu.unpack_subelements %get3A_482, 0 {pack_format = #tpu.pack_format<interleaved>} : vector<32xbf16> -> vector<16xf32>
      %unpack3A_484 = tpu.unpack_subelements %get3A_482, 1 {pack_format = #tpu.pack_format<interleaved>} : vector<32xbf16> -> vector<16xf32>
      %mul3A_485 = arith.mulf %gather3A_477, %unpack3A_483 : vector<16xf32>
      %add3A_486 = arith.addf %add3A_471, %mul3A_485 : vector<16xf32>
      %mul3A_487 = arith.mulf %gather3A_477, %unpack3A_484 : vector<16xf32>
      %add3A_488 = arith.addf %add3A_473, %mul3A_487 : vector<16xf32>
      %broadcast_in_dim3A_489 = arith.constant 9 : i32
      %broadcast_in_dim3A_490 = vector.broadcast %broadcast_in_dim3A_489 : i32 to vector<16x1xi32>
      %gather3A_491 = vector.shape_cast %broadcast_in_dim3A_490 : vector<16x1xi32> to vector<16xi32>
      %gather3A_492 = tpu.dynamic_gather %get3A_353[%gather3A_491] in [0] : vector<16xf32>, vector<16xi32> -> vector<16xf32>
      %add3A_493 = arith.constant 9 : i32
      %add3A_494 = arith.addi %add3A_351, %add3A_493 : i32
      %get3A_495 = arith.index_cast %add3A_494 : i32 to index
      %get3A_496 = arith.constant 0 : index
      %get3A_497 = tpu.vector_load %arg11[%get3A_495, %get3A_496] {strides = array<i32>} : memref<2048x32xbf16, #tpu.memory_space<vmem>>, vector<32xbf16>,
      %unpack3A_498 = tpu.unpack_subelements %get3A_497, 0 {pack_format = #tpu.pack_format<interleaved>} : vector<32xbf16> -> vector<16xf32>
      %unpack3A_499 = tpu.unpack_subelements %get3A_497, 1 {pack_format = #tpu.pack_format<interleaved>} : vector<32xbf16> -> vector<16xf32>
      %mul3A_500 = arith.mulf %gather3A_492, %unpack3A_498 : vector<16xf32>
      %add3A_501 = arith.addf %add3A_486, %mul3A_500 : vector<16xf32>
      %mul3A_502 = arith.mulf %gather3A_492, %unpack3A_499 : vector<16xf32>
      %add3A_503 = arith.addf %add3A_488, %mul3A_502 : vector<16xf32>
      %broadcast_in_dim3A_504 = arith.constant 10 : i32
      %broadcast_in_dim3A_505 = vector.broadcast %broadcast_in_dim3A_504 : i32 to vector<16x1xi32>
      %gather3A_506 = vector.shape_cast %broadcast_in_dim3A_505 : vector<16x1xi32> to vector<16xi32>
      %gather3A_507 = tpu.dynamic_gather %get3A_353[%gather3A_506] in [0] : vector<16xf32>, vector<16xi32> -> vector<16xf32>
      %add3A_508 = arith.constant 10 : i32
      %add3A_509 = arith.addi %add3A_351, %add3A_508 : i32
      %get3A_510 = arith.index_cast %add3A_509 : i32 to index
      %get3A_511 = arith.constant 0 : index
      %get3A_512 = tpu.vector_load %arg11[%get3A_510, %get3A_511] {strides = array<i32>} : memref<2048x32xbf16, #tpu.memory_space<vmem>>, vector<32xbf16>,
      %unpack3A_513 = tpu.unpack_subelements %get3A_512, 0 {pack_format = #tpu.pack_format<interleaved>} : vector<32xbf16> -> vector<16xf32>
      %unpack3A_514 = tpu.unpack_subelements %get3A_512, 1 {pack_format = #tpu.pack_format<interleaved>} : vector<32xbf16> -> vector<16xf32>
      %mul3A_515 = arith.mulf %gather3A_507, %unpack3A_513 : vector<16xf32>
      %add3A_516 = arith.addf %add3A_501, %mul3A_515 : vector<16xf32>
      %mul3A_517 = arith.mulf %gather3A_507, %unpack3A_514 : vector<16xf32>
      %add3A_518 = arith.addf %add3A_503, %mul3A_517 : vector<16xf32>
      %broadcast_in_dim3A_519 = arith.constant 11 : i32
      %broadcast_in_dim3A_520 = vector.broadcast %broadcast_in_dim3A_519 : i32 to vector<16x1xi32>
      %gather3A_521 = vector.shape_cast %broadcast_in_dim3A_520 : vector<16x1xi32> to vector<16xi32>
      %gather3A_522 = tpu.dynamic_gather %get3A_353[%gather3A_521] in [0] : vector<16xf32>, vector<16xi32> -> vector<16xf32>
      %add3A_523 = arith.constant 11 : i32
      %add3A_524 = arith.addi %add3A_351, %add3A_523 : i32
      %get3A_525 = arith.index_cast %add3A_524 : i32 to index
      %get3A_526 = arith.constant 0 : index
      %get3A_527 = tpu.vector_load %arg11[%get3A_525, %get3A_526] {strides = array<i32>} : memref<2048x32xbf16, #tpu.memory_space<vmem>>, vector<32xbf16>,
      %unpack3A_528 = tpu.unpack_subelements %get3A_527, 0 {pack_format = #tpu.pack_format<interleaved>} : vector<32xbf16> -> vector<16xf32>
      %unpack3A_529 = tpu.unpack_subelements %get3A_527, 1 {pack_format = #tpu.pack_format<interleaved>} : vector<32xbf16> -> vector<16xf32>
      %mul3A_530 = arith.mulf %gather3A_522, %unpack3A_528 : vector<16xf32>
      %add3A_531 = arith.addf %add3A_516, %mul3A_530 : vector<16xf32>
      %mul3A_532 = arith.mulf %gather3A_522, %unpack3A_529 : vector<16xf32>
      %add3A_533 = arith.addf %add3A_518, %mul3A_532 : vector<16xf32>
      %broadcast_in_dim3A_534 = arith.constant 12 : i32
      %broadcast_in_dim3A_535 = vector.broadcast %broadcast_in_dim3A_534 : i32 to vector<16x1xi32>
      %gather3A_536 = vector.shape_cast %broadcast_in_dim3A_535 : vector<16x1xi32> to vector<16xi32>
      %gather3A_537 = tpu.dynamic_gather %get3A_353[%gather3A_536] in [0] : vector<16xf32>, vector<16xi32> -> vector<16xf32>
      %add3A_538 = arith.constant 12 : i32
      %add3A_539 = arith.addi %add3A_351, %add3A_538 : i32
      %get3A_540 = arith.index_cast %add3A_539 : i32 to index
      %get3A_541 = arith.constant 0 : index
      %get3A_542 = tpu.vector_load %arg11[%get3A_540, %get3A_541] {strides = array<i32>} : memref<2048x32xbf16, #tpu.memory_space<vmem>>, vector<32xbf16>,
      %unpack3A_543 = tpu.unpack_subelements %get3A_542, 0 {pack_format = #tpu.pack_format<interleaved>} : vector<32xbf16> -> vector<16xf32>
      %unpack3A_544 = tpu.unpack_subelements %get3A_542, 1 {pack_format = #tpu.pack_format<interleaved>} : vector<32xbf16> -> vector<16xf32>
      %mul3A_545 = arith.mulf %gather3A_537, %unpack3A_543 : vector<16xf32>
      %add3A_546 = arith.addf %add3A_531, %mul3A_545 : vector<16xf32>
      %mul3A_547 = arith.mulf %gather3A_537, %unpack3A_544 : vector<16xf32>
      %add3A_548 = arith.addf %add3A_533, %mul3A_547 : vector<16xf32>
      %broadcast_in_dim3A_549 = arith.constant 13 : i32
      %broadcast_in_dim3A_550 = vector.broadcast %broadcast_in_dim3A_549 : i32 to vector<16x1xi32>
      %gather3A_551 = vector.shape_cast %broadcast_in_dim3A_550 : vector<16x1xi32> to vector<16xi32>
      %gather3A_552 = tpu.dynamic_gather %get3A_353[%gather3A_551] in [0] : vector<16xf32>, vector<16xi32> -> vector<16xf32>
      %add3A_553 = arith.constant 13 : i32
      %add3A_554 = arith.addi %add3A_351, %add3A_553 : i32
      %get3A_555 = arith.index_cast %add3A_554 : i32 to index
      %get3A_556 = arith.constant 0 : index
      %get3A_557 = tpu.vector_load %arg11[%get3A_555, %get3A_556] {strides = array<i32>} : memref<2048x32xbf16, #tpu.memory_space<vmem>>, vector<32xbf16>,
      %unpack3A_558 = tpu.unpack_subelements %get3A_557, 0 {pack_format = #tpu.pack_format<interleaved>} : vector<32xbf16> -> vector<16xf32>
      %unpack3A_559 = tpu.unpack_subelements %get3A_557, 1 {pack_format = #tpu.pack_format<interleaved>} : vector<32xbf16> -> vector<16xf32>
      %mul3A_560 = arith.mulf %gather3A_552, %unpack3A_558 : vector<16xf32>
      %add3A_561 = arith.addf %add3A_546, %mul3A_560 : vector<16xf32>
      %mul3A_562 = arith.mulf %gather3A_552, %unpack3A_559 : vector<16xf32>
      %add3A_563 = arith.addf %add3A_548, %mul3A_562 : vector<16xf32>
      %broadcast_in_dim3A_564 = arith.constant 14 : i32
      %broadcast_in_dim3A_565 = vector.broadcast %broadcast_in_dim3A_564 : i32 to vector<16x1xi32>
      %gather3A_566 = vector.shape_cast %broadcast_in_dim3A_565 : vector<16x1xi32> to vector<16xi32>
      %gather3A_567 = tpu.dynamic_gather %get3A_353[%gather3A_566] in [0] : vector<16xf32>, vector<16xi32> -> vector<16xf32>
      %add3A_568 = arith.constant 14 : i32
      %add3A_569 = arith.addi %add3A_351, %add3A_568 : i32
      %get3A_570 = arith.index_cast %add3A_569 : i32 to index
      %get3A_571 = arith.constant 0 : index
      %get3A_572 = tpu.vector_load %arg11[%get3A_570, %get3A_571] {strides = array<i32>} : memref<2048x32xbf16, #tpu.memory_space<vmem>>, vector<32xbf16>,
      %unpack3A_573 = tpu.unpack_subelements %get3A_572, 0 {pack_format = #tpu.pack_format<interleaved>} : vector<32xbf16> -> vector<16xf32>
      %unpack3A_574 = tpu.unpack_subelements %get3A_572, 1 {pack_format = #tpu.pack_format<interleaved>} : vector<32xbf16> -> vector<16xf32>
      %mul3A_575 = arith.mulf %gather3A_567, %unpack3A_573 : vector<16xf32>
      %add3A_576 = arith.addf %add3A_561, %mul3A_575 : vector<16xf32>
      %mul3A_577 = arith.mulf %gather3A_567, %unpack3A_574 : vector<16xf32>
      %add3A_578 = arith.addf %add3A_563, %mul3A_577 : vector<16xf32>
      %broadcast_in_dim3A_579 = arith.constant 15 : i32
      %broadcast_in_dim3A_580 = vector.broadcast %broadcast_in_dim3A_579 : i32 to vector<16x1xi32>
      %gather3A_581 = vector.shape_cast %broadcast_in_dim3A_580 : vector<16x1xi32> to vector<16xi32>
      %gather3A_582 = tpu.dynamic_gather %get3A_353[%gather3A_581] in [0] : vector<16xf32>, vector<16xi32> -> vector<16xf32>
      %add3A_583 = arith.constant 15 : i32
      %add3A_584 = arith.addi %add3A_351, %add3A_583 : i32
      %get3A_585 = arith.index_cast %add3A_584 : i32 to index
      %get3A_586 = arith.constant 0 : index
      %get3A_587 = tpu.vector_load %arg11[%get3A_585, %get3A_586] {strides = array<i32>} : memref<2048x32xbf16, #tpu.memory_space<vmem>>, vector<32xbf16>,
      %unpack3A_588 = tpu.unpack_subelements %get3A_587, 0 {pack_format = #tpu.pack_format<interleaved>} : vector<32xbf16> -> vector<16xf32>
      %unpack3A_589 = tpu.unpack_subelements %get3A_587, 1 {pack_format = #tpu.pack_format<interleaved>} : vector<32xbf16> -> vector<16xf32>
      %mul3A_590 = arith.mulf %gather3A_582, %unpack3A_588 : vector<16xf32>
      %add3A_591 = arith.addf %add3A_576, %mul3A_590 : vector<16xf32>
      %mul3A_592 = arith.mulf %gather3A_582, %unpack3A_589 : vector<16xf32>
      %add3A_593 = arith.addf %add3A_578, %mul3A_592 : vector<16xf32>
      %mul3A_594 = arith.constant 512 : i32
      %mul3A_595 = arith.muli %select_n3A, %mul3A_594 : i32
      %add3A_596 = arith.constant 256 : i32
      %add3A_597 = arith.addi %mul3A_595, %add3A_596 : i32
      %mul3A_598 = arith.constant 16 : i32
      %mul3A_599 = arith.muli %select_n3A_95, %mul3A_598 : i32
      %add3A_600 = arith.addi %add3A_597, %mul3A_599 : i32
      %get3A_601 = arith.index_cast %add3A_600 : i32 to index
      %get3A_602 = tpu.vector_load %arg9[%get3A_601] {strides = array<i32>} : memref<2048xf32, #tpu.memory_space<vmem>>, vector<16xf32>,
      %broadcast_in_dim3A_603 = arith.constant 0 : i32
      %broadcast_in_dim3A_604 = vector.broadcast %broadcast_in_dim3A_603 : i32 to vector<16x1xi32>
      %gather3A_605 = vector.shape_cast %broadcast_in_dim3A_604 : vector<16x1xi32> to vector<16xi32>
      %gather3A_606 = tpu.dynamic_gather %get3A_602[%gather3A_605] in [0] : vector<16xf32>, vector<16xi32> -> vector<16xf32>
      %add3A_607 = arith.constant 0 : i32
      %add3A_608 = arith.addi %add3A_600, %add3A_607 : i32
      %get3A_609 = arith.index_cast %add3A_608 : i32 to index
      %get3A_610 = arith.constant 0 : index
      %get3A_611 = tpu.vector_load %arg11[%get3A_609, %get3A_610] {strides = array<i32>} : memref<2048x32xbf16, #tpu.memory_space<vmem>>, vector<32xbf16>,
      %unpack3A_612 = tpu.unpack_subelements %get3A_611, 0 {pack_format = #tpu.pack_format<interleaved>} : vector<32xbf16> -> vector<16xf32>
      %unpack3A_613 = tpu.unpack_subelements %get3A_611, 1 {pack_format = #tpu.pack_format<interleaved>} : vector<32xbf16> -> vector<16xf32>
      %mul3A_614 = arith.mulf %gather3A_606, %unpack3A_612 : vector<16xf32>
      %add3A_615 = arith.addf %add3A_591, %mul3A_614 : vector<16xf32>
      %mul3A_616 = arith.mulf %gather3A_606, %unpack3A_613 : vector<16xf32>
      %add3A_617 = arith.addf %add3A_593, %mul3A_616 : vector<16xf32>
      %broadcast_in_dim3A_618 = arith.constant 1 : i32
      %broadcast_in_dim3A_619 = vector.broadcast %broadcast_in_dim3A_618 : i32 to vector<16x1xi32>
      %gather3A_620 = vector.shape_cast %broadcast_in_dim3A_619 : vector<16x1xi32> to vector<16xi32>
      %gather3A_621 = tpu.dynamic_gather %get3A_602[%gather3A_620] in [0] : vector<16xf32>, vector<16xi32> -> vector<16xf32>
      %add3A_622 = arith.constant 1 : i32
      %add3A_623 = arith.addi %add3A_600, %add3A_622 : i32
      %get3A_624 = arith.index_cast %add3A_623 : i32 to index
      %get3A_625 = arith.constant 0 : index
      %get3A_626 = tpu.vector_load %arg11[%get3A_624, %get3A_625] {strides = array<i32>} : memref<2048x32xbf16, #tpu.memory_space<vmem>>, vector<32xbf16>,
      %unpack3A_627 = tpu.unpack_subelements %get3A_626, 0 {pack_format = #tpu.pack_format<interleaved>} : vector<32xbf16> -> vector<16xf32>
      %unpack3A_628 = tpu.unpack_subelements %get3A_626, 1 {pack_format = #tpu.pack_format<interleaved>} : vector<32xbf16> -> vector<16xf32>
      %mul3A_629 = arith.mulf %gather3A_621, %unpack3A_627 : vector<16xf32>
      %add3A_630 = arith.addf %add3A_615, %mul3A_629 : vector<16xf32>
      %mul3A_631 = arith.mulf %gather3A_621, %unpack3A_628 : vector<16xf32>
      %add3A_632 = arith.addf %add3A_617, %mul3A_631 : vector<16xf32>
      %broadcast_in_dim3A_633 = arith.constant 2 : i32
      %broadcast_in_dim3A_634 = vector.broadcast %broadcast_in_dim3A_633 : i32 to vector<16x1xi32>
      %gather3A_635 = vector.shape_cast %broadcast_in_dim3A_634 : vector<16x1xi32> to vector<16xi32>
      %gather3A_636 = tpu.dynamic_gather %get3A_602[%gather3A_635] in [0] : vector<16xf32>, vector<16xi32> -> vector<16xf32>
      %add3A_637 = arith.constant 2 : i32
      %add3A_638 = arith.addi %add3A_600, %add3A_637 : i32
      %get3A_639 = arith.index_cast %add3A_638 : i32 to index
      %get3A_640 = arith.constant 0 : index
      %get3A_641 = tpu.vector_load %arg11[%get3A_639, %get3A_640] {strides = array<i32>} : memref<2048x32xbf16, #tpu.memory_space<vmem>>, vector<32xbf16>,
      %unpack3A_642 = tpu.unpack_subelements %get3A_641, 0 {pack_format = #tpu.pack_format<interleaved>} : vector<32xbf16> -> vector<16xf32>
      %unpack3A_643 = tpu.unpack_subelements %get3A_641, 1 {pack_format = #tpu.pack_format<interleaved>} : vector<32xbf16> -> vector<16xf32>
      %mul3A_644 = arith.mulf %gather3A_636, %unpack3A_642 : vector<16xf32>
      %add3A_645 = arith.addf %add3A_630, %mul3A_644 : vector<16xf32>
      %mul3A_646 = arith.mulf %gather3A_636, %unpack3A_643 : vector<16xf32>
      %add3A_647 = arith.addf %add3A_632, %mul3A_646 : vector<16xf32>
      %broadcast_in_dim3A_648 = arith.constant 3 : i32
      %broadcast_in_dim3A_649 = vector.broadcast %broadcast_in_dim3A_648 : i32 to vector<16x1xi32>
      %gather3A_650 = vector.shape_cast %broadcast_in_dim3A_649 : vector<16x1xi32> to vector<16xi32>
      %gather3A_651 = tpu.dynamic_gather %get3A_602[%gather3A_650] in [0] : vector<16xf32>, vector<16xi32> -> vector<16xf32>
      %add3A_652 = arith.constant 3 : i32
      %add3A_653 = arith.addi %add3A_600, %add3A_652 : i32
      %get3A_654 = arith.index_cast %add3A_653 : i32 to index
      %get3A_655 = arith.constant 0 : index
      %get3A_656 = tpu.vector_load %arg11[%get3A_654, %get3A_655] {strides = array<i32>} : memref<2048x32xbf16, #tpu.memory_space<vmem>>, vector<32xbf16>,
      %unpack3A_657 = tpu.unpack_subelements %get3A_656, 0 {pack_format = #tpu.pack_format<interleaved>} : vector<32xbf16> -> vector<16xf32>
      %unpack3A_658 = tpu.unpack_subelements %get3A_656, 1 {pack_format = #tpu.pack_format<interleaved>} : vector<32xbf16> -> vector<16xf32>
      %mul3A_659 = arith.mulf %gather3A_651, %unpack3A_657 : vector<16xf32>
      %add3A_660 = arith.addf %add3A_645, %mul3A_659 : vector<16xf32>
      %mul3A_661 = arith.mulf %gather3A_651, %unpack3A_658 : vector<16xf32>
      %add3A_662 = arith.addf %add3A_647, %mul3A_661 : vector<16xf32>
      %broadcast_in_dim3A_663 = arith.constant 4 : i32
      %broadcast_in_dim3A_664 = vector.broadcast %broadcast_in_dim3A_663 : i32 to vector<16x1xi32>
      %gather3A_665 = vector.shape_cast %broadcast_in_dim3A_664 : vector<16x1xi32> to vector<16xi32>
      %gather3A_666 = tpu.dynamic_gather %get3A_602[%gather3A_665] in [0] : vector<16xf32>, vector<16xi32> -> vector<16xf32>
      %add3A_667 = arith.constant 4 : i32
      %add3A_668 = arith.addi %add3A_600, %add3A_667 : i32
      %get3A_669 = arith.index_cast %add3A_668 : i32 to index
      %get3A_670 = arith.constant 0 : index
      %get3A_671 = tpu.vector_load %arg11[%get3A_669, %get3A_670] {strides = array<i32>} : memref<2048x32xbf16, #tpu.memory_space<vmem>>, vector<32xbf16>,
      %unpack3A_672 = tpu.unpack_subelements %get3A_671, 0 {pack_format = #tpu.pack_format<interleaved>} : vector<32xbf16> -> vector<16xf32>
      %unpack3A_673 = tpu.unpack_subelements %get3A_671, 1 {pack_format = #tpu.pack_format<interleaved>} : vector<32xbf16> -> vector<16xf32>
      %mul3A_674 = arith.mulf %gather3A_666, %unpack3A_672 : vector<16xf32>
      %add3A_675 = arith.addf %add3A_660, %mul3A_674 : vector<16xf32>
      %mul3A_676 = arith.mulf %gather3A_666, %unpack3A_673 : vector<16xf32>
      %add3A_677 = arith.addf %add3A_662, %mul3A_676 : vector<16xf32>
      %broadcast_in_dim3A_678 = arith.constant 5 : i32
      %broadcast_in_dim3A_679 = vector.broadcast %broadcast_in_dim3A_678 : i32 to vector<16x1xi32>
      %gather3A_680 = vector.shape_cast %broadcast_in_dim3A_679 : vector<16x1xi32> to vector<16xi32>
      %gather3A_681 = tpu.dynamic_gather %get3A_602[%gather3A_680] in [0] : vector<16xf32>, vector<16xi32> -> vector<16xf32>
      %add3A_682 = arith.constant 5 : i32
      %add3A_683 = arith.addi %add3A_600, %add3A_682 : i32
      %get3A_684 = arith.index_cast %add3A_683 : i32 to index
      %get3A_685 = arith.constant 0 : index
      %get3A_686 = tpu.vector_load %arg11[%get3A_684, %get3A_685] {strides = array<i32>} : memref<2048x32xbf16, #tpu.memory_space<vmem>>, vector<32xbf16>,
      %unpack3A_687 = tpu.unpack_subelements %get3A_686, 0 {pack_format = #tpu.pack_format<interleaved>} : vector<32xbf16> -> vector<16xf32>
      %unpack3A_688 = tpu.unpack_subelements %get3A_686, 1 {pack_format = #tpu.pack_format<interleaved>} : vector<32xbf16> -> vector<16xf32>
      %mul3A_689 = arith.mulf %gather3A_681, %unpack3A_687 : vector<16xf32>
      %add3A_690 = arith.addf %add3A_675, %mul3A_689 : vector<16xf32>
      %mul3A_691 = arith.mulf %gather3A_681, %unpack3A_688 : vector<16xf32>
      %add3A_692 = arith.addf %add3A_677, %mul3A_691 : vector<16xf32>
      %broadcast_in_dim3A_693 = arith.constant 6 : i32
      %broadcast_in_dim3A_694 = vector.broadcast %broadcast_in_dim3A_693 : i32 to vector<16x1xi32>
      %gather3A_695 = vector.shape_cast %broadcast_in_dim3A_694 : vector<16x1xi32> to vector<16xi32>
      %gather3A_696 = tpu.dynamic_gather %get3A_602[%gather3A_695] in [0] : vector<16xf32>, vector<16xi32> -> vector<16xf32>
      %add3A_697 = arith.constant 6 : i32
      %add3A_698 = arith.addi %add3A_600, %add3A_697 : i32
      %get3A_699 = arith.index_cast %add3A_698 : i32 to index
      %get3A_700 = arith.constant 0 : index
      %get3A_701 = tpu.vector_load %arg11[%get3A_699, %get3A_700] {strides = array<i32>} : memref<2048x32xbf16, #tpu.memory_space<vmem>>, vector<32xbf16>,
      %unpack3A_702 = tpu.unpack_subelements %get3A_701, 0 {pack_format = #tpu.pack_format<interleaved>} : vector<32xbf16> -> vector<16xf32>
      %unpack3A_703 = tpu.unpack_subelements %get3A_701, 1 {pack_format = #tpu.pack_format<interleaved>} : vector<32xbf16> -> vector<16xf32>
      %mul3A_704 = arith.mulf %gather3A_696, %unpack3A_702 : vector<16xf32>
      %add3A_705 = arith.addf %add3A_690, %mul3A_704 : vector<16xf32>
      %mul3A_706 = arith.mulf %gather3A_696, %unpack3A_703 : vector<16xf32>
      %add3A_707 = arith.addf %add3A_692, %mul3A_706 : vector<16xf32>
      %broadcast_in_dim3A_708 = arith.constant 7 : i32
      %broadcast_in_dim3A_709 = vector.broadcast %broadcast_in_dim3A_708 : i32 to vector<16x1xi32>
      %gather3A_710 = vector.shape_cast %broadcast_in_dim3A_709 : vector<16x1xi32> to vector<16xi32>
      %gather3A_711 = tpu.dynamic_gather %get3A_602[%gather3A_710] in [0] : vector<16xf32>, vector<16xi32> -> vector<16xf32>
      %add3A_712 = arith.constant 7 : i32
      %add3A_713 = arith.addi %add3A_600, %add3A_712 : i32
      %get3A_714 = arith.index_cast %add3A_713 : i32 to index
      %get3A_715 = arith.constant 0 : index
      %get3A_716 = tpu.vector_load %arg11[%get3A_714, %get3A_715] {strides = array<i32>} : memref<2048x32xbf16, #tpu.memory_space<vmem>>, vector<32xbf16>,
      %unpack3A_717 = tpu.unpack_subelements %get3A_716, 0 {pack_format = #tpu.pack_format<interleaved>} : vector<32xbf16> -> vector<16xf32>
      %unpack3A_718 = tpu.unpack_subelements %get3A_716, 1 {pack_format = #tpu.pack_format<interleaved>} : vector<32xbf16> -> vector<16xf32>
      %mul3A_719 = arith.mulf %gather3A_711, %unpack3A_717 : vector<16xf32>
      %add3A_720 = arith.addf %add3A_705, %mul3A_719 : vector<16xf32>
      %mul3A_721 = arith.mulf %gather3A_711, %unpack3A_718 : vector<16xf32>
      %add3A_722 = arith.addf %add3A_707, %mul3A_721 : vector<16xf32>
      %broadcast_in_dim3A_723 = arith.constant 8 : i32
      %broadcast_in_dim3A_724 = vector.broadcast %broadcast_in_dim3A_723 : i32 to vector<16x1xi32>
      %gather3A_725 = vector.shape_cast %broadcast_in_dim3A_724 : vector<16x1xi32> to vector<16xi32>
      %gather3A_726 = tpu.dynamic_gather %get3A_602[%gather3A_725] in [0] : vector<16xf32>, vector<16xi32> -> vector<16xf32>
      %add3A_727 = arith.constant 8 : i32
      %add3A_728 = arith.addi %add3A_600, %add3A_727 : i32
      %get3A_729 = arith.index_cast %add3A_728 : i32 to index
      %get3A_730 = arith.constant 0 : index
      %get3A_731 = tpu.vector_load %arg11[%get3A_729, %get3A_730] {strides = array<i32>} : memref<2048x32xbf16, #tpu.memory_space<vmem>>, vector<32xbf16>,
      %unpack3A_732 = tpu.unpack_subelements %get3A_731, 0 {pack_format = #tpu.pack_format<interleaved>} : vector<32xbf16> -> vector<16xf32>
      %unpack3A_733 = tpu.unpack_subelements %get3A_731, 1 {pack_format = #tpu.pack_format<interleaved>} : vector<32xbf16> -> vector<16xf32>
      %mul3A_734 = arith.mulf %gather3A_726, %unpack3A_732 : vector<16xf32>
      %add3A_735 = arith.addf %add3A_720, %mul3A_734 : vector<16xf32>
      %mul3A_736 = arith.mulf %gather3A_726, %unpack3A_733 : vector<16xf32>
      %add3A_737 = arith.addf %add3A_722, %mul3A_736 : vector<16xf32>
      %broadcast_in_dim3A_738 = arith.constant 9 : i32
      %broadcast_in_dim3A_739 = vector.broadcast %broadcast_in_dim3A_738 : i32 to vector<16x1xi32>
      %gather3A_740 = vector.shape_cast %broadcast_in_dim3A_739 : vector<16x1xi32> to vector<16xi32>
      %gather3A_741 = tpu.dynamic_gather %get3A_602[%gather3A_740] in [0] : vector<16xf32>, vector<16xi32> -> vector<16xf32>
      %add3A_742 = arith.constant 9 : i32
      %add3A_743 = arith.addi %add3A_600, %add3A_742 : i32
      %get3A_744 = arith.index_cast %add3A_743 : i32 to index
      %get3A_745 = arith.constant 0 : index
      %get3A_746 = tpu.vector_load %arg11[%get3A_744, %get3A_745] {strides = array<i32>} : memref<2048x32xbf16, #tpu.memory_space<vmem>>, vector<32xbf16>,
      %unpack3A_747 = tpu.unpack_subelements %get3A_746, 0 {pack_format = #tpu.pack_format<interleaved>} : vector<32xbf16> -> vector<16xf32>
      %unpack3A_748 = tpu.unpack_subelements %get3A_746, 1 {pack_format = #tpu.pack_format<interleaved>} : vector<32xbf16> -> vector<16xf32>
      %mul3A_749 = arith.mulf %gather3A_741, %unpack3A_747 : vector<16xf32>
      %add3A_750 = arith.addf %add3A_735, %mul3A_749 : vector<16xf32>
      %mul3A_751 = arith.mulf %gather3A_741, %unpack3A_748 : vector<16xf32>
      %add3A_752 = arith.addf %add3A_737, %mul3A_751 : vector<16xf32>
      %broadcast_in_dim3A_753 = arith.constant 10 : i32
      %broadcast_in_dim3A_754 = vector.broadcast %broadcast_in_dim3A_753 : i32 to vector<16x1xi32>
      %gather3A_755 = vector.shape_cast %broadcast_in_dim3A_754 : vector<16x1xi32> to vector<16xi32>
      %gather3A_756 = tpu.dynamic_gather %get3A_602[%gather3A_755] in [0] : vector<16xf32>, vector<16xi32> -> vector<16xf32>
      %add3A_757 = arith.constant 10 : i32
      %add3A_758 = arith.addi %add3A_600, %add3A_757 : i32
      %get3A_759 = arith.index_cast %add3A_758 : i32 to index
      %get3A_760 = arith.constant 0 : index
      %get3A_761 = tpu.vector_load %arg11[%get3A_759, %get3A_760] {strides = array<i32>} : memref<2048x32xbf16, #tpu.memory_space<vmem>>, vector<32xbf16>,
      %unpack3A_762 = tpu.unpack_subelements %get3A_761, 0 {pack_format = #tpu.pack_format<interleaved>} : vector<32xbf16> -> vector<16xf32>
      %unpack3A_763 = tpu.unpack_subelements %get3A_761, 1 {pack_format = #tpu.pack_format<interleaved>} : vector<32xbf16> -> vector<16xf32>
      %mul3A_764 = arith.mulf %gather3A_756, %unpack3A_762 : vector<16xf32>
      %add3A_765 = arith.addf %add3A_750, %mul3A_764 : vector<16xf32>
      %mul3A_766 = arith.mulf %gather3A_756, %unpack3A_763 : vector<16xf32>
      %add3A_767 = arith.addf %add3A_752, %mul3A_766 : vector<16xf32>
      %broadcast_in_dim3A_768 = arith.constant 11 : i32
      %broadcast_in_dim3A_769 = vector.broadcast %broadcast_in_dim3A_768 : i32 to vector<16x1xi32>
      %gather3A_770 = vector.shape_cast %broadcast_in_dim3A_769 : vector<16x1xi32> to vector<16xi32>
      %gather3A_771 = tpu.dynamic_gather %get3A_602[%gather3A_770] in [0] : vector<16xf32>, vector<16xi32> -> vector<16xf32>
      %add3A_772 = arith.constant 11 : i32
      %add3A_773 = arith.addi %add3A_600, %add3A_772 : i32
      %get3A_774 = arith.index_cast %add3A_773 : i32 to index
      %get3A_775 = arith.constant 0 : index
      %get3A_776 = tpu.vector_load %arg11[%get3A_774, %get3A_775] {strides = array<i32>} : memref<2048x32xbf16, #tpu.memory_space<vmem>>, vector<32xbf16>,
      %unpack3A_777 = tpu.unpack_subelements %get3A_776, 0 {pack_format = #tpu.pack_format<interleaved>} : vector<32xbf16> -> vector<16xf32>
      %unpack3A_778 = tpu.unpack_subelements %get3A_776, 1 {pack_format = #tpu.pack_format<interleaved>} : vector<32xbf16> -> vector<16xf32>
      %mul3A_779 = arith.mulf %gather3A_771, %unpack3A_777 : vector<16xf32>
      %add3A_780 = arith.addf %add3A_765, %mul3A_779 : vector<16xf32>
      %mul3A_781 = arith.mulf %gather3A_771, %unpack3A_778 : vector<16xf32>
      %add3A_782 = arith.addf %add3A_767, %mul3A_781 : vector<16xf32>
      %broadcast_in_dim3A_783 = arith.constant 12 : i32
      %broadcast_in_dim3A_784 = vector.broadcast %broadcast_in_dim3A_783 : i32 to vector<16x1xi32>
      %gather3A_785 = vector.shape_cast %broadcast_in_dim3A_784 : vector<16x1xi32> to vector<16xi32>
      %gather3A_786 = tpu.dynamic_gather %get3A_602[%gather3A_785] in [0] : vector<16xf32>, vector<16xi32> -> vector<16xf32>
      %add3A_787 = arith.constant 12 : i32
      %add3A_788 = arith.addi %add3A_600, %add3A_787 : i32
      %get3A_789 = arith.index_cast %add3A_788 : i32 to index
      %get3A_790 = arith.constant 0 : index
      %get3A_791 = tpu.vector_load %arg11[%get3A_789, %get3A_790] {strides = array<i32>} : memref<2048x32xbf16, #tpu.memory_space<vmem>>, vector<32xbf16>,
      %unpack3A_792 = tpu.unpack_subelements %get3A_791, 0 {pack_format = #tpu.pack_format<interleaved>} : vector<32xbf16> -> vector<16xf32>
      %unpack3A_793 = tpu.unpack_subelements %get3A_791, 1 {pack_format = #tpu.pack_format<interleaved>} : vector<32xbf16> -> vector<16xf32>
      %mul3A_794 = arith.mulf %gather3A_786, %unpack3A_792 : vector<16xf32>
      %add3A_795 = arith.addf %add3A_780, %mul3A_794 : vector<16xf32>
      %mul3A_796 = arith.mulf %gather3A_786, %unpack3A_793 : vector<16xf32>
      %add3A_797 = arith.addf %add3A_782, %mul3A_796 : vector<16xf32>
      %broadcast_in_dim3A_798 = arith.constant 13 : i32
      %broadcast_in_dim3A_799 = vector.broadcast %broadcast_in_dim3A_798 : i32 to vector<16x1xi32>
      %gather3A_800 = vector.shape_cast %broadcast_in_dim3A_799 : vector<16x1xi32> to vector<16xi32>
      %gather3A_801 = tpu.dynamic_gather %get3A_602[%gather3A_800] in [0] : vector<16xf32>, vector<16xi32> -> vector<16xf32>
      %add3A_802 = arith.constant 13 : i32
      %add3A_803 = arith.addi %add3A_600, %add3A_802 : i32
      %get3A_804 = arith.index_cast %add3A_803 : i32 to index
      %get3A_805 = arith.constant 0 : index
      %get3A_806 = tpu.vector_load %arg11[%get3A_804, %get3A_805] {strides = array<i32>} : memref<2048x32xbf16, #tpu.memory_space<vmem>>, vector<32xbf16>,
      %unpack3A_807 = tpu.unpack_subelements %get3A_806, 0 {pack_format = #tpu.pack_format<interleaved>} : vector<32xbf16> -> vector<16xf32>
      %unpack3A_808 = tpu.unpack_subelements %get3A_806, 1 {pack_format = #tpu.pack_format<interleaved>} : vector<32xbf16> -> vector<16xf32>
      %mul3A_809 = arith.mulf %gather3A_801, %unpack3A_807 : vector<16xf32>
      %add3A_810 = arith.addf %add3A_795, %mul3A_809 : vector<16xf32>
      %mul3A_811 = arith.mulf %gather3A_801, %unpack3A_808 : vector<16xf32>
      %add3A_812 = arith.addf %add3A_797, %mul3A_811 : vector<16xf32>
      %broadcast_in_dim3A_813 = arith.constant 14 : i32
      %broadcast_in_dim3A_814 = vector.broadcast %broadcast_in_dim3A_813 : i32 to vector<16x1xi32>
      %gather3A_815 = vector.shape_cast %broadcast_in_dim3A_814 : vector<16x1xi32> to vector<16xi32>
      %gather3A_816 = tpu.dynamic_gather %get3A_602[%gather3A_815] in [0] : vector<16xf32>, vector<16xi32> -> vector<16xf32>
      %add3A_817 = arith.constant 14 : i32
      %add3A_818 = arith.addi %add3A_600, %add3A_817 : i32
      %get3A_819 = arith.index_cast %add3A_818 : i32 to index
      %get3A_820 = arith.constant 0 : index
      %get3A_821 = tpu.vector_load %arg11[%get3A_819, %get3A_820] {strides = array<i32>} : memref<2048x32xbf16, #tpu.memory_space<vmem>>, vector<32xbf16>,
      %unpack3A_822 = tpu.unpack_subelements %get3A_821, 0 {pack_format = #tpu.pack_format<interleaved>} : vector<32xbf16> -> vector<16xf32>
      %unpack3A_823 = tpu.unpack_subelements %get3A_821, 1 {pack_format = #tpu.pack_format<interleaved>} : vector<32xbf16> -> vector<16xf32>
      %mul3A_824 = arith.mulf %gather3A_816, %unpack3A_822 : vector<16xf32>
      %add3A_825 = arith.addf %add3A_810, %mul3A_824 : vector<16xf32>
      %mul3A_826 = arith.mulf %gather3A_816, %unpack3A_823 : vector<16xf32>
      %add3A_827 = arith.addf %add3A_812, %mul3A_826 : vector<16xf32>
      %broadcast_in_dim3A_828 = arith.constant 15 : i32
      %broadcast_in_dim3A_829 = vector.broadcast %broadcast_in_dim3A_828 : i32 to vector<16x1xi32>
      %gather3A_830 = vector.shape_cast %broadcast_in_dim3A_829 : vector<16x1xi32> to vector<16xi32>
      %gather3A_831 = tpu.dynamic_gather %get3A_602[%gather3A_830] in [0] : vector<16xf32>, vector<16xi32> -> vector<16xf32>
      %add3A_832 = arith.constant 15 : i32
      %add3A_833 = arith.addi %add3A_600, %add3A_832 : i32
      %get3A_834 = arith.index_cast %add3A_833 : i32 to index
      %get3A_835 = arith.constant 0 : index
      %get3A_836 = tpu.vector_load %arg11[%get3A_834, %get3A_835] {strides = array<i32>} : memref<2048x32xbf16, #tpu.memory_space<vmem>>, vector<32xbf16>,
      %unpack3A_837 = tpu.unpack_subelements %get3A_836, 0 {pack_format = #tpu.pack_format<interleaved>} : vector<32xbf16> -> vector<16xf32>
      %unpack3A_838 = tpu.unpack_subelements %get3A_836, 1 {pack_format = #tpu.pack_format<interleaved>} : vector<32xbf16> -> vector<16xf32>
      %mul3A_839 = arith.mulf %gather3A_831, %unpack3A_837 : vector<16xf32>
      %add3A_840 = arith.addf %add3A_825, %mul3A_839 : vector<16xf32>
      %mul3A_841 = arith.mulf %gather3A_831, %unpack3A_838 : vector<16xf32>
      %add3A_842 = arith.addf %add3A_827, %mul3A_841 : vector<16xf32>
      %mul3A_843 = arith.constant 512 : i32
      %mul3A_844 = arith.muli %select_n3A, %mul3A_843 : i32
      %add3A_845 = arith.constant 384 : i32
      %add3A_846 = arith.addi %mul3A_844, %add3A_845 : i32
      %mul3A_847 = arith.constant 16 : i32
      %mul3A_848 = arith.muli %select_n3A_95, %mul3A_847 : i32
      %add3A_849 = arith.addi %add3A_846, %mul3A_848 : i32
      %get3A_850 = arith.index_cast %add3A_849 : i32 to index
      %get3A_851 = tpu.vector_load %arg9[%get3A_850] {strides = array<i32>} : memref<2048xf32, #tpu.memory_space<vmem>>, vector<16xf32>,
      %broadcast_in_dim3A_852 = arith.constant 0 : i32
      %broadcast_in_dim3A_853 = vector.broadcast %broadcast_in_dim3A_852 : i32 to vector<16x1xi32>
      %gather3A_854 = vector.shape_cast %broadcast_in_dim3A_853 : vector<16x1xi32> to vector<16xi32>
      %gather3A_855 = tpu.dynamic_gather %get3A_851[%gather3A_854] in [0] : vector<16xf32>, vector<16xi32> -> vector<16xf32>
      %add3A_856 = arith.constant 0 : i32
      %add3A_857 = arith.addi %add3A_849, %add3A_856 : i32
      %get3A_858 = arith.index_cast %add3A_857 : i32 to index
      %get3A_859 = arith.constant 0 : index
      %get3A_860 = tpu.vector_load %arg11[%get3A_858, %get3A_859] {strides = array<i32>} : memref<2048x32xbf16, #tpu.memory_space<vmem>>, vector<32xbf16>,
      %unpack3A_861 = tpu.unpack_subelements %get3A_860, 0 {pack_format = #tpu.pack_format<interleaved>} : vector<32xbf16> -> vector<16xf32>
      %unpack3A_862 = tpu.unpack_subelements %get3A_860, 1 {pack_format = #tpu.pack_format<interleaved>} : vector<32xbf16> -> vector<16xf32>
      %mul3A_863 = arith.mulf %gather3A_855, %unpack3A_861 : vector<16xf32>
      %add3A_864 = arith.addf %add3A_840, %mul3A_863 : vector<16xf32>
      %mul3A_865 = arith.mulf %gather3A_855, %unpack3A_862 : vector<16xf32>
      %add3A_866 = arith.addf %add3A_842, %mul3A_865 : vector<16xf32>
      %broadcast_in_dim3A_867 = arith.constant 1 : i32
      %broadcast_in_dim3A_868 = vector.broadcast %broadcast_in_dim3A_867 : i32 to vector<16x1xi32>
      %gather3A_869 = vector.shape_cast %broadcast_in_dim3A_868 : vector<16x1xi32> to vector<16xi32>
      %gather3A_870 = tpu.dynamic_gather %get3A_851[%gather3A_869] in [0] : vector<16xf32>, vector<16xi32> -> vector<16xf32>
      %add3A_871 = arith.constant 1 : i32
      %add3A_872 = arith.addi %add3A_849, %add3A_871 : i32
      %get3A_873 = arith.index_cast %add3A_872 : i32 to index
      %get3A_874 = arith.constant 0 : index
      %get3A_875 = tpu.vector_load %arg11[%get3A_873, %get3A_874] {strides = array<i32>} : memref<2048x32xbf16, #tpu.memory_space<vmem>>, vector<32xbf16>,
      %unpack3A_876 = tpu.unpack_subelements %get3A_875, 0 {pack_format = #tpu.pack_format<interleaved>} : vector<32xbf16> -> vector<16xf32>
      %unpack3A_877 = tpu.unpack_subelements %get3A_875, 1 {pack_format = #tpu.pack_format<interleaved>} : vector<32xbf16> -> vector<16xf32>
      %mul3A_878 = arith.mulf %gather3A_870, %unpack3A_876 : vector<16xf32>
      %add3A_879 = arith.addf %add3A_864, %mul3A_878 : vector<16xf32>
      %mul3A_880 = arith.mulf %gather3A_870, %unpack3A_877 : vector<16xf32>
      %add3A_881 = arith.addf %add3A_866, %mul3A_880 : vector<16xf32>
      %broadcast_in_dim3A_882 = arith.constant 2 : i32
      %broadcast_in_dim3A_883 = vector.broadcast %broadcast_in_dim3A_882 : i32 to vector<16x1xi32>
      %gather3A_884 = vector.shape_cast %broadcast_in_dim3A_883 : vector<16x1xi32> to vector<16xi32>
      %gather3A_885 = tpu.dynamic_gather %get3A_851[%gather3A_884] in [0] : vector<16xf32>, vector<16xi32> -> vector<16xf32>
      %add3A_886 = arith.constant 2 : i32
      %add3A_887 = arith.addi %add3A_849, %add3A_886 : i32
      %get3A_888 = arith.index_cast %add3A_887 : i32 to index
      %get3A_889 = arith.constant 0 : index
      %get3A_890 = tpu.vector_load %arg11[%get3A_888, %get3A_889] {strides = array<i32>} : memref<2048x32xbf16, #tpu.memory_space<vmem>>, vector<32xbf16>,
      %unpack3A_891 = tpu.unpack_subelements %get3A_890, 0 {pack_format = #tpu.pack_format<interleaved>} : vector<32xbf16> -> vector<16xf32>
      %unpack3A_892 = tpu.unpack_subelements %get3A_890, 1 {pack_format = #tpu.pack_format<interleaved>} : vector<32xbf16> -> vector<16xf32>
      %mul3A_893 = arith.mulf %gather3A_885, %unpack3A_891 : vector<16xf32>
      %add3A_894 = arith.addf %add3A_879, %mul3A_893 : vector<16xf32>
      %mul3A_895 = arith.mulf %gather3A_885, %unpack3A_892 : vector<16xf32>
      %add3A_896 = arith.addf %add3A_881, %mul3A_895 : vector<16xf32>
      %broadcast_in_dim3A_897 = arith.constant 3 : i32
      %broadcast_in_dim3A_898 = vector.broadcast %broadcast_in_dim3A_897 : i32 to vector<16x1xi32>
      %gather3A_899 = vector.shape_cast %broadcast_in_dim3A_898 : vector<16x1xi32> to vector<16xi32>
      %gather3A_900 = tpu.dynamic_gather %get3A_851[%gather3A_899] in [0] : vector<16xf32>, vector<16xi32> -> vector<16xf32>
      %add3A_901 = arith.constant 3 : i32
      %add3A_902 = arith.addi %add3A_849, %add3A_901 : i32
      %get3A_903 = arith.index_cast %add3A_902 : i32 to index
      %get3A_904 = arith.constant 0 : index
      %get3A_905 = tpu.vector_load %arg11[%get3A_903, %get3A_904] {strides = array<i32>} : memref<2048x32xbf16, #tpu.memory_space<vmem>>, vector<32xbf16>,
      %unpack3A_906 = tpu.unpack_subelements %get3A_905, 0 {pack_format = #tpu.pack_format<interleaved>} : vector<32xbf16> -> vector<16xf32>
      %unpack3A_907 = tpu.unpack_subelements %get3A_905, 1 {pack_format = #tpu.pack_format<interleaved>} : vector<32xbf16> -> vector<16xf32>
      %mul3A_908 = arith.mulf %gather3A_900, %unpack3A_906 : vector<16xf32>
      %add3A_909 = arith.addf %add3A_894, %mul3A_908 : vector<16xf32>
      %mul3A_910 = arith.mulf %gather3A_900, %unpack3A_907 : vector<16xf32>
      %add3A_911 = arith.addf %add3A_896, %mul3A_910 : vector<16xf32>
      %broadcast_in_dim3A_912 = arith.constant 4 : i32
      %broadcast_in_dim3A_913 = vector.broadcast %broadcast_in_dim3A_912 : i32 to vector<16x1xi32>
      %gather3A_914 = vector.shape_cast %broadcast_in_dim3A_913 : vector<16x1xi32> to vector<16xi32>
      %gather3A_915 = tpu.dynamic_gather %get3A_851[%gather3A_914] in [0] : vector<16xf32>, vector<16xi32> -> vector<16xf32>
      %add3A_916 = arith.constant 4 : i32
      %add3A_917 = arith.addi %add3A_849, %add3A_916 : i32
      %get3A_918 = arith.index_cast %add3A_917 : i32 to index
      %get3A_919 = arith.constant 0 : index
      %get3A_920 = tpu.vector_load %arg11[%get3A_918, %get3A_919] {strides = array<i32>} : memref<2048x32xbf16, #tpu.memory_space<vmem>>, vector<32xbf16>,
      %unpack3A_921 = tpu.unpack_subelements %get3A_920, 0 {pack_format = #tpu.pack_format<interleaved>} : vector<32xbf16> -> vector<16xf32>
      %unpack3A_922 = tpu.unpack_subelements %get3A_920, 1 {pack_format = #tpu.pack_format<interleaved>} : vector<32xbf16> -> vector<16xf32>
      %mul3A_923 = arith.mulf %gather3A_915, %unpack3A_921 : vector<16xf32>
      %add3A_924 = arith.addf %add3A_909, %mul3A_923 : vector<16xf32>
      %mul3A_925 = arith.mulf %gather3A_915, %unpack3A_922 : vector<16xf32>
      %add3A_926 = arith.addf %add3A_911, %mul3A_925 : vector<16xf32>
      %broadcast_in_dim3A_927 = arith.constant 5 : i32
      %broadcast_in_dim3A_928 = vector.broadcast %broadcast_in_dim3A_927 : i32 to vector<16x1xi32>
      %gather3A_929 = vector.shape_cast %broadcast_in_dim3A_928 : vector<16x1xi32> to vector<16xi32>
      %gather3A_930 = tpu.dynamic_gather %get3A_851[%gather3A_929] in [0] : vector<16xf32>, vector<16xi32> -> vector<16xf32>
      %add3A_931 = arith.constant 5 : i32
      %add3A_932 = arith.addi %add3A_849, %add3A_931 : i32
      %get3A_933 = arith.index_cast %add3A_932 : i32 to index
      %get3A_934 = arith.constant 0 : index
      %get3A_935 = tpu.vector_load %arg11[%get3A_933, %get3A_934] {strides = array<i32>} : memref<2048x32xbf16, #tpu.memory_space<vmem>>, vector<32xbf16>,
      %unpack3A_936 = tpu.unpack_subelements %get3A_935, 0 {pack_format = #tpu.pack_format<interleaved>} : vector<32xbf16> -> vector<16xf32>
      %unpack3A_937 = tpu.unpack_subelements %get3A_935, 1 {pack_format = #tpu.pack_format<interleaved>} : vector<32xbf16> -> vector<16xf32>
      %mul3A_938 = arith.mulf %gather3A_930, %unpack3A_936 : vector<16xf32>
      %add3A_939 = arith.addf %add3A_924, %mul3A_938 : vector<16xf32>
      %mul3A_940 = arith.mulf %gather3A_930, %unpack3A_937 : vector<16xf32>
      %add3A_941 = arith.addf %add3A_926, %mul3A_940 : vector<16xf32>
      %broadcast_in_dim3A_942 = arith.constant 6 : i32
      %broadcast_in_dim3A_943 = vector.broadcast %broadcast_in_dim3A_942 : i32 to vector<16x1xi32>
      %gather3A_944 = vector.shape_cast %broadcast_in_dim3A_943 : vector<16x1xi32> to vector<16xi32>
      %gather3A_945 = tpu.dynamic_gather %get3A_851[%gather3A_944] in [0] : vector<16xf32>, vector<16xi32> -> vector<16xf32>
      %add3A_946 = arith.constant 6 : i32
      %add3A_947 = arith.addi %add3A_849, %add3A_946 : i32
      %get3A_948 = arith.index_cast %add3A_947 : i32 to index
      %get3A_949 = arith.constant 0 : index
      %get3A_950 = tpu.vector_load %arg11[%get3A_948, %get3A_949] {strides = array<i32>} : memref<2048x32xbf16, #tpu.memory_space<vmem>>, vector<32xbf16>,
      %unpack3A_951 = tpu.unpack_subelements %get3A_950, 0 {pack_format = #tpu.pack_format<interleaved>} : vector<32xbf16> -> vector<16xf32>
      %unpack3A_952 = tpu.unpack_subelements %get3A_950, 1 {pack_format = #tpu.pack_format<interleaved>} : vector<32xbf16> -> vector<16xf32>
      %mul3A_953 = arith.mulf %gather3A_945, %unpack3A_951 : vector<16xf32>
      %add3A_954 = arith.addf %add3A_939, %mul3A_953 : vector<16xf32>
      %mul3A_955 = arith.mulf %gather3A_945, %unpack3A_952 : vector<16xf32>
      %add3A_956 = arith.addf %add3A_941, %mul3A_955 : vector<16xf32>
      %broadcast_in_dim3A_957 = arith.constant 7 : i32
      %broadcast_in_dim3A_958 = vector.broadcast %broadcast_in_dim3A_957 : i32 to vector<16x1xi32>
      %gather3A_959 = vector.shape_cast %broadcast_in_dim3A_958 : vector<16x1xi32> to vector<16xi32>
      %gather3A_960 = tpu.dynamic_gather %get3A_851[%gather3A_959] in [0] : vector<16xf32>, vector<16xi32> -> vector<16xf32>
      %add3A_961 = arith.constant 7 : i32
      %add3A_962 = arith.addi %add3A_849, %add3A_961 : i32
      %get3A_963 = arith.index_cast %add3A_962 : i32 to index
      %get3A_964 = arith.constant 0 : index
      %get3A_965 = tpu.vector_load %arg11[%get3A_963, %get3A_964] {strides = array<i32>} : memref<2048x32xbf16, #tpu.memory_space<vmem>>, vector<32xbf16>,
      %unpack3A_966 = tpu.unpack_subelements %get3A_965, 0 {pack_format = #tpu.pack_format<interleaved>} : vector<32xbf16> -> vector<16xf32>
      %unpack3A_967 = tpu.unpack_subelements %get3A_965, 1 {pack_format = #tpu.pack_format<interleaved>} : vector<32xbf16> -> vector<16xf32>
      %mul3A_968 = arith.mulf %gather3A_960, %unpack3A_966 : vector<16xf32>
      %add3A_969 = arith.addf %add3A_954, %mul3A_968 : vector<16xf32>
      %mul3A_970 = arith.mulf %gather3A_960, %unpack3A_967 : vector<16xf32>
      %add3A_971 = arith.addf %add3A_956, %mul3A_970 : vector<16xf32>
      %broadcast_in_dim3A_972 = arith.constant 8 : i32
      %broadcast_in_dim3A_973 = vector.broadcast %broadcast_in_dim3A_972 : i32 to vector<16x1xi32>
      %gather3A_974 = vector.shape_cast %broadcast_in_dim3A_973 : vector<16x1xi32> to vector<16xi32>
      %gather3A_975 = tpu.dynamic_gather %get3A_851[%gather3A_974] in [0] : vector<16xf32>, vector<16xi32> -> vector<16xf32>
      %add3A_976 = arith.constant 8 : i32
      %add3A_977 = arith.addi %add3A_849, %add3A_976 : i32
      %get3A_978 = arith.index_cast %add3A_977 : i32 to index
      %get3A_979 = arith.constant 0 : index
      %get3A_980 = tpu.vector_load %arg11[%get3A_978, %get3A_979] {strides = array<i32>} : memref<2048x32xbf16, #tpu.memory_space<vmem>>, vector<32xbf16>,
      %unpack3A_981 = tpu.unpack_subelements %get3A_980, 0 {pack_format = #tpu.pack_format<interleaved>} : vector<32xbf16> -> vector<16xf32>
      %unpack3A_982 = tpu.unpack_subelements %get3A_980, 1 {pack_format = #tpu.pack_format<interleaved>} : vector<32xbf16> -> vector<16xf32>
      %mul3A_983 = arith.mulf %gather3A_975, %unpack3A_981 : vector<16xf32>
      %add3A_984 = arith.addf %add3A_969, %mul3A_983 : vector<16xf32>
      %mul3A_985 = arith.mulf %gather3A_975, %unpack3A_982 : vector<16xf32>
      %add3A_986 = arith.addf %add3A_971, %mul3A_985 : vector<16xf32>
      %broadcast_in_dim3A_987 = arith.constant 9 : i32
      %broadcast_in_dim3A_988 = vector.broadcast %broadcast_in_dim3A_987 : i32 to vector<16x1xi32>
      %gather3A_989 = vector.shape_cast %broadcast_in_dim3A_988 : vector<16x1xi32> to vector<16xi32>
      %gather3A_990 = tpu.dynamic_gather %get3A_851[%gather3A_989] in [0] : vector<16xf32>, vector<16xi32> -> vector<16xf32>
      %add3A_991 = arith.constant 9 : i32
      %add3A_992 = arith.addi %add3A_849, %add3A_991 : i32
      %get3A_993 = arith.index_cast %add3A_992 : i32 to index
      %get3A_994 = arith.constant 0 : index
      %get3A_995 = tpu.vector_load %arg11[%get3A_993, %get3A_994] {strides = array<i32>} : memref<2048x32xbf16, #tpu.memory_space<vmem>>, vector<32xbf16>,
      %unpack3A_996 = tpu.unpack_subelements %get3A_995, 0 {pack_format = #tpu.pack_format<interleaved>} : vector<32xbf16> -> vector<16xf32>
      %unpack3A_997 = tpu.unpack_subelements %get3A_995, 1 {pack_format = #tpu.pack_format<interleaved>} : vector<32xbf16> -> vector<16xf32>
      %mul3A_998 = arith.mulf %gather3A_990, %unpack3A_996 : vector<16xf32>
      %add3A_999 = arith.addf %add3A_984, %mul3A_998 : vector<16xf32>
      %mul3A_1000 = arith.mulf %gather3A_990, %unpack3A_997 : vector<16xf32>
      %add3A_1001 = arith.addf %add3A_986, %mul3A_1000 : vector<16xf32>
      %broadcast_in_dim3A_1002 = arith.constant 10 : i32
      %broadcast_in_dim3A_1003 = vector.broadcast %broadcast_in_dim3A_1002 : i32 to vector<16x1xi32>
      %gather3A_1004 = vector.shape_cast %broadcast_in_dim3A_1003 : vector<16x1xi32> to vector<16xi32>
      %gather3A_1005 = tpu.dynamic_gather %get3A_851[%gather3A_1004] in [0] : vector<16xf32>, vector<16xi32> -> vector<16xf32>
      %add3A_1006 = arith.constant 10 : i32
      %add3A_1007 = arith.addi %add3A_849, %add3A_1006 : i32
      %get3A_1008 = arith.index_cast %add3A_1007 : i32 to index
      %get3A_1009 = arith.constant 0 : index
      %get3A_1010 = tpu.vector_load %arg11[%get3A_1008, %get3A_1009] {strides = array<i32>} : memref<2048x32xbf16, #tpu.memory_space<vmem>>, vector<32xbf16>,
      %unpack3A_1011 = tpu.unpack_subelements %get3A_1010, 0 {pack_format = #tpu.pack_format<interleaved>} : vector<32xbf16> -> vector<16xf32>
      %unpack3A_1012 = tpu.unpack_subelements %get3A_1010, 1 {pack_format = #tpu.pack_format<interleaved>} : vector<32xbf16> -> vector<16xf32>
      %mul3A_1013 = arith.mulf %gather3A_1005, %unpack3A_1011 : vector<16xf32>
      %add3A_1014 = arith.addf %add3A_999, %mul3A_1013 : vector<16xf32>
      %mul3A_1015 = arith.mulf %gather3A_1005, %unpack3A_1012 : vector<16xf32>
      %add3A_1016 = arith.addf %add3A_1001, %mul3A_1015 : vector<16xf32>
      %broadcast_in_dim3A_1017 = arith.constant 11 : i32
      %broadcast_in_dim3A_1018 = vector.broadcast %broadcast_in_dim3A_1017 : i32 to vector<16x1xi32>
      %gather3A_1019 = vector.shape_cast %broadcast_in_dim3A_1018 : vector<16x1xi32> to vector<16xi32>
      %gather3A_1020 = tpu.dynamic_gather %get3A_851[%gather3A_1019] in [0] : vector<16xf32>, vector<16xi32> -> vector<16xf32>
      %add3A_1021 = arith.constant 11 : i32
      %add3A_1022 = arith.addi %add3A_849, %add3A_1021 : i32
      %get3A_1023 = arith.index_cast %add3A_1022 : i32 to index
      %get3A_1024 = arith.constant 0 : index
      %get3A_1025 = tpu.vector_load %arg11[%get3A_1023, %get3A_1024] {strides = array<i32>} : memref<2048x32xbf16, #tpu.memory_space<vmem>>, vector<32xbf16>,
      %unpack3A_1026 = tpu.unpack_subelements %get3A_1025, 0 {pack_format = #tpu.pack_format<interleaved>} : vector<32xbf16> -> vector<16xf32>
      %unpack3A_1027 = tpu.unpack_subelements %get3A_1025, 1 {pack_format = #tpu.pack_format<interleaved>} : vector<32xbf16> -> vector<16xf32>
      %mul3A_1028 = arith.mulf %gather3A_1020, %unpack3A_1026 : vector<16xf32>
      %add3A_1029 = arith.addf %add3A_1014, %mul3A_1028 : vector<16xf32>
      %mul3A_1030 = arith.mulf %gather3A_1020, %unpack3A_1027 : vector<16xf32>
      %add3A_1031 = arith.addf %add3A_1016, %mul3A_1030 : vector<16xf32>
      %broadcast_in_dim3A_1032 = arith.constant 12 : i32
      %broadcast_in_dim3A_1033 = vector.broadcast %broadcast_in_dim3A_1032 : i32 to vector<16x1xi32>
      %gather3A_1034 = vector.shape_cast %broadcast_in_dim3A_1033 : vector<16x1xi32> to vector<16xi32>
      %gather3A_1035 = tpu.dynamic_gather %get3A_851[%gather3A_1034] in [0] : vector<16xf32>, vector<16xi32> -> vector<16xf32>
      %add3A_1036 = arith.constant 12 : i32
      %add3A_1037 = arith.addi %add3A_849, %add3A_1036 : i32
      %get3A_1038 = arith.index_cast %add3A_1037 : i32 to index
      %get3A_1039 = arith.constant 0 : index
      %get3A_1040 = tpu.vector_load %arg11[%get3A_1038, %get3A_1039] {strides = array<i32>} : memref<2048x32xbf16, #tpu.memory_space<vmem>>, vector<32xbf16>,
      %unpack3A_1041 = tpu.unpack_subelements %get3A_1040, 0 {pack_format = #tpu.pack_format<interleaved>} : vector<32xbf16> -> vector<16xf32>
      %unpack3A_1042 = tpu.unpack_subelements %get3A_1040, 1 {pack_format = #tpu.pack_format<interleaved>} : vector<32xbf16> -> vector<16xf32>
      %mul3A_1043 = arith.mulf %gather3A_1035, %unpack3A_1041 : vector<16xf32>
      %add3A_1044 = arith.addf %add3A_1029, %mul3A_1043 : vector<16xf32>
      %mul3A_1045 = arith.mulf %gather3A_1035, %unpack3A_1042 : vector<16xf32>
      %add3A_1046 = arith.addf %add3A_1031, %mul3A_1045 : vector<16xf32>
      %broadcast_in_dim3A_1047 = arith.constant 13 : i32
      %broadcast_in_dim3A_1048 = vector.broadcast %broadcast_in_dim3A_1047 : i32 to vector<16x1xi32>
      %gather3A_1049 = vector.shape_cast %broadcast_in_dim3A_1048 : vector<16x1xi32> to vector<16xi32>
      %gather3A_1050 = tpu.dynamic_gather %get3A_851[%gather3A_1049] in [0] : vector<16xf32>, vector<16xi32> -> vector<16xf32>
      %add3A_1051 = arith.constant 13 : i32
      %add3A_1052 = arith.addi %add3A_849, %add3A_1051 : i32
      %get3A_1053 = arith.index_cast %add3A_1052 : i32 to index
      %get3A_1054 = arith.constant 0 : index
      %get3A_1055 = tpu.vector_load %arg11[%get3A_1053, %get3A_1054] {strides = array<i32>} : memref<2048x32xbf16, #tpu.memory_space<vmem>>, vector<32xbf16>,
      %unpack3A_1056 = tpu.unpack_subelements %get3A_1055, 0 {pack_format = #tpu.pack_format<interleaved>} : vector<32xbf16> -> vector<16xf32>
      %unpack3A_1057 = tpu.unpack_subelements %get3A_1055, 1 {pack_format = #tpu.pack_format<interleaved>} : vector<32xbf16> -> vector<16xf32>
      %mul3A_1058 = arith.mulf %gather3A_1050, %unpack3A_1056 : vector<16xf32>
      %add3A_1059 = arith.addf %add3A_1044, %mul3A_1058 : vector<16xf32>
      %mul3A_1060 = arith.mulf %gather3A_1050, %unpack3A_1057 : vector<16xf32>
      %add3A_1061 = arith.addf %add3A_1046, %mul3A_1060 : vector<16xf32>
      %broadcast_in_dim3A_1062 = arith.constant 14 : i32
      %broadcast_in_dim3A_1063 = vector.broadcast %broadcast_in_dim3A_1062 : i32 to vector<16x1xi32>
      %gather3A_1064 = vector.shape_cast %broadcast_in_dim3A_1063 : vector<16x1xi32> to vector<16xi32>
      %gather3A_1065 = tpu.dynamic_gather %get3A_851[%gather3A_1064] in [0] : vector<16xf32>, vector<16xi32> -> vector<16xf32>
      %add3A_1066 = arith.constant 14 : i32
      %add3A_1067 = arith.addi %add3A_849, %add3A_1066 : i32
      %get3A_1068 = arith.index_cast %add3A_1067 : i32 to index
      %get3A_1069 = arith.constant 0 : index
      %get3A_1070 = tpu.vector_load %arg11[%get3A_1068, %get3A_1069] {strides = array<i32>} : memref<2048x32xbf16, #tpu.memory_space<vmem>>, vector<32xbf16>,
      %unpack3A_1071 = tpu.unpack_subelements %get3A_1070, 0 {pack_format = #tpu.pack_format<interleaved>} : vector<32xbf16> -> vector<16xf32>
      %unpack3A_1072 = tpu.unpack_subelements %get3A_1070, 1 {pack_format = #tpu.pack_format<interleaved>} : vector<32xbf16> -> vector<16xf32>
      %mul3A_1073 = arith.mulf %gather3A_1065, %unpack3A_1071 : vector<16xf32>
      %add3A_1074 = arith.addf %add3A_1059, %mul3A_1073 : vector<16xf32>
      %mul3A_1075 = arith.mulf %gather3A_1065, %unpack3A_1072 : vector<16xf32>
      %add3A_1076 = arith.addf %add3A_1061, %mul3A_1075 : vector<16xf32>
      %broadcast_in_dim3A_1077 = arith.constant 15 : i32
      %broadcast_in_dim3A_1078 = vector.broadcast %broadcast_in_dim3A_1077 : i32 to vector<16x1xi32>
      %gather3A_1079 = vector.shape_cast %broadcast_in_dim3A_1078 : vector<16x1xi32> to vector<16xi32>
      %gather3A_1080 = tpu.dynamic_gather %get3A_851[%gather3A_1079] in [0] : vector<16xf32>, vector<16xi32> -> vector<16xf32>
      %add3A_1081 = arith.constant 15 : i32
      %add3A_1082 = arith.addi %add3A_849, %add3A_1081 : i32
      %get3A_1083 = arith.index_cast %add3A_1082 : i32 to index
      %get3A_1084 = arith.constant 0 : index
      %get3A_1085 = tpu.vector_load %arg11[%get3A_1083, %get3A_1084] {strides = array<i32>} : memref<2048x32xbf16, #tpu.memory_space<vmem>>, vector<32xbf16>,
      %unpack3A_1086 = tpu.unpack_subelements %get3A_1085, 0 {pack_format = #tpu.pack_format<interleaved>} : vector<32xbf16> -> vector<16xf32>
      %unpack3A_1087 = tpu.unpack_subelements %get3A_1085, 1 {pack_format = #tpu.pack_format<interleaved>} : vector<32xbf16> -> vector<16xf32>
      %mul3A_1088 = arith.mulf %gather3A_1080, %unpack3A_1086 : vector<16xf32>
      %add3A_1089 = arith.addf %add3A_1074, %mul3A_1088 : vector<16xf32>
      %mul3A_1090 = arith.mulf %gather3A_1080, %unpack3A_1087 : vector<16xf32>
      %add3A_1091 = arith.addf %add3A_1076, %mul3A_1090 : vector<16xf32>
      %mul3A_1092 = arith.constant 32 : i32
      %mul3A_1093 = arith.muli %select_n3A_95, %mul3A_1092 : i32
      %swap3A = arith.index_cast %select_n3A : i32 to index
      %swap3A_1094 = arith.index_cast %mul3A_1093 : i32 to index
      %swap3A_1095 = tpu.vector_load %arg13[%swap3A, %swap3A_1094] {strides = array<i32>} : memref<4x256xf32, #tpu.memory_space<vmem>>, vector<16xf32>,
      tpu.vector_store %arg13[%swap3A, %swap3A_1094], %add3A_1089 {strides = array<i32>} : memref<4x256xf32, #tpu.memory_space<vmem>>, vector<16xf32>,
      %mul3A_1096 = arith.constant 32 : i32
      %mul3A_1097 = arith.muli %select_n3A_95, %mul3A_1096 : i32
      %add3A_1098 = arith.constant 16 : i32
      %add3A_1099 = arith.addi %mul3A_1097, %add3A_1098 : i32
      %swap3A_1100 = arith.index_cast %select_n3A : i32 to index
      %swap3A_1101 = arith.index_cast %add3A_1099 : i32 to index
      %swap3A_1102 = tpu.vector_load %arg13[%swap3A_1100, %swap3A_1101] {strides = array<i32>} : memref<4x256xf32, #tpu.memory_space<vmem>>, vector<16xf32>,
      tpu.vector_store %arg13[%swap3A_1100, %swap3A_1101], %add3A_1091 {strides = array<i32>} : memref<4x256xf32, #tpu.memory_space<vmem>>, vector<16xf32>,
    }
    %scan3A_50 = arith.constant 32 : i32
    %add3A_51 = arith.constant 336 : i32
    %add3A_52 = arith.addi %mul3A_2, %add3A_51 : i32
    %dma_start3A_53 = arith.constant 0 : i32
    %dma_start3A_54 = tpu.memref_slice %arg5[%add3A_52, %dma_start3A_53] : memref<10880x256xf32, #tpu.memory_space<hbm>> -> memref<4x256xf32, #tpu.memory_space<hbm>>
    %dma_start3A_55 = arith.constant 0 : i32
    %dma_start3A_56 = tpu.memref_slice %arg5[%add3A_52, %dma_start3A_55] : memref<10880x256xf32, #tpu.memory_space<hbm>> -> memref<4x256xf32, #tpu.memory_space<hbm>>
    tpu.enqueue_dma source(%arg13 : memref<4x256xf32, #tpu.memory_space<vmem>>) target(%dma_start3A_56 : memref<4x256xf32, #tpu.memory_space<hbm>>) target_semaphore(%arg19 : memref<!tpu.dma_semaphore, #tpu.memory_space<semaphore_mem>>)
    %dma_wait3A_57 = arith.constant 0 : i32
    %dma_wait3A_58 = tpu.memref_slice %arg5[%mul3A_2, %dma_wait3A_57] : memref<10880x256xf32, #tpu.memory_space<hbm>> -> memref<4x256xf32, #tpu.memory_space<hbm>>
    %dma_wait3A_59 = arith.constant 0 : i32
    %dma_wait3A_60 = tpu.memref_slice %arg5[%mul3A_2, %dma_wait3A_59] : memref<10880x256xf32, #tpu.memory_space<hbm>> -> memref<4x256xf32, #tpu.memory_space<hbm>>
    tpu.wait_dma2 semaphore(%arg20 : memref<!tpu.dma_semaphore, #tpu.memory_space<semaphore_mem>>) src(%arg14 : memref<4x256xf32, #tpu.memory_space<vmem>>) dst(%dma_wait3A_60 : memref<4x256xf32, #tpu.memory_space<hbm>>)
    %dma_wait3A_61 = arith.constant 0 : i32
    %dma_wait3A_62 = tpu.memref_slice %arg5[%mul3A_2, %dma_wait3A_61] : memref<10880x256xf32, #tpu.memory_space<hbm>> -> memref<4x256xf32, #tpu.memory_space<hbm>>
    %dma_wait3A_63 = arith.constant 0 : i32
    %dma_wait3A_64 = tpu.memref_slice %arg5[%mul3A_2, %dma_wait3A_63] : memref<10880x256xf32, #tpu.memory_space<hbm>> -> memref<4x256xf32, #tpu.memory_space<hbm>>
    tpu.wait_dma2 semaphore(%arg19 : memref<!tpu.dma_semaphore, #tpu.memory_space<semaphore_mem>>) src(%arg13 : memref<4x256xf32, #tpu.memory_space<vmem>>) dst(%dma_wait3A_64 : memref<4x256xf32, #tpu.memory_space<hbm>>)
    return
  }
}

module attributes {stable_mosaic.version = 14 : i64} {
  func.func @_tc1_body(%arg0: i32, %arg1: memref<1088x256xf32, #tpu.memory_space<vmem>>, %arg2: memref<1088x8xf32, #tpu.memory_space<vmem>>, %arg3: memref<1088x256xf32, #tpu.memory_space<vmem>>, %arg4: memref<256x256xf32, #tpu.memory_space<vmem>>, %arg5: memref<1x256xf32, #tpu.memory_space<vmem>>, %arg6: memref<256x384xf32, #tpu.memory_space<vmem>>, %arg7: memref<1x384xf32, #tpu.memory_space<vmem>>, %arg8: memref<8x256xf32, #tpu.memory_space<vmem>>, %arg9: memref<128x128xf32, #tpu.memory_space<vmem>>, %arg10: memref<2x128xf32, #tpu.memory_space<vmem>>, %arg11: memref<2x128xi32, #tpu.memory_space<vmem>>, %arg12: memref<1088x256xbf16, #tpu.memory_space<vmem>>, %arg13: memref<1088x512xi32, #tpu.memory_space<vmem>>, %arg14: memref<1088x512xf32, #tpu.memory_space<vmem>>) attributes {dimension_semantics = [#tpu.dimension_semantics<arbitrary>], iteration_bounds = array<i64: 10>, scalar_prefetch = 0 : i64, scratch_operands = 0 : i64, tpu.core_type = #tpu.core_type<tc>, window_params = [{transform_indices = @transform_0, window_bounds = array<i64: 1088, 256>}, {transform_indices = @transform_1, window_bounds = array<i64: 1088, 8>}, {transform_indices = @transform_2, window_bounds = array<i64: 1088, 256>}, {pipeline_mode = #tpu.pipeline_mode<synchronous>, transform_indices = @transform_3, window_bounds = array<i64: 256, 256>}, {pipeline_mode = #tpu.pipeline_mode<synchronous>, transform_indices = @transform_4, window_bounds = array<i64: 1, 256>}, {pipeline_mode = #tpu.pipeline_mode<synchronous>, transform_indices = @transform_5, window_bounds = array<i64: 256, 384>}, {pipeline_mode = #tpu.pipeline_mode<synchronous>, transform_indices = @transform_6, window_bounds = array<i64: 1, 384>}, {pipeline_mode = #tpu.pipeline_mode<synchronous>, transform_indices = @transform_7, window_bounds = array<i64: 8, 256>}, {pipeline_mode = #tpu.pipeline_mode<synchronous>, transform_indices = @transform_8, window_bounds = array<i64: 128, 128>}, {pipeline_mode = #tpu.pipeline_mode<synchronous>, transform_indices = @transform_9, window_bounds = array<i64: 2, 128>}, {pipeline_mode = #tpu.pipeline_mode<synchronous>, transform_indices = @transform_10, window_bounds = array<i64: 2, 128>}, {transform_indices = @transform_11, window_bounds = array<i64: 1088, 256>}, {transform_indices = @transform_12, window_bounds = array<i64: 1088, 512>}, {transform_indices = @transform_13, window_bounds = array<i64: 1088, 512>}]} {
    %get3A = arith.constant 0 : index
    %get3A_0 = arith.constant 0 : index
    %get3A_1 = vector.load %arg10[%get3A, %get3A_0] : memref<2x128xf32, #tpu.memory_space<vmem>>, vector<1x128xf32>
    %get3A_2 = arith.constant 1 : index
    %get3A_3 = arith.constant 0 : index
    %get3A_4 = vector.load %arg10[%get3A_2, %get3A_3] : memref<2x128xf32, #tpu.memory_space<vmem>>, vector<1x128xf32>
    %get3A_5 = arith.constant 0 : index
    %get3A_6 = arith.constant 0 : index
    %get3A_7 = vector.load %arg11[%get3A_5, %get3A_6] : memref<2x128xi32, #tpu.memory_space<vmem>>, vector<1x128xi32>
    %get3A_8 = arith.constant 1 : index
    %get3A_9 = arith.constant 0 : index
    %get3A_10 = vector.load %arg11[%get3A_8, %get3A_9] : memref<2x128xi32, #tpu.memory_space<vmem>>, vector<1x128xi32>
    %get3A_11 = arith.constant 0 : index
    %get3A_12 = arith.constant 0 : index
    %get3A_13 = vector.load %arg3[%get3A_11, %get3A_12] : memref<1088x256xf32, #tpu.memory_space<vmem>>, vector<1088x256xf32>
    %get3A_14 = arith.constant 0 : index
    %get3A_15 = arith.constant 0 : index
    %get3A_16 = vector.load %arg4[%get3A_14, %get3A_15] : memref<256x256xf32, #tpu.memory_space<vmem>>, vector<256x256xf32>
    %dot_general3A = arith.constant dense<0.000000e+00> : vector<1088x256xf32>
    %dot_general3A_17 = tpu.matmul %get3A_13, %get3A_16, %dot_general3A {dimension_numbers = #tpu.dot_dimension_numbers<[1], [0], [0], [1], [0, 0, 1, 1], [], []>, precision = #tpu.contract_precision<fp32>, transpose_lhs_hint = false} : vector<1088x256xf32>, vector<256x256xf32>, vector<1088x256xf32> -> vector<1088x256xf32>
    %get3A_18 = arith.constant 0 : index
    %get3A_19 = arith.constant 0 : index
    %get3A_20 = vector.load %arg5[%get3A_18, %get3A_19] : memref<1x256xf32, #tpu.memory_space<vmem>>, vector<1x256xf32>
    %add3A = vector.broadcast %get3A_20 : vector<1x256xf32> to vector<1088x256xf32>
    %add3A_21 = arith.addf %dot_general3A_17, %add3A : vector<1088x256xf32>
    %convert_element_type3A = arith.truncf %add3A_21 : vector<1088x256xf32> to vector<1088x256xbf16>
    %swap3A = arith.constant 0 : index
    %swap3A_22 = arith.constant 0 : index
    %swap3A_23 = vector.load %arg12[%swap3A, %swap3A_22] : memref<1088x256xbf16, #tpu.memory_space<vmem>>, vector<1088x256xbf16>
    tpu.vector_store %arg12[%swap3A, %swap3A_22], %convert_element_type3A {strides = array<i32>} : memref<1088x256xbf16, #tpu.memory_space<vmem>>, vector<1088x256xbf16>,
    %get3A_24 = arith.constant 0 : index
    %get3A_25 = arith.constant 0 : index
    %get3A_26 = vector.load %arg1[%get3A_24, %get3A_25] : memref<1088x256xf32, #tpu.memory_space<vmem>>, vector<1088x256xf32>
    %get3A_27 = arith.constant 0 : index
    %get3A_28 = arith.constant 0 : index
    %get3A_29 = vector.load %arg6[%get3A_27, %get3A_28] : memref<256x384xf32, #tpu.memory_space<vmem>>, vector<256x384xf32>
    %dot_general3A_30 = arith.constant dense<0.000000e+00> : vector<1088x384xf32>
    %dot_general3A_31 = tpu.matmul %get3A_26, %get3A_29, %dot_general3A_30 {dimension_numbers = #tpu.dot_dimension_numbers<[1], [0], [0], [1], [0, 0, 1, 1], [], []>, precision = #tpu.contract_precision<fp32>, transpose_lhs_hint = false} : vector<1088x256xf32>, vector<256x384xf32>, vector<1088x384xf32> -> vector<1088x384xf32>
    %get3A_32 = arith.constant 0 : index
    %get3A_33 = arith.constant 0 : index
    %get3A_34 = vector.load %arg7[%get3A_32, %get3A_33] : memref<1x384xf32, #tpu.memory_space<vmem>>, vector<1x384xf32>
    %add3A_35 = vector.broadcast %get3A_34 : vector<1x384xf32> to vector<1088x384xf32>
    %add3A_36 = arith.addf %dot_general3A_31, %add3A_35 : vector<1088x384xf32>
    %slice3A = vector.extract_strided_slice %add3A_36 {offsets = [0, 0], sizes = [1088, 128], strides = [1, 1]} : vector<1088x384xf32> to vector<1088x128xf32>
    %slice3A_37 = vector.extract_strided_slice %add3A_36 {offsets = [0, 128], sizes = [1088, 128], strides = [1, 1]} : vector<1088x384xf32> to vector<1088x128xf32>
    %slice3A_38 = vector.extract_strided_slice %add3A_36 {offsets = [0, 256], sizes = [1088, 128], strides = [1, 1]} : vector<1088x384xf32> to vector<1088x128xf32>
    %reduce_max3A = arith.constant dense<0xFF800000> : vector<1088xf32>
    %reduce_max3A_39 = vector.multi_reduction <maximumf>, %slice3A_38, %reduce_max3A [1] : vector<1088x128xf32> to vector<1088xf32>
    %broadcast_in_dim3A = vector.shape_cast %reduce_max3A_39 : vector<1088xf32> to vector<1088x1xf32>
    %sub3A = vector.broadcast %broadcast_in_dim3A : vector<1088x1xf32> to vector<1088x128xf32>
    %sub3A_40 = arith.subf %slice3A_38, %sub3A : vector<1088x128xf32>
    %exp3A = math.exp %sub3A_40 : vector<1088x128xf32>
    %get3A_41 = arith.constant 0 : index
    %get3A_42 = arith.constant 0 : index
    %get3A_43 = vector.load %arg9[%get3A_41, %get3A_42] : memref<128x128xf32, #tpu.memory_space<vmem>>, vector<128x128xf32>
    %dot_general3A_44 = arith.constant dense<0.000000e+00> : vector<1088x128xf32>
    %dot_general3A_45 = tpu.matmul %exp3A, %get3A_43, %dot_general3A_44 {dimension_numbers = #tpu.dot_dimension_numbers<[1], [0], [0], [1], [0, 0, 1, 1], [], []>, precision = #tpu.contract_precision<fp32>, transpose_lhs_hint = false} : vector<1088x128xf32>, vector<128x128xf32>, vector<1088x128xf32> -> vector<1088x128xf32>
    %div3A = arith.divf %exp3A, %dot_general3A_45 : vector<1088x128xf32>
    %get3A_46 = arith.constant 0 : index
    %get3A_47 = arith.constant 0 : index
    %get3A_48 = vector.load %arg2[%get3A_46, %get3A_47] : memref<1088x8xf32, #tpu.memory_space<vmem>>, vector<1088x8xf32>
    %get3A_49 = arith.constant 0 : index
    %get3A_50 = arith.constant 0 : index
    %get3A_51 = vector.load %arg8[%get3A_49, %get3A_50] : memref<8x256xf32, #tpu.memory_space<vmem>>, vector<8x256xf32>
    %broadcast_in_dim3A_52 = arith.constant 0.000000e+00 : f32
    %broadcast_in_dim3A_53 = vector.broadcast %broadcast_in_dim3A_52 : f32 to vector<1088x128xf32>
    %broadcast_in_dim3A_54 = arith.constant 0.000000e+00 : f32
    %broadcast_in_dim3A_55 = vector.broadcast %broadcast_in_dim3A_54 : f32 to vector<1088x128xf32>
    %slice3A_56 = vector.extract_strided_slice %get3A_48 {offsets = [0, 0], sizes = [1088, 1], strides = [1, 1]} : vector<1088x8xf32> to vector<1088x1xf32>
    %slice3A_57 = vector.extract_strided_slice %get3A_51 {offsets = [0, 0], sizes = [1, 128], strides = [1, 1]} : vector<8x256xf32> to vector<1x128xf32>
    %mul3A = vector.broadcast %slice3A_56 : vector<1088x1xf32> to vector<1088x128xf32>
    %mul3A_58 = vector.broadcast %slice3A_57 : vector<1x128xf32> to vector<1088x128xf32>
    %mul3A_59 = arith.mulf %mul3A, %mul3A_58 : vector<1088x128xf32>
    %add3A_60 = arith.addf %broadcast_in_dim3A_53, %mul3A_59 : vector<1088x128xf32>
    %slice3A_61 = vector.extract_strided_slice %get3A_48 {offsets = [0, 1], sizes = [1088, 1], strides = [1, 1]} : vector<1088x8xf32> to vector<1088x1xf32>
    %slice3A_62 = vector.extract_strided_slice %get3A_51 {offsets = [1, 128], sizes = [1, 128], strides = [1, 1]} : vector<8x256xf32> to vector<1x128xf32>
    %mul3A_63 = vector.broadcast %slice3A_61 : vector<1088x1xf32> to vector<1088x128xf32>
    %mul3A_64 = vector.broadcast %slice3A_62 : vector<1x128xf32> to vector<1088x128xf32>
    %mul3A_65 = arith.mulf %mul3A_63, %mul3A_64 : vector<1088x128xf32>
    %add3A_66 = arith.addf %broadcast_in_dim3A_55, %mul3A_65 : vector<1088x128xf32>
    %slice3A_67 = vector.extract_strided_slice %get3A_48 {offsets = [0, 2], sizes = [1088, 1], strides = [1, 1]} : vector<1088x8xf32> to vector<1088x1xf32>
    %slice3A_68 = vector.extract_strided_slice %get3A_51 {offsets = [2, 0], sizes = [1, 128], strides = [1, 1]} : vector<8x256xf32> to vector<1x128xf32>
    %mul3A_69 = vector.broadcast %slice3A_67 : vector<1088x1xf32> to vector<1088x128xf32>
    %mul3A_70 = vector.broadcast %slice3A_68 : vector<1x128xf32> to vector<1088x128xf32>
    %mul3A_71 = arith.mulf %mul3A_69, %mul3A_70 : vector<1088x128xf32>
    %add3A_72 = arith.addf %add3A_60, %mul3A_71 : vector<1088x128xf32>
    %slice3A_73 = vector.extract_strided_slice %get3A_48 {offsets = [0, 3], sizes = [1088, 1], strides = [1, 1]} : vector<1088x8xf32> to vector<1088x1xf32>
    %slice3A_74 = vector.extract_strided_slice %get3A_51 {offsets = [3, 128], sizes = [1, 128], strides = [1, 1]} : vector<8x256xf32> to vector<1x128xf32>
    %mul3A_75 = vector.broadcast %slice3A_73 : vector<1088x1xf32> to vector<1088x128xf32>
    %mul3A_76 = vector.broadcast %slice3A_74 : vector<1x128xf32> to vector<1088x128xf32>
    %mul3A_77 = arith.mulf %mul3A_75, %mul3A_76 : vector<1088x128xf32>
    %add3A_78 = arith.addf %add3A_66, %mul3A_77 : vector<1088x128xf32>
    %slice3A_79 = vector.extract_strided_slice %get3A_48 {offsets = [0, 4], sizes = [1088, 1], strides = [1, 1]} : vector<1088x8xf32> to vector<1088x1xf32>
    %slice3A_80 = vector.extract_strided_slice %get3A_51 {offsets = [4, 0], sizes = [1, 128], strides = [1, 1]} : vector<8x256xf32> to vector<1x128xf32>
    %mul3A_81 = vector.broadcast %slice3A_79 : vector<1088x1xf32> to vector<1088x128xf32>
    %mul3A_82 = vector.broadcast %slice3A_80 : vector<1x128xf32> to vector<1088x128xf32>
    %mul3A_83 = arith.mulf %mul3A_81, %mul3A_82 : vector<1088x128xf32>
    %add3A_84 = arith.addf %add3A_72, %mul3A_83 : vector<1088x128xf32>
    %slice3A_85 = vector.extract_strided_slice %get3A_48 {offsets = [0, 5], sizes = [1088, 1], strides = [1, 1]} : vector<1088x8xf32> to vector<1088x1xf32>
    %slice3A_86 = vector.extract_strided_slice %get3A_51 {offsets = [5, 128], sizes = [1, 128], strides = [1, 1]} : vector<8x256xf32> to vector<1x128xf32>
    %mul3A_87 = vector.broadcast %slice3A_85 : vector<1088x1xf32> to vector<1088x128xf32>
    %mul3A_88 = vector.broadcast %slice3A_86 : vector<1x128xf32> to vector<1088x128xf32>
    %mul3A_89 = arith.mulf %mul3A_87, %mul3A_88 : vector<1088x128xf32>
    %add3A_90 = arith.addf %add3A_78, %mul3A_89 : vector<1088x128xf32>
    %slice3A_91 = vector.extract_strided_slice %get3A_48 {offsets = [0, 6], sizes = [1088, 1], strides = [1, 1]} : vector<1088x8xf32> to vector<1088x1xf32>
    %slice3A_92 = vector.extract_strided_slice %get3A_51 {offsets = [6, 0], sizes = [1, 128], strides = [1, 1]} : vector<8x256xf32> to vector<1x128xf32>
    %mul3A_93 = vector.broadcast %slice3A_91 : vector<1088x1xf32> to vector<1088x128xf32>
    %mul3A_94 = vector.broadcast %slice3A_92 : vector<1x128xf32> to vector<1088x128xf32>
    %mul3A_95 = arith.mulf %mul3A_93, %mul3A_94 : vector<1088x128xf32>
    %add3A_96 = arith.addf %add3A_84, %mul3A_95 : vector<1088x128xf32>
    %slice3A_97 = vector.extract_strided_slice %get3A_48 {offsets = [0, 7], sizes = [1088, 1], strides = [1, 1]} : vector<1088x8xf32> to vector<1088x1xf32>
    %slice3A_98 = vector.extract_strided_slice %get3A_51 {offsets = [7, 128], sizes = [1, 128], strides = [1, 1]} : vector<8x256xf32> to vector<1x128xf32>
    %mul3A_99 = vector.broadcast %slice3A_97 : vector<1088x1xf32> to vector<1088x128xf32>
    %mul3A_100 = vector.broadcast %slice3A_98 : vector<1x128xf32> to vector<1088x128xf32>
    %mul3A_101 = arith.mulf %mul3A_99, %mul3A_100 : vector<1088x128xf32>
    %add3A_102 = arith.addf %add3A_90, %mul3A_101 : vector<1088x128xf32>
    %add3A_103 = arith.addf %add3A_96, %slice3A : vector<1088x128xf32>
    %sub3A_104 = arith.constant 5.000000e-01 : f32
    %sub3A_105 = vector.broadcast %sub3A_104 : f32 to vector<1088x128xf32>
    %sub3A_106 = arith.subf %add3A_103, %sub3A_105 : vector<1088x128xf32>
    %add3A_107 = arith.addf %add3A_102, %slice3A_37 : vector<1088x128xf32>
    %sub3A_108 = arith.constant 5.000000e-01 : f32
    %sub3A_109 = vector.broadcast %sub3A_108 : f32 to vector<1088x128xf32>
    %sub3A_110 = arith.subf %add3A_107, %sub3A_109 : vector<1088x128xf32>
    %floor3A = math.floor %sub3A_106 : vector<1088x128xf32>
    %floor3A_111 = math.floor %sub3A_110 : vector<1088x128xf32>
    %sub3A_112 = arith.subf %sub3A_106, %floor3A : vector<1088x128xf32>
    %sub3A_113 = arith.subf %sub3A_110, %floor3A_111 : vector<1088x128xf32>
    %sub3A_114 = arith.constant 1.000000e+00 : f32
    %sub3A_115 = vector.broadcast %sub3A_114 : f32 to vector<1088x128xf32>
    %sub3A_116 = arith.subf %sub3A_115, %sub3A_112 : vector<1088x128xf32>
    %sub3A_117 = arith.constant 1.000000e+00 : f32
    %sub3A_118 = vector.broadcast %sub3A_117 : f32 to vector<1088x128xf32>
    %sub3A_119 = arith.subf %sub3A_118, %sub3A_113 : vector<1088x128xf32>
    %mul3A_120 = arith.mulf %sub3A_116, %sub3A_119 : vector<1088x128xf32>
    %ge3A = arith.constant 0.000000e+00 : f32
    %ge3A_121 = vector.broadcast %ge3A : f32 to vector<1088x128xf32>
    %ge3A_122 = arith.cmpf oge, %floor3A, %ge3A_121 : vector<1088x128xf32>
    %sub3A_123 = arith.constant 1.000000e+00 : f32
    %sub3A_124 = vector.broadcast %sub3A_123 : f32 to vector<1x128xf32>
    %sub3A_125 = arith.subf %get3A_1, %sub3A_124 : vector<1x128xf32>
    %le3A = vector.broadcast %sub3A_125 : vector<1x128xf32> to vector<1088x128xf32>
    %le3A_126 = arith.cmpf ole, %floor3A, %le3A : vector<1088x128xf32>
    %and3A = arith.andi %ge3A_122, %le3A_126 : vector<1088x128xi1>
    %ge3A_127 = arith.constant 0.000000e+00 : f32
    %ge3A_128 = vector.broadcast %ge3A_127 : f32 to vector<1088x128xf32>
    %ge3A_129 = arith.cmpf oge, %floor3A_111, %ge3A_128 : vector<1088x128xf32>
    %sub3A_130 = arith.constant 1.000000e+00 : f32
    %sub3A_131 = vector.broadcast %sub3A_130 : f32 to vector<1x128xf32>
    %sub3A_132 = arith.subf %get3A_4, %sub3A_131 : vector<1x128xf32>
    %le3A_133 = vector.broadcast %sub3A_132 : vector<1x128xf32> to vector<1088x128xf32>
    %le3A_134 = arith.cmpf ole, %floor3A_111, %le3A_133 : vector<1088x128xf32>
    %and3A_135 = arith.andi %ge3A_129, %le3A_134 : vector<1088x128xi1>
    %sub3A_136 = arith.constant 1.000000e+00 : f32
    %sub3A_137 = vector.broadcast %sub3A_136 : f32 to vector<1x128xf32>
    %sub3A_138 = arith.subf %get3A_1, %sub3A_137 : vector<1x128xf32>
    %jit3A = arith.constant 0.000000e+00 : f32
    %max3A = vector.broadcast %jit3A : f32 to vector<1088x128xf32>
    %max3A_139 = arith.maximumf %max3A, %floor3A : vector<1088x128xf32>
    %min3A = vector.broadcast %sub3A_138 : vector<1x128xf32> to vector<1088x128xf32>
    %min3A_140 = arith.minimumf %min3A, %max3A_139 : vector<1088x128xf32>
    %convert_element_type3A_141 = arith.fptosi %min3A_140 : vector<1088x128xf32> to vector<1088x128xi32>
    %sub3A_142 = arith.constant 1.000000e+00 : f32
    %sub3A_143 = vector.broadcast %sub3A_142 : f32 to vector<1x128xf32>
    %sub3A_144 = arith.subf %get3A_4, %sub3A_143 : vector<1x128xf32>
    %jit3A_145 = arith.constant 0.000000e+00 : f32
    %max3A_146 = vector.broadcast %jit3A_145 : f32 to vector<1088x128xf32>
    %max3A_147 = arith.maximumf %max3A_146, %floor3A_111 : vector<1088x128xf32>
    %min3A_148 = vector.broadcast %sub3A_144 : vector<1x128xf32> to vector<1088x128xf32>
    %min3A_149 = arith.minimumf %min3A_148, %max3A_147 : vector<1088x128xf32>
    %convert_element_type3A_150 = arith.fptosi %min3A_149 : vector<1088x128xf32> to vector<1088x128xi32>
    %mul3A_151 = vector.broadcast %get3A_7 : vector<1x128xi32> to vector<1088x128xi32>
    %mul3A_152 = arith.muli %convert_element_type3A_150, %mul3A_151 : vector<1088x128xi32>
    %add3A_153 = arith.addi %mul3A_152, %convert_element_type3A_141 : vector<1088x128xi32>
    %mul3A_154 = arith.constant 8 : i32
    %mul3A_155 = vector.broadcast %mul3A_154 : i32 to vector<1088x128xi32>
    %mul3A_156 = arith.muli %add3A_153, %mul3A_155 : vector<1088x128xi32>
    %add3A_157 = vector.broadcast %get3A_10 : vector<1x128xi32> to vector<1088x128xi32>
    %add3A_158 = arith.addi %mul3A_156, %add3A_157 : vector<1088x128xi32>
    %mul3A_159 = arith.mulf %div3A, %mul3A_120 : vector<1088x128xf32>
    %and3A_160 = arith.andi %and3A, %and3A_135 : vector<1088x128xi1>
    %convert_element_type3A_161 = arith.extui %and3A_160 : vector<1088x128xi1> to vector<1088x128xi32>
    %convert_element_type3A_162 = arith.sitofp %convert_element_type3A_161 : vector<1088x128xi32> to vector<1088x128xf32>
    %mul3A_163 = arith.mulf %mul3A_159, %convert_element_type3A_162 : vector<1088x128xf32>
    %add3A_164 = arith.constant 1.000000e+00 : f32
    %add3A_165 = vector.broadcast %add3A_164 : f32 to vector<1088x128xf32>
    %add3A_166 = arith.addf %floor3A, %add3A_165 : vector<1088x128xf32>
    %sub3A_167 = arith.constant 1.000000e+00 : f32
    %sub3A_168 = vector.broadcast %sub3A_167 : f32 to vector<1088x128xf32>
    %sub3A_169 = arith.subf %sub3A_168, %sub3A_113 : vector<1088x128xf32>
    %mul3A_170 = arith.mulf %sub3A_112, %sub3A_169 : vector<1088x128xf32>
    %ge3A_171 = arith.constant 0.000000e+00 : f32
    %ge3A_172 = vector.broadcast %ge3A_171 : f32 to vector<1088x128xf32>
    %ge3A_173 = arith.cmpf oge, %add3A_166, %ge3A_172 : vector<1088x128xf32>
    %sub3A_174 = arith.constant 1.000000e+00 : f32
    %sub3A_175 = vector.broadcast %sub3A_174 : f32 to vector<1x128xf32>
    %sub3A_176 = arith.subf %get3A_1, %sub3A_175 : vector<1x128xf32>
    %le3A_177 = vector.broadcast %sub3A_176 : vector<1x128xf32> to vector<1088x128xf32>
    %le3A_178 = arith.cmpf ole, %add3A_166, %le3A_177 : vector<1088x128xf32>
    %and3A_179 = arith.andi %ge3A_173, %le3A_178 : vector<1088x128xi1>
    %ge3A_180 = arith.constant 0.000000e+00 : f32
    %ge3A_181 = vector.broadcast %ge3A_180 : f32 to vector<1088x128xf32>
    %ge3A_182 = arith.cmpf oge, %floor3A_111, %ge3A_181 : vector<1088x128xf32>
    %sub3A_183 = arith.constant 1.000000e+00 : f32
    %sub3A_184 = vector.broadcast %sub3A_183 : f32 to vector<1x128xf32>
    %sub3A_185 = arith.subf %get3A_4, %sub3A_184 : vector<1x128xf32>
    %le3A_186 = vector.broadcast %sub3A_185 : vector<1x128xf32> to vector<1088x128xf32>
    %le3A_187 = arith.cmpf ole, %floor3A_111, %le3A_186 : vector<1088x128xf32>
    %and3A_188 = arith.andi %ge3A_182, %le3A_187 : vector<1088x128xi1>
    %sub3A_189 = arith.constant 1.000000e+00 : f32
    %sub3A_190 = vector.broadcast %sub3A_189 : f32 to vector<1x128xf32>
    %sub3A_191 = arith.subf %get3A_1, %sub3A_190 : vector<1x128xf32>
    %jit3A_192 = arith.constant 0.000000e+00 : f32
    %max3A_193 = vector.broadcast %jit3A_192 : f32 to vector<1088x128xf32>
    %max3A_194 = arith.maximumf %max3A_193, %add3A_166 : vector<1088x128xf32>
    %min3A_195 = vector.broadcast %sub3A_191 : vector<1x128xf32> to vector<1088x128xf32>
    %min3A_196 = arith.minimumf %min3A_195, %max3A_194 : vector<1088x128xf32>
    %convert_element_type3A_197 = arith.fptosi %min3A_196 : vector<1088x128xf32> to vector<1088x128xi32>
    %sub3A_198 = arith.constant 1.000000e+00 : f32
    %sub3A_199 = vector.broadcast %sub3A_198 : f32 to vector<1x128xf32>
    %sub3A_200 = arith.subf %get3A_4, %sub3A_199 : vector<1x128xf32>
    %jit3A_201 = arith.constant 0.000000e+00 : f32
    %max3A_202 = vector.broadcast %jit3A_201 : f32 to vector<1088x128xf32>
    %max3A_203 = arith.maximumf %max3A_202, %floor3A_111 : vector<1088x128xf32>
    %min3A_204 = vector.broadcast %sub3A_200 : vector<1x128xf32> to vector<1088x128xf32>
    %min3A_205 = arith.minimumf %min3A_204, %max3A_203 : vector<1088x128xf32>
    %convert_element_type3A_206 = arith.fptosi %min3A_205 : vector<1088x128xf32> to vector<1088x128xi32>
    %mul3A_207 = vector.broadcast %get3A_7 : vector<1x128xi32> to vector<1088x128xi32>
    %mul3A_208 = arith.muli %convert_element_type3A_206, %mul3A_207 : vector<1088x128xi32>
    %add3A_209 = arith.addi %mul3A_208, %convert_element_type3A_197 : vector<1088x128xi32>
    %mul3A_210 = arith.constant 8 : i32
    %mul3A_211 = vector.broadcast %mul3A_210 : i32 to vector<1088x128xi32>
    %mul3A_212 = arith.muli %add3A_209, %mul3A_211 : vector<1088x128xi32>
    %add3A_213 = vector.broadcast %get3A_10 : vector<1x128xi32> to vector<1088x128xi32>
    %add3A_214 = arith.addi %mul3A_212, %add3A_213 : vector<1088x128xi32>
    %mul3A_215 = arith.mulf %div3A, %mul3A_170 : vector<1088x128xf32>
    %and3A_216 = arith.andi %and3A_179, %and3A_188 : vector<1088x128xi1>
    %convert_element_type3A_217 = arith.extui %and3A_216 : vector<1088x128xi1> to vector<1088x128xi32>
    %convert_element_type3A_218 = arith.sitofp %convert_element_type3A_217 : vector<1088x128xi32> to vector<1088x128xf32>
    %mul3A_219 = arith.mulf %mul3A_215, %convert_element_type3A_218 : vector<1088x128xf32>
    %add3A_220 = arith.constant 1.000000e+00 : f32
    %add3A_221 = vector.broadcast %add3A_220 : f32 to vector<1088x128xf32>
    %add3A_222 = arith.addf %floor3A_111, %add3A_221 : vector<1088x128xf32>
    %sub3A_223 = arith.constant 1.000000e+00 : f32
    %sub3A_224 = vector.broadcast %sub3A_223 : f32 to vector<1088x128xf32>
    %sub3A_225 = arith.subf %sub3A_224, %sub3A_112 : vector<1088x128xf32>
    %mul3A_226 = arith.mulf %sub3A_225, %sub3A_113 : vector<1088x128xf32>
    %ge3A_227 = arith.constant 0.000000e+00 : f32
    %ge3A_228 = vector.broadcast %ge3A_227 : f32 to vector<1088x128xf32>
    %ge3A_229 = arith.cmpf oge, %floor3A, %ge3A_228 : vector<1088x128xf32>
    %sub3A_230 = arith.constant 1.000000e+00 : f32
    %sub3A_231 = vector.broadcast %sub3A_230 : f32 to vector<1x128xf32>
    %sub3A_232 = arith.subf %get3A_1, %sub3A_231 : vector<1x128xf32>
    %le3A_233 = vector.broadcast %sub3A_232 : vector<1x128xf32> to vector<1088x128xf32>
    %le3A_234 = arith.cmpf ole, %floor3A, %le3A_233 : vector<1088x128xf32>
    %and3A_235 = arith.andi %ge3A_229, %le3A_234 : vector<1088x128xi1>
    %ge3A_236 = arith.constant 0.000000e+00 : f32
    %ge3A_237 = vector.broadcast %ge3A_236 : f32 to vector<1088x128xf32>
    %ge3A_238 = arith.cmpf oge, %add3A_222, %ge3A_237 : vector<1088x128xf32>
    %sub3A_239 = arith.constant 1.000000e+00 : f32
    %sub3A_240 = vector.broadcast %sub3A_239 : f32 to vector<1x128xf32>
    %sub3A_241 = arith.subf %get3A_4, %sub3A_240 : vector<1x128xf32>
    %le3A_242 = vector.broadcast %sub3A_241 : vector<1x128xf32> to vector<1088x128xf32>
    %le3A_243 = arith.cmpf ole, %add3A_222, %le3A_242 : vector<1088x128xf32>
    %and3A_244 = arith.andi %ge3A_238, %le3A_243 : vector<1088x128xi1>
    %sub3A_245 = arith.constant 1.000000e+00 : f32
    %sub3A_246 = vector.broadcast %sub3A_245 : f32 to vector<1x128xf32>
    %sub3A_247 = arith.subf %get3A_1, %sub3A_246 : vector<1x128xf32>
    %jit3A_248 = arith.constant 0.000000e+00 : f32
    %max3A_249 = vector.broadcast %jit3A_248 : f32 to vector<1088x128xf32>
    %max3A_250 = arith.maximumf %max3A_249, %floor3A : vector<1088x128xf32>
    %min3A_251 = vector.broadcast %sub3A_247 : vector<1x128xf32> to vector<1088x128xf32>
    %min3A_252 = arith.minimumf %min3A_251, %max3A_250 : vector<1088x128xf32>
    %convert_element_type3A_253 = arith.fptosi %min3A_252 : vector<1088x128xf32> to vector<1088x128xi32>
    %sub3A_254 = arith.constant 1.000000e+00 : f32
    %sub3A_255 = vector.broadcast %sub3A_254 : f32 to vector<1x128xf32>
    %sub3A_256 = arith.subf %get3A_4, %sub3A_255 : vector<1x128xf32>
    %jit3A_257 = arith.constant 0.000000e+00 : f32
    %max3A_258 = vector.broadcast %jit3A_257 : f32 to vector<1088x128xf32>
    %max3A_259 = arith.maximumf %max3A_258, %add3A_222 : vector<1088x128xf32>
    %min3A_260 = vector.broadcast %sub3A_256 : vector<1x128xf32> to vector<1088x128xf32>
    %min3A_261 = arith.minimumf %min3A_260, %max3A_259 : vector<1088x128xf32>
    %convert_element_type3A_262 = arith.fptosi %min3A_261 : vector<1088x128xf32> to vector<1088x128xi32>
    %mul3A_263 = vector.broadcast %get3A_7 : vector<1x128xi32> to vector<1088x128xi32>
    %mul3A_264 = arith.muli %convert_element_type3A_262, %mul3A_263 : vector<1088x128xi32>
    %add3A_265 = arith.addi %mul3A_264, %convert_element_type3A_253 : vector<1088x128xi32>
    %mul3A_266 = arith.constant 8 : i32
    %mul3A_267 = vector.broadcast %mul3A_266 : i32 to vector<1088x128xi32>
    %mul3A_268 = arith.muli %add3A_265, %mul3A_267 : vector<1088x128xi32>
    %add3A_269 = vector.broadcast %get3A_10 : vector<1x128xi32> to vector<1088x128xi32>
    %add3A_270 = arith.addi %mul3A_268, %add3A_269 : vector<1088x128xi32>
    %mul3A_271 = arith.mulf %div3A, %mul3A_226 : vector<1088x128xf32>
    %and3A_272 = arith.andi %and3A_235, %and3A_244 : vector<1088x128xi1>
    %convert_element_type3A_273 = arith.extui %and3A_272 : vector<1088x128xi1> to vector<1088x128xi32>
    %convert_element_type3A_274 = arith.sitofp %convert_element_type3A_273 : vector<1088x128xi32> to vector<1088x128xf32>
    %mul3A_275 = arith.mulf %mul3A_271, %convert_element_type3A_274 : vector<1088x128xf32>
    %add3A_276 = arith.constant 1.000000e+00 : f32
    %add3A_277 = vector.broadcast %add3A_276 : f32 to vector<1088x128xf32>
    %add3A_278 = arith.addf %floor3A, %add3A_277 : vector<1088x128xf32>
    %add3A_279 = arith.constant 1.000000e+00 : f32
    %add3A_280 = vector.broadcast %add3A_279 : f32 to vector<1088x128xf32>
    %add3A_281 = arith.addf %floor3A_111, %add3A_280 : vector<1088x128xf32>
    %mul3A_282 = arith.mulf %sub3A_112, %sub3A_113 : vector<1088x128xf32>
    %ge3A_283 = arith.constant 0.000000e+00 : f32
    %ge3A_284 = vector.broadcast %ge3A_283 : f32 to vector<1088x128xf32>
    %ge3A_285 = arith.cmpf oge, %add3A_278, %ge3A_284 : vector<1088x128xf32>
    %sub3A_286 = arith.constant 1.000000e+00 : f32
    %sub3A_287 = vector.broadcast %sub3A_286 : f32 to vector<1x128xf32>
    %sub3A_288 = arith.subf %get3A_1, %sub3A_287 : vector<1x128xf32>
    %le3A_289 = vector.broadcast %sub3A_288 : vector<1x128xf32> to vector<1088x128xf32>
    %le3A_290 = arith.cmpf ole, %add3A_278, %le3A_289 : vector<1088x128xf32>
    %and3A_291 = arith.andi %ge3A_285, %le3A_290 : vector<1088x128xi1>
    %ge3A_292 = arith.constant 0.000000e+00 : f32
    %ge3A_293 = vector.broadcast %ge3A_292 : f32 to vector<1088x128xf32>
    %ge3A_294 = arith.cmpf oge, %add3A_281, %ge3A_293 : vector<1088x128xf32>
    %sub3A_295 = arith.constant 1.000000e+00 : f32
    %sub3A_296 = vector.broadcast %sub3A_295 : f32 to vector<1x128xf32>
    %sub3A_297 = arith.subf %get3A_4, %sub3A_296 : vector<1x128xf32>
    %le3A_298 = vector.broadcast %sub3A_297 : vector<1x128xf32> to vector<1088x128xf32>
    %le3A_299 = arith.cmpf ole, %add3A_281, %le3A_298 : vector<1088x128xf32>
    %and3A_300 = arith.andi %ge3A_294, %le3A_299 : vector<1088x128xi1>
    %sub3A_301 = arith.constant 1.000000e+00 : f32
    %sub3A_302 = vector.broadcast %sub3A_301 : f32 to vector<1x128xf32>
    %sub3A_303 = arith.subf %get3A_1, %sub3A_302 : vector<1x128xf32>
    %jit3A_304 = arith.constant 0.000000e+00 : f32
    %max3A_305 = vector.broadcast %jit3A_304 : f32 to vector<1088x128xf32>
    %max3A_306 = arith.maximumf %max3A_305, %add3A_278 : vector<1088x128xf32>
    %min3A_307 = vector.broadcast %sub3A_303 : vector<1x128xf32> to vector<1088x128xf32>
    %min3A_308 = arith.minimumf %min3A_307, %max3A_306 : vector<1088x128xf32>
    %convert_element_type3A_309 = arith.fptosi %min3A_308 : vector<1088x128xf32> to vector<1088x128xi32>
    %sub3A_310 = arith.constant 1.000000e+00 : f32
    %sub3A_311 = vector.broadcast %sub3A_310 : f32 to vector<1x128xf32>
    %sub3A_312 = arith.subf %get3A_4, %sub3A_311 : vector<1x128xf32>
    %jit3A_313 = arith.constant 0.000000e+00 : f32
    %max3A_314 = vector.broadcast %jit3A_313 : f32 to vector<1088x128xf32>
    %max3A_315 = arith.maximumf %max3A_314, %add3A_281 : vector<1088x128xf32>
    %min3A_316 = vector.broadcast %sub3A_312 : vector<1x128xf32> to vector<1088x128xf32>
    %min3A_317 = arith.minimumf %min3A_316, %max3A_315 : vector<1088x128xf32>
    %convert_element_type3A_318 = arith.fptosi %min3A_317 : vector<1088x128xf32> to vector<1088x128xi32>
    %mul3A_319 = vector.broadcast %get3A_7 : vector<1x128xi32> to vector<1088x128xi32>
    %mul3A_320 = arith.muli %convert_element_type3A_318, %mul3A_319 : vector<1088x128xi32>
    %add3A_321 = arith.addi %mul3A_320, %convert_element_type3A_309 : vector<1088x128xi32>
    %mul3A_322 = arith.constant 8 : i32
    %mul3A_323 = vector.broadcast %mul3A_322 : i32 to vector<1088x128xi32>
    %mul3A_324 = arith.muli %add3A_321, %mul3A_323 : vector<1088x128xi32>
    %add3A_325 = vector.broadcast %get3A_10 : vector<1x128xi32> to vector<1088x128xi32>
    %add3A_326 = arith.addi %mul3A_324, %add3A_325 : vector<1088x128xi32>
    %mul3A_327 = arith.mulf %div3A, %mul3A_282 : vector<1088x128xf32>
    %and3A_328 = arith.andi %and3A_291, %and3A_300 : vector<1088x128xi1>
    %convert_element_type3A_329 = arith.extui %and3A_328 : vector<1088x128xi1> to vector<1088x128xi32>
    %convert_element_type3A_330 = arith.sitofp %convert_element_type3A_329 : vector<1088x128xi32> to vector<1088x128xf32>
    %mul3A_331 = arith.mulf %mul3A_327, %convert_element_type3A_330 : vector<1088x128xf32>
    %concatenate3A = tpu.concatenate %add3A_158, %add3A_214, %add3A_270, %add3A_326 in 1 : vector<1088x128xi32>, vector<1088x128xi32>, vector<1088x128xi32>, vector<1088x128xi32> -> vector<1088x512xi32>
    %swap3A_332 = arith.constant 0 : index
    %swap3A_333 = arith.constant 0 : index
    %swap3A_334 = vector.load %arg13[%swap3A_332, %swap3A_333] : memref<1088x512xi32, #tpu.memory_space<vmem>>, vector<1088x512xi32>
    tpu.vector_store %arg13[%swap3A_332, %swap3A_333], %concatenate3A {strides = array<i32>} : memref<1088x512xi32, #tpu.memory_space<vmem>>, vector<1088x512xi32>,
    %concatenate3A_335 = tpu.concatenate %mul3A_163, %mul3A_219, %mul3A_275, %mul3A_331 in 1 : vector<1088x128xf32>, vector<1088x128xf32>, vector<1088x128xf32>, vector<1088x128xf32> -> vector<1088x512xf32>
    %swap3A_336 = arith.constant 0 : index
    %swap3A_337 = arith.constant 0 : index
    %swap3A_338 = vector.load %arg14[%swap3A_336, %swap3A_337] : memref<1088x512xf32, #tpu.memory_space<vmem>>, vector<1088x512xf32>
    tpu.vector_store %arg14[%swap3A_336, %swap3A_337], %concatenate3A_335 {strides = array<i32>} : memref<1088x512xf32, #tpu.memory_space<vmem>>, vector<1088x512xf32>,
    return
  }
  func.func @transform_0(%arg0: i32) -> (i32, i32) {
    %c0_i32 = arith.constant 0 : i32
    %c0_i32_0 = arith.constant 0 : i32
    return %arg0, %c0_i32 : i32, i32
  }
  func.func @transform_1(%arg0: i32) -> (i32, i32) {
    %c0_i32 = arith.constant 0 : i32
    %c0_i32_0 = arith.constant 0 : i32
    return %arg0, %c0_i32 : i32, i32
  }
  func.func @transform_2(%arg0: i32) -> (i32, i32) {
    %c0_i32 = arith.constant 0 : i32
    %c0_i32_0 = arith.constant 0 : i32
    return %arg0, %c0_i32 : i32, i32
  }
  func.func @transform_3(%arg0: i32) -> (i32, i32) {
    %c0_i32 = arith.constant 0 : i32
    %c0_i32_0 = arith.constant 0 : i32
    %c0_i32_1 = arith.constant 0 : i32
    return %c0_i32, %c0_i32_0 : i32, i32
  }
  func.func @transform_4(%arg0: i32) -> (i32, i32) {
    %c0_i32 = arith.constant 0 : i32
    %c0_i32_0 = arith.constant 0 : i32
    %c0_i32_1 = arith.constant 0 : i32
    return %c0_i32, %c0_i32_0 : i32, i32
  }
  func.func @transform_5(%arg0: i32) -> (i32, i32) {
    %c0_i32 = arith.constant 0 : i32
    %c0_i32_0 = arith.constant 0 : i32
    %c0_i32_1 = arith.constant 0 : i32
    return %c0_i32, %c0_i32_0 : i32, i32
  }
  func.func @transform_6(%arg0: i32) -> (i32, i32) {
    %c0_i32 = arith.constant 0 : i32
    %c0_i32_0 = arith.constant 0 : i32
    %c0_i32_1 = arith.constant 0 : i32
    return %c0_i32, %c0_i32_0 : i32, i32
  }
  func.func @transform_7(%arg0: i32) -> (i32, i32) {
    %c0_i32 = arith.constant 0 : i32
    %c0_i32_0 = arith.constant 0 : i32
    %c0_i32_1 = arith.constant 0 : i32
    return %c0_i32, %c0_i32_0 : i32, i32
  }
  func.func @transform_8(%arg0: i32) -> (i32, i32) {
    %c0_i32 = arith.constant 0 : i32
    %c0_i32_0 = arith.constant 0 : i32
    %c0_i32_1 = arith.constant 0 : i32
    return %c0_i32, %c0_i32_0 : i32, i32
  }
  func.func @transform_9(%arg0: i32) -> (i32, i32) {
    %c0_i32 = arith.constant 0 : i32
    %c0_i32_0 = arith.constant 0 : i32
    %c0_i32_1 = arith.constant 0 : i32
    return %c0_i32, %c0_i32_0 : i32, i32
  }
  func.func @transform_10(%arg0: i32) -> (i32, i32) {
    %c0_i32 = arith.constant 0 : i32
    %c0_i32_0 = arith.constant 0 : i32
    %c0_i32_1 = arith.constant 0 : i32
    return %c0_i32, %c0_i32_0 : i32, i32
  }
  func.func @transform_11(%arg0: i32) -> (i32, i32) {
    %c0_i32 = arith.constant 0 : i32
    %c0_i32_0 = arith.constant 0 : i32
    return %arg0, %c0_i32 : i32, i32
  }
  func.func @transform_12(%arg0: i32) -> (i32, i32) {
    %c0_i32 = arith.constant 0 : i32
    %c0_i32_0 = arith.constant 0 : i32
    return %arg0, %c0_i32 : i32, i32
  }
  func.func @transform_13(%arg0: i32) -> (i32, i32) {
    %c0_i32 = arith.constant 0 : i32
    %c0_i32_0 = arith.constant 0 : i32
    return %arg0, %c0_i32 : i32, i32
  }
}

module attributes {stable_mosaic.version = 14 : i64} {
  func.func @_tc2_body(%arg0: i32, %arg1: memref<1088x256xf32, #tpu.memory_space<vmem>>, %arg2: memref<256x256xf32, #tpu.memory_space<vmem>>, %arg3: memref<1x256xf32, #tpu.memory_space<vmem>>, %arg4: memref<1088x256xf32, #tpu.memory_space<vmem>>) attributes {dimension_semantics = [#tpu.dimension_semantics<arbitrary>], iteration_bounds = array<i64: 10>, scalar_prefetch = 0 : i64, scratch_operands = 0 : i64, tpu.core_type = #tpu.core_type<tc>, window_params = [{transform_indices = @transform_0, window_bounds = array<i64: 1088, 256>}, {pipeline_mode = #tpu.pipeline_mode<synchronous>, transform_indices = @transform_1, window_bounds = array<i64: 256, 256>}, {pipeline_mode = #tpu.pipeline_mode<synchronous>, transform_indices = @transform_2, window_bounds = array<i64: 1, 256>}, {transform_indices = @transform_3, window_bounds = array<i64: 1088, 256>}]} {
    %get3A = arith.constant 0 : index
    %get3A_0 = arith.constant 0 : index
    %get3A_1 = vector.load %arg1[%get3A, %get3A_0] : memref<1088x256xf32, #tpu.memory_space<vmem>>, vector<1088x256xf32>
    %get3A_2 = arith.constant 0 : index
    %get3A_3 = arith.constant 0 : index
    %get3A_4 = vector.load %arg2[%get3A_2, %get3A_3] : memref<256x256xf32, #tpu.memory_space<vmem>>, vector<256x256xf32>
    %dot_general3A = arith.constant dense<0.000000e+00> : vector<1088x256xf32>
    %dot_general3A_5 = tpu.matmul %get3A_1, %get3A_4, %dot_general3A {dimension_numbers = #tpu.dot_dimension_numbers<[1], [0], [0], [1], [0, 0, 1, 1], [], []>, precision = #tpu.contract_precision<fp32>, transpose_lhs_hint = false} : vector<1088x256xf32>, vector<256x256xf32>, vector<1088x256xf32> -> vector<1088x256xf32>
    %get3A_6 = arith.constant 0 : index
    %get3A_7 = arith.constant 0 : index
    %get3A_8 = vector.load %arg3[%get3A_6, %get3A_7] : memref<1x256xf32, #tpu.memory_space<vmem>>, vector<1x256xf32>
    %add3A = vector.broadcast %get3A_8 : vector<1x256xf32> to vector<1088x256xf32>
    %add3A_9 = arith.addf %dot_general3A_5, %add3A : vector<1088x256xf32>
    %swap3A = arith.constant 0 : index
    %swap3A_10 = arith.constant 0 : index
    %swap3A_11 = vector.load %arg4[%swap3A, %swap3A_10] : memref<1088x256xf32, #tpu.memory_space<vmem>>, vector<1088x256xf32>
    tpu.vector_store %arg4[%swap3A, %swap3A_10], %add3A_9 {strides = array<i32>} : memref<1088x256xf32, #tpu.memory_space<vmem>>, vector<1088x256xf32>,
    return
  }
  func.func @transform_0(%arg0: i32) -> (i32, i32) {
    %c0_i32 = arith.constant 0 : i32
    %c0_i32_0 = arith.constant 0 : i32
    return %arg0, %c0_i32 : i32, i32
  }
  func.func @transform_1(%arg0: i32) -> (i32, i32) {
    %c0_i32 = arith.constant 0 : i32
    %c0_i32_0 = arith.constant 0 : i32
    %c0_i32_1 = arith.constant 0 : i32
    return %c0_i32, %c0_i32_0 : i32, i32
  }
  func.func @transform_2(%arg0: i32) -> (i32, i32) {
    %c0_i32 = arith.constant 0 : i32
    %c0_i32_0 = arith.constant 0 : i32
    %c0_i32_1 = arith.constant 0 : i32
    return %c0_i32, %c0_i32_0 : i32, i32
  }
  func.func @transform_3(%arg0: i32) -> (i32, i32) {
    %c0_i32 = arith.constant 0 : i32
    %c0_i32_0 = arith.constant 0 : i32
    return %arg0, %c0_i32 : i32, i32
  }
}

</mosaic_0001>

<sc_bundles>
// kernel: kernel.5.cloned.1.call-start
scs
__scs_entry_jumppad:
0x0: {  	(pc) =	sbr.rel $0x88, $3  }
0x1: {  	(tag) =	ssettag $0x0;
	lr =	simm.s32 $0x1  }
0x2: {  	[smem:$0x3F96] =	sst lr;
	_ =	strace $0xD0000000  }
0x3: {  	_ = 	snop  }
0x4: {  	_ = 	snop  }
0x5: {  	_ = 	snop  }
0x6: {  	_ = 	snop  }
0x7: {  	_ = 	snop  }
__scs_overlays_trampoline_lowered:
0x8: {  	[smem:$0x3FA5] =	sst s0  }
0x9: {  	[smem:$0x3FA6] =	sst s1  }
0xa: {  	[smem:$0x3FA7] =	sst s2  }
0xb: {  	[smem:$0x3FA8] =	sst s3  }
0xc: {  	[smem:$0x3FA9] =	sst s4  }
0xd: {  	[smem:$0x3FAA] =	sst s5  }
0xe: {  	[smem:$0x3FAB] =	sst s6  }
0xf: {  	[smem:$0x3FAC] =	sst s7  }
0x10: {  	[smem:$0x3FAD] =	sst s8  }
0x11: {  	[smem:$0x3FAE] =	sst s9;
	s0 =	simm.s32 @!p0 $0x0  }
0x12: {  	s1 =	sld [smem:$0x3F94];
	s0 =	simm.s32 @p0 $0x1  }
0x13: {  	[smem:$0x3FAF] =	sst s0;
	s0 =	simm.s32 @!p1 $0x0  }
0x14: {  	s2 =	sld [smem:$0x3F93];
	s0 =	simm.s32 @p1 $0x1  }
0x15: {  	[smem:$0x3FB0] =	sst s0;
	s0 =	simm.s32 @!p2 $0x0  }
0x16: {  	s3 =	sld [smem:$0x3FDB];
	s0 =	simm.s32 @p2 $0x1  }
0x17: {  	s4 =	simm.s32 $0x1BF5;
	[smem:$0x3FB2] =	sst s0  }
0x18: {  	s0 =	sld [smem:$0x3F95];
	_ =	swait.ge [sflag:s4], $0x0  }
0x19: {  	s7 =	sld [smem:$0x3F96]  }
0x1a: {  	s8 =	sadd.s32 $0xFFFFE003, lr  }
0x1b: {  	s9 =	sadd.s32 $0xFFFFFEF7, lr;
	s5 =	simm.s32 $0xFFFFFFFF;
	p2 =	slt.u32 s8, $0xFFFFF086  }
0x1c: {  	p1 =	slt.u32 s9, $0xF7A;
	s5 =	simm.s32 @!p2 $0x0  }
0x1d: {  	s5 =	simm.s32 @p1 $0x1;
	p0 =	seq.s32 s7, s2  }
0x1e: {  	s7 =	smul.u32 @!p0 $0xF7A, s2;
	p2 =	seq.s32 @!p0 s5, $0x0  }
0x1f: {  	s9 =	smul.u32 $0xF7A, s1;
	s8 =	simm.s32 @!p0 $0x1BF5;
	p2 =	por !p2, p0  }
0x20: {  	[sflag:s8] =	ssyncset.s32 @!p0 $0xFFFFF086;
	s6 =	sadd.s32 @!p0 s3, s7;
	s7 =	simm.s32 @!p0 $0x108  }
0x21: {  	s3 =	sadd.s32 s3, s9;
	s6 =	sadd.s32 @!p0 $0x88, s6;
	s7 =	simm.s32 @p2 $0x1082  }
0x22: {  	[simem:s7], [sflag:s8] =	dma.local @!p0 [hbm:s6], $0xF7A  }
0x23: {  	s9 =	sor.u32 $0xD0000000, s2;
	s6 =	simm.s32 $0x108;
	_ =	swait.ge @!p0 [sflag:s8], $0x0  }
0x24: {  	s3 =	sadd.s32 $0x88, s3;
	s6 =	simm.s32 @!p1 $0x1082;
	[sflag:s4] =	ssyncset.s32 $0xFFFFF086  }
0x25: {  	[simem:s6], [sflag:s4] =	dma.local [hbm:s3], $0xF7A  }
0x26: {  	[smem:$0x3F96] =	sst s1;
	(tag) =	ssettag s2;
	_ =	strace s9  }
0x27: {  	s1 =	sld [smem:$0x3FA6]  }
0x28: {  	s2 =	sld [smem:$0x3FA7]  }
0x29: {  	s4 =	sld [smem:$0x3FA9]  }
0x2a: {  	p0 =	seq.s32 s5, $0x0;
	s5 =	sld [smem:$0x3FAA]  }
0x2b: {  	s6 =	sld [smem:$0x3FAB]  }
0x2c: {  	s7 =	sld [smem:$0x3FAC]  }
0x2d: {  	s3 =	simm.s32 $0x108;
	s8 =	sld [smem:$0x3FAD]  }
0x2e: {  	s3 =	simm.s32 @!p0 $0x1082;
	s9 =	sld [smem:$0x3FAE]  }
0x2f: {  	lr =	sadd.s32 s0, s3;
	s0 =	sld [smem:$0x3FA5]  }
0x30: {  	s3 =	sld [smem:$0x3FA8]  }
0x31: {  	[smem:$0x3FB1] =	sst s10  }
0x32: {  	s10 =	sld [smem:$0x3FAF];
	_ =	sdelay $0x3  }
0x33: {  	p0 =	seq.s32 s10, $0x1;
	s10 =	sld [smem:$0x3FB1];
	_ =	sdelay $0x3  }
0x34: {  	[smem:$0x3FB1] =	sst s10  }
0x35: {  	s10 =	sld [smem:$0x3FB0];
	_ =	sdelay $0x3  }
0x36: {  	p1 =	seq.s32 s10, $0x1;
	s10 =	sld [smem:$0x3FB1];
	_ =	sdelay $0x3  }
0x37: {  	[smem:$0x3FB1] =	sst s10  }
0x38: {  	s10 =	sld [smem:$0x3FB2]  }
0x39: {  	_ = 	snop;
	(pc) =	sbr.ind lr, $3  }
0x3a: {  	_ = 	snop  }
0x3b: {  	_ = 	snop  }
0x3c: {  	p2 =	seq.s32 s10, $0x1;
	s10 =	sld [smem:$0x3FB1]  }
0x3d: {  	_ =	shalt  }
0x3e: {  	_ =	shalt  }
0x3f: {  	_ =	shalt  }
0x40: {  	_ =	shalt  }
0x41: {  	_ =	shalt  }
0x42: {  	_ =	shalt  }
0x43: {  	_ =	shalt  }
0x44: {  	_ =	shalt  }
0x45: {  	_ =	shalt  }
0x46: {  	_ =	shalt  }
0x47: {  	_ =	shalt  }
0x48: {  	_ =	shalt  }
0x49: {  	_ =	shalt  }
0x4a: {  	_ =	shalt  }
0x4b: {  	_ =	shalt  }
0x4c: {  	_ =	shalt  }
0x4d: {  	_ =	shalt  }
0x4e: {  	_ =	shalt  }
0x4f: {  	_ =	shalt  }
0x50: {  	_ =	shalt  }
0x51: {  	_ =	shalt  }
0x52: {  	_ =	shalt  }
0x53: {  	_ =	shalt  }
0x54: {  	_ =	shalt  }
0x55: {  	_ =	shalt  }
0x56: {  	_ =	shalt  }
0x57: {  	_ =	shalt  }
0x58: {  	_ =	shalt  }
0x59: {  	_ =	shalt  }
0x5a: {  	_ =	shalt  }
0x5b: {  	_ =	shalt  }
0x5c: {  	_ =	shalt  }
0x5d: {  	_ =	shalt  }
0x5e: {  	_ =	shalt  }
0x5f: {  	_ =	shalt  }
0x60: {  	_ =	shalt  }
0x61: {  	_ =	shalt  }
0x62: {  	_ =	shalt  }
0x63: {  	_ =	shalt  }
0x64: {  	_ =	shalt  }
0x65: {  	_ =	shalt  }
0x66: {  	_ =	shalt  }
0x67: {  	_ =	shalt  }
0x68: {  	_ =	shalt  }
0x69: {  	_ =	shalt  }
0x6a: {  	_ =	shalt  }
0x6b: {  	_ =	shalt  }
0x6c: {  	_ =	shalt  }
0x6d: {  	_ =	shalt  }
0x6e: {  	_ =	shalt  }
0x6f: {  	_ =	shalt  }
0x70: {  	_ =	shalt  }
0x71: {  	_ =	shalt  }
0x72: {  	_ =	shalt  }
0x73: {  	_ =	shalt  }
0x74: {  	_ =	shalt  }
0x75: {  	_ =	shalt  }
0x76: {  	_ =	shalt  }
0x77: {  	_ =	shalt  }
0x78: {  	_ =	shalt  }
0x79: {  	_ =	shalt  }
0x7a: {  	_ =	shalt  }
0x7b: {  	_ =	shalt  }
0x7c: {  	_ =	shalt  }
0x7d: {  	_ =	shalt  }
0x7e: {  	_ =	shalt  }
0x7f: {  	_ =	shalt  }
0x80: {  	_ =	shalt  }
0x81: {  	_ =	shalt  }
0x82: {  	_ =	shalt  }
0x83: {  	_ =	shalt  }
0x84: {  	_ =	shalt  }
0x85: {  	_ =	shalt  }
0x86: {  	_ =	shalt  }
0x87: {  	_ =	shalt  }
.Lfunc_end0:
.L_simem_size_0:
called_computation_lowered:
.L_overlay_start_0:
0x88: {  	s2 =	sld [smem:$0x3FD9]  }
0x89: {  	s3 =	sld [smem:$0x3FFE];
	_ =	sdelay $0x1  }
0x8a: {  	s1 =	srdreg.scid  }
0x8b: {  	s0 =	sand.u32 $0x1, s1  }
0x8c: {  	s17 =	sshll.u32 s0, $0xA;
	s2 =	sadd.s32 s3, s2  }
0x8d: {  	s2 =	sadd.s32 s2, s17  }
0x8e: {  	[smem:$0x3FBD] =	sst s2  }
0x8f: {  	_ = 	snop  }
0x90: {  	s2 =	sld [smem:$0x3FD0];
	(tm) =	ssettm $0x1  }
0x91: {  	s18 =	sld [smem:$0x3FFB];
	_ =	sdelay $0x3  }
0x92: {  	_ =	strace s18  }
0x93: {  	s3 =	sld [smem:$0x3FFC];
	_ =	sdelay $0x3  }
0x94: {  	_ =	strace s3  }
0x95: {  	s3 =	sld [smem:$0x3FFD];
	_ =	sdelay $0x3  }
0x96: {  	_ =	strace s3  }
0x97: {  	_ =	strace $0x8FFFFFFF  }
0x98: {  	s19 =	sld [smem:$0x3FDB];
	_ =	sdelay $0x1  }
0x99: {  	s4 =	simm.s32 $_scs_section_size  }
0x9a: {  	s5 =	simm.s32 $_size__tile_overlayer_lowered;
	s6 =	simm.s32 $_tile_overlayer_lowered  }
0x9b: {  	s22 =	simm.s32 $0x1BFF;
	s21 =	sshll.u32 s6, $0x1;
	s3 =	sadd.s32 s4, s19  }
0x9c: {  	s7 =	simm.s32 $0x0;
	s20 =	sshll.u32 s5, $0x1;
	s5 =	sadd.s32 s21, s3  }
0x9d: {  	[timem:s7], [sflag:s22] =	dma.local [hbm:s5], s20  }
0x9e: {  	_ =	swait.ge [sflag:s22], s20  }
0x9f: {  	s4 =	ssub.s32 $0x0, s20;
	[sflag:s22] =	ssyncset.done $0x0  }
0xa0: {  	[sflag:s22] =	ssyncadd.s32 s4;
	_ =	sdelay $0x1  }
0xa1: {  	s23 =	simm.s32 $0x1B8B  }
0xa2: {  	_ =	swait.ge [sflag:s23], $0x1  }
0xa3: {  	[sflag:s23] =	ssyncset.done $0x0  }
0xa4: {  	s25 =	simm.s32 $0x1B8E;
	s24 =	sld [smem:$0x3FFE];
	[sflag:s23] =	ssyncadd.s32 $0xFFFFFFFF  }
0xa5: {  	s26 =	simm.s32 $execute0_lowered;
	[smem:$0x3FD2] =	sst s25  }
0xa6: {  	s5 =	sshll.u32 s26, $0x1;
	_ =	strace $0x80000046;
	[dreg:$0x1] =	wrdreg $0xFFFFFFFF  }
0xa7: {  	s28 =	simm.s32 $_size_execute0_lowered;
	s3 =	sadd.s32 s3, s5;
	[dreg:$0x0] =	wrdreg $0x0  }
0xa8: {  	s5 =	sshll.u32 s28, $0x1;
	[dreg:$0x2] =	wrdreg s3  }
0xa9: {  	[dreg:$0x3] =	wrdreg s5  }
0xaa: {  	[dreg:$0x4] =	wrdreg $0xC0  }
0xab: {  	_ =	task [dreg:s7], $0x5FFFF  }
0xac: {  	[dreg:$0x1] =	wrdreg $0xFFFFFFFF  }
0xad: {  	[dreg:$0x0] =	wrdreg $0x60  }
0xae: {  	[dreg:$0x2] =	wrdreg s24  }
0xaf: {  	[dreg:$0x3] =	wrdreg s2  }
0xb0: {  	[dreg:$0x4] =	wrdreg $0x0  }
0xb1: {  	[dreg:$0x5] =	wrdreg $0x9  }
0xb2: {  	_ =	task.clear_ibuf [dreg:s7], $0x6FFFF;
	_ =	strace $0x90000046  }
0xb3: {  	s29 =	simm.s32 $0x9;
	_ =	strace $0x80000048  }
0xb4: {  	_ =	swait.ge [sflag:s29], $0x1  }
0xb5: {  	[sflag:s29] =	ssyncadd.s32 $0xFFFFFFFF  }
0xb6: {  	_ =	strace $0x90000048  }
0xb7: {  	_ =	sfence  }
0xb8: {  	s30 =	sld [smem:$0x0];
	_ =	sdelay $0x2  }
0xb9: {  	s31 =	sshll.u32 s1, $0xD;
	s1 =	sshrl.u32 s1, $0x2  }
0xba: {  	s3 =	sand.u32 $0x4000, s31;
	s1 =	sadd.s32 s1, s30  }
0xbb: {  	s0 =	sor.u32 s3, s0;
	s1 =	sshll.u32 s1, $0x11  }
0xbc: {  	s0 =	sor.u32 s1, s0  }
0xbd: {  	s0 =	sadd.s32 $0x8F2B, s0  }
0xbe: {  	[sflag:s0] =	ssyncadd.remote.s32 $0x1  }
0xbf: {  	_ =	sfence.sel $0xFFFF  }
0xc0: {  	[dreg:$0x0] =	wrdreg $0xFFFFFFFF;
	(pc) =	sbr.abs _section_cstart, $3  }
0xc1: {  	[dreg:$0x1] =	wrdreg $0xFFFFFFFF  }
0xc2: {  	_ =	task.clear_ibuf [dreg:s7], $0x2FFFF;
	_ =	strace $0x9FFFFFFF  }
0xc3: {  	(tm) =	ssettm $0x7FFFFFFF  }
tec
execute0_lowered:
.L_overlay_start_1:
0x0: {  	(tag) =	ssettag $0x1  }
0x1: {  	s0 =	rddreg [dreg:$0x0]  }
0x2: {  	s2 =	rddreg [dreg:$0x1];
	s1 =	srdreg.scid  }
0x3: {  	s3 =	rddreg [dreg:$0x2];
	s11 =	stileid.u32;
	s4 =	simm.s32 $0x0  }
0x4: {  	s28 =	simm.s32 $0xC200;
	s29 =	simm.s32 $0x2;
	s30 =	simm.s32 $0x14A00  }
0x5: {  	s31 =	simm.s32 $0x3;
	s1 =	sand.u32 $0x1, s1;
	s6 =	smul.u32 $0x1540, s11  }
0x6: {  	[smem:$0x7FF] =	sst s4;
	s8 =	smul.u32 $0x2A800, s11;
	s19 =	sshll.u32 s11, $0x6  }
0x7: {  	s5 =	smul.u32 $0x15400, s1;
	s18 =	ssub.s32 $0x2, s1;
	s1 =	sshll.u32 s1, $0x4  }
0x8: {  	_ =	strace $0x80000047;
	s9 =	sshrl.u32 s18, $0x1;
	s1 =	sor.u32 s11, s1  }
0x9: {  	s8 =	sshrl.u32 s8, $0x2;
	s11 =	simm.s32 $0x0;
	s5 =	sadd.s32 s6, s5  }
0xa: {  	s6 =	sadd.s32 $0x155A00, s0;
	s8 =	sadd.s32 s8, s3;
	s10 =	smul.u32 $0x2A800, s1  }
0xb: {  	s20 =	smul.u32 $0x5500, s1;
	s7 =	sadd.s32 s5, s0;
	s5 =	sadd.s32 $0x1A00, s0  }
0xc: {  	s0 =	ssub.s32 s18, s9;
	s9 =	smul.u32 $0x15400, s1;
	s26 =	sshrl.u32 s8, $0x3  }
0xd: {  	s7 =	sadd.s32 $0xABA00, s7;
	s21 =	sshrl.u32 s10, $0x3;
	s22 =	sadd.s32 s5, s20  }
0xe: {  	s23 =	sadd.s32 s6, s20;
	s14 =	sadd.s32 $0x1000, s10;
	[dreg:$0xc] =	wrdreg s26  }
0xf: {  	s16 =	sadd.s32 $0x1800, s10;
	s0 =	smax.u32 s0, $0x1;
	[dreg:$0x4] =	wrdreg s7  }
0x10: {  	s26 =	simm.s32 $0xB200;
	s7 =	sor.u32 $0x1C07, s19;
	[dreg:$0x6] =	wrdreg s22  }
0x11: {  	[dreg:$0x7] =	wrdreg s23;
	s24 =	sadd.s32 $0x100, s21;
	s25 =	sshrl.u32 s9, $0x3  }
0x12: {  	v0 =	vimm.s32 $0x0;
	s15 =	sadd.s32 $0x400, s9;
	[dreg:$0xb] =	wrdreg s0;
	s21 =	simm.s32 $0xAA00  }
0x13: {  	v1 =	vimm.s32 $0x1;
	v2 =	vimm.s32 $0x2;
	v3 =	vimm.s32 $0x3;
	s22 =	simm.s32 $0xBA00;
	s23 =	simm.s32 $0x1;
	s0 =	simm.s32 $0x1CA00  }
0x14: {  	v4 =	vimm.s32 $0x4;
	v5 =	vimm.s32 $0x5;
	v6 =	vimm.s32 $0x6;
	[dreg:$0x5] =	wrdreg s7;
	s7 =	sadd.s32 s5, s24;
	s1 =	sadd.s32 s6, s24  }
0x15: {  	v7 =	vimm.s32 $0x7;
	v8 =	vimm.s32 $0x8;
	v9 =	vimm.s32 $0x9;
	s24 =	simm.s32 $0x800;
	[dreg:$0x9] =	wrdreg s1;
	s1 =	sadd.s32 s2, s25  }
0x16: {  	v10 =	vimm.s32 $0xA;
	v11 =	vimm.s32 $0xB;
	v12 =	vimm.s32 $0xC;
	[dreg:$0x8] =	wrdreg s7;
	s25 =	simm.s32 $0xCA00;
	s1 =	sadd.s32 $0x2A00, s1  }
0x17: {  	v13 =	vimm.s32 $0xD;
	v14 =	vimm.s32 $0xE;
	v15 =	vimm.s32 $0xF;
	s7 =	simm.s32 $0x1CE00;
	[dreg:$0xa] =	wrdreg s1;
	s1 =	simm.s32 $0x4  }
.LBB2_1:
0x18: {  	[dreg:$0xd] =	wrdreg s11  }
0x19: {  	s8 =	rddreg [dreg:$0x4]  }
0x1a: {  	s10 =	rddreg [dreg:$0x5]  }
0x1b: {  	s12 =	rddreg [dreg:$0xc];
	s13 =	simm.s32 $0x7  }
0x1c: {  	[spmem:s12], [sflag:s10] =	dma.local [hbm:s8], $0x1540  }
0x1d: {  	_ =	swait.ge [sflag:s13], $0x1540  }
0x1e: {  	[sflag:s13] =	ssyncset.done $0x0  }
0x1f: {  	[sflag:s13] =	ssyncadd.s32 $0xFFFFEAC0  }
0x20: {  	[bflag:$0x0] =	sbarrier.arrive $0xFFFF  }
0x21: {  	s17 =	rddreg [dreg:$0x6]  }
0x22: {  	[tilespmem:s21], [sflag:$0x1] =	stream.linear.gather [hbm4b:s17+s4], $0x800, $0x38;
	[tilespmem:$0x1D200] =	vst v63  }
0x23: {  	s18 =	rddreg [dreg:$0x7]  }
0x24: {  	[tilespmem:s22], [sflag:$0x1] =	stream.linear.gather [hbm4b:s18+s4], $0x800, $0x38;
	[tilespmem:$0x1D200] =	vst v63  }
0x25: {  	_ =	swait.ge [sflag:s23], $0x800  }
0x26: {  	[sflag:s23] =	ssyncset.done $0x0  }
0x27: {  	[sflag:s23] =	ssyncadd.s32 $0xFFFFF800  }
0x28: {  	_ =	swait.ge [sflag:s23], $0x800  }
0x29: {  	[sflag:s23] =	ssyncset.done $0x0  }
0x2a: {  	[sflag:s23] =	ssyncadd.s32 $0xFFFFF800  }
0x2b: {  	[tilespmem:s25], [sflag:$0x3] =	stream.indirect.gather [spmem:s3], $0x10, s21, s24, $0xb8;
	[tilespmem:$0x1D200] =	vst v63  }
0x2c: {  	s19 =	rddreg [dreg:$0x8]  }
0x2d: {  	[tilespmem:s26], [sflag:$0x2] =	stream.linear.gather [hbm4b:s19+s4], $0x800, $0x38;
	[tilespmem:$0x1D200] =	vst v63  }
0x2e: {  	s12 =	simm.s32 $0x0;
	s20 =	rddreg [dreg:$0x9]  }
0x2f: {  	[tilespmem:s28], [sflag:$0x2] =	stream.linear.gather [hbm4b:s20+s4], $0x800, $0x38;
	[tilespmem:$0x1D200] =	vst v63  }
.LBB2_2:
0x30: {  	_ =	swait.ge [sflag:s29], $0x800  }
0x31: {  	[sflag:s29] =	ssyncset.done $0x0  }
0x32: {  	[sflag:s29] =	ssyncadd.s32 $0xFFFFF800  }
0x33: {  	_ =	swait.ge [sflag:s29], $0x800  }
0x34: {  	[sflag:s29] =	ssyncset.done $0x0  }
0x35: {  	[sflag:s29] =	ssyncadd.s32 $0xFFFFF800  }
0x36: {  	[tilespmem:s30], [sflag:$0x4] =	stream.indirect.gather [spmem:s3], $0x10, s26, s24, $0xb8;
	[tilespmem:$0x1D200] =	vst v63  }
0x37: {  	_ =	swait.ge [sflag:s31], $0x8000  }
0x38: {  	p0 =	seq.s32 s12, $0x0;
	[sflag:s31] =	ssyncset.done $0x0  }
0x39: {  	s8 =	simm.s32 @!p0 $0x5;
	[sflag:s31] =	ssyncadd.s32 $0xFFFF8000  }
0x3a: {  	_ =	swait.ge @!p0 [sflag:s8], $0x400  }
0x3b: {  	[sflag:s8] =	ssyncset.done @!p0 $0x0  }
0x3c: {  	s13 =	sshll.u32 s12, $0xB;
	s17 =	simm.s32 $0x0;
	[sflag:s8] =	ssyncadd.s32 @!p0 $0xFFFFFC00  }
.LBB2_3:
0x3d: {  	s18 =	sand.u32 $0x7, s17;
	s8 =	sshll.u32 s17, $0x6  }
0x3e: {  	s8 =	sand.u32 $0xFFFFFE00, s8;
	s10 =	sshll.u32 s18, $0x4  }
0x3f: {  	s20 =	sor.u32 s10, s8  }
0x40: {  	s10 =	sshll.u32 s20, $0x4;
	v17 =	vld [tilespmem:s20+$0xBA00]  }
0x41: {  	s19 =	sand.u32 $0x3FFFE700, s10  }
0x42: {  	v16 =	vld [tilespmem:s19+$0xCA00]  }
0x43: {  	v18 =	vld [tilespmem:s19+$0xCA10]  }
0x44: {  	v21 =	vld [tilespmem:s19+$0xCA20]  }
0x45: {  	v23 =	vld [tilespmem:s19+$0xCA30];
	v19 =	vperm.xlane v17, v0  }
0x46: {  	v45 =	vld [tilespmem:s19+$0xCA40];
	v22 =	vperm.xlane v17, v1;
	v24 =	vperm.xlane v17, v2  }
0x47: {  	v48 =	vld [tilespmem:s19+$0xCA50];
	v25 =	vperm.xlane v17, v3;
	v51 =	vperm.xlane v17, v4  }
0x48: {  	v53 =	vld [tilespmem:s19+$0xCA60];
	v54 =	vperm.xlane v17, v5;
	v60 =	vperm.xlane v17, v6  }
0x49: {  	v57 =	vld [tilespmem:s19+$0xCA70];
	v63 =	vperm.xlane v17, v7;
	v32 =	vperm.xlane v17, v8  }
0x4a: {  	v62 =	vld [tilespmem:s19+$0xCA80];
	v35 =	vperm.xlane v17, v9;
	v41 =	vperm.xlane v17, v10;
	v20 =	vunpack.i.l.bf16.f32 v16  }
0x4b: {  	v29 =	vld [tilespmem:s19+$0xCA90];
	v16 =	vunpack.i.u.bf16.f32 v16;
	v43 =	vunpack.i.l.bf16.f32 v18;
	v18 =	vunpack.i.u.bf16.f32 v18  }
0x4c: {  	v44 =	vunpack.i.l.bf16.f32 v21;
	v21 =	vunpack.i.u.bf16.f32 v21;
	v47 =	vunpack.i.l.bf16.f32 v23  }
0x4d: {  	v34 =	vld [tilespmem:s19+$0xCAA0];
	v50 =	vunpack.i.u.bf16.f32 v23;
	v52 =	vunpack.i.l.bf16.f32 v45;
	v56 =	vunpack.i.l.bf16.f32 v48  }
0x4e: {  	v59 =	vunpack.i.u.bf16.f32 v48;
	v61 =	vunpack.i.l.bf16.f32 v53;
	v23 =	vunpack.i.u.bf16.f32 v53  }
0x4f: {  	v28 =	vunpack.i.l.bf16.f32 v57;
	v31 =	vunpack.i.u.bf16.f32 v57;
	v16 =	vmul.f32 v16, v19  }
0x50: {  	v33 =	vunpack.i.l.bf16.f32 v62;
	v37 =	vunpack.i.l.bf16.f32 v29;
	v40 =	vunpack.i.u.bf16.f32 v29  }
0x51: {  	v53 =	vperm.xlane v17, v13;
	v18 =	vmul.f32 v18, v22;
	v16 =	vadd.f32 $0.0e+00, v16  }
0x52: {  	v42 =	vunpack.i.l.bf16.f32 v34;
	v20 =	vmul.f32 v20, v19;
	v19 =	vmul.f32 v43, v22  }
0x53: {  	v46 =	vmul.f32 v21, v24;
	v49 =	vmul.f32 v47, v25;
	v16 =	vadd.f32 v18, v16  }
0x54: {  	v22 =	vunpack.i.u.bf16.f32 v45;
	v58 =	vmul.f32 v56, v54;
	v20 =	vadd.f32 $0.0e+00, v20  }
0x55: {  	v27 =	vmul.f32 v23, v60;
	v18 =	vmul.f32 v50, v25;
	v16 =	vadd.f32 v46, v16  }
0x56: {  	v30 =	vmul.f32 v28, v63;
	v43 =	vld [tilespmem:s19+$0xCAC0];
	v19 =	vadd.f32 v19, v20;
	v20 =	vmul.f32 v44, v24  }
0x57: {  	v56 =	vld [tilespmem:s19+$0xCAF0];
	v55 =	vmul.f32 v22, v51;
	v22 =	vunpack.i.u.bf16.f32 v34;
	v16 =	vadd.f32 v18, v16  }
0x58: {  	v38 =	vld [tilespmem:s19+$0xCAB0];
	v39 =	vmul.f32 v37, v35;
	v45 =	vmul.f32 v22, v41;
	v19 =	vadd.f32 v20, v19  }
0x59: {  	v24 =	vunpack.i.u.bf16.f32 v62;
	v18 =	vmul.f32 v59, v54;
	v16 =	vadd.f32 v55, v16  }
0x5a: {  	v34 =	vld [tilespmem:s19+$0xD220];
	v44 =	vperm.xlane v17, v11;
	v20 =	vmul.f32 v52, v51;
	v19 =	vadd.f32 v49, v19  }
0x5b: {  	v50 =	vperm.xlane v17, v12;
	v36 =	vmul.f32 v24, v32;
	v16 =	vadd.f32 v18, v16  }
0x5c: {  	v23 =	vunpack.i.u.bf16.f32 v43;
	v28 =	vunpack.i.l.bf16.f32 v56;
	v19 =	vadd.f32 v20, v19  }
0x5d: {  	v46 =	vunpack.i.l.bf16.f32 v38;
	v18 =	vmul.f32 v31, v63;
	v16 =	vadd.f32 v27, v16  }
0x5e: {  	s11 =	sor.u32 $0x800, s10;
	v47 =	vld [tilespmem:s19+$0xCAD0];
	v51 =	vunpack.i.l.bf16.f32 v43;
	v20 =	vmul.f32 v61, v60;
	v19 =	vadd.f32 v58, v19  }
0x5f: {  	s8 =	sand.u32 $0x3FFFEF00, s11;
	v43 =	vunpack.i.l.bf16.f32 v34;
	v48 =	vmul.f32 v46, v44;
	v16 =	vadd.f32 v18, v16  }
0x60: {  	v62 =	vld [tilespmem:s8+$0xCA00];
	v49 =	vunpack.i.u.bf16.f32 v38;
	v54 =	vmul.f32 v23, v50;
	v19 =	vadd.f32 v20, v19  }
0x61: {  	v29 =	vld [tilespmem:s19+$0xD210];
	v59 =	vperm.xlane v17, v14;
	v18 =	vmul.f32 v40, v35;
	v16 =	vadd.f32 v36, v16  }
0x62: {  	v52 =	vld [tilespmem:s19+$0xCAE0];
	v17 =	vperm.xlane v17, v15;
	v20 =	vmul.f32 v33, v32;
	v19 =	vadd.f32 v30, v19  }
0x63: {  	v55 =	vunpack.i.l.bf16.f32 v47;
	v58 =	vunpack.i.u.bf16.f32 v47;
	v16 =	vadd.f32 v18, v16  }
0x64: {  	v57 =	vmul.f32 v55, v53;
	v60 =	vmul.f32 v58, v53;
	v19 =	vadd.f32 v20, v19  }
0x65: {  	v53 =	vld [tilespmem:s19+$0xD260];
	v33 =	vunpack.i.l.bf16.f32 v62;
	v18 =	vmul.f32 v49, v44;
	v16 =	vadd.f32 v45, v16  }
0x66: {  	v35 =	vunpack.i.u.bf16.f32 v62;
	v62 =	vld [tilespmem:s19+$0xD280];
	v20 =	vmul.f32 v42, v41;
	v19 =	vadd.f32 v39, v19  }
0x67: {  	v38 =	vunpack.i.l.bf16.f32 v29;
	v61 =	vunpack.i.l.bf16.f32 v52;
	v39 =	vld [tilespmem:s19+$0xD230];
	v16 =	vadd.f32 v18, v16  }
0x68: {  	v24 =	vunpack.i.u.bf16.f32 v52;
	v21 =	vmul.f32 v61, v59;
	v44 =	vld [tilespmem:s19+$0xD240];
	v19 =	vadd.f32 v20, v19  }
0x69: {  	v63 =	vmul.f32 v24, v59;
	v31 =	vunpack.i.u.bf16.f32 v56;
	v18 =	vadd.f32 v54, v16;
	v16 =	vld [tilespmem:s20+$0xBA80]  }
0x6a: {  	v30 =	vmul.f32 v28, v17;
	v20 =	vmul.f32 v51, v50;
	v19 =	vadd.f32 v48, v19  }
0x6b: {  	v17 =	vmul.f32 v31, v17;
	v41 =	vunpack.i.u.bf16.f32 v29;
	v61 =	vunpack.i.l.bf16.f32 v53;
	v48 =	vld [tilespmem:s19+$0xD250]  }
0x6c: {  	v23 =	vunpack.i.u.bf16.f32 v53;
	v22 =	vunpack.i.u.bf16.f32 v62;
	v19 =	vadd.f32 v20, v19  }
0x6d: {  	v47 =	vunpack.i.l.bf16.f32 v39;
	v50 =	vunpack.i.u.bf16.f32 v39;
	v52 =	vunpack.i.l.bf16.f32 v44  }
0x6e: {  	v24 =	vunpack.i.u.bf16.f32 v44;
	v19 =	vadd.f32 v57, v19;
	v32 =	vperm.xlane v16, v0  }
0x6f: {  	v18 =	vadd.f32 v60, v18;
	v36 =	vperm.xlane v16, v1;
	v42 =	vperm.xlane v16, v2  }
0x70: {  	v56 =	vunpack.i.l.bf16.f32 v48;
	v45 =	vperm.xlane v16, v3;
	v51 =	vperm.xlane v16, v4  }
0x71: {  	v19 =	vadd.f32 v21, v19;
	v54 =	vperm.xlane v16, v5;
	v60 =	vperm.xlane v16, v6  }
0x72: {  	v18 =	vadd.f32 v63, v18;
	v63 =	vperm.xlane v16, v7;
	v44 =	vperm.xlane v16, v11  }
0x73: {  	v57 =	vld [tilespmem:s19+$0xD270];
	v21 =	vunpack.i.u.bf16.f32 v34;
	v53 =	vperm.xlane v16, v13;
	v20 =	vmul.f32 v33, v32  }
0x74: {  	v17 =	vadd.f32 v17, v18;
	v37 =	vmul.f32 v35, v32;
	v40 =	vmul.f32 v38, v36  }
0x75: {  	v59 =	vunpack.i.u.bf16.f32 v48;
	v18 =	vmul.f32 v41, v36;
	v46 =	vmul.f32 v21, v42  }
0x76: {  	v49 =	vmul.f32 v47, v45;
	v55 =	vmul.f32 v24, v51;
	v17 =	vadd.f32 v37, v17  }
0x77: {  	v29 =	vld [tilespmem:s19+$0xD290];
	v19 =	vadd.f32 v30, v19;
	v58 =	vmul.f32 v56, v54;
	v27 =	vmul.f32 v23, v60  }
0x78: {  	v34 =	vld [tilespmem:s19+$0xD2A0];
	v28 =	vunpack.i.l.bf16.f32 v57;
	v32 =	vperm.xlane v16, v8;
	v17 =	vadd.f32 v18, v17  }
0x79: {  	v31 =	vunpack.i.u.bf16.f32 v57;
	v35 =	vperm.xlane v16, v9;
	v41 =	vperm.xlane v16, v10  }
0x7a: {  	v19 =	vadd.f32 v20, v19;
	v18 =	vmul.f32 v50, v45;
	v17 =	vadd.f32 v46, v17  }
0x7b: {  	v33 =	vunpack.i.l.bf16.f32 v62;
	v38 =	vld [tilespmem:s19+$0xD2B0];
	v30 =	vmul.f32 v28, v63;
	v20 =	vmul.f32 v43, v42  }
0x7c: {  	v56 =	vld [tilespmem:s19+$0xD2F0];
	v36 =	vmul.f32 v22, v32;
	v19 =	vadd.f32 v40, v19;
	v17 =	vadd.f32 v18, v17  }
0x7d: {  	v37 =	vunpack.i.l.bf16.f32 v29;
	v42 =	vunpack.i.l.bf16.f32 v34;
	v24 =	vunpack.i.u.bf16.f32 v34  }
0x7e: {  	v43 =	vld [tilespmem:s19+$0xD2C0];
	v19 =	vadd.f32 v20, v19;
	v18 =	vmul.f32 v59, v54;
	v17 =	vadd.f32 v55, v17  }
0x7f: {  	v39 =	vmul.f32 v37, v35;
	v40 =	vunpack.i.u.bf16.f32 v29;
	v45 =	vmul.f32 v24, v41  }
0x80: {  	v20 =	vmul.f32 v52, v51;
	v19 =	vadd.f32 v49, v19;
	v17 =	vadd.f32 v18, v17  }
0x81: {  	v50 =	vperm.xlane v16, v12;
	v28 =	vunpack.i.l.bf16.f32 v56;
	v46 =	vunpack.i.l.bf16.f32 v38  }
0x82: {  	v47 =	vld [tilespmem:s19+$0xD2D0];
	v19 =	vadd.f32 v20, v19;
	v18 =	vmul.f32 v31, v63;
	v17 =	vadd.f32 v27, v17  }
0x83: {  	v48 =	vmul.f32 v46, v44;
	v51 =	vunpack.i.l.bf16.f32 v43;
	v23 =	vunpack.i.u.bf16.f32 v43  }
0x84: {  	s11 =	sor.u32 $0x1000, s10;
	v52 =	vld [tilespmem:s19+$0xD2E0];
	v20 =	vmul.f32 v61, v60;
	v19 =	vadd.f32 v58, v19;
	v17 =	vadd.f32 v18, v17  }
0x85: {  	s8 =	sand.u32 $0x3FFFF700, s11;
	v49 =	vunpack.i.u.bf16.f32 v38;
	v54 =	vmul.f32 v23, v50;
	v59 =	vperm.xlane v16, v14  }
0x86: {  	v62 =	vld [tilespmem:s8+$0xCA00];
	v19 =	vadd.f32 v20, v19;
	v18 =	vmul.f32 v40, v35;
	v17 =	vadd.f32 v36, v17  }
0x87: {  	v16 =	vperm.xlane v16, v15;
	v55 =	vunpack.i.l.bf16.f32 v47;
	v58 =	vunpack.i.u.bf16.f32 v47  }
0x88: {  	v34 =	vld [tilespmem:s19+$0xDA20];
	v20 =	vmul.f32 v33, v32;
	v19 =	vadd.f32 v30, v19;
	v17 =	vadd.f32 v18, v17  }
0x89: {  	v29 =	vld [tilespmem:s19+$0xDA10];
	v57 =	vmul.f32 v55, v53;
	v61 =	vunpack.i.l.bf16.f32 v52;
	v60 =	vmul.f32 v58, v53  }
0x8a: {  	v53 =	vld [tilespmem:s19+$0xDA60];
	v19 =	vadd.f32 v20, v19;
	v18 =	vmul.f32 v49, v44;
	v17 =	vadd.f32 v45, v17  }
0x8b: {  	v22 =	vunpack.i.u.bf16.f32 v52;
	v33 =	vunpack.i.l.bf16.f32 v62;
	v35 =	vunpack.i.u.bf16.f32 v62;
	v62 =	vld [tilespmem:s19+$0xDA80]  }
0x8c: {  	v20 =	vmul.f32 v42, v41;
	v19 =	vadd.f32 v39, v19;
	v39 =	vld [tilespmem:s19+$0xDA30];
	v17 =	vadd.f32 v18, v17  }
0x8d: {  	v43 =	vunpack.i.l.bf16.f32 v34;
	v21 =	vmul.f32 v61, v59;
	v63 =	vmul.f32 v22, v59;
	v44 =	vld [tilespmem:s19+$0xDA40]  }
0x8e: {  	v31 =	vunpack.i.u.bf16.f32 v56;
	v19 =	vadd.f32 v20, v19;
	v18 =	vadd.f32 v54, v17;
	v17 =	vld [tilespmem:s20+$0xBB00]  }
0x8f: {  	v38 =	vunpack.i.l.bf16.f32 v29;
	v30 =	vmul.f32 v28, v16;
	v16 =	vmul.f32 v31, v16  }
0x90: {  	v41 =	vunpack.i.u.bf16.f32 v29;
	v20 =	vmul.f32 v51, v50;
	v19 =	vadd.f32 v48, v19  }
0x91: {  	v61 =	vunpack.i.l.bf16.f32 v53;
	v23 =	vunpack.i.u.bf16.f32 v53;
	v22 =	vunpack.i.u.bf16.f32 v62;
	v48 =	vld [tilespmem:s19+$0xDA50]  }
0x92: {  	v47 =	vunpack.i.l.bf16.f32 v39;
	v50 =	vunpack.i.u.bf16.f32 v39;
	v19 =	vadd.f32 v20, v19  }
0x93: {  	v52 =	vunpack.i.l.bf16.f32 v44;
	v24 =	vunpack.i.u.bf16.f32 v44;
	v32 =	vperm.xlane v17, v0  }
0x94: {  	v19 =	vadd.f32 v57, v19;
	v36 =	vperm.xlane v17, v1;
	v42 =	vperm.xlane v17, v2  }
0x95: {  	v18 =	vadd.f32 v60, v18;
	v45 =	vperm.xlane v17, v3;
	v51 =	vperm.xlane v17, v4  }
0x96: {  	v56 =	vunpack.i.l.bf16.f32 v48;
	v54 =	vperm.xlane v17, v5;
	v60 =	vperm.xlane v17, v6  }
0x97: {  	v18 =	vadd.f32 v63, v18;
	v63 =	vperm.xlane v17, v7;
	v44 =	vperm.xlane v17, v11  }
0x98: {  	v57 =	vld [tilespmem:s19+$0xDA70];
	v19 =	vadd.f32 v21, v19;
	v53 =	vperm.xlane v17, v13;
	v20 =	vmul.f32 v33, v32  }
0x99: {  	v21 =	vunpack.i.u.bf16.f32 v34;
	v37 =	vmul.f32 v35, v32;
	v40 =	vmul.f32 v38, v36  }
0x9a: {  	v16 =	vadd.f32 v16, v18;
	v18 =	vmul.f32 v41, v36;
	v46 =	vmul.f32 v21, v42  }
0x9b: {  	v59 =	vunpack.i.u.bf16.f32 v48;
	v49 =	vmul.f32 v47, v45;
	v55 =	vmul.f32 v24, v51  }
0x9c: {  	v29 =	vld [tilespmem:s19+$0xDA90];
	v19 =	vadd.f32 v30, v19;
	v58 =	vmul.f32 v56, v54;
	v27 =	vmul.f32 v23, v60  }
0x9d: {  	v34 =	vld [tilespmem:s19+$0xDAA0];
	v28 =	vunpack.i.l.bf16.f32 v57;
	v31 =	vunpack.i.u.bf16.f32 v57;
	v16 =	vadd.f32 v37, v16  }
0x9e: {  	v32 =	vperm.xlane v17, v8;
	v33 =	vunpack.i.l.bf16.f32 v62;
	v19 =	vadd.f32 v20, v19  }
0x9f: {  	v35 =	vperm.xlane v17, v9;
	v41 =	vperm.xlane v17, v10;
	v16 =	vadd.f32 v18, v16  }
0xa0: {  	v30 =	vmul.f32 v28, v63;
	v20 =	vmul.f32 v43, v42;
	v19 =	vadd.f32 v40, v19  }
0xa1: {  	v38 =	vld [tilespmem:s19+$0xDAB0];
	v36 =	vmul.f32 v22, v32;
	v18 =	vmul.f32 v50, v45;
	v16 =	vadd.f32 v46, v16  }
0xa2: {  	v56 =	vld [tilespmem:s19+$0xDAF0];
	v37 =	vunpack.i.l.bf16.f32 v29;
	v42 =	vunpack.i.l.bf16.f32 v34;
	v19 =	vadd.f32 v20, v19  }
0xa3: {  	v43 =	vld [tilespmem:s19+$0xDAC0];
	v24 =	vunpack.i.u.bf16.f32 v34;
	v39 =	vmul.f32 v37, v35;
	v16 =	vadd.f32 v18, v16  }
0xa4: {  	v40 =	vunpack.i.u.bf16.f32 v29;
	v20 =	vmul.f32 v52, v51;
	v19 =	vadd.f32 v49, v19  }
0xa5: {  	v34 =	vld [tilespmem:s19+$0xE220];
	v45 =	vmul.f32 v24, v41;
	v18 =	vmul.f32 v59, v54;
	v16 =	vadd.f32 v55, v16  }
0xa6: {  	v50 =	vperm.xlane v17, v12;
	v46 =	vunpack.i.l.bf16.f32 v38;
	v19 =	vadd.f32 v20, v19  }
0xa7: {  	v28 =	vunpack.i.l.bf16.f32 v56;
	v48 =	vmul.f32 v46, v44;
	v16 =	vadd.f32 v18, v16  }
0xa8: {  	s11 =	sor.u32 $0x1800, s10;
	v47 =	vld [tilespmem:s19+$0xDAD0];
	v51 =	vunpack.i.l.bf16.f32 v43;
	v20 =	vmul.f32 v61, v60;
	v19 =	vadd.f32 v58, v19  }
0xa9: {  	s8 =	sand.u32 $0x3FFFFF00, s11;
	v23 =	vunpack.i.u.bf16.f32 v43;
	v18 =	vmul.f32 v31, v63;
	v16 =	vadd.f32 v27, v16  }
0xaa: {  	v62 =	vld [tilespmem:s8+$0xCA00];
	v43 =	vunpack.i.l.bf16.f32 v34;
	v49 =	vunpack.i.u.bf16.f32 v38;
	v19 =	vadd.f32 v20, v19  }
0xab: {  	v54 =	vmul.f32 v23, v50;
	v59 =	vperm.xlane v17, v14;
	v16 =	vadd.f32 v18, v16  }
0xac: {  	v29 =	vld [tilespmem:s19+$0xE210];
	v17 =	vperm.xlane v17, v15;
	v20 =	vmul.f32 v33, v32;
	v19 =	vadd.f32 v30, v19  }
0xad: {  	v52 =	vld [tilespmem:s19+$0xDAE0];
	v55 =	vunpack.i.l.bf16.f32 v47;
	v18 =	vmul.f32 v40, v35;
	v16 =	vadd.f32 v36, v16  }
0xae: {  	v57 =	vmul.f32 v55, v53;
	v58 =	vunpack.i.u.bf16.f32 v47;
	v19 =	vadd.f32 v20, v19  }
0xaf: {  	v60 =	vmul.f32 v58, v53;
	v53 =	vld [tilespmem:s19+$0xE260];
	v33 =	vunpack.i.l.bf16.f32 v62;
	v16 =	vadd.f32 v18, v16  }
0xb0: {  	v35 =	vunpack.i.u.bf16.f32 v62;
	v62 =	vld [tilespmem:s19+$0xE280];
	v20 =	vmul.f32 v42, v41;
	v19 =	vadd.f32 v39, v19  }
0xb1: {  	v30 =	vmul.f32 v28, v17;
	v28 =	vld [tilespmem:s19+$0xE290];
	v18 =	vmul.f32 v49, v44;
	v16 =	vadd.f32 v45, v16  }
0xb2: {  	v38 =	vunpack.i.l.bf16.f32 v29;
	v61 =	vunpack.i.l.bf16.f32 v52;
	v39 =	vld [tilespmem:s19+$0xE230];
	v19 =	vadd.f32 v20, v19  }
0xb3: {  	v22 =	vunpack.i.u.bf16.f32 v52;
	v21 =	vmul.f32 v61, v59;
	v44 =	vld [tilespmem:s19+$0xE240];
	v16 =	vadd.f32 v18, v16  }
0xb4: {  	v31 =	vunpack.i.u.bf16.f32 v56;
	v20 =	vmul.f32 v51, v50;
	v19 =	vadd.f32 v48, v19;
	v48 =	vld [tilespmem:s19+$0xE250]  }
0xb5: {  	v63 =	vmul.f32 v22, v59;
	v17 =	vmul.f32 v31, v17;
	v18 =	vadd.f32 v54, v16;
	v16 =	vld [tilespmem:s20+$0xBB80]  }
0xb6: {  	v41 =	vunpack.i.u.bf16.f32 v29;
	v61 =	vunpack.i.l.bf16.f32 v53;
	v19 =	vadd.f32 v20, v19  }
0xb7: {  	v23 =	vunpack.i.u.bf16.f32 v53;
	v22 =	vunpack.i.u.bf16.f32 v62;
	v47 =	vunpack.i.l.bf16.f32 v39  }
0xb8: {  	v50 =	vunpack.i.u.bf16.f32 v39;
	v52 =	vunpack.i.l.bf16.f32 v44;
	v19 =	vadd.f32 v57, v19  }
0xb9: {  	v24 =	vunpack.i.u.bf16.f32 v44;
	v39 =	vunpack.i.u.bf16.f32 v28;
	v18 =	vadd.f32 v60, v18  }
0xba: {  	v56 =	vunpack.i.l.bf16.f32 v48;
	v19 =	vadd.f32 v21, v19;
	v32 =	vperm.xlane v16, v0  }
0xbb: {  	v59 =	vunpack.i.u.bf16.f32 v48;
	v18 =	vadd.f32 v63, v18;
	v21 =	vunpack.i.u.bf16.f32 v34  }
0xbc: {  	v36 =	vperm.xlane v16, v1;
	v19 =	vadd.f32 v30, v19;
	v20 =	vmul.f32 v33, v32  }
0xbd: {  	v42 =	vperm.xlane v16, v2;
	v17 =	vadd.f32 v17, v18;
	v37 =	vmul.f32 v35, v32  }
0xbe: {  	v45 =	vperm.xlane v16, v3;
	v40 =	vmul.f32 v38, v36;
	v19 =	vadd.f32 v20, v19  }
0xbf: {  	v51 =	vperm.xlane v16, v4;
	v18 =	vmul.f32 v41, v36;
	v17 =	vadd.f32 v37, v17  }
0xc0: {  	v54 =	vperm.xlane v16, v5;
	v20 =	vmul.f32 v43, v42;
	v19 =	vadd.f32 v40, v19  }
0xc1: {  	v57 =	vld [tilespmem:s19+$0xE270];
	v60 =	vperm.xlane v16, v6;
	v46 =	vmul.f32 v21, v42;
	v17 =	vadd.f32 v18, v17  }
0xc2: {  	v63 =	vperm.xlane v16, v7;
	v49 =	vmul.f32 v47, v45;
	v19 =	vadd.f32 v20, v19  }
0xc3: {  	v31 =	vperm.xlane v16, v8;
	v18 =	vmul.f32 v50, v45;
	v17 =	vadd.f32 v46, v17  }
0xc4: {  	v34 =	vperm.xlane v16, v9;
	v20 =	vmul.f32 v52, v51;
	v19 =	vadd.f32 v49, v19  }
0xc5: {  	v55 =	vmul.f32 v24, v51;
	v58 =	vmul.f32 v56, v54;
	v17 =	vadd.f32 v18, v17  }
0xc6: {  	v26 =	vmul.f32 v23, v60;
	v27 =	vunpack.i.l.bf16.f32 v57;
	v19 =	vadd.f32 v20, v19  }
0xc7: {  	v30 =	vunpack.i.u.bf16.f32 v57;
	v18 =	vmul.f32 v59, v54;
	v17 =	vadd.f32 v55, v17  }
0xc8: {  	v32 =	vunpack.i.l.bf16.f32 v62;
	v33 =	vld [tilespmem:s19+$0xE2A0];
	v20 =	vmul.f32 v61, v60;
	v19 =	vadd.f32 v58, v19  }
0xc9: {  	v35 =	vmul.f32 v22, v31;
	v36 =	vunpack.i.l.bf16.f32 v28;
	v17 =	vadd.f32 v18, v17  }
0xca: {  	v29 =	vmul.f32 v27, v63;
	v38 =	vmul.f32 v36, v34;
	v37 =	vld [tilespmem:s19+$0xE2B0];
	v19 =	vadd.f32 v20, v19  }
0xcb: {  	v43 =	vperm.xlane v16, v11;
	v18 =	vmul.f32 v30, v63;
	v17 =	vadd.f32 v26, v17  }
0xcc: {  	v42 =	vld [tilespmem:s19+$0xE2C0];
	v40 =	vperm.xlane v16, v10;
	v20 =	vmul.f32 v32, v31;
	v19 =	vadd.f32 v29, v19  }
0xcd: {  	v41 =	vunpack.i.l.bf16.f32 v33;
	v24 =	vunpack.i.u.bf16.f32 v33;
	v17 =	vadd.f32 v18, v17  }
0xce: {  	v44 =	vmul.f32 v24, v40;
	v52 =	vperm.xlane v16, v13;
	v19 =	vadd.f32 v20, v19  }
0xcf: {  	v46 =	vld [tilespmem:s19+$0xE2D0];
	v45 =	vunpack.i.l.bf16.f32 v37;
	v18 =	vmul.f32 v39, v34;
	v17 =	vadd.f32 v35, v17  }
0xd0: {  	v51 =	vld [tilespmem:s19+$0xE2E0];
	v48 =	vunpack.i.u.bf16.f32 v37;
	v20 =	vmul.f32 v41, v40;
	v19 =	vadd.f32 v38, v19  }
0xd1: {  	v50 =	vunpack.i.l.bf16.f32 v42;
	v49 =	vperm.xlane v16, v12;
	v17 =	vadd.f32 v18, v17  }
0xd2: {  	v23 =	vunpack.i.u.bf16.f32 v42;
	v47 =	vmul.f32 v45, v43;
	v19 =	vadd.f32 v20, v19  }
0xd3: {  	v53 =	vmul.f32 v23, v49;
	v18 =	vmul.f32 v48, v43;
	v17 =	vadd.f32 v44, v17  }
0xd4: {  	v55 =	vld [tilespmem:s19+$0xE2F0];
	v54 =	vunpack.i.l.bf16.f32 v46;
	v20 =	vmul.f32 v50, v49;
	v19 =	vadd.f32 v47, v19  }
0xd5: {  	v57 =	vunpack.i.u.bf16.f32 v46;
	v59 =	vunpack.i.l.bf16.f32 v51;
	v17 =	vadd.f32 v18, v17  }
0xd6: {  	v56 =	vmul.f32 v54, v52;
	v58 =	vperm.xlane v16, v14;
	v19 =	vadd.f32 v20, v19  }
0xd7: {  	v22 =	vunpack.i.u.bf16.f32 v51;
	v18 =	vmul.f32 v57, v52;
	v17 =	vadd.f32 v53, v17  }
0xd8: {  	v16 =	vperm.xlane v16, v15;
	v20 =	vmul.f32 v59, v58;
	v19 =	vadd.f32 v56, v19  }
0xd9: {  	v60 =	vmul.f32 v22, v58;
	v61 =	vunpack.i.l.bf16.f32 v55;
	v17 =	vadd.f32 v18, v17  }
0xda: {  	p1 =	sne.s32 s17, $0x1F;
	v62 =	vunpack.i.u.bf16.f32 v55;
	v21 =	vmul.f32 v61, v16;
	v19 =	vadd.f32 v20, v19  }
.Ltmp0:
0xdb: {  	s19 =	sshll.u32 s17, $0x5;
	v16 =	vmul.f32 v62, v16;
	v17 =	vadd.f32 v60, v17;
	(pc) =	sbr.rel @p1 .LBB2_3-.Ltmp0, $4  }
0xdc: {  	s20 =	sshll.u32 s18, $0x5;
	s8 =	sand.u32 $0x3FFFFF00, s19;
	v63 =	vadd.f32 v21, v19  }
0xdd: {  	s8 =	sor.u32 s20, s8;
	v16 =	vadd.f32 v16, v17  }
0xde: {  	s10 =	sadd.s32 $0x1CA00, s8;
	[tilespmem:s8+$0x1CA00] =	vst v63  }
0xdf: {  	s17 =	sadd.s32 $0x1, s17;
	[tilespmem:s10+$0x10] =	vst v16  }
0xe0: {  	s8 =	sadd.s32 s9, s13  }
0xe1: {  	s17 =	sshll.u32 s12, $0xC;
	s8 =	sshrl.u32 s8, $0x3  }
0xe2: {  	s20 =	sadd.s32 s17, s14;
	s8 =	sadd.s32 s2, s8  }
0xe3: {  	[hbm4b:s8+s4] =	stream.linear.scatter [tilespmem:s0], [sflag:$0x5], $0x400, $0x38;
	[tilespmem:$0x1D200] =	vst v63  }
0xe4: {  	s8 =	sshrl.u32 s20, $0x3  }
0xe5: {  	s10 =	sadd.s32 s5, s8  }
0xe6: {  	[tilespmem:s21], [sflag:$0x1] =	stream.linear.gather [hbm4b:s10+s4], $0x800, $0x38;
	[tilespmem:$0x1D200] =	vst v63  }
0xe7: {  	s8 =	sadd.s32 s6, s8  }
0xe8: {  	[tilespmem:s22], [sflag:$0x1] =	stream.linear.gather [hbm4b:s8+s4], $0x800, $0x38;
	[tilespmem:$0x1D200] =	vst v63  }
0xe9: {  	_ =	swait.ge [sflag:s23], $0x800  }
0xea: {  	[sflag:s23] =	ssyncset.done $0x0  }
0xeb: {  	[sflag:s23] =	ssyncadd.s32 $0xFFFFF800  }
0xec: {  	_ =	swait.ge [sflag:s23], $0x800  }
0xed: {  	[sflag:s23] =	ssyncset.done $0x0  }
0xee: {  	[sflag:s23] =	ssyncadd.s32 $0xFFFFF800  }
0xef: {  	[tilespmem:s25], [sflag:$0x3] =	stream.indirect.gather [spmem:s3], $0x10, s21, s24, $0xb8;
	[tilespmem:$0x1D200] =	vst v63  }
0xf0: {  	_ =	swait.ge [sflag:s1], $0x8000  }
0xf1: {  	[sflag:s1] =	ssyncset.done $0x0  }
0xf2: {  	s8 =	simm.s32 @!p0 $0x6;
	[sflag:s1] =	ssyncadd.s32 $0xFFFF8000  }
0xf3: {  	_ =	swait.ge @!p0 [sflag:s8], $0x400  }
0xf4: {  	[sflag:s8] =	ssyncset.done @!p0 $0x0  }
0xf5: {  	s18 =	simm.s32 $0x0;
	[sflag:s8] =	ssyncadd.s32 @!p0 $0xFFFFFC00  }
.LBB2_5:
0xf6: {  	s19 =	sand.u32 $0x7, s18;
	s8 =	sshll.u32 s18, $0x6  }
0xf7: {  	s8 =	sand.u32 $0xFFFFFE00, s8;
	s10 =	sshll.u32 s19, $0x4  }
0xf8: {  	s10 =	sor.u32 s10, s8  }
0xf9: {  	s8 =	sshll.u32 s10, $0x4;
	v17 =	vld [tilespmem:s10+$0xC200]  }
0xfa: {  	s20 =	sand.u32 $0x3FFFE700, s8  }
0xfb: {  	v16 =	vld [tilespmem:s20+$0x14A00]  }
0xfc: {  	v18 =	vld [tilespmem:s20+$0x14A10]  }
0xfd: {  	v21 =	vld [tilespmem:s20+$0x14A20]  }
0xfe: {  	v23 =	vld [tilespmem:s20+$0x14A30];
	v19 =	vperm.xlane v17, v0  }
0xff: {  	v45 =	vld [tilespmem:s20+$0x14A40];
	v22 =	vperm.xlane v17, v1;
	v24 =	vperm.xlane v17, v2  }
0x100: {  	v48 =	vld [tilespmem:s20+$0x14A50];
	v25 =	vperm.xlane v17, v3;
	v51 =	vperm.xlane v17, v4  }
0x101: {  	v53 =	vld [tilespmem:s20+$0x14A60];
	v54 =	vperm.xlane v17, v5;
	v60 =	vperm.xlane v17, v6  }
0x102: {  	v57 =	vld [tilespmem:s20+$0x14A70];
	v63 =	vperm.xlane v17, v7;
	v32 =	vperm.xlane v17, v8  }
0x103: {  	v62 =	vld [tilespmem:s20+$0x14A80];
	v35 =	vperm.xlane v17, v9;
	v41 =	vperm.xlane v17, v10;
	v20 =	vunpack.i.l.bf16.f32 v16  }
0x104: {  	v29 =	vld [tilespmem:s20+$0x14A90];
	v16 =	vunpack.i.u.bf16.f32 v16;
	v43 =	vunpack.i.l.bf16.f32 v18;
	v18 =	vunpack.i.u.bf16.f32 v18  }
0x105: {  	v44 =	vunpack.i.l.bf16.f32 v21;
	v21 =	vunpack.i.u.bf16.f32 v21;
	v47 =	vunpack.i.l.bf16.f32 v23  }
0x106: {  	v34 =	vld [tilespmem:s20+$0x14AA0];
	v50 =	vunpack.i.u.bf16.f32 v23;
	v52 =	vunpack.i.l.bf16.f32 v45;
	v56 =	vunpack.i.l.bf16.f32 v48  }
0x107: {  	v59 =	vunpack.i.u.bf16.f32 v48;
	v61 =	vunpack.i.l.bf16.f32 v53;
	v23 =	vunpack.i.u.bf16.f32 v53  }
0x108: {  	v28 =	vunpack.i.l.bf16.f32 v57;
	v31 =	vunpack.i.u.bf16.f32 v57;
	v16 =	vmul.f32 v16, v19  }
0x109: {  	v33 =	vunpack.i.l.bf16.f32 v62;
	v37 =	vunpack.i.l.bf16.f32 v29;
	v40 =	vunpack.i.u.bf16.f32 v29  }
0x10a: {  	v53 =	vperm.xlane v17, v13;
	v18 =	vmul.f32 v18, v22;
	v16 =	vadd.f32 $0.0e+00, v16  }
0x10b: {  	v42 =	vunpack.i.l.bf16.f32 v34;
	v20 =	vmul.f32 v20, v19;
	v19 =	vmul.f32 v43, v22  }
0x10c: {  	v46 =	vmul.f32 v21, v24;
	v49 =	vmul.f32 v47, v25;
	v16 =	vadd.f32 v18, v16  }
0x10d: {  	v22 =	vunpack.i.u.bf16.f32 v45;
	v58 =	vmul.f32 v56, v54;
	v20 =	vadd.f32 $0.0e+00, v20  }
0x10e: {  	v27 =	vmul.f32 v23, v60;
	v18 =	vmul.f32 v50, v25;
	v16 =	vadd.f32 v46, v16  }
0x10f: {  	v30 =	vmul.f32 v28, v63;
	v43 =	vld [tilespmem:s20+$0x14AC0];
	v19 =	vadd.f32 v19, v20;
	v20 =	vmul.f32 v44, v24  }
0x110: {  	v56 =	vld [tilespmem:s20+$0x14AF0];
	v55 =	vmul.f32 v22, v51;
	v22 =	vunpack.i.u.bf16.f32 v34;
	v16 =	vadd.f32 v18, v16  }
0x111: {  	v38 =	vld [tilespmem:s20+$0x14AB0];
	v39 =	vmul.f32 v37, v35;
	v45 =	vmul.f32 v22, v41;
	v19 =	vadd.f32 v20, v19  }
0x112: {  	v24 =	vunpack.i.u.bf16.f32 v62;
	v18 =	vmul.f32 v59, v54;
	v16 =	vadd.f32 v55, v16  }
0x113: {  	v34 =	vld [tilespmem:s20+$0x15220];
	v44 =	vperm.xlane v17, v11;
	v20 =	vmul.f32 v52, v51;
	v19 =	vadd.f32 v49, v19  }
0x114: {  	v50 =	vperm.xlane v17, v12;
	v36 =	vmul.f32 v24, v32;
	v16 =	vadd.f32 v18, v16  }
0x115: {  	v23 =	vunpack.i.u.bf16.f32 v43;
	v28 =	vunpack.i.l.bf16.f32 v56;
	v19 =	vadd.f32 v20, v19  }
0x116: {  	v46 =	vunpack.i.l.bf16.f32 v38;
	v18 =	vmul.f32 v31, v63;
	v16 =	vadd.f32 v27, v16  }
0x117: {  	s11 =	sor.u32 $0x800, s8;
	v47 =	vld [tilespmem:s20+$0x14AD0];
	v51 =	vunpack.i.l.bf16.f32 v43;
	v20 =	vmul.f32 v61, v60;
	v19 =	vadd.f32 v58, v19  }
0x118: {  	s11 =	sand.u32 $0x3FFFEF00, s11;
	v43 =	vunpack.i.l.bf16.f32 v34;
	v48 =	vmul.f32 v46, v44;
	v16 =	vadd.f32 v18, v16  }
0x119: {  	v62 =	vld [tilespmem:s11+$0x14A00];
	v49 =	vunpack.i.u.bf16.f32 v38;
	v54 =	vmul.f32 v23, v50;
	v19 =	vadd.f32 v20, v19  }
0x11a: {  	v29 =	vld [tilespmem:s20+$0x15210];
	v59 =	vperm.xlane v17, v14;
	v18 =	vmul.f32 v40, v35;
	v16 =	vadd.f32 v36, v16  }
0x11b: {  	v52 =	vld [tilespmem:s20+$0x14AE0];
	v17 =	vperm.xlane v17, v15;
	v20 =	vmul.f32 v33, v32;
	v19 =	vadd.f32 v30, v19  }
0x11c: {  	v55 =	vunpack.i.l.bf16.f32 v47;
	v58 =	vunpack.i.u.bf16.f32 v47;
	v16 =	vadd.f32 v18, v16  }
0x11d: {  	v57 =	vmul.f32 v55, v53;
	v60 =	vmul.f32 v58, v53;
	v19 =	vadd.f32 v20, v19  }
0x11e: {  	v53 =	vld [tilespmem:s20+$0x15260];
	v33 =	vunpack.i.l.bf16.f32 v62;
	v18 =	vmul.f32 v49, v44;
	v16 =	vadd.f32 v45, v16  }
0x11f: {  	v35 =	vunpack.i.u.bf16.f32 v62;
	v62 =	vld [tilespmem:s20+$0x15280];
	v20 =	vmul.f32 v42, v41;
	v19 =	vadd.f32 v39, v19  }
0x120: {  	v38 =	vunpack.i.l.bf16.f32 v29;
	v61 =	vunpack.i.l.bf16.f32 v52;
	v39 =	vld [tilespmem:s20+$0x15230];
	v16 =	vadd.f32 v18, v16  }
0x121: {  	v24 =	vunpack.i.u.bf16.f32 v52;
	v21 =	vmul.f32 v61, v59;
	v44 =	vld [tilespmem:s20+$0x15240];
	v19 =	vadd.f32 v20, v19  }
0x122: {  	v63 =	vmul.f32 v24, v59;
	v31 =	vunpack.i.u.bf16.f32 v56;
	v18 =	vadd.f32 v54, v16;
	v16 =	vld [tilespmem:s10+$0xC280]  }
0x123: {  	v30 =	vmul.f32 v28, v17;
	v20 =	vmul.f32 v51, v50;
	v19 =	vadd.f32 v48, v19  }
0x124: {  	v17 =	vmul.f32 v31, v17;
	v41 =	vunpack.i.u.bf16.f32 v29;
	v61 =	vunpack.i.l.bf16.f32 v53;
	v48 =	vld [tilespmem:s20+$0x15250]  }
0x125: {  	v23 =	vunpack.i.u.bf16.f32 v53;
	v22 =	vunpack.i.u.bf16.f32 v62;
	v19 =	vadd.f32 v20, v19  }
0x126: {  	v47 =	vunpack.i.l.bf16.f32 v39;
	v50 =	vunpack.i.u.bf16.f32 v39;
	v52 =	vunpack.i.l.bf16.f32 v44  }
0x127: {  	v24 =	vunpack.i.u.bf16.f32 v44;
	v19 =	vadd.f32 v57, v19;
	v32 =	vperm.xlane v16, v0  }
0x128: {  	v18 =	vadd.f32 v60, v18;
	v36 =	vperm.xlane v16, v1;
	v42 =	vperm.xlane v16, v2  }
0x129: {  	v56 =	vunpack.i.l.bf16.f32 v48;
	v45 =	vperm.xlane v16, v3;
	v51 =	vperm.xlane v16, v4  }
0x12a: {  	v19 =	vadd.f32 v21, v19;
	v54 =	vperm.xlane v16, v5;
	v60 =	vperm.xlane v16, v6  }
0x12b: {  	v18 =	vadd.f32 v63, v18;
	v63 =	vperm.xlane v16, v7;
	v44 =	vperm.xlane v16, v11  }
0x12c: {  	v57 =	vld [tilespmem:s20+$0x15270];
	v21 =	vunpack.i.u.bf16.f32 v34;
	v53 =	vperm.xlane v16, v13;
	v20 =	vmul.f32 v33, v32  }
0x12d: {  	v17 =	vadd.f32 v17, v18;
	v37 =	vmul.f32 v35, v32;
	v40 =	vmul.f32 v38, v36  }
0x12e: {  	v59 =	vunpack.i.u.bf16.f32 v48;
	v18 =	vmul.f32 v41, v36;
	v46 =	vmul.f32 v21, v42  }
0x12f: {  	v49 =	vmul.f32 v47, v45;
	v55 =	vmul.f32 v24, v51;
	v17 =	vadd.f32 v37, v17  }
0x130: {  	v29 =	vld [tilespmem:s20+$0x15290];
	v19 =	vadd.f32 v30, v19;
	v58 =	vmul.f32 v56, v54;
	v27 =	vmul.f32 v23, v60  }
0x131: {  	v34 =	vld [tilespmem:s20+$0x152A0];
	v28 =	vunpack.i.l.bf16.f32 v57;
	v32 =	vperm.xlane v16, v8;
	v17 =	vadd.f32 v18, v17  }
0x132: {  	v31 =	vunpack.i.u.bf16.f32 v57;
	v35 =	vperm.xlane v16, v9;
	v41 =	vperm.xlane v16, v10  }
0x133: {  	v19 =	vadd.f32 v20, v19;
	v18 =	vmul.f32 v50, v45;
	v17 =	vadd.f32 v46, v17  }
0x134: {  	v33 =	vunpack.i.l.bf16.f32 v62;
	v38 =	vld [tilespmem:s20+$0x152B0];
	v30 =	vmul.f32 v28, v63;
	v20 =	vmul.f32 v43, v42  }
0x135: {  	v56 =	vld [tilespmem:s20+$0x152F0];
	v36 =	vmul.f32 v22, v32;
	v19 =	vadd.f32 v40, v19;
	v17 =	vadd.f32 v18, v17  }
0x136: {  	v37 =	vunpack.i.l.bf16.f32 v29;
	v42 =	vunpack.i.l.bf16.f32 v34;
	v24 =	vunpack.i.u.bf16.f32 v34  }
0x137: {  	v43 =	vld [tilespmem:s20+$0x152C0];
	v19 =	vadd.f32 v20, v19;
	v18 =	vmul.f32 v59, v54;
	v17 =	vadd.f32 v55, v17  }
0x138: {  	v39 =	vmul.f32 v37, v35;
	v40 =	vunpack.i.u.bf16.f32 v29;
	v45 =	vmul.f32 v24, v41  }
0x139: {  	v20 =	vmul.f32 v52, v51;
	v19 =	vadd.f32 v49, v19;
	v17 =	vadd.f32 v18, v17  }
0x13a: {  	v50 =	vperm.xlane v16, v12;
	v28 =	vunpack.i.l.bf16.f32 v56;
	v46 =	vunpack.i.l.bf16.f32 v38  }
0x13b: {  	v47 =	vld [tilespmem:s20+$0x152D0];
	v19 =	vadd.f32 v20, v19;
	v18 =	vmul.f32 v31, v63;
	v17 =	vadd.f32 v27, v17  }
0x13c: {  	v48 =	vmul.f32 v46, v44;
	v51 =	vunpack.i.l.bf16.f32 v43;
	v23 =	vunpack.i.u.bf16.f32 v43  }
0x13d: {  	s11 =	sor.u32 $0x1000, s8;
	v52 =	vld [tilespmem:s20+$0x152E0];
	v20 =	vmul.f32 v61, v60;
	v19 =	vadd.f32 v58, v19;
	v17 =	vadd.f32 v18, v17  }
0x13e: {  	s11 =	sand.u32 $0x3FFFF700, s11;
	v49 =	vunpack.i.u.bf16.f32 v38;
	v54 =	vmul.f32 v23, v50;
	v59 =	vperm.xlane v16, v14  }
0x13f: {  	v62 =	vld [tilespmem:s11+$0x14A00];
	v19 =	vadd.f32 v20, v19;
	v18 =	vmul.f32 v40, v35;
	v17 =	vadd.f32 v36, v17  }
0x140: {  	v16 =	vperm.xlane v16, v15;
	v55 =	vunpack.i.l.bf16.f32 v47;
	v58 =	vunpack.i.u.bf16.f32 v47  }
0x141: {  	v34 =	vld [tilespmem:s20+$0x15A20];
	v20 =	vmul.f32 v33, v32;
	v19 =	vadd.f32 v30, v19;
	v17 =	vadd.f32 v18, v17  }
0x142: {  	v29 =	vld [tilespmem:s20+$0x15A10];
	v57 =	vmul.f32 v55, v53;
	v61 =	vunpack.i.l.bf16.f32 v52;
	v60 =	vmul.f32 v58, v53  }
0x143: {  	v53 =	vld [tilespmem:s20+$0x15A60];
	v19 =	vadd.f32 v20, v19;
	v18 =	vmul.f32 v49, v44;
	v17 =	vadd.f32 v45, v17  }
0x144: {  	v22 =	vunpack.i.u.bf16.f32 v52;
	v33 =	vunpack.i.l.bf16.f32 v62;
	v35 =	vunpack.i.u.bf16.f32 v62;
	v62 =	vld [tilespmem:s20+$0x15A80]  }
0x145: {  	v20 =	vmul.f32 v42, v41;
	v19 =	vadd.f32 v39, v19;
	v39 =	vld [tilespmem:s20+$0x15A30];
	v17 =	vadd.f32 v18, v17  }
0x146: {  	v43 =	vunpack.i.l.bf16.f32 v34;
	v21 =	vmul.f32 v61, v59;
	v63 =	vmul.f32 v22, v59;
	v44 =	vld [tilespmem:s20+$0x15A40]  }
0x147: {  	v31 =	vunpack.i.u.bf16.f32 v56;
	v19 =	vadd.f32 v20, v19;
	v18 =	vadd.f32 v54, v17;
	v17 =	vld [tilespmem:s10+$0xC300]  }
0x148: {  	v38 =	vunpack.i.l.bf16.f32 v29;
	v30 =	vmul.f32 v28, v16;
	v16 =	vmul.f32 v31, v16  }
0x149: {  	v41 =	vunpack.i.u.bf16.f32 v29;
	v20 =	vmul.f32 v51, v50;
	v19 =	vadd.f32 v48, v19  }
0x14a: {  	v61 =	vunpack.i.l.bf16.f32 v53;
	v23 =	vunpack.i.u.bf16.f32 v53;
	v22 =	vunpack.i.u.bf16.f32 v62;
	v48 =	vld [tilespmem:s20+$0x15A50]  }
0x14b: {  	v47 =	vunpack.i.l.bf16.f32 v39;
	v50 =	vunpack.i.u.bf16.f32 v39;
	v19 =	vadd.f32 v20, v19  }
0x14c: {  	v52 =	vunpack.i.l.bf16.f32 v44;
	v24 =	vunpack.i.u.bf16.f32 v44;
	v32 =	vperm.xlane v17, v0  }
0x14d: {  	v19 =	vadd.f32 v57, v19;
	v36 =	vperm.xlane v17, v1;
	v42 =	vperm.xlane v17, v2  }
0x14e: {  	v18 =	vadd.f32 v60, v18;
	v45 =	vperm.xlane v17, v3;
	v51 =	vperm.xlane v17, v4  }
0x14f: {  	v56 =	vunpack.i.l.bf16.f32 v48;
	v54 =	vperm.xlane v17, v5;
	v60 =	vperm.xlane v17, v6  }
0x150: {  	v18 =	vadd.f32 v63, v18;
	v63 =	vperm.xlane v17, v7;
	v44 =	vperm.xlane v17, v11  }
0x151: {  	v57 =	vld [tilespmem:s20+$0x15A70];
	v19 =	vadd.f32 v21, v19;
	v53 =	vperm.xlane v17, v13;
	v20 =	vmul.f32 v33, v32  }
0x152: {  	v21 =	vunpack.i.u.bf16.f32 v34;
	v37 =	vmul.f32 v35, v32;
	v40 =	vmul.f32 v38, v36  }
0x153: {  	v16 =	vadd.f32 v16, v18;
	v18 =	vmul.f32 v41, v36;
	v46 =	vmul.f32 v21, v42  }
0x154: {  	v59 =	vunpack.i.u.bf16.f32 v48;
	v49 =	vmul.f32 v47, v45;
	v55 =	vmul.f32 v24, v51  }
0x155: {  	v29 =	vld [tilespmem:s20+$0x15A90];
	v19 =	vadd.f32 v30, v19;
	v58 =	vmul.f32 v56, v54;
	v27 =	vmul.f32 v23, v60  }
0x156: {  	v34 =	vld [tilespmem:s20+$0x15AA0];
	v28 =	vunpack.i.l.bf16.f32 v57;
	v31 =	vunpack.i.u.bf16.f32 v57;
	v16 =	vadd.f32 v37, v16  }
0x157: {  	v32 =	vperm.xlane v17, v8;
	v33 =	vunpack.i.l.bf16.f32 v62;
	v19 =	vadd.f32 v20, v19  }
0x158: {  	v35 =	vperm.xlane v17, v9;
	v41 =	vperm.xlane v17, v10;
	v16 =	vadd.f32 v18, v16  }
0x159: {  	v30 =	vmul.f32 v28, v63;
	v20 =	vmul.f32 v43, v42;
	v19 =	vadd.f32 v40, v19  }
0x15a: {  	v38 =	vld [tilespmem:s20+$0x15AB0];
	v36 =	vmul.f32 v22, v32;
	v18 =	vmul.f32 v50, v45;
	v16 =	vadd.f32 v46, v16  }
0x15b: {  	v56 =	vld [tilespmem:s20+$0x15AF0];
	v37 =	vunpack.i.l.bf16.f32 v29;
	v42 =	vunpack.i.l.bf16.f32 v34;
	v19 =	vadd.f32 v20, v19  }
0x15c: {  	v43 =	vld [tilespmem:s20+$0x15AC0];
	v24 =	vunpack.i.u.bf16.f32 v34;
	v39 =	vmul.f32 v37, v35;
	v16 =	vadd.f32 v18, v16  }
0x15d: {  	v40 =	vunpack.i.u.bf16.f32 v29;
	v20 =	vmul.f32 v52, v51;
	v19 =	vadd.f32 v49, v19  }
0x15e: {  	v34 =	vld [tilespmem:s20+$0x16220];
	v45 =	vmul.f32 v24, v41;
	v18 =	vmul.f32 v59, v54;
	v16 =	vadd.f32 v55, v16  }
0x15f: {  	v50 =	vperm.xlane v17, v12;
	v46 =	vunpack.i.l.bf16.f32 v38;
	v19 =	vadd.f32 v20, v19  }
0x160: {  	v28 =	vunpack.i.l.bf16.f32 v56;
	v48 =	vmul.f32 v46, v44;
	v16 =	vadd.f32 v18, v16  }
0x161: {  	s8 =	sor.u32 $0x1800, s8;
	v47 =	vld [tilespmem:s20+$0x15AD0];
	v51 =	vunpack.i.l.bf16.f32 v43;
	v20 =	vmul.f32 v61, v60;
	v19 =	vadd.f32 v58, v19  }
0x162: {  	s8 =	sand.u32 $0x3FFFFF00, s8;
	v23 =	vunpack.i.u.bf16.f32 v43;
	v18 =	vmul.f32 v31, v63;
	v16 =	vadd.f32 v27, v16  }
0x163: {  	v62 =	vld [tilespmem:s8+$0x14A00];
	v43 =	vunpack.i.l.bf16.f32 v34;
	v49 =	vunpack.i.u.bf16.f32 v38;
	v19 =	vadd.f32 v20, v19  }
0x164: {  	v54 =	vmul.f32 v23, v50;
	v59 =	vperm.xlane v17, v14;
	v16 =	vadd.f32 v18, v16  }
0x165: {  	v29 =	vld [tilespmem:s20+$0x16210];
	v17 =	vperm.xlane v17, v15;
	v20 =	vmul.f32 v33, v32;
	v19 =	vadd.f32 v30, v19  }
0x166: {  	v52 =	vld [tilespmem:s20+$0x15AE0];
	v55 =	vunpack.i.l.bf16.f32 v47;
	v18 =	vmul.f32 v40, v35;
	v16 =	vadd.f32 v36, v16  }
0x167: {  	v57 =	vmul.f32 v55, v53;
	v58 =	vunpack.i.u.bf16.f32 v47;
	v19 =	vadd.f32 v20, v19  }
0x168: {  	v60 =	vmul.f32 v58, v53;
	v53 =	vld [tilespmem:s20+$0x16260];
	v33 =	vunpack.i.l.bf16.f32 v62;
	v16 =	vadd.f32 v18, v16  }
0x169: {  	v35 =	vunpack.i.u.bf16.f32 v62;
	v62 =	vld [tilespmem:s20+$0x16280];
	v20 =	vmul.f32 v42, v41;
	v19 =	vadd.f32 v39, v19  }
0x16a: {  	v30 =	vmul.f32 v28, v17;
	v28 =	vld [tilespmem:s20+$0x16290];
	v18 =	vmul.f32 v49, v44;
	v16 =	vadd.f32 v45, v16  }
0x16b: {  	v38 =	vunpack.i.l.bf16.f32 v29;
	v61 =	vunpack.i.l.bf16.f32 v52;
	v39 =	vld [tilespmem:s20+$0x16230];
	v19 =	vadd.f32 v20, v19  }
0x16c: {  	v22 =	vunpack.i.u.bf16.f32 v52;
	v21 =	vmul.f32 v61, v59;
	v44 =	vld [tilespmem:s20+$0x16240];
	v16 =	vadd.f32 v18, v16  }
0x16d: {  	v31 =	vunpack.i.u.bf16.f32 v56;
	v20 =	vmul.f32 v51, v50;
	v19 =	vadd.f32 v48, v19;
	v48 =	vld [tilespmem:s20+$0x16250]  }
0x16e: {  	v63 =	vmul.f32 v22, v59;
	v17 =	vmul.f32 v31, v17;
	v18 =	vadd.f32 v54, v16;
	v16 =	vld [tilespmem:s10+$0xC380]  }
0x16f: {  	v41 =	vunpack.i.u.bf16.f32 v29;
	v61 =	vunpack.i.l.bf16.f32 v53;
	v19 =	vadd.f32 v20, v19  }
0x170: {  	v23 =	vunpack.i.u.bf16.f32 v53;
	v22 =	vunpack.i.u.bf16.f32 v62;
	v47 =	vunpack.i.l.bf16.f32 v39  }
0x171: {  	v50 =	vunpack.i.u.bf16.f32 v39;
	v52 =	vunpack.i.l.bf16.f32 v44;
	v19 =	vadd.f32 v57, v19  }
0x172: {  	v24 =	vunpack.i.u.bf16.f32 v44;
	v39 =	vunpack.i.u.bf16.f32 v28;
	v18 =	vadd.f32 v60, v18  }
0x173: {  	v56 =	vunpack.i.l.bf16.f32 v48;
	v19 =	vadd.f32 v21, v19;
	v32 =	vperm.xlane v16, v0  }
0x174: {  	v59 =	vunpack.i.u.bf16.f32 v48;
	v18 =	vadd.f32 v63, v18;
	v21 =	vunpack.i.u.bf16.f32 v34  }
0x175: {  	v36 =	vperm.xlane v16, v1;
	v19 =	vadd.f32 v30, v19;
	v20 =	vmul.f32 v33, v32  }
0x176: {  	v42 =	vperm.xlane v16, v2;
	v17 =	vadd.f32 v17, v18;
	v37 =	vmul.f32 v35, v32  }
0x177: {  	v45 =	vperm.xlane v16, v3;
	v40 =	vmul.f32 v38, v36;
	v19 =	vadd.f32 v20, v19  }
0x178: {  	v51 =	vperm.xlane v16, v4;
	v18 =	vmul.f32 v41, v36;
	v17 =	vadd.f32 v37, v17  }
0x179: {  	v54 =	vperm.xlane v16, v5;
	v20 =	vmul.f32 v43, v42;
	v19 =	vadd.f32 v40, v19  }
0x17a: {  	v57 =	vld [tilespmem:s20+$0x16270];
	v60 =	vperm.xlane v16, v6;
	v46 =	vmul.f32 v21, v42;
	v17 =	vadd.f32 v18, v17  }
0x17b: {  	v63 =	vperm.xlane v16, v7;
	v49 =	vmul.f32 v47, v45;
	v19 =	vadd.f32 v20, v19  }
0x17c: {  	v31 =	vperm.xlane v16, v8;
	v18 =	vmul.f32 v50, v45;
	v17 =	vadd.f32 v46, v17  }
0x17d: {  	v34 =	vperm.xlane v16, v9;
	v20 =	vmul.f32 v52, v51;
	v19 =	vadd.f32 v49, v19  }
0x17e: {  	v55 =	vmul.f32 v24, v51;
	v58 =	vmul.f32 v56, v54;
	v17 =	vadd.f32 v18, v17  }
0x17f: {  	v26 =	vmul.f32 v23, v60;
	v27 =	vunpack.i.l.bf16.f32 v57;
	v19 =	vadd.f32 v20, v19  }
0x180: {  	v30 =	vunpack.i.u.bf16.f32 v57;
	v18 =	vmul.f32 v59, v54;
	v17 =	vadd.f32 v55, v17  }
0x181: {  	v32 =	vunpack.i.l.bf16.f32 v62;
	v33 =	vld [tilespmem:s20+$0x162A0];
	v20 =	vmul.f32 v61, v60;
	v19 =	vadd.f32 v58, v19  }
0x182: {  	v35 =	vmul.f32 v22, v31;
	v36 =	vunpack.i.l.bf16.f32 v28;
	v17 =	vadd.f32 v18, v17  }
0x183: {  	v29 =	vmul.f32 v27, v63;
	v38 =	vmul.f32 v36, v34;
	v37 =	vld [tilespmem:s20+$0x162B0];
	v19 =	vadd.f32 v20, v19  }
0x184: {  	v43 =	vperm.xlane v16, v11;
	v18 =	vmul.f32 v30, v63;
	v17 =	vadd.f32 v26, v17  }
0x185: {  	v42 =	vld [tilespmem:s20+$0x162C0];
	v40 =	vperm.xlane v16, v10;
	v20 =	vmul.f32 v32, v31;
	v19 =	vadd.f32 v29, v19  }
0x186: {  	v41 =	vunpack.i.l.bf16.f32 v33;
	v24 =	vunpack.i.u.bf16.f32 v33;
	v17 =	vadd.f32 v18, v17  }
0x187: {  	v44 =	vmul.f32 v24, v40;
	v52 =	vperm.xlane v16, v13;
	v19 =	vadd.f32 v20, v19  }
0x188: {  	v46 =	vld [tilespmem:s20+$0x162D0];
	v45 =	vunpack.i.l.bf16.f32 v37;
	v18 =	vmul.f32 v39, v34;
	v17 =	vadd.f32 v35, v17  }
0x189: {  	v51 =	vld [tilespmem:s20+$0x162E0];
	v48 =	vunpack.i.u.bf16.f32 v37;
	v20 =	vmul.f32 v41, v40;
	v19 =	vadd.f32 v38, v19  }
0x18a: {  	v50 =	vunpack.i.l.bf16.f32 v42;
	v49 =	vperm.xlane v16, v12;
	v17 =	vadd.f32 v18, v17  }
0x18b: {  	v23 =	vunpack.i.u.bf16.f32 v42;
	v47 =	vmul.f32 v45, v43;
	v19 =	vadd.f32 v20, v19  }
0x18c: {  	v53 =	vmul.f32 v23, v49;
	v18 =	vmul.f32 v48, v43;
	v17 =	vadd.f32 v44, v17  }
0x18d: {  	v55 =	vld [tilespmem:s20+$0x162F0];
	v54 =	vunpack.i.l.bf16.f32 v46;
	v20 =	vmul.f32 v50, v49;
	v19 =	vadd.f32 v47, v19  }
0x18e: {  	v57 =	vunpack.i.u.bf16.f32 v46;
	v59 =	vunpack.i.l.bf16.f32 v51;
	v17 =	vadd.f32 v18, v17  }
0x18f: {  	v56 =	vmul.f32 v54, v52;
	v58 =	vperm.xlane v16, v14;
	v19 =	vadd.f32 v20, v19  }
0x190: {  	v22 =	vunpack.i.u.bf16.f32 v51;
	v18 =	vmul.f32 v57, v52;
	v17 =	vadd.f32 v53, v17  }
0x191: {  	v16 =	vperm.xlane v16, v15;
	v20 =	vmul.f32 v59, v58;
	v19 =	vadd.f32 v56, v19  }
0x192: {  	v60 =	vmul.f32 v22, v58;
	v61 =	vunpack.i.l.bf16.f32 v55;
	v17 =	vadd.f32 v18, v17  }
0x193: {  	p0 =	sne.s32 s18, $0x1F;
	v62 =	vunpack.i.u.bf16.f32 v55;
	v21 =	vmul.f32 v61, v16;
	v19 =	vadd.f32 v20, v19  }
.Ltmp1:
0x194: {  	s11 =	sshll.u32 s18, $0x5;
	v16 =	vmul.f32 v62, v16;
	v17 =	vadd.f32 v60, v17;
	(pc) =	sbr.rel @p0 .LBB2_5-.Ltmp1, $4  }
0x195: {  	s8 =	sand.u32 $0x3FFFFF00, s11;
	s20 =	sshll.u32 s19, $0x5;
	v63 =	vadd.f32 v21, v19  }
0x196: {  	s8 =	sor.u32 s20, s8;
	v16 =	vadd.f32 v16, v17  }
0x197: {  	s10 =	sadd.s32 $0x1CE00, s8;
	[tilespmem:s8+$0x1CE00] =	vst v63  }
0x198: {  	s18 =	sadd.s32 $0x1, s18;
	[tilespmem:s10+$0x10] =	vst v16  }
0x199: {  	p0 =	seq.s32 s12, $0x29  }
.Ltmp2:
0x19a: {  	_ = 	snop;
	(pc) =	sbr.rel @p0 .LBB2_8-.Ltmp2, $4  }
0x19b: {  	s8 =	sadd.s32 s13, s15  }
0x19c: {  	s8 =	sshrl.u32 s8, $0x3  }
0x19d: {  	s8 =	sadd.s32 s2, s8  }
0x19e: {  	[hbm4b:s8+s4] =	stream.linear.scatter [tilespmem:s7], [sflag:$0x6], $0x400, $0x38;
	[tilespmem:$0x1D200] =	vst v63  }
0x19f: {  	s8 =	sadd.s32 s17, s16  }
.Ltmp3:
0x1a0: {  	s8 =	sshrl.u32 s8, $0x3;
	(pc) =	sbr.rel .LBB2_2-.Ltmp3, $4  }
0x1a1: {  	s10 =	sadd.s32 s5, s8  }
0x1a2: {  	[tilespmem:s26], [sflag:$0x2] =	stream.linear.gather [hbm4b:s10+s4], $0x800, $0x38;
	[tilespmem:$0x1D200] =	vst v63  }
0x1a3: {  	s12 =	sadd.s32 $0x1, s12;
	s8 =	sadd.s32 s6, s8  }
0x1a4: {  	[tilespmem:s28], [sflag:$0x2] =	stream.linear.gather [hbm4b:s8+s4], $0x800, $0x38;
	[tilespmem:$0x1D200] =	vst v63  }
.LBB2_8:
0x1a5: {  	_ =	swait.ge [sflag:s31], $0x8000  }
0x1a6: {  	[sflag:s31] =	ssyncset.done $0x0  }
0x1a7: {  	s8 =	simm.s32 $0x5;
	[sflag:s31] =	ssyncadd.s32 $0xFFFF8000  }
0x1a8: {  	_ =	swait.ge [sflag:s8], $0x400  }
0x1a9: {  	[sflag:s8] =	ssyncset.done $0x0  }
0x1aa: {  	s12 =	simm.s32 $0x0;
	[sflag:s8] =	ssyncadd.s32 $0xFFFFFC00  }
.LBB2_9:
0x1ab: {  	s13 =	sand.u32 $0x7, s12;
	s8 =	sshll.u32 s12, $0x6  }
0x1ac: {  	s8 =	sand.u32 $0xFFFFFE00, s8;
	s10 =	sshll.u32 s13, $0x4  }
0x1ad: {  	s10 =	sor.u32 s10, s8  }
0x1ae: {  	s8 =	sshll.u32 s10, $0x4;
	v17 =	vld [tilespmem:s10+$0xBA00]  }
0x1af: {  	s17 =	sand.u32 $0x3FFFE700, s8  }
0x1b0: {  	v16 =	vld [tilespmem:s17+$0xCA00]  }
0x1b1: {  	v18 =	vld [tilespmem:s17+$0xCA10]  }
0x1b2: {  	v21 =	vld [tilespmem:s17+$0xCA20]  }
0x1b3: {  	v23 =	vld [tilespmem:s17+$0xCA30];
	v19 =	vperm.xlane v17, v0  }
0x1b4: {  	v45 =	vld [tilespmem:s17+$0xCA40];
	v22 =	vperm.xlane v17, v1;
	v24 =	vperm.xlane v17, v2  }
0x1b5: {  	v48 =	vld [tilespmem:s17+$0xCA50];
	v25 =	vperm.xlane v17, v3;
	v51 =	vperm.xlane v17, v4  }
0x1b6: {  	v53 =	vld [tilespmem:s17+$0xCA60];
	v54 =	vperm.xlane v17, v5;
	v60 =	vperm.xlane v17, v6  }
0x1b7: {  	v57 =	vld [tilespmem:s17+$0xCA70];
	v63 =	vperm.xlane v17, v7;
	v32 =	vperm.xlane v17, v8  }
0x1b8: {  	v62 =	vld [tilespmem:s17+$0xCA80];
	v35 =	vperm.xlane v17, v9;
	v41 =	vperm.xlane v17, v10;
	v20 =	vunpack.i.l.bf16.f32 v16  }
0x1b9: {  	v29 =	vld [tilespmem:s17+$0xCA90];
	v16 =	vunpack.i.u.bf16.f32 v16;
	v43 =	vunpack.i.l.bf16.f32 v18;
	v18 =	vunpack.i.u.bf16.f32 v18  }
0x1ba: {  	v44 =	vunpack.i.l.bf16.f32 v21;
	v21 =	vunpack.i.u.bf16.f32 v21;
	v47 =	vunpack.i.l.bf16.f32 v23  }
0x1bb: {  	v34 =	vld [tilespmem:s17+$0xCAA0];
	v50 =	vunpack.i.u.bf16.f32 v23;
	v52 =	vunpack.i.l.bf16.f32 v45;
	v56 =	vunpack.i.l.bf16.f32 v48  }
0x1bc: {  	v59 =	vunpack.i.u.bf16.f32 v48;
	v61 =	vunpack.i.l.bf16.f32 v53;
	v23 =	vunpack.i.u.bf16.f32 v53  }
0x1bd: {  	v28 =	vunpack.i.l.bf16.f32 v57;
	v31 =	vunpack.i.u.bf16.f32 v57;
	v16 =	vmul.f32 v16, v19  }
0x1be: {  	v33 =	vunpack.i.l.bf16.f32 v62;
	v37 =	vunpack.i.l.bf16.f32 v29;
	v40 =	vunpack.i.u.bf16.f32 v29  }
0x1bf: {  	v53 =	vperm.xlane v17, v13;
	v18 =	vmul.f32 v18, v22;
	v16 =	vadd.f32 $0.0e+00, v16  }
0x1c0: {  	v42 =	vunpack.i.l.bf16.f32 v34;
	v20 =	vmul.f32 v20, v19;
	v19 =	vmul.f32 v43, v22  }
0x1c1: {  	v46 =	vmul.f32 v21, v24;
	v49 =	vmul.f32 v47, v25;
	v16 =	vadd.f32 v18, v16  }
0x1c2: {  	v22 =	vunpack.i.u.bf16.f32 v45;
	v58 =	vmul.f32 v56, v54;
	v20 =	vadd.f32 $0.0e+00, v20  }
0x1c3: {  	v27 =	vmul.f32 v23, v60;
	v18 =	vmul.f32 v50, v25;
	v16 =	vadd.f32 v46, v16  }
0x1c4: {  	v30 =	vmul.f32 v28, v63;
	v43 =	vld [tilespmem:s17+$0xCAC0];
	v19 =	vadd.f32 v19, v20;
	v20 =	vmul.f32 v44, v24  }
0x1c5: {  	v56 =	vld [tilespmem:s17+$0xCAF0];
	v55 =	vmul.f32 v22, v51;
	v22 =	vunpack.i.u.bf16.f32 v34;
	v16 =	vadd.f32 v18, v16  }
0x1c6: {  	v38 =	vld [tilespmem:s17+$0xCAB0];
	v39 =	vmul.f32 v37, v35;
	v45 =	vmul.f32 v22, v41;
	v19 =	vadd.f32 v20, v19  }
0x1c7: {  	v24 =	vunpack.i.u.bf16.f32 v62;
	v18 =	vmul.f32 v59, v54;
	v16 =	vadd.f32 v55, v16  }
0x1c8: {  	v34 =	vld [tilespmem:s17+$0xD220];
	v44 =	vperm.xlane v17, v11;
	v20 =	vmul.f32 v52, v51;
	v19 =	vadd.f32 v49, v19  }
0x1c9: {  	v50 =	vperm.xlane v17, v12;
	v36 =	vmul.f32 v24, v32;
	v16 =	vadd.f32 v18, v16  }
0x1ca: {  	v23 =	vunpack.i.u.bf16.f32 v43;
	v28 =	vunpack.i.l.bf16.f32 v56;
	v19 =	vadd.f32 v20, v19  }
0x1cb: {  	v46 =	vunpack.i.l.bf16.f32 v38;
	v18 =	vmul.f32 v31, v63;
	v16 =	vadd.f32 v27, v16  }
0x1cc: {  	s11 =	sor.u32 $0x800, s8;
	v47 =	vld [tilespmem:s17+$0xCAD0];
	v51 =	vunpack.i.l.bf16.f32 v43;
	v20 =	vmul.f32 v61, v60;
	v19 =	vadd.f32 v58, v19  }
0x1cd: {  	s11 =	sand.u32 $0x3FFFEF00, s11;
	v43 =	vunpack.i.l.bf16.f32 v34;
	v48 =	vmul.f32 v46, v44;
	v16 =	vadd.f32 v18, v16  }
0x1ce: {  	v62 =	vld [tilespmem:s11+$0xCA00];
	v49 =	vunpack.i.u.bf16.f32 v38;
	v54 =	vmul.f32 v23, v50;
	v19 =	vadd.f32 v20, v19  }
0x1cf: {  	v29 =	vld [tilespmem:s17+$0xD210];
	v59 =	vperm.xlane v17, v14;
	v18 =	vmul.f32 v40, v35;
	v16 =	vadd.f32 v36, v16  }
0x1d0: {  	v52 =	vld [tilespmem:s17+$0xCAE0];
	v17 =	vperm.xlane v17, v15;
	v20 =	vmul.f32 v33, v32;
	v19 =	vadd.f32 v30, v19  }
0x1d1: {  	v55 =	vunpack.i.l.bf16.f32 v47;
	v58 =	vunpack.i.u.bf16.f32 v47;
	v16 =	vadd.f32 v18, v16  }
0x1d2: {  	v57 =	vmul.f32 v55, v53;
	v60 =	vmul.f32 v58, v53;
	v19 =	vadd.f32 v20, v19  }
0x1d3: {  	v53 =	vld [tilespmem:s17+$0xD260];
	v33 =	vunpack.i.l.bf16.f32 v62;
	v18 =	vmul.f32 v49, v44;
	v16 =	vadd.f32 v45, v16  }
0x1d4: {  	v35 =	vunpack.i.u.bf16.f32 v62;
	v62 =	vld [tilespmem:s17+$0xD280];
	v20 =	vmul.f32 v42, v41;
	v19 =	vadd.f32 v39, v19  }
0x1d5: {  	v38 =	vunpack.i.l.bf16.f32 v29;
	v61 =	vunpack.i.l.bf16.f32 v52;
	v39 =	vld [tilespmem:s17+$0xD230];
	v16 =	vadd.f32 v18, v16  }
0x1d6: {  	v24 =	vunpack.i.u.bf16.f32 v52;
	v21 =	vmul.f32 v61, v59;
	v44 =	vld [tilespmem:s17+$0xD240];
	v19 =	vadd.f32 v20, v19  }
0x1d7: {  	v63 =	vmul.f32 v24, v59;
	v31 =	vunpack.i.u.bf16.f32 v56;
	v18 =	vadd.f32 v54, v16;
	v16 =	vld [tilespmem:s10+$0xBA80]  }
0x1d8: {  	v30 =	vmul.f32 v28, v17;
	v20 =	vmul.f32 v51, v50;
	v19 =	vadd.f32 v48, v19  }
0x1d9: {  	v17 =	vmul.f32 v31, v17;
	v41 =	vunpack.i.u.bf16.f32 v29;
	v61 =	vunpack.i.l.bf16.f32 v53;
	v48 =	vld [tilespmem:s17+$0xD250]  }
0x1da: {  	v23 =	vunpack.i.u.bf16.f32 v53;
	v22 =	vunpack.i.u.bf16.f32 v62;
	v19 =	vadd.f32 v20, v19  }
0x1db: {  	v47 =	vunpack.i.l.bf16.f32 v39;
	v50 =	vunpack.i.u.bf16.f32 v39;
	v52 =	vunpack.i.l.bf16.f32 v44  }
0x1dc: {  	v24 =	vunpack.i.u.bf16.f32 v44;
	v19 =	vadd.f32 v57, v19;
	v32 =	vperm.xlane v16, v0  }
0x1dd: {  	v18 =	vadd.f32 v60, v18;
	v36 =	vperm.xlane v16, v1;
	v42 =	vperm.xlane v16, v2  }
0x1de: {  	v56 =	vunpack.i.l.bf16.f32 v48;
	v45 =	vperm.xlane v16, v3;
	v51 =	vperm.xlane v16, v4  }
0x1df: {  	v19 =	vadd.f32 v21, v19;
	v54 =	vperm.xlane v16, v5;
	v60 =	vperm.xlane v16, v6  }
0x1e0: {  	v18 =	vadd.f32 v63, v18;
	v63 =	vperm.xlane v16, v7;
	v44 =	vperm.xlane v16, v11  }
0x1e1: {  	v57 =	vld [tilespmem:s17+$0xD270];
	v21 =	vunpack.i.u.bf16.f32 v34;
	v53 =	vperm.xlane v16, v13;
	v20 =	vmul.f32 v33, v32  }
0x1e2: {  	v17 =	vadd.f32 v17, v18;
	v37 =	vmul.f32 v35, v32;
	v40 =	vmul.f32 v38, v36  }
0x1e3: {  	v59 =	vunpack.i.u.bf16.f32 v48;
	v18 =	vmul.f32 v41, v36;
	v46 =	vmul.f32 v21, v42  }
0x1e4: {  	v49 =	vmul.f32 v47, v45;
	v55 =	vmul.f32 v24, v51;
	v17 =	vadd.f32 v37, v17  }
0x1e5: {  	v29 =	vld [tilespmem:s17+$0xD290];
	v19 =	vadd.f32 v30, v19;
	v58 =	vmul.f32 v56, v54;
	v27 =	vmul.f32 v23, v60  }
0x1e6: {  	v34 =	vld [tilespmem:s17+$0xD2A0];
	v28 =	vunpack.i.l.bf16.f32 v57;
	v32 =	vperm.xlane v16, v8;
	v17 =	vadd.f32 v18, v17  }
0x1e7: {  	v31 =	vunpack.i.u.bf16.f32 v57;
	v35 =	vperm.xlane v16, v9;
	v41 =	vperm.xlane v16, v10  }
0x1e8: {  	v19 =	vadd.f32 v20, v19;
	v18 =	vmul.f32 v50, v45;
	v17 =	vadd.f32 v46, v17  }
0x1e9: {  	v33 =	vunpack.i.l.bf16.f32 v62;
	v38 =	vld [tilespmem:s17+$0xD2B0];
	v30 =	vmul.f32 v28, v63;
	v20 =	vmul.f32 v43, v42  }
0x1ea: {  	v56 =	vld [tilespmem:s17+$0xD2F0];
	v36 =	vmul.f32 v22, v32;
	v19 =	vadd.f32 v40, v19;
	v17 =	vadd.f32 v18, v17  }
0x1eb: {  	v37 =	vunpack.i.l.bf16.f32 v29;
	v42 =	vunpack.i.l.bf16.f32 v34;
	v24 =	vunpack.i.u.bf16.f32 v34  }
0x1ec: {  	v43 =	vld [tilespmem:s17+$0xD2C0];
	v19 =	vadd.f32 v20, v19;
	v18 =	vmul.f32 v59, v54;
	v17 =	vadd.f32 v55, v17  }
0x1ed: {  	v39 =	vmul.f32 v37, v35;
	v40 =	vunpack.i.u.bf16.f32 v29;
	v45 =	vmul.f32 v24, v41  }
0x1ee: {  	v20 =	vmul.f32 v52, v51;
	v19 =	vadd.f32 v49, v19;
	v17 =	vadd.f32 v18, v17  }
0x1ef: {  	v50 =	vperm.xlane v16, v12;
	v28 =	vunpack.i.l.bf16.f32 v56;
	v46 =	vunpack.i.l.bf16.f32 v38  }
0x1f0: {  	v47 =	vld [tilespmem:s17+$0xD2D0];
	v19 =	vadd.f32 v20, v19;
	v18 =	vmul.f32 v31, v63;
	v17 =	vadd.f32 v27, v17  }
0x1f1: {  	v48 =	vmul.f32 v46, v44;
	v51 =	vunpack.i.l.bf16.f32 v43;
	v23 =	vunpack.i.u.bf16.f32 v43  }
0x1f2: {  	s18 =	sor.u32 $0x1000, s8;
	v52 =	vld [tilespmem:s17+$0xD2E0];
	v20 =	vmul.f32 v61, v60;
	v19 =	vadd.f32 v58, v19;
	v17 =	vadd.f32 v18, v17  }
0x1f3: {  	s11 =	sand.u32 $0x3FFFF700, s18;
	v49 =	vunpack.i.u.bf16.f32 v38;
	v54 =	vmul.f32 v23, v50;
	v59 =	vperm.xlane v16, v14  }
0x1f4: {  	v62 =	vld [tilespmem:s11+$0xCA00];
	v19 =	vadd.f32 v20, v19;
	v18 =	vmul.f32 v40, v35;
	v17 =	vadd.f32 v36, v17  }
0x1f5: {  	v16 =	vperm.xlane v16, v15;
	v55 =	vunpack.i.l.bf16.f32 v47;
	v58 =	vunpack.i.u.bf16.f32 v47  }
0x1f6: {  	v34 =	vld [tilespmem:s17+$0xDA20];
	v20 =	vmul.f32 v33, v32;
	v19 =	vadd.f32 v30, v19;
	v17 =	vadd.f32 v18, v17  }
0x1f7: {  	v29 =	vld [tilespmem:s17+$0xDA10];
	v57 =	vmul.f32 v55, v53;
	v61 =	vunpack.i.l.bf16.f32 v52;
	v60 =	vmul.f32 v58, v53  }
0x1f8: {  	v53 =	vld [tilespmem:s17+$0xDA60];
	v19 =	vadd.f32 v20, v19;
	v18 =	vmul.f32 v49, v44;
	v17 =	vadd.f32 v45, v17  }
0x1f9: {  	v22 =	vunpack.i.u.bf16.f32 v52;
	v33 =	vunpack.i.l.bf16.f32 v62;
	v35 =	vunpack.i.u.bf16.f32 v62;
	v62 =	vld [tilespmem:s17+$0xDA80]  }
0x1fa: {  	v20 =	vmul.f32 v42, v41;
	v19 =	vadd.f32 v39, v19;
	v39 =	vld [tilespmem:s17+$0xDA30];
	v17 =	vadd.f32 v18, v17  }
0x1fb: {  	v43 =	vunpack.i.l.bf16.f32 v34;
	v21 =	vmul.f32 v61, v59;
	v63 =	vmul.f32 v22, v59;
	v44 =	vld [tilespmem:s17+$0xDA40]  }
0x1fc: {  	v31 =	vunpack.i.u.bf16.f32 v56;
	v19 =	vadd.f32 v20, v19;
	v18 =	vadd.f32 v54, v17;
	v17 =	vld [tilespmem:s10+$0xBB00]  }
0x1fd: {  	v38 =	vunpack.i.l.bf16.f32 v29;
	v30 =	vmul.f32 v28, v16;
	v16 =	vmul.f32 v31, v16  }
0x1fe: {  	v41 =	vunpack.i.u.bf16.f32 v29;
	v20 =	vmul.f32 v51, v50;
	v19 =	vadd.f32 v48, v19  }
0x1ff: {  	v61 =	vunpack.i.l.bf16.f32 v53;
	v23 =	vunpack.i.u.bf16.f32 v53;
	v22 =	vunpack.i.u.bf16.f32 v62;
	v48 =	vld [tilespmem:s17+$0xDA50]  }
0x200: {  	v47 =	vunpack.i.l.bf16.f32 v39;
	v50 =	vunpack.i.u.bf16.f32 v39;
	v19 =	vadd.f32 v20, v19  }
0x201: {  	v52 =	vunpack.i.l.bf16.f32 v44;
	v24 =	vunpack.i.u.bf16.f32 v44;
	v32 =	vperm.xlane v17, v0  }
0x202: {  	v19 =	vadd.f32 v57, v19;
	v36 =	vperm.xlane v17, v1;
	v42 =	vperm.xlane v17, v2  }
0x203: {  	v18 =	vadd.f32 v60, v18;
	v45 =	vperm.xlane v17, v3;
	v51 =	vperm.xlane v17, v4  }
0x204: {  	v56 =	vunpack.i.l.bf16.f32 v48;
	v54 =	vperm.xlane v17, v5;
	v60 =	vperm.xlane v17, v6  }
0x205: {  	v18 =	vadd.f32 v63, v18;
	v63 =	vperm.xlane v17, v7;
	v44 =	vperm.xlane v17, v11  }
0x206: {  	v57 =	vld [tilespmem:s17+$0xDA70];
	v19 =	vadd.f32 v21, v19;
	v53 =	vperm.xlane v17, v13;
	v20 =	vmul.f32 v33, v32  }
0x207: {  	v21 =	vunpack.i.u.bf16.f32 v34;
	v37 =	vmul.f32 v35, v32;
	v40 =	vmul.f32 v38, v36  }
0x208: {  	v16 =	vadd.f32 v16, v18;
	v18 =	vmul.f32 v41, v36;
	v46 =	vmul.f32 v21, v42  }
0x209: {  	v59 =	vunpack.i.u.bf16.f32 v48;
	v49 =	vmul.f32 v47, v45;
	v55 =	vmul.f32 v24, v51  }
0x20a: {  	v29 =	vld [tilespmem:s17+$0xDA90];
	v19 =	vadd.f32 v30, v19;
	v58 =	vmul.f32 v56, v54;
	v27 =	vmul.f32 v23, v60  }
0x20b: {  	v34 =	vld [tilespmem:s17+$0xDAA0];
	v28 =	vunpack.i.l.bf16.f32 v57;
	v31 =	vunpack.i.u.bf16.f32 v57;
	v16 =	vadd.f32 v37, v16  }
0x20c: {  	v32 =	vperm.xlane v17, v8;
	v33 =	vunpack.i.l.bf16.f32 v62;
	v19 =	vadd.f32 v20, v19  }
0x20d: {  	v35 =	vperm.xlane v17, v9;
	v41 =	vperm.xlane v17, v10;
	v16 =	vadd.f32 v18, v16  }
0x20e: {  	v30 =	vmul.f32 v28, v63;
	v20 =	vmul.f32 v43, v42;
	v19 =	vadd.f32 v40, v19  }
0x20f: {  	v38 =	vld [tilespmem:s17+$0xDAB0];
	v36 =	vmul.f32 v22, v32;
	v18 =	vmul.f32 v50, v45;
	v16 =	vadd.f32 v46, v16  }
0x210: {  	v56 =	vld [tilespmem:s17+$0xDAF0];
	v37 =	vunpack.i.l.bf16.f32 v29;
	v42 =	vunpack.i.l.bf16.f32 v34;
	v19 =	vadd.f32 v20, v19  }
0x211: {  	v43 =	vld [tilespmem:s17+$0xDAC0];
	v24 =	vunpack.i.u.bf16.f32 v34;
	v39 =	vmul.f32 v37, v35;
	v16 =	vadd.f32 v18, v16  }
0x212: {  	v40 =	vunpack.i.u.bf16.f32 v29;
	v20 =	vmul.f32 v52, v51;
	v19 =	vadd.f32 v49, v19  }
0x213: {  	v34 =	vld [tilespmem:s17+$0xE220];
	v45 =	vmul.f32 v24, v41;
	v18 =	vmul.f32 v59, v54;
	v16 =	vadd.f32 v55, v16  }
0x214: {  	v50 =	vperm.xlane v17, v12;
	v46 =	vunpack.i.l.bf16.f32 v38;
	v19 =	vadd.f32 v20, v19  }
0x215: {  	v28 =	vunpack.i.l.bf16.f32 v56;
	v48 =	vmul.f32 v46, v44;
	v16 =	vadd.f32 v18, v16  }
0x216: {  	s8 =	sor.u32 $0x1800, s8;
	v47 =	vld [tilespmem:s17+$0xDAD0];
	v51 =	vunpack.i.l.bf16.f32 v43;
	v20 =	vmul.f32 v61, v60;
	v19 =	vadd.f32 v58, v19  }
0x217: {  	s8 =	sand.u32 $0x3FFFFF00, s8;
	v23 =	vunpack.i.u.bf16.f32 v43;
	v18 =	vmul.f32 v31, v63;
	v16 =	vadd.f32 v27, v16  }
0x218: {  	v62 =	vld [tilespmem:s8+$0xCA00];
	v43 =	vunpack.i.l.bf16.f32 v34;
	v49 =	vunpack.i.u.bf16.f32 v38;
	v19 =	vadd.f32 v20, v19  }
0x219: {  	v54 =	vmul.f32 v23, v50;
	v59 =	vperm.xlane v17, v14;
	v16 =	vadd.f32 v18, v16  }
0x21a: {  	v29 =	vld [tilespmem:s17+$0xE210];
	v17 =	vperm.xlane v17, v15;
	v20 =	vmul.f32 v33, v32;
	v19 =	vadd.f32 v30, v19  }
0x21b: {  	v52 =	vld [tilespmem:s17+$0xDAE0];
	v55 =	vunpack.i.l.bf16.f32 v47;
	v18 =	vmul.f32 v40, v35;
	v16 =	vadd.f32 v36, v16  }
0x21c: {  	v57 =	vmul.f32 v55, v53;
	v58 =	vunpack.i.u.bf16.f32 v47;
	v19 =	vadd.f32 v20, v19  }
0x21d: {  	v60 =	vmul.f32 v58, v53;
	v53 =	vld [tilespmem:s17+$0xE260];
	v33 =	vunpack.i.l.bf16.f32 v62;
	v16 =	vadd.f32 v18, v16  }
0x21e: {  	v35 =	vunpack.i.u.bf16.f32 v62;
	v62 =	vld [tilespmem:s17+$0xE280];
	v20 =	vmul.f32 v42, v41;
	v19 =	vadd.f32 v39, v19  }
0x21f: {  	v30 =	vmul.f32 v28, v17;
	v28 =	vld [tilespmem:s17+$0xE290];
	v18 =	vmul.f32 v49, v44;
	v16 =	vadd.f32 v45, v16  }
0x220: {  	v38 =	vunpack.i.l.bf16.f32 v29;
	v61 =	vunpack.i.l.bf16.f32 v52;
	v39 =	vld [tilespmem:s17+$0xE230];
	v19 =	vadd.f32 v20, v19  }
0x221: {  	v22 =	vunpack.i.u.bf16.f32 v52;
	v21 =	vmul.f32 v61, v59;
	v44 =	vld [tilespmem:s17+$0xE240];
	v16 =	vadd.f32 v18, v16  }
0x222: {  	v31 =	vunpack.i.u.bf16.f32 v56;
	v20 =	vmul.f32 v51, v50;
	v19 =	vadd.f32 v48, v19;
	v48 =	vld [tilespmem:s17+$0xE250]  }
0x223: {  	v63 =	vmul.f32 v22, v59;
	v17 =	vmul.f32 v31, v17;
	v18 =	vadd.f32 v54, v16;
	v16 =	vld [tilespmem:s10+$0xBB80]  }
0x224: {  	v41 =	vunpack.i.u.bf16.f32 v29;
	v61 =	vunpack.i.l.bf16.f32 v53;
	v19 =	vadd.f32 v20, v19  }
0x225: {  	v23 =	vunpack.i.u.bf16.f32 v53;
	v22 =	vunpack.i.u.bf16.f32 v62;
	v47 =	vunpack.i.l.bf16.f32 v39  }
0x226: {  	v50 =	vunpack.i.u.bf16.f32 v39;
	v52 =	vunpack.i.l.bf16.f32 v44;
	v19 =	vadd.f32 v57, v19  }
0x227: {  	v24 =	vunpack.i.u.bf16.f32 v44;
	v39 =	vunpack.i.u.bf16.f32 v28;
	v18 =	vadd.f32 v60, v18  }
0x228: {  	v56 =	vunpack.i.l.bf16.f32 v48;
	v19 =	vadd.f32 v21, v19;
	v32 =	vperm.xlane v16, v0  }
0x229: {  	v59 =	vunpack.i.u.bf16.f32 v48;
	v18 =	vadd.f32 v63, v18;
	v21 =	vunpack.i.u.bf16.f32 v34  }
0x22a: {  	v36 =	vperm.xlane v16, v1;
	v19 =	vadd.f32 v30, v19;
	v20 =	vmul.f32 v33, v32  }
0x22b: {  	v42 =	vperm.xlane v16, v2;
	v17 =	vadd.f32 v17, v18;
	v37 =	vmul.f32 v35, v32  }
0x22c: {  	v45 =	vperm.xlane v16, v3;
	v40 =	vmul.f32 v38, v36;
	v19 =	vadd.f32 v20, v19  }
0x22d: {  	v51 =	vperm.xlane v16, v4;
	v18 =	vmul.f32 v41, v36;
	v17 =	vadd.f32 v37, v17  }
0x22e: {  	v54 =	vperm.xlane v16, v5;
	v20 =	vmul.f32 v43, v42;
	v19 =	vadd.f32 v40, v19  }
0x22f: {  	v57 =	vld [tilespmem:s17+$0xE270];
	v60 =	vperm.xlane v16, v6;
	v46 =	vmul.f32 v21, v42;
	v17 =	vadd.f32 v18, v17  }
0x230: {  	v63 =	vperm.xlane v16, v7;
	v49 =	vmul.f32 v47, v45;
	v19 =	vadd.f32 v20, v19  }
0x231: {  	v31 =	vperm.xlane v16, v8;
	v18 =	vmul.f32 v50, v45;
	v17 =	vadd.f32 v46, v17  }
0x232: {  	v34 =	vperm.xlane v16, v9;
	v20 =	vmul.f32 v52, v51;
	v19 =	vadd.f32 v49, v19  }
0x233: {  	v55 =	vmul.f32 v24, v51;
	v58 =	vmul.f32 v56, v54;
	v17 =	vadd.f32 v18, v17  }
0x234: {  	v26 =	vmul.f32 v23, v60;
	v27 =	vunpack.i.l.bf16.f32 v57;
	v19 =	vadd.f32 v20, v19  }
0x235: {  	v30 =	vunpack.i.u.bf16.f32 v57;
	v18 =	vmul.f32 v59, v54;
	v17 =	vadd.f32 v55, v17  }
0x236: {  	v32 =	vunpack.i.l.bf16.f32 v62;
	v33 =	vld [tilespmem:s17+$0xE2A0];
	v20 =	vmul.f32 v61, v60;
	v19 =	vadd.f32 v58, v19  }
0x237: {  	v35 =	vmul.f32 v22, v31;
	v36 =	vunpack.i.l.bf16.f32 v28;
	v17 =	vadd.f32 v18, v17  }
0x238: {  	v29 =	vmul.f32 v27, v63;
	v38 =	vmul.f32 v36, v34;
	v37 =	vld [tilespmem:s17+$0xE2B0];
	v19 =	vadd.f32 v20, v19  }
0x239: {  	v43 =	vperm.xlane v16, v11;
	v18 =	vmul.f32 v30, v63;
	v17 =	vadd.f32 v26, v17  }
0x23a: {  	v42 =	vld [tilespmem:s17+$0xE2C0];
	v40 =	vperm.xlane v16, v10;
	v20 =	vmul.f32 v32, v31;
	v19 =	vadd.f32 v29, v19  }
0x23b: {  	v41 =	vunpack.i.l.bf16.f32 v33;
	v24 =	vunpack.i.u.bf16.f32 v33;
	v17 =	vadd.f32 v18, v17  }
0x23c: {  	v44 =	vmul.f32 v24, v40;
	v52 =	vperm.xlane v16, v13;
	v19 =	vadd.f32 v20, v19  }
0x23d: {  	v46 =	vld [tilespmem:s17+$0xE2D0];
	v45 =	vunpack.i.l.bf16.f32 v37;
	v18 =	vmul.f32 v39, v34;
	v17 =	vadd.f32 v35, v17  }
0x23e: {  	v51 =	vld [tilespmem:s17+$0xE2E0];
	v48 =	vunpack.i.u.bf16.f32 v37;
	v20 =	vmul.f32 v41, v40;
	v19 =	vadd.f32 v38, v19  }
0x23f: {  	v50 =	vunpack.i.l.bf16.f32 v42;
	v49 =	vperm.xlane v16, v12;
	v17 =	vadd.f32 v18, v17  }
0x240: {  	v23 =	vunpack.i.u.bf16.f32 v42;
	v47 =	vmul.f32 v45, v43;
	v19 =	vadd.f32 v20, v19  }
0x241: {  	v53 =	vmul.f32 v23, v49;
	v18 =	vmul.f32 v48, v43;
	v17 =	vadd.f32 v44, v17  }
0x242: {  	v55 =	vld [tilespmem:s17+$0xE2F0];
	v54 =	vunpack.i.l.bf16.f32 v46;
	v20 =	vmul.f32 v50, v49;
	v19 =	vadd.f32 v47, v19  }
0x243: {  	v57 =	vunpack.i.u.bf16.f32 v46;
	v59 =	vunpack.i.l.bf16.f32 v51;
	v17 =	vadd.f32 v18, v17  }
0x244: {  	v56 =	vmul.f32 v54, v52;
	v58 =	vperm.xlane v16, v14;
	v19 =	vadd.f32 v20, v19  }
0x245: {  	v22 =	vunpack.i.u.bf16.f32 v51;
	v18 =	vmul.f32 v57, v52;
	v17 =	vadd.f32 v53, v17  }
0x246: {  	v16 =	vperm.xlane v16, v15;
	v20 =	vmul.f32 v59, v58;
	v19 =	vadd.f32 v56, v19  }
0x247: {  	v60 =	vmul.f32 v22, v58;
	v61 =	vunpack.i.l.bf16.f32 v55;
	v17 =	vadd.f32 v18, v17  }
0x248: {  	p0 =	sne.s32 s12, $0x1F;
	v62 =	vunpack.i.u.bf16.f32 v55;
	v21 =	vmul.f32 v61, v16;
	v19 =	vadd.f32 v20, v19  }
.Ltmp4:
0x249: {  	s19 =	sshll.u32 s12, $0x5;
	v16 =	vmul.f32 v62, v16;
	v17 =	vadd.f32 v60, v17;
	(pc) =	sbr.rel @p0 .LBB2_9-.Ltmp4, $4  }
0x24a: {  	s20 =	sshll.u32 s13, $0x5;
	s8 =	sand.u32 $0x3FFFFF00, s19;
	v63 =	vadd.f32 v21, v19  }
0x24b: {  	s8 =	sor.u32 s20, s8;
	v16 =	vadd.f32 v16, v17  }
0x24c: {  	s10 =	sadd.s32 $0x1CA00, s8;
	[tilespmem:s8+$0x1CA00] =	vst v63  }
0x24d: {  	s12 =	sadd.s32 $0x1, s12;
	[tilespmem:s10+$0x10] =	vst v16  }
0x24e: {  	s8 =	rddreg [dreg:$0xa];
	s19 =	simm.s32 $0x6  }
0x24f: {  	[hbm4b:s8+s4] =	stream.linear.scatter [tilespmem:s0], [sflag:$0x5], $0x400, $0x38;
	[tilespmem:$0x1D200] =	vst v63  }
0x250: {  	_ =	swait.ge [sflag:s19], $0x400  }
0x251: {  	[sflag:s19] =	ssyncset.done $0x0  }
0x252: {  	s10 =	simm.s32 $0x5;
	[sflag:s19] =	ssyncadd.s32 $0xFFFFFC00  }
0x253: {  	_ =	swait.ge [sflag:s10], $0x400  }
0x254: {  	s11 =	rddreg [dreg:$0xd]  }
0x255: {  	s20 =	rddreg [dreg:$0xb];
	s11 =	sadd.s32 $0x1, s11  }
0x256: {  	p0 =	sne.s32 s11, s20  }
.Ltmp5:
0x257: {  	_ = 	snop;
	(pc) =	sbr.rel @p0 .LBB2_1-.Ltmp5, $3  }
0x258: {  	_ =	sdelay $0x1  }
0x259: {  	[sflag:s10] =	ssyncset.done $0x0  }
0x25a: {  	[sflag:s10] =	ssyncadd.s32 $0xFFFFFC00  }
0x25b: {  	_ =	sfence.sel $0x180000  }
0x25c: {  	[bflag:$0x0] =	sbarrier.arrive $0xFFFF  }
0x25d: {  	_ =	strace $0x90000047  }
0x25e: {  	s0 =	stileid.u32;
	[bflag:$0x2] =	sbarrier.arrive $0xFFFF  }
0x25f: {  	p0 =	sne.s32 s0, $0x0;
	s0 =	rddreg [dreg:$0x3]  }
0x260: {  	s0 =	sadd.s32 @!p0 $0x100000, s0  }
0x261: {  	[sflag:s0] =	ssyncadd.tile.s32 @!p0 $0x1;
	_ =	shalt  }
.Lfunc_end2:
_tile_overlayer_lowered:
.L_overlay_start_2:
0x262: {  	(tag) =	ssettag $0x2  }
0x263: {  	s0 =	rddreg [dreg:$0x0];
	s2 =	stileid.u32  }
0x264: {  	s1 =	rddreg [dreg:$0x1];
	p0 =	sne.s32 s2, $0x0  }
0x265: {  	s3 =	rddreg [dreg:$0x2];
	[bflag:$0x3] =	sbarrier.arrive $0xFFFF;
	s2 =	simm.s32 @!p0 $0x1C07  }
0x266: {  	[timem:s3], [sflag:s2] =	dma.local @!p0 [hbm:s0], s1  }
0x267: {  	s0 =	simm.s32 @!p0 $0x7  }
0x268: {  	_ =	swait.ge @!p0 [sflag:s0], s1  }
0x269: {  	s1 =	ssub.s32 @!p0 $0x0, s1;
	[sflag:s0] =	ssyncset.done @!p0 $0x0  }
0x26a: {  	[sflag:s0] =	ssyncadd.s32 @!p0 s1  }
0x26b: {  	[bflag:$0x3] =	sbarrier.arrive $0xFFFF  }
0x26c: {  	_ =	shalt  }

</sc_bundles>
